<compile_context>
chip_gen: v7x
topology: tpu7x:2x2x1
jax: 0.10.2.dev20260603
libtpu: 0.0.44.dev20260713+nightly
codegen_flags: <defaults>
</compile_context>

<pallas_src>
import functools
import math

import jax
import jax.numpy as jnp
from jax import lax
from jax.experimental import pallas as pl
from jax.experimental.pallas import tpu as pltpu
from jax.experimental.pallas import tpu_sc as plsc

_T = 32768
_D = 1024
_H = 1024
_K = 256
_TB = 2048
_NBLK = _T // _TB

_NT = 16
_EPT = _T // _NT
_NV = _EPT // 16
_MSB = -2147483648
_LN_DECAY = math.log1p(-1e-7)



def _alpha_body(vs_ref, v_ref, alpha_ref):
    blk = vs_ref[...]
    alpha_ref[...] = jax.lax.dot_general(
        v_ref[...], blk, (((1,), (1,)), ((), ())),
        preferred_element_type=jnp.float32).reshape(1, 1, _TB)


def _alpha_part(vs, v_row):
    return pl.pallas_call(
        _alpha_body,
        grid=(_NBLK,),
        in_specs=[
            pl.BlockSpec((_TB, _D), lambda i: (i, 0)),
            pl.BlockSpec((1, _D), lambda i: (0, 0)),
        ],
        out_specs=pl.BlockSpec((1, 1, _TB), lambda i: (i, 0, 0)),
        out_shape=jax.ShapeDtypeStruct((_NBLK, 1, _TB), jnp.float32),
    )(vs, v_row)


def _gru_body(v_ref, wih_ref, whh_ref, x_ref, h_ref, wv_ref,
              bih_ref, bhh_ref, hnew_ref, sv_ref):
    gi = jnp.dot(wih_ref[...], x_ref[...],
                 preferred_element_type=jnp.float32) + bih_ref[...]
    gh = jnp.dot(whh_ref[...], h_ref[...],
                 preferred_element_type=jnp.float32) + bhh_ref[...]
    i_r, i_z, i_n = gi[:_H], gi[_H:2 * _H], gi[2 * _H:]
    h_r, h_z, h_n = gh[:_H], gh[_H:2 * _H], gh[2 * _H:]
    r = jax.nn.sigmoid(i_r + h_r)
    z = jax.nn.sigmoid(i_z + h_z)
    n = jnp.tanh(i_n + r * h_n)
    hnew_ref[...] = (1.0 - z) * n + z * h_ref[...]
    sv_ref[...] = jnp.dot(wv_ref[...], v_ref[...].reshape(_D, 1),
                          preferred_element_type=jnp.float32)


def _gru_part(v_row, w_ih, w_hh, x_col, h_col, wv_row, b_ih_col, b_hh_col):
    return pl.pallas_call(
        _gru_body,
        out_shape=[
            jax.ShapeDtypeStruct((_H, 1), jnp.float32),
            jax.ShapeDtypeStruct((1, 1), jnp.float32),
        ],
    )(v_row, w_ih, w_hh, x_col, h_col, wv_row, b_ih_col, b_hh_col)



def _bcast16(x, dtype):
    return lax.broadcast_in_dim(jnp.asarray(x, dtype), (16,), ())


def _bfly(x, op, scratch_ref, lane):
    for d in (1, 2, 4, 8):
        scratch_ref[pl.ds(0, 16)] = x
        y = plsc.load_gather(scratch_ref, [lane ^ d])
        x = op(x, y)
    return x


def _sc_body(alpha_hbm, ts_hbm, taux_hbm, oidx_hbm, ow_hbm, oz_hbm,
             alpha_v, ts_v, key_v, hist_v, gtot_v, maxall_v,
             cntall_v, sel_v, eq_v, w_v, t16_v,
             tmp_v, cnt16_v, pos16_v, dat16_v, wdat16_v, idx255_v,
             red_f, red_i,
             sh_max, sh_g, sh_cnt_gt, sh_cnt_eq,
             dma_sem):
    sid = lax.axis_index("s")
    base = sid * _EPT
    lane = lax.iota(jnp.int32, 16)
    zeros_i = jnp.zeros((16,), jnp.int32)
    ones_i = jnp.ones((16,), jnp.int32)
    c255 = jnp.full((16,), 255, jnp.int32)
    msb16 = jnp.full((16,), _MSB, jnp.int32)

    pltpu.sync_copy(alpha_hbm.at[pl.ds(base, _EPT)], alpha_v)
    pltpu.sync_copy(ts_hbm.at[pl.ds(base, _EPT)], ts_v)
    pltpu.sync_copy(taux_hbm, t16_v)

    def _iot(c, _):
        idx255_v[pl.ds(c * 16, 16)] = c * 16 + lane
        cntall_v[pl.ds(c * 16, 16)] = zeros_i
        return 0
    lax.fori_loop(0, 16, _iot, 0)

    @pl.when(sid == 0)
    def _zero_shared():
        for rr in range(4):
            pltpu.sync_copy(cntall_v, sh_g.at[pl.ds(rr * 256, 256)])

    def _keys(i, mx):
        for k in range(4):
            a = alpha_v[pl.ds((i * 4 + k) * 16, 16)]
            ib = lax.bitcast_convert_type(a, jnp.int32)
            key = jnp.where(ib >= 0, ib, ib ^ jnp.int32(0x7FFFFFFF))
            key_v[pl.ds((i * 4 + k) * 16, 16)] = key ^ msb16
            mx = jnp.maximum(mx, a)
        return mx
    mx = lax.fori_loop(0, _NV // 4, _keys,
                       jnp.full((16,), -jnp.inf, jnp.float32))
    tmp_v[...] = _bfly(mx, jnp.maximum, red_f, lane)
    pltpu.sync_copy(tmp_v, sh_max.at[pl.ds(sid * 16, 16)])
    plsc.subcore_barrier()
    pltpu.sync_copy(sh_max, maxall_v)

    def _gmax(r, m):
        return jnp.maximum(m, maxall_v[pl.ds(r * 16, 16)])
    m_vec = lax.fori_loop(0, _NT, _gmax,
                          jnp.full((16,), -jnp.inf, jnp.float32))

    prefix = jnp.int32(0)
    mask_hi = jnp.int32(0)
    krem = jnp.int32(_K)
    for rnd in range(4):
        shift = 24 - 8 * rnd
        shift16 = jnp.full((16,), shift, jnp.int32)

        def _clr(j, _):
            for k in range(8):
                hist_v[pl.ds((j * 8 + k) * 16, 16)] = zeros_i
            return 0
        lax.fori_loop(0, 32, _clr, 0)

        pfx16 = _bcast16(prefix, jnp.int32)
        mhi16 = _bcast16(mask_hi, jnp.int32)

        def _scan(i, _):
            for k in range(4):
                k2 = key_v[pl.ds((i * 4 + k) * 16, 16)]
                cand = (k2 & mhi16) == pfx16
                dig = lax.shift_right_logical(k2, shift16) & c255
                idx = lane * 256 + dig
                plsc.addupdate_scatter(hist_v, [idx], ones_i, mask=cand)
            return 0
        lax.fori_loop(0, _NV // 4, _scan, 0)

        def _mrg(g, _):
            v = zeros_i
            for l in range(16):
                v = v + hist_v[pl.ds(l * 256 + g * 16, 16)]
            gtot_v[pl.ds(g * 16, 16)] = v
            return 0
        lax.fori_loop(0, 16, _mrg, 0)

        def _iotr(c, _):
            idx255_v[pl.ds(c * 16, 16)] = rnd * 256 + c * 16 + lane
            return 0
        lax.fori_loop(0, 16, _iotr, 0)
        pltpu.sync_copy(gtot_v, sh_g.at[idx255_v], add=True)
        plsc.subcore_barrier()
        pltpu.sync_copy(sh_g.at[pl.ds(rnd * 256, 256)], gtot_v)

        krem16 = _bcast16(krem, jnp.int32)

        def _gsum(j, v):
            return v + plsc.load_gather(gtot_v, [lane * 16 + j])
        gs = lax.fori_loop(0, 16, _gsum, zeros_i)
        sufg = lax.rev(plsc.cumsum(lax.rev(gs, (0,))), (0,))
        m1 = (sufg >= krem16).astype(jnp.int32)
        sstar = 15 - plsc.all_reduce_ffs(lax.rev(m1, (0,)) > 0)

        def _pick(vec, pos16):
            red_i[pl.ds(0, 16)] = vec
            return plsc.load_gather(red_i, [pos16])
        above = jnp.where(sstar >= 15, 0,
                          _pick(sufg, jnp.minimum(sstar + 1, 15)))
        tvs = plsc.load_gather(gtot_v, [sstar * 16 + lane])
        suf_in = lax.rev(plsc.cumsum(lax.rev(tvs, (0,))), (0,)) + above
        m2 = (suf_in >= krem16).astype(jnp.int32)
        b_in = 15 - plsc.all_reduce_ffs(lax.rev(m2, (0,)) > 0)
        b_star16 = sstar * 16 + b_in
        cum_b16 = _pick(suf_in, b_in)
        t_b16 = _pick(tvs, b_in)

        krem = krem - (cum_b16[0] - t_b16[0])
        prefix = prefix | lax.shift_left(b_star16[0], jnp.int32(shift))
        mask_hi = mask_hi | lax.shift_left(jnp.int32(255), jnp.int32(shift))

    thr = prefix
    thr_s = thr ^ jnp.int32(_MSB)
    thr16 = _bcast16(thr, jnp.int32)
    thr_s16 = _bcast16(thr_s, jnp.int32)

    def _cmp(i, carry):
        off_g, off_e = carry
        k2 = key_v[pl.ds(i * 16, 16)]
        sk = k2 ^ msb16
        gt = sk > thr_s16
        eq = k2 == thr16
        gidx = base + i * 16 + lane
        mi = gt.astype(jnp.int32)
        cs = plsc.cumsum(mi)
        plsc.store_scatter(sel_v, [off_g + cs - mi], gidx, mask=gt)
        mie = eq.astype(jnp.int32)
        cse = plsc.cumsum(mie)
        pose = off_e + cse - mie
        plsc.store_scatter(eq_v, [pose], gidx,
                           mask=eq & (pose < jnp.full((16,), _K, jnp.int32)))
        return (off_g + plsc.all_reduce_population_count(gt)[0],
                off_e + plsc.all_reduce_population_count(eq)[0])
    n_gt, n_eq = lax.fori_loop(0, _NV, _cmp, (jnp.int32(0), jnp.int32(0)))

    cnt16_v[...] = _bcast16(n_gt, jnp.int32)
    pltpu.sync_copy(cnt16_v, sh_cnt_gt.at[pl.ds(sid * 16, 16)])
    cnt16_v[...] = _bcast16(n_eq, jnp.int32)
    pltpu.sync_copy(cnt16_v, sh_cnt_eq.at[pl.ds(sid * 16, 16)])
    plsc.subcore_barrier()

    def _lanes(src):
        def _g(r, acc):
            return jnp.where(lane == r, cntall_v[pl.ds(r * 16, 16)], acc)
        pltpu.sync_copy(src, cntall_v)
        return lax.fori_loop(0, _NT, _g, zeros_i)
    vec_gt = _lanes(sh_cnt_gt)
    vec_eq = _lanes(sh_cnt_eq)
    total_gt = _bfly(vec_gt, jnp.add, red_i, lane)[0]
    e_need = jnp.int32(_K) - total_gt
    eq_before = _bfly(jnp.where(lane < sid, vec_eq, 0), jnp.add,
                      red_i, lane)[0]
    my_take = jnp.clip(e_need - eq_before, 0, n_eq)
    m_t = n_gt + my_take

    def _app(c, _):
        @pl.when(c * 16 < my_take)
        def _():
            valid = (c * 16 + lane) < my_take
            plsc.store_scatter(sel_v, [n_gt + c * 16 + lane],
                               eq_v[pl.ds(c * 16, 16)], mask=valid)
        return 0
    lax.fori_loop(0, 16, _app, 0)

    tvec = t16_v[...]
    lnc = jnp.full((16,), _LN_DECAY, jnp.float32)

    def _wts(c, zacc):
        sl = sel_v[pl.ds(c * 16, 16)]
        valid = (c * 16 + lane) < m_t
        lidx = sl - base
        a = plsc.load_gather(alpha_v, [lidx], mask=valid)
        tsg = plsc.load_gather(ts_v, [lidx], mask=valid)
        dec = jnp.exp(lnc * (tvec - tsg))
        e = jnp.where(valid, jnp.exp(a * dec - m_vec), 0.0)
        w_v[pl.ds(c * 16, 16)] = e
        sel_v[pl.ds(c * 16, 16)] = jnp.where(valid, sl, base)
        return zacc + e
    zacc = lax.fori_loop(0, 16, _wts, jnp.zeros((16,), jnp.float32))
    z_t16 = _bfly(zacc, jnp.add, red_f, lane)

    excl = plsc.cumsum(vec_eq) - vec_eq
    take_vec = jnp.clip(_bcast16(e_need, jnp.int32) - excl, 0, vec_eq)
    m_vec_all = vec_gt + take_vec
    my_off = _bfly(jnp.where(lane < sid, m_vec_all, 0), jnp.add,
                   red_i, lane)[0]

    def _out(c, _):
        @pl.when(c * 16 < m_t)
        def _():
            valid = (c * 16 + lane) < m_t
            pos16_v[...] = jnp.where(valid, my_off + c * 16 + lane,
                                     _K + lane)
            dat16_v[...] = sel_v[pl.ds(c * 16, 16)]
            wdat16_v[...] = w_v[pl.ds(c * 16, 16)]
            pltpu.async_copy(dat16_v, oidx_hbm.at[pos16_v], dma_sem).wait()
            pltpu.async_copy(wdat16_v, ow_hbm.at[pos16_v], dma_sem).wait()
        return 0
    lax.fori_loop(0, 16, _out, 0)

    tmp_v[...] = z_t16
    pltpu.sync_copy(tmp_v, sh_max.at[pl.ds(sid * 16, 16)])
    plsc.subcore_barrier()

    @pl.when(sid == 0)
    def _fin():
        pltpu.sync_copy(sh_max, maxall_v)

        def _sum(r, v):
            return v + maxall_v[pl.ds(r * 16, 16)]
        z_all = lax.fori_loop(0, _NT, _sum, jnp.zeros((16,), jnp.float32))
        tmp_v[...] = z_all
        pltpu.sync_copy(tmp_v, oz_hbm)


@functools.partial(
    pl.kernel,
    out_type=(
        jax.ShapeDtypeStruct((_K + 16,), jnp.int32),
        jax.ShapeDtypeStruct((_K + 16,), jnp.float32),
        jax.ShapeDtypeStruct((16,), jnp.float32),
    ),
    mesh=plsc.VectorSubcoreMesh(core_axis_name="c", subcore_axis_name="s",
                                num_cores=1),
    compiler_params=pltpu.CompilerParams(needs_layout_passes=False),
    scratch_types=[
        pltpu.VMEM((_EPT,), jnp.float32),
        pltpu.VMEM((_EPT,), jnp.float32),
        pltpu.VMEM((_EPT,), jnp.int32),
        pltpu.VMEM((4096,), jnp.int32),
        pltpu.VMEM((256,), jnp.int32),
        pltpu.VMEM((256,), jnp.float32),
        pltpu.VMEM((256,), jnp.int32),
        pltpu.VMEM((256,), jnp.int32),
        pltpu.VMEM((256,), jnp.int32),
        pltpu.VMEM((256,), jnp.float32),
        pltpu.VMEM((16,), jnp.float32),
        pltpu.VMEM((16,), jnp.float32),
        pltpu.VMEM((16,), jnp.int32),
        pltpu.VMEM((16,), jnp.int32),
        pltpu.VMEM((16,), jnp.int32),
        pltpu.VMEM((16,), jnp.float32),
        pltpu.VMEM((256,), jnp.int32),
        pltpu.VMEM((128,), jnp.float32),
        pltpu.VMEM((128,), jnp.int32),
        pltpu.VMEM_SHARED((256,), jnp.float32),
        pltpu.VMEM_SHARED((1024,), jnp.int32),
        pltpu.VMEM_SHARED((256,), jnp.int32),
        pltpu.VMEM_SHARED((256,), jnp.int32),
        pltpu.SemaphoreType.DMA,
    ],
)
def _sc_part(alpha_hbm, ts_hbm, taux_hbm, oidx_hbm, ow_hbm, oz_hbm, *rest):
    _sc_body(alpha_hbm, ts_hbm, taux_hbm, oidx_hbm, ow_hbm, oz_hbm, *rest)



_RING = 16


def _gather_body(idx_smem, w_smem, z_smem, sv_smem, b_smem, hs_ref, wh_ref,
                 out_ref, buf, sems):
    def _start(k, slot):
        pltpu.make_async_copy(
            hs_ref.at[pl.ds(idx_smem[k], 1), :, :],
            buf.at[pl.ds(slot, 1), :, :],
            sems.at[slot]).start()

    for slot in range(_RING):
        _start(slot, slot)

    def _body(k0, acc):
        for slot in range(_RING):
            k = k0 * _RING + slot
            pltpu.make_async_copy(
                hs_ref.at[pl.ds(idx_smem[k], 1), :, :],
                buf.at[pl.ds(slot, 1), :, :],
                sems.at[slot]).wait()
            acc = acc + w_smem[k] * buf[pl.ds(slot, 1), :, :].reshape(1, _H)

            @pl.when(k0 < (_K // _RING) - 1)
            def _():
                _start(k + _RING, slot)
        return acc
    acc = lax.fori_loop(0, _K // _RING, _body,
                        jnp.zeros((1, _H), jnp.float32))
    s = jnp.sum(acc * wh_ref[...])
    out_ref[...] = (sv_smem[0, 0] + s / z_smem[0]
                    + b_smem[0]).reshape(1, 1)


def _tc_gather(sel_idx, sel_w, z16, sv, b_score_arr, hs2, wh_row):
    return pl.pallas_call(
        _gather_body,
        in_specs=[
            pl.BlockSpec(memory_space=pltpu.SMEM),
            pl.BlockSpec(memory_space=pltpu.SMEM),
            pl.BlockSpec(memory_space=pltpu.SMEM),
            pl.BlockSpec(memory_space=pltpu.SMEM),
            pl.BlockSpec(memory_space=pltpu.SMEM),
            pl.BlockSpec(memory_space=pl.ANY),
            pl.BlockSpec((1, _D)),
        ],
        out_specs=pl.BlockSpec((1, 1)),
        out_shape=jax.ShapeDtypeStruct((1, 1), jnp.float32),
        scratch_shapes=[
            pltpu.VMEM((_RING, 1, _H), jnp.float32),
            pltpu.SemaphoreType.DMA((_RING,)),
        ],
    )(sel_idx, sel_w, z16, sv, b_score_arr, hs2, wh_row)



def kernel(v, s, t, vs, hs, ts, W_score, b_score, W_ih, W_hh, b_ih, b_hh):
    v_row = v.reshape(1, _D)
    x_col = jnp.concatenate([v, s]).reshape(_D + 1, 1)
    h_col = hs[-1, 0].reshape(_H, 1)
    wv_row = W_score[:, :_D]

    alpha_blk = _alpha_part(vs, v_row)
    hnew_col, sv = _gru_part(
        v_row, W_ih, W_hh, x_col, h_col, wv_row,
        b_ih.reshape(3 * _H, 1), b_hh.reshape(3 * _H, 1))
    alpha = alpha_blk.reshape(_T)

    taux = jnp.broadcast_to(t, (16,))
    sel_idx, sel_w, z16 = _sc_part(alpha, ts, taux)

    score = _tc_gather(sel_idx, sel_w, z16, sv, b_score, hs,
                       W_score[:, _D:])
    h_new = hnew_col.reshape(1, 1, _H)
    return (score, h_new)

# --- scband reference (transcript-rebuilt; emitter-appended) ---
"""Pipeline reference for scband-attn-seq-time-decay-model-42855183679655 (READ-ONLY COPY).

The authoritative reference and input builder live on the scoring server;
editing this copy changes nothing except your own understanding.
"""

import jax, jax.numpy as jnp
import numpy as np

T = 32768
D = 1024
H = 1024
K = 256


def gru_cell(x, h, W_ih, W_hh, b_ih, b_hh):
    gi = W_ih @ x + b_ih
    gh = W_hh @ h + b_hh
    i_r, i_z, i_n = jnp.split(gi, 3)
    h_r, h_z, h_n = jnp.split(gh, 3)
    r = jax.nn.sigmoid(i_r + h_r)
    z = jax.nn.sigmoid(i_z + h_z)
    n = jnp.tanh(i_n + r * h_n)
    return (1.0 - z) * n + z * h


def setup_inputs(seed: int = 0) -> dict:
    key = jax.random.key(seed)
    ks = jax.random.split(key, 12)
    v = jax.random.normal(ks[0], (D,), dtype=jnp.float32)
    s = jax.random.uniform(ks[1], (1,), dtype=jnp.float32)
    t = jax.random.uniform(ks[2], (1,), dtype=jnp.float32)
    vs = jax.random.normal(ks[3], (T, D), dtype=jnp.float32)
    hs = jax.random.normal(ks[4], (T, 1, H), dtype=jnp.float32)
    ts = jax.random.uniform(ks[5], (T,), dtype=jnp.float32)
    sc = 0.02
    W_score = jax.random.normal(ks[6], (1, D + H), dtype=jnp.float32) * sc
    b_score = jnp.zeros((1,), dtype=jnp.float32)
    W_ih = jax.random.normal(ks[7], (3 * H, D + 1), dtype=jnp.float32) * sc
    W_hh = jax.random.normal(ks[8], (3 * H, H), dtype=jnp.float32) * sc
    b_ih = jnp.zeros((3 * H,), dtype=jnp.float32)
    b_hh = jnp.zeros((3 * H,), dtype=jnp.float32)
    return {"v": v, "s": s, "t": t, "vs": vs, "hs": hs, "ts": ts,
            "W_score": W_score, "b_score": b_score,
            "W_ih": W_ih, "W_hh": W_hh, "b_ih": b_ih, "b_hh": b_hh}


def reference(v, s, t, vs, hs, ts, W_score, b_score, W_ih, W_hh, b_ih, b_hh):
    # time decay: ts := t - ts  (t broadcast over history)
    ts_d = t - ts  # [T]
    # attention scores against all past topic vectors
    alpha = vs @ v  # [T]
    # top-k selection over history (memory-bound gather over 128MB tables)
    alpha_top, idx = jax.lax.top_k(alpha, K)
    decay = (1.0 - 1e-07) ** ts_d[idx]
    alpha_top = alpha_top * decay
    alpha_sm = jax.nn.softmax(alpha_top.reshape(1, -1), axis=-1)  # [1, K]
    hs2 = hs.reshape(-1, H)  # [T, H] (num_layers=1)
    attn_h = (alpha_sm @ hs2[idx]).reshape(-1)  # [H]
    pred_v = jnp.concatenate([v, attn_h]).reshape(1, -1)  # [1, D+H]
    score = pred_v @ W_score.T + b_score  # [1, 1]
    # score_mode == 'concat': x = cat([v, s])
    x = jnp.concatenate([v, s])  # [D+1]
    h_prev = hs[-1, 0]  # [H], last hidden state
    h_new = gru_cell(x, h_prev, W_ih, W_hh, b_ih, b_hh).reshape(1, 1, H)
    return (score, h_new)

if __name__ == "__main__":
    import jax
    _d = setup_inputs()
    print(jax.jit(kernel)(*tuple(_d.values())))

</pallas_src>

<mosaic_0001>
#map = affine_map<(d0, d1) -> (0)>
module attributes {stable_mosaic.version = 14 : i64} {
  func.func @_sc_part(%arg0: i32, %arg1: i32, %arg2: memref<32768xf32, #tpu.memory_space<hbm>>, %arg3: memref<32768xf32, #tpu.memory_space<hbm>>, %arg4: memref<16xf32, #tpu.memory_space<hbm>>, %arg5: memref<272xi32, #tpu.memory_space<hbm>>, %arg6: memref<272xf32, #tpu.memory_space<hbm>>, %arg7: memref<16xf32, #tpu.memory_space<hbm>>, %arg8: memref<2048xf32, #tpu.memory_space<vmem>>, %arg9: memref<2048xf32, #tpu.memory_space<vmem>>, %arg10: memref<2048xi32, #tpu.memory_space<vmem>>, %arg11: memref<4096xi32, #tpu.memory_space<vmem>>, %arg12: memref<256xi32, #tpu.memory_space<vmem>>, %arg13: memref<256xf32, #tpu.memory_space<vmem>>, %arg14: memref<256xi32, #tpu.memory_space<vmem>>, %arg15: memref<256xi32, #tpu.memory_space<vmem>>, %arg16: memref<256xi32, #tpu.memory_space<vmem>>, %arg17: memref<256xf32, #tpu.memory_space<vmem>>, %arg18: memref<16xf32, #tpu.memory_space<vmem>>, %arg19: memref<16xf32, #tpu.memory_space<vmem>>, %arg20: memref<16xi32, #tpu.memory_space<vmem>>, %arg21: memref<16xi32, #tpu.memory_space<vmem>>, %arg22: memref<16xi32, #tpu.memory_space<vmem>>, %arg23: memref<16xf32, #tpu.memory_space<vmem>>, %arg24: memref<256xi32, #tpu.memory_space<vmem>>, %arg25: memref<128xf32, #tpu.memory_space<vmem>>, %arg26: memref<128xi32, #tpu.memory_space<vmem>>, %arg27: memref<256xf32, #tpu.memory_space<vmem_shared>>, %arg28: memref<1024xi32, #tpu.memory_space<vmem_shared>>, %arg29: memref<256xi32, #tpu.memory_space<vmem_shared>>, %arg30: memref<256xi32, #tpu.memory_space<vmem_shared>>, %arg31: memref<!tpu.dma_semaphore, #tpu.memory_space<semaphore_mem>>) attributes {dimension_semantics = [#tpu.dimension_semantics<core_parallel>, #tpu.dimension_semantics<subcore_parallel>], iteration_bounds = array<i64: 1, 16>, scalar_prefetch = 0 : i64, scratch_operands = 24 : i64, tpu.core_type = #tpu.core_type<sc_vector_subcore>, window_params = [{transform_indices = #map}, {transform_indices = #map}, {transform_indices = #map}, {transform_indices = #map}, {transform_indices = #map}, {transform_indices = #map}]} {
    %mul3A = arith.constant 2048 : i32
    %mul3A_0 = arith.muli %arg1, %mul3A : i32
    %iota3A = tpu.iota {dimensions = array<i32: 0>} : vector<16xi32>
    %broadcast_in_dim3A = arith.constant 0 : i32
    %broadcast_in_dim3A_1 = vector.broadcast %broadcast_in_dim3A : i32 to vector<16xi32>
    %broadcast_in_dim3A_2 = arith.constant 1 : i32
    %broadcast_in_dim3A_3 = vector.broadcast %broadcast_in_dim3A_2 : i32 to vector<16xi32>
    %broadcast_in_dim3A_4 = arith.constant 255 : i32
    %broadcast_in_dim3A_5 = vector.broadcast %broadcast_in_dim3A_4 : i32 to vector<16xi32>
    %broadcast_in_dim3A_6 = arith.constant -2147483648 : i32
    %broadcast_in_dim3A_7 = vector.broadcast %broadcast_in_dim3A_6 : i32 to vector<16xi32>
    "tpu.region"() ({
      %run_scoped3A = tpu.sem_alloc : memref<!tpu.dma_semaphore, #tpu.memory_space<semaphore_mem>>
      %dma_start3A = tpu.memref_slice %arg2[%mul3A_0] : memref<32768xf32, #tpu.memory_space<hbm>> -> memref<2048xf32, #tpu.memory_space<hbm>>
      %dma_start3A_827 = tpu.memref_slice %arg2[%mul3A_0] : memref<32768xf32, #tpu.memory_space<hbm>> -> memref<2048xf32, #tpu.memory_space<hbm>>
      tpu.enqueue_dma source(%dma_start3A_827 : memref<2048xf32, #tpu.memory_space<hbm>>) target(%arg8 : memref<2048xf32, #tpu.memory_space<vmem>>) target_semaphore(%run_scoped3A : memref<!tpu.dma_semaphore, #tpu.memory_space<semaphore_mem>>)
      %dma_wait3A = tpu.memref_slice %arg2[%mul3A_0] : memref<32768xf32, #tpu.memory_space<hbm>> -> memref<2048xf32, #tpu.memory_space<hbm>>
      %dma_wait3A_828 = tpu.memref_slice %arg2[%mul3A_0] : memref<32768xf32, #tpu.memory_space<hbm>> -> memref<2048xf32, #tpu.memory_space<hbm>>
      tpu.wait_dma2 semaphore(%run_scoped3A : memref<!tpu.dma_semaphore, #tpu.memory_space<semaphore_mem>>) src(%dma_wait3A_828 : memref<2048xf32, #tpu.memory_space<hbm>>) dst(%arg8 : memref<2048xf32, #tpu.memory_space<vmem>>)
      tpu.yield
    }) : () -> ()
    "tpu.region"() ({
      %run_scoped3A = tpu.sem_alloc : memref<!tpu.dma_semaphore, #tpu.memory_space<semaphore_mem>>
      %dma_start3A = tpu.memref_slice %arg3[%mul3A_0] : memref<32768xf32, #tpu.memory_space<hbm>> -> memref<2048xf32, #tpu.memory_space<hbm>>
      %dma_start3A_827 = tpu.memref_slice %arg3[%mul3A_0] : memref<32768xf32, #tpu.memory_space<hbm>> -> memref<2048xf32, #tpu.memory_space<hbm>>
      tpu.enqueue_dma source(%dma_start3A_827 : memref<2048xf32, #tpu.memory_space<hbm>>) target(%arg9 : memref<2048xf32, #tpu.memory_space<vmem>>) target_semaphore(%run_scoped3A : memref<!tpu.dma_semaphore, #tpu.memory_space<semaphore_mem>>)
      %dma_wait3A = tpu.memref_slice %arg3[%mul3A_0] : memref<32768xf32, #tpu.memory_space<hbm>> -> memref<2048xf32, #tpu.memory_space<hbm>>
      %dma_wait3A_828 = tpu.memref_slice %arg3[%mul3A_0] : memref<32768xf32, #tpu.memory_space<hbm>> -> memref<2048xf32, #tpu.memory_space<hbm>>
      tpu.wait_dma2 semaphore(%run_scoped3A : memref<!tpu.dma_semaphore, #tpu.memory_space<semaphore_mem>>) src(%dma_wait3A_828 : memref<2048xf32, #tpu.memory_space<hbm>>) dst(%arg9 : memref<2048xf32, #tpu.memory_space<vmem>>)
      tpu.yield
    }) : () -> ()
    "tpu.region"() ({
      %run_scoped3A = tpu.sem_alloc : memref<!tpu.dma_semaphore, #tpu.memory_space<semaphore_mem>>
      tpu.enqueue_dma source(%arg4 : memref<16xf32, #tpu.memory_space<hbm>>) target(%arg18 : memref<16xf32, #tpu.memory_space<vmem>>) target_semaphore(%run_scoped3A : memref<!tpu.dma_semaphore, #tpu.memory_space<semaphore_mem>>)
      tpu.wait_dma2 semaphore(%run_scoped3A : memref<!tpu.dma_semaphore, #tpu.memory_space<semaphore_mem>>) src(%arg4 : memref<16xf32, #tpu.memory_space<hbm>>) dst(%arg18 : memref<16xf32, #tpu.memory_space<vmem>>)
      tpu.yield
    }) : () -> ()
    %scan3A = arith.constant 0 : i32
    %scan3A_8 = arith.constant 0 : i32
    %scan3A_9 = arith.constant 16 : i32
    %scan3A_10 = arith.addi %scan3A_8, %scan3A_9 : i32
    %scan3A_11 = arith.constant 1 : i32
    %scan3A_12 = scf.for %scan3A_827 = %scan3A_8 to %scan3A_10 step %scan3A_11 iter_args(%scan3A_828 = %scan3A) -> (i32)  : i32 {
      %mul3A_829 = arith.constant 16 : i32
      %mul3A_830 = arith.muli %scan3A_827, %mul3A_829 : i32
      %add3A_831 = vector.broadcast %mul3A_830 : i32 to vector<16xi32>
      %add3A_832 = arith.addi %add3A_831, %iota3A : vector<16xi32>
      %mul3A_833 = arith.constant 16 : i32
      %mul3A_834 = arith.muli %scan3A_827, %mul3A_833 : i32
      %swap3A_835 = arith.index_cast %mul3A_834 : i32 to index
      %swap3A_836 = tpu.vector_load %arg24[%swap3A_835] {strides = array<i32>} : memref<256xi32, #tpu.memory_space<vmem>>, vector<16xi32>,
      tpu.vector_store %arg24[%swap3A_835], %add3A_832 {strides = array<i32>} : memref<256xi32, #tpu.memory_space<vmem>>, vector<16xi32>,
      %mul3A_837 = arith.constant 16 : i32
      %mul3A_838 = arith.muli %scan3A_827, %mul3A_837 : i32
      %swap3A_839 = arith.index_cast %mul3A_838 : i32 to index
      %swap3A_840 = tpu.vector_load %arg14[%swap3A_839] {strides = array<i32>} : memref<256xi32, #tpu.memory_space<vmem>>, vector<16xi32>,
      tpu.vector_store %arg14[%swap3A_839], %broadcast_in_dim3A_1 {strides = array<i32>} : memref<256xi32, #tpu.memory_space<vmem>>, vector<16xi32>,
      %scan3A_841 = arith.constant 0 : i32
      scf.yield %scan3A_841 : i32
    }
    %scan3A_13 = arith.constant 16 : i32
    %eq3A = arith.constant 0 : i32
    %eq3A_14 = arith.cmpi eq, %arg1, %eq3A : i32
    %convert_element_type3A = arith.extui %eq3A_14 : i1 to i32
    %cond3A = arith.constant 0 : i32
    %cond3A_15 = arith.cmpi ne, %convert_element_type3A, %cond3A : i32
    scf.if %cond3A_15 {
      "tpu.region"() ({
        %run_scoped3A = tpu.sem_alloc : memref<!tpu.dma_semaphore, #tpu.memory_space<semaphore_mem>>
        %dma_start3A = arith.constant 0 : i32
        %dma_start3A_827 = tpu.memref_slice %arg28[%dma_start3A] : memref<1024xi32, #tpu.memory_space<vmem_shared>> -> memref<256xi32, #tpu.memory_space<vmem_shared>>
        %dma_start3A_828 = arith.constant 0 : i32
        %dma_start3A_829 = tpu.memref_slice %arg28[%dma_start3A_828] : memref<1024xi32, #tpu.memory_space<vmem_shared>> -> memref<256xi32, #tpu.memory_space<vmem_shared>>
        tpu.enqueue_dma source(%arg14 : memref<256xi32, #tpu.memory_space<vmem>>) target(%dma_start3A_829 : memref<256xi32, #tpu.memory_space<vmem_shared>>) target_semaphore(%run_scoped3A : memref<!tpu.dma_semaphore, #tpu.memory_space<semaphore_mem>>)
        %dma_wait3A = arith.constant 0 : i32
        %dma_wait3A_830 = tpu.memref_slice %arg28[%dma_wait3A] : memref<1024xi32, #tpu.memory_space<vmem_shared>> -> memref<256xi32, #tpu.memory_space<vmem_shared>>
        %dma_wait3A_831 = arith.constant 0 : i32
        %dma_wait3A_832 = tpu.memref_slice %arg28[%dma_wait3A_831] : memref<1024xi32, #tpu.memory_space<vmem_shared>> -> memref<256xi32, #tpu.memory_space<vmem_shared>>
        tpu.wait_dma2 semaphore(%run_scoped3A : memref<!tpu.dma_semaphore, #tpu.memory_space<semaphore_mem>>) src(%arg14 : memref<256xi32, #tpu.memory_space<vmem>>) dst(%dma_wait3A_832 : memref<256xi32, #tpu.memory_space<vmem_shared>>)
        tpu.yield
      }) : () -> ()
      "tpu.region"() ({
        %run_scoped3A = tpu.sem_alloc : memref<!tpu.dma_semaphore, #tpu.memory_space<semaphore_mem>>
        %dma_start3A = arith.constant 256 : i32
        %dma_start3A_827 = tpu.memref_slice %arg28[%dma_start3A] : memref<1024xi32, #tpu.memory_space<vmem_shared>> -> memref<256xi32, #tpu.memory_space<vmem_shared>>
        %dma_start3A_828 = arith.constant 256 : i32
        %dma_start3A_829 = tpu.memref_slice %arg28[%dma_start3A_828] : memref<1024xi32, #tpu.memory_space<vmem_shared>> -> memref<256xi32, #tpu.memory_space<vmem_shared>>
        tpu.enqueue_dma source(%arg14 : memref<256xi32, #tpu.memory_space<vmem>>) target(%dma_start3A_829 : memref<256xi32, #tpu.memory_space<vmem_shared>>) target_semaphore(%run_scoped3A : memref<!tpu.dma_semaphore, #tpu.memory_space<semaphore_mem>>)
        %dma_wait3A = arith.constant 256 : i32
        %dma_wait3A_830 = tpu.memref_slice %arg28[%dma_wait3A] : memref<1024xi32, #tpu.memory_space<vmem_shared>> -> memref<256xi32, #tpu.memory_space<vmem_shared>>
        %dma_wait3A_831 = arith.constant 256 : i32
        %dma_wait3A_832 = tpu.memref_slice %arg28[%dma_wait3A_831] : memref<1024xi32, #tpu.memory_space<vmem_shared>> -> memref<256xi32, #tpu.memory_space<vmem_shared>>
        tpu.wait_dma2 semaphore(%run_scoped3A : memref<!tpu.dma_semaphore, #tpu.memory_space<semaphore_mem>>) src(%arg14 : memref<256xi32, #tpu.memory_space<vmem>>) dst(%dma_wait3A_832 : memref<256xi32, #tpu.memory_space<vmem_shared>>)
        tpu.yield
      }) : () -> ()
      "tpu.region"() ({
        %run_scoped3A = tpu.sem_alloc : memref<!tpu.dma_semaphore, #tpu.memory_space<semaphore_mem>>
        %dma_start3A = arith.constant 512 : i32
        %dma_start3A_827 = tpu.memref_slice %arg28[%dma_start3A] : memref<1024xi32, #tpu.memory_space<vmem_shared>> -> memref<256xi32, #tpu.memory_space<vmem_shared>>
        %dma_start3A_828 = arith.constant 512 : i32
        %dma_start3A_829 = tpu.memref_slice %arg28[%dma_start3A_828] : memref<1024xi32, #tpu.memory_space<vmem_shared>> -> memref<256xi32, #tpu.memory_space<vmem_shared>>
        tpu.enqueue_dma source(%arg14 : memref<256xi32, #tpu.memory_space<vmem>>) target(%dma_start3A_829 : memref<256xi32, #tpu.memory_space<vmem_shared>>) target_semaphore(%run_scoped3A : memref<!tpu.dma_semaphore, #tpu.memory_space<semaphore_mem>>)
        %dma_wait3A = arith.constant 512 : i32
        %dma_wait3A_830 = tpu.memref_slice %arg28[%dma_wait3A] : memref<1024xi32, #tpu.memory_space<vmem_shared>> -> memref<256xi32, #tpu.memory_space<vmem_shared>>
        %dma_wait3A_831 = arith.constant 512 : i32
        %dma_wait3A_832 = tpu.memref_slice %arg28[%dma_wait3A_831] : memref<1024xi32, #tpu.memory_space<vmem_shared>> -> memref<256xi32, #tpu.memory_space<vmem_shared>>
        tpu.wait_dma2 semaphore(%run_scoped3A : memref<!tpu.dma_semaphore, #tpu.memory_space<semaphore_mem>>) src(%arg14 : memref<256xi32, #tpu.memory_space<vmem>>) dst(%dma_wait3A_832 : memref<256xi32, #tpu.memory_space<vmem_shared>>)
        tpu.yield
      }) : () -> ()
      "tpu.region"() ({
        %run_scoped3A = tpu.sem_alloc : memref<!tpu.dma_semaphore, #tpu.memory_space<semaphore_mem>>
        %dma_start3A = arith.constant 768 : i32
        %dma_start3A_827 = tpu.memref_slice %arg28[%dma_start3A] : memref<1024xi32, #tpu.memory_space<vmem_shared>> -> memref<256xi32, #tpu.memory_space<vmem_shared>>
        %dma_start3A_828 = arith.constant 768 : i32
        %dma_start3A_829 = tpu.memref_slice %arg28[%dma_start3A_828] : memref<1024xi32, #tpu.memory_space<vmem_shared>> -> memref<256xi32, #tpu.memory_space<vmem_shared>>
        tpu.enqueue_dma source(%arg14 : memref<256xi32, #tpu.memory_space<vmem>>) target(%dma_start3A_829 : memref<256xi32, #tpu.memory_space<vmem_shared>>) target_semaphore(%run_scoped3A : memref<!tpu.dma_semaphore, #tpu.memory_space<semaphore_mem>>)
        %dma_wait3A = arith.constant 768 : i32
        %dma_wait3A_830 = tpu.memref_slice %arg28[%dma_wait3A] : memref<1024xi32, #tpu.memory_space<vmem_shared>> -> memref<256xi32, #tpu.memory_space<vmem_shared>>
        %dma_wait3A_831 = arith.constant 768 : i32
        %dma_wait3A_832 = tpu.memref_slice %arg28[%dma_wait3A_831] : memref<1024xi32, #tpu.memory_space<vmem_shared>> -> memref<256xi32, #tpu.memory_space<vmem_shared>>
        tpu.wait_dma2 semaphore(%run_scoped3A : memref<!tpu.dma_semaphore, #tpu.memory_space<semaphore_mem>>) src(%arg14 : memref<256xi32, #tpu.memory_space<vmem>>) dst(%dma_wait3A_832 : memref<256xi32, #tpu.memory_space<vmem_shared>>)
        tpu.yield
      }) : () -> ()
    } else {
    }
    %broadcast_in_dim3A_16 = arith.constant 0xFF800000 : f32
    %broadcast_in_dim3A_17 = vector.broadcast %broadcast_in_dim3A_16 : f32 to vector<16xf32>
    %scan3A_18 = arith.constant 0 : i32
    %scan3A_19 = arith.constant 32 : i32
    %scan3A_20 = arith.addi %scan3A_18, %scan3A_19 : i32
    %scan3A_21 = arith.constant 1 : i32
    %scan3A_22 = scf.for %scan3A_827 = %scan3A_18 to %scan3A_20 step %scan3A_21 iter_args(%scan3A_828 = %broadcast_in_dim3A_17) -> (vector<16xf32>)  : i32 {
      %mul3A_829 = arith.constant 4 : i32
      %mul3A_830 = arith.muli %scan3A_827, %mul3A_829 : i32
      %add3A_831 = arith.constant 0 : i32
      %add3A_832 = arith.addi %mul3A_830, %add3A_831 : i32
      %mul3A_833 = arith.constant 16 : i32
      %mul3A_834 = arith.muli %add3A_832, %mul3A_833 : i32
      %get3A_835 = arith.index_cast %mul3A_834 : i32 to index
      %get3A_836 = tpu.vector_load %arg8[%get3A_835] {strides = array<i32>} : memref<2048xf32, #tpu.memory_space<vmem>>, vector<16xf32>,
      %bitcast_convert_type3A = tpu.bitcast %get3A_836 : vector<16xf32> -> vector<16xi32>
      %ge3A_837 = arith.constant 0 : i32
      %ge3A_838 = vector.broadcast %ge3A_837 : i32 to vector<16xi32>
      %ge3A_839 = arith.cmpi sge, %bitcast_convert_type3A, %ge3A_838 : vector<16xi32>
      %xor3A_840 = arith.constant 2147483647 : i32
      %xor3A_841 = vector.broadcast %xor3A_840 : i32 to vector<16xi32>
      %xor3A_842 = arith.xori %bitcast_convert_type3A, %xor3A_841 : vector<16xi32>
      %select_n3A_843 = arith.select %ge3A_839, %bitcast_convert_type3A, %xor3A_842 : vector<16xi1>, vector<16xi32>
      %xor3A_844 = arith.xori %select_n3A_843, %broadcast_in_dim3A_7 : vector<16xi32>
      %mul3A_845 = arith.constant 4 : i32
      %mul3A_846 = arith.muli %scan3A_827, %mul3A_845 : i32
      %add3A_847 = arith.constant 0 : i32
      %add3A_848 = arith.addi %mul3A_846, %add3A_847 : i32
      %mul3A_849 = arith.constant 16 : i32
      %mul3A_850 = arith.muli %add3A_848, %mul3A_849 : i32
      %swap3A_851 = arith.index_cast %mul3A_850 : i32 to index
      %swap3A_852 = tpu.vector_load %arg10[%swap3A_851] {strides = array<i32>} : memref<2048xi32, #tpu.memory_space<vmem>>, vector<16xi32>,
      tpu.vector_store %arg10[%swap3A_851], %xor3A_844 {strides = array<i32>} : memref<2048xi32, #tpu.memory_space<vmem>>, vector<16xi32>,
      %max3A_853 = arith.maximumf %scan3A_828, %get3A_836 : vector<16xf32>
      %mul3A_854 = arith.constant 4 : i32
      %mul3A_855 = arith.muli %scan3A_827, %mul3A_854 : i32
      %add3A_856 = arith.constant 1 : i32
      %add3A_857 = arith.addi %mul3A_855, %add3A_856 : i32
      %mul3A_858 = arith.constant 16 : i32
      %mul3A_859 = arith.muli %add3A_857, %mul3A_858 : i32
      %get3A_860 = arith.index_cast %mul3A_859 : i32 to index
      %get3A_861 = tpu.vector_load %arg8[%get3A_860] {strides = array<i32>} : memref<2048xf32, #tpu.memory_space<vmem>>, vector<16xf32>,
      %bitcast_convert_type3A_862 = tpu.bitcast %get3A_861 : vector<16xf32> -> vector<16xi32>
      %ge3A_863 = arith.constant 0 : i32
      %ge3A_864 = vector.broadcast %ge3A_863 : i32 to vector<16xi32>
      %ge3A_865 = arith.cmpi sge, %bitcast_convert_type3A_862, %ge3A_864 : vector<16xi32>
      %xor3A_866 = arith.constant 2147483647 : i32
      %xor3A_867 = vector.broadcast %xor3A_866 : i32 to vector<16xi32>
      %xor3A_868 = arith.xori %bitcast_convert_type3A_862, %xor3A_867 : vector<16xi32>
      %select_n3A_869 = arith.select %ge3A_865, %bitcast_convert_type3A_862, %xor3A_868 : vector<16xi1>, vector<16xi32>
      %xor3A_870 = arith.xori %select_n3A_869, %broadcast_in_dim3A_7 : vector<16xi32>
      %mul3A_871 = arith.constant 4 : i32
      %mul3A_872 = arith.muli %scan3A_827, %mul3A_871 : i32
      %add3A_873 = arith.constant 1 : i32
      %add3A_874 = arith.addi %mul3A_872, %add3A_873 : i32
      %mul3A_875 = arith.constant 16 : i32
      %mul3A_876 = arith.muli %add3A_874, %mul3A_875 : i32
      %swap3A_877 = arith.index_cast %mul3A_876 : i32 to index
      %swap3A_878 = tpu.vector_load %arg10[%swap3A_877] {strides = array<i32>} : memref<2048xi32, #tpu.memory_space<vmem>>, vector<16xi32>,
      tpu.vector_store %arg10[%swap3A_877], %xor3A_870 {strides = array<i32>} : memref<2048xi32, #tpu.memory_space<vmem>>, vector<16xi32>,
      %max3A_879 = arith.maximumf %max3A_853, %get3A_861 : vector<16xf32>
      %mul3A_880 = arith.constant 4 : i32
      %mul3A_881 = arith.muli %scan3A_827, %mul3A_880 : i32
      %add3A_882 = arith.constant 2 : i32
      %add3A_883 = arith.addi %mul3A_881, %add3A_882 : i32
      %mul3A_884 = arith.constant 16 : i32
      %mul3A_885 = arith.muli %add3A_883, %mul3A_884 : i32
      %get3A_886 = arith.index_cast %mul3A_885 : i32 to index
      %get3A_887 = tpu.vector_load %arg8[%get3A_886] {strides = array<i32>} : memref<2048xf32, #tpu.memory_space<vmem>>, vector<16xf32>,
      %bitcast_convert_type3A_888 = tpu.bitcast %get3A_887 : vector<16xf32> -> vector<16xi32>
      %ge3A_889 = arith.constant 0 : i32
      %ge3A_890 = vector.broadcast %ge3A_889 : i32 to vector<16xi32>
      %ge3A_891 = arith.cmpi sge, %bitcast_convert_type3A_888, %ge3A_890 : vector<16xi32>
      %xor3A_892 = arith.constant 2147483647 : i32
      %xor3A_893 = vector.broadcast %xor3A_892 : i32 to vector<16xi32>
      %xor3A_894 = arith.xori %bitcast_convert_type3A_888, %xor3A_893 : vector<16xi32>
      %select_n3A_895 = arith.select %ge3A_891, %bitcast_convert_type3A_888, %xor3A_894 : vector<16xi1>, vector<16xi32>
      %xor3A_896 = arith.xori %select_n3A_895, %broadcast_in_dim3A_7 : vector<16xi32>
      %mul3A_897 = arith.constant 4 : i32
      %mul3A_898 = arith.muli %scan3A_827, %mul3A_897 : i32
      %add3A_899 = arith.constant 2 : i32
      %add3A_900 = arith.addi %mul3A_898, %add3A_899 : i32
      %mul3A_901 = arith.constant 16 : i32
      %mul3A_902 = arith.muli %add3A_900, %mul3A_901 : i32
      %swap3A_903 = arith.index_cast %mul3A_902 : i32 to index
      %swap3A_904 = tpu.vector_load %arg10[%swap3A_903] {strides = array<i32>} : memref<2048xi32, #tpu.memory_space<vmem>>, vector<16xi32>,
      tpu.vector_store %arg10[%swap3A_903], %xor3A_896 {strides = array<i32>} : memref<2048xi32, #tpu.memory_space<vmem>>, vector<16xi32>,
      %max3A_905 = arith.maximumf %max3A_879, %get3A_887 : vector<16xf32>
      %mul3A_906 = arith.constant 4 : i32
      %mul3A_907 = arith.muli %scan3A_827, %mul3A_906 : i32
      %add3A_908 = arith.constant 3 : i32
      %add3A_909 = arith.addi %mul3A_907, %add3A_908 : i32
      %mul3A_910 = arith.constant 16 : i32
      %mul3A_911 = arith.muli %add3A_909, %mul3A_910 : i32
      %get3A_912 = arith.index_cast %mul3A_911 : i32 to index
      %get3A_913 = tpu.vector_load %arg8[%get3A_912] {strides = array<i32>} : memref<2048xf32, #tpu.memory_space<vmem>>, vector<16xf32>,
      %bitcast_convert_type3A_914 = tpu.bitcast %get3A_913 : vector<16xf32> -> vector<16xi32>
      %ge3A_915 = arith.constant 0 : i32
      %ge3A_916 = vector.broadcast %ge3A_915 : i32 to vector<16xi32>
      %ge3A_917 = arith.cmpi sge, %bitcast_convert_type3A_914, %ge3A_916 : vector<16xi32>
      %xor3A_918 = arith.constant 2147483647 : i32
      %xor3A_919 = vector.broadcast %xor3A_918 : i32 to vector<16xi32>
      %xor3A_920 = arith.xori %bitcast_convert_type3A_914, %xor3A_919 : vector<16xi32>
      %select_n3A_921 = arith.select %ge3A_917, %bitcast_convert_type3A_914, %xor3A_920 : vector<16xi1>, vector<16xi32>
      %xor3A_922 = arith.xori %select_n3A_921, %broadcast_in_dim3A_7 : vector<16xi32>
      %mul3A_923 = arith.constant 4 : i32
      %mul3A_924 = arith.muli %scan3A_827, %mul3A_923 : i32
      %add3A_925 = arith.constant 3 : i32
      %add3A_926 = arith.addi %mul3A_924, %add3A_925 : i32
      %mul3A_927 = arith.constant 16 : i32
      %mul3A_928 = arith.muli %add3A_926, %mul3A_927 : i32
      %swap3A_929 = arith.index_cast %mul3A_928 : i32 to index
      %swap3A_930 = tpu.vector_load %arg10[%swap3A_929] {strides = array<i32>} : memref<2048xi32, #tpu.memory_space<vmem>>, vector<16xi32>,
      tpu.vector_store %arg10[%swap3A_929], %xor3A_922 {strides = array<i32>} : memref<2048xi32, #tpu.memory_space<vmem>>, vector<16xi32>,
      %max3A_931 = arith.maximumf %max3A_905, %get3A_913 : vector<16xf32>
      scf.yield %max3A_931 : vector<16xf32>
    }
    %scan3A_23 = arith.constant 32 : i32
    %swap3A = arith.constant 0 : index
    %swap3A_24 = tpu.vector_load %arg25[%swap3A] {strides = array<i32>} : memref<128xf32, #tpu.memory_space<vmem>>, vector<16xf32>,
    tpu.vector_store %arg25[%swap3A], %scan3A_22 {strides = array<i32>} : memref<128xf32, #tpu.memory_space<vmem>>, vector<16xf32>,
    %xor3A = arith.constant 1 : i32
    %xor3A_25 = vector.broadcast %xor3A : i32 to vector<16xi32>
    %xor3A_26 = arith.xori %iota3A, %xor3A_25 : vector<16xi32>
    %gather3A = tpu.vector_load_idx %arg25[%xor3A_26] : memref<128xf32, #tpu.memory_space<vmem>>[vector<16xi32>], vector<16xf32>,
    %max3A = arith.maximumf %scan3A_22, %gather3A : vector<16xf32>
    %swap3A_27 = arith.constant 0 : index
    %swap3A_28 = tpu.vector_load %arg25[%swap3A_27] {strides = array<i32>} : memref<128xf32, #tpu.memory_space<vmem>>, vector<16xf32>,
    tpu.vector_store %arg25[%swap3A_27], %max3A {strides = array<i32>} : memref<128xf32, #tpu.memory_space<vmem>>, vector<16xf32>,
    %xor3A_29 = arith.constant 2 : i32
    %xor3A_30 = vector.broadcast %xor3A_29 : i32 to vector<16xi32>
    %xor3A_31 = arith.xori %iota3A, %xor3A_30 : vector<16xi32>
    %gather3A_32 = tpu.vector_load_idx %arg25[%xor3A_31] : memref<128xf32, #tpu.memory_space<vmem>>[vector<16xi32>], vector<16xf32>,
    %max3A_33 = arith.maximumf %max3A, %gather3A_32 : vector<16xf32>
    %swap3A_34 = arith.constant 0 : index
    %swap3A_35 = tpu.vector_load %arg25[%swap3A_34] {strides = array<i32>} : memref<128xf32, #tpu.memory_space<vmem>>, vector<16xf32>,
    tpu.vector_store %arg25[%swap3A_34], %max3A_33 {strides = array<i32>} : memref<128xf32, #tpu.memory_space<vmem>>, vector<16xf32>,
    %xor3A_36 = arith.constant 4 : i32
    %xor3A_37 = vector.broadcast %xor3A_36 : i32 to vector<16xi32>
    %xor3A_38 = arith.xori %iota3A, %xor3A_37 : vector<16xi32>
    %gather3A_39 = tpu.vector_load_idx %arg25[%xor3A_38] : memref<128xf32, #tpu.memory_space<vmem>>[vector<16xi32>], vector<16xf32>,
    %max3A_40 = arith.maximumf %max3A_33, %gather3A_39 : vector<16xf32>
    %swap3A_41 = arith.constant 0 : index
    %swap3A_42 = tpu.vector_load %arg25[%swap3A_41] {strides = array<i32>} : memref<128xf32, #tpu.memory_space<vmem>>, vector<16xf32>,
    tpu.vector_store %arg25[%swap3A_41], %max3A_40 {strides = array<i32>} : memref<128xf32, #tpu.memory_space<vmem>>, vector<16xf32>,
    %xor3A_43 = arith.constant 8 : i32
    %xor3A_44 = vector.broadcast %xor3A_43 : i32 to vector<16xi32>
    %xor3A_45 = arith.xori %iota3A, %xor3A_44 : vector<16xi32>
    %gather3A_46 = tpu.vector_load_idx %arg25[%xor3A_45] : memref<128xf32, #tpu.memory_space<vmem>>[vector<16xi32>], vector<16xf32>,
    %max3A_47 = arith.maximumf %max3A_40, %gather3A_46 : vector<16xf32>
    %swap3A_48 = arith.constant 0 : index
    %swap3A_49 = tpu.vector_load %arg19[%swap3A_48] {strides = array<i32>} : memref<16xf32, #tpu.memory_space<vmem>>, vector<16xf32>,
    tpu.vector_store %arg19[%swap3A_48], %max3A_47 {strides = array<i32>} : memref<16xf32, #tpu.memory_space<vmem>>, vector<16xf32>,
    %mul3A_50 = arith.constant 16 : i32
    %mul3A_51 = arith.muli %arg1, %mul3A_50 : i32
    "tpu.region"() ({
      %run_scoped3A = tpu.sem_alloc : memref<!tpu.dma_semaphore, #tpu.memory_space<semaphore_mem>>
      %dma_start3A = tpu.memref_slice %arg27[%mul3A_51] : memref<256xf32, #tpu.memory_space<vmem_shared>> -> memref<16xf32, #tpu.memory_space<vmem_shared>>
      %dma_start3A_827 = tpu.memref_slice %arg27[%mul3A_51] : memref<256xf32, #tpu.memory_space<vmem_shared>> -> memref<16xf32, #tpu.memory_space<vmem_shared>>
      tpu.enqueue_dma source(%arg19 : memref<16xf32, #tpu.memory_space<vmem>>) target(%dma_start3A_827 : memref<16xf32, #tpu.memory_space<vmem_shared>>) target_semaphore(%run_scoped3A : memref<!tpu.dma_semaphore, #tpu.memory_space<semaphore_mem>>)
      %dma_wait3A = tpu.memref_slice %arg27[%mul3A_51] : memref<256xf32, #tpu.memory_space<vmem_shared>> -> memref<16xf32, #tpu.memory_space<vmem_shared>>
      %dma_wait3A_828 = tpu.memref_slice %arg27[%mul3A_51] : memref<256xf32, #tpu.memory_space<vmem_shared>> -> memref<16xf32, #tpu.memory_space<vmem_shared>>
      tpu.wait_dma2 semaphore(%run_scoped3A : memref<!tpu.dma_semaphore, #tpu.memory_space<semaphore_mem>>) src(%arg19 : memref<16xf32, #tpu.memory_space<vmem>>) dst(%dma_wait3A_828 : memref<16xf32, #tpu.memory_space<vmem_shared>>)
      tpu.yield
    }) : () -> ()
    %barrier3A = arith.constant 0 : index
    tpu.barrier barrier_id(%barrier3A)
    "tpu.region"() ({
      %run_scoped3A = tpu.sem_alloc : memref<!tpu.dma_semaphore, #tpu.memory_space<semaphore_mem>>
      tpu.enqueue_dma source(%arg27 : memref<256xf32, #tpu.memory_space<vmem_shared>>) target(%arg13 : memref<256xf32, #tpu.memory_space<vmem>>) target_semaphore(%run_scoped3A : memref<!tpu.dma_semaphore, #tpu.memory_space<semaphore_mem>>)
      tpu.wait_dma2 semaphore(%run_scoped3A : memref<!tpu.dma_semaphore, #tpu.memory_space<semaphore_mem>>) src(%arg27 : memref<256xf32, #tpu.memory_space<vmem_shared>>) dst(%arg13 : memref<256xf32, #tpu.memory_space<vmem>>)
      tpu.yield
    }) : () -> ()
    %broadcast_in_dim3A_52 = arith.constant 0xFF800000 : f32
    %broadcast_in_dim3A_53 = vector.broadcast %broadcast_in_dim3A_52 : f32 to vector<16xf32>
    %scan3A_54 = arith.constant 0 : i32
    %scan3A_55 = arith.constant 16 : i32
    %scan3A_56 = arith.addi %scan3A_54, %scan3A_55 : i32
    %scan3A_57 = arith.constant 1 : i32
    %scan3A_58 = scf.for %scan3A_827 = %scan3A_54 to %scan3A_56 step %scan3A_57 iter_args(%scan3A_828 = %broadcast_in_dim3A_53) -> (vector<16xf32>)  : i32 {
      %mul3A_829 = arith.constant 16 : i32
      %mul3A_830 = arith.muli %scan3A_827, %mul3A_829 : i32
      %get3A_831 = arith.index_cast %mul3A_830 : i32 to index
      %get3A_832 = tpu.vector_load %arg13[%get3A_831] {strides = array<i32>} : memref<256xf32, #tpu.memory_space<vmem>>, vector<16xf32>,
      %max3A_833 = arith.maximumf %scan3A_828, %get3A_832 : vector<16xf32>
      scf.yield %max3A_833 : vector<16xf32>
    }
    %scan3A_59 = arith.constant 16 : i32
    %broadcast_in_dim3A_60 = arith.constant 24 : i32
    %broadcast_in_dim3A_61 = vector.broadcast %broadcast_in_dim3A_60 : i32 to vector<16xi32>
    %scan3A_62 = arith.constant 0 : i32
    %scan3A_63 = arith.constant 0 : i32
    %scan3A_64 = arith.constant 32 : i32
    %scan3A_65 = arith.addi %scan3A_63, %scan3A_64 : i32
    %scan3A_66 = arith.constant 1 : i32
    %scan3A_67 = scf.for %scan3A_827 = %scan3A_63 to %scan3A_65 step %scan3A_66 iter_args(%scan3A_828 = %scan3A_62) -> (i32)  : i32 {
      %mul3A_829 = arith.constant 8 : i32
      %mul3A_830 = arith.muli %scan3A_827, %mul3A_829 : i32
      %add3A_831 = arith.constant 0 : i32
      %add3A_832 = arith.addi %mul3A_830, %add3A_831 : i32
      %mul3A_833 = arith.constant 16 : i32
      %mul3A_834 = arith.muli %add3A_832, %mul3A_833 : i32
      %swap3A_835 = arith.index_cast %mul3A_834 : i32 to index
      %swap3A_836 = tpu.vector_load %arg11[%swap3A_835] {strides = array<i32>} : memref<4096xi32, #tpu.memory_space<vmem>>, vector<16xi32>,
      tpu.vector_store %arg11[%swap3A_835], %broadcast_in_dim3A_1 {strides = array<i32>} : memref<4096xi32, #tpu.memory_space<vmem>>, vector<16xi32>,
      %mul3A_837 = arith.constant 8 : i32
      %mul3A_838 = arith.muli %scan3A_827, %mul3A_837 : i32
      %add3A_839 = arith.constant 1 : i32
      %add3A_840 = arith.addi %mul3A_838, %add3A_839 : i32
      %mul3A_841 = arith.constant 16 : i32
      %mul3A_842 = arith.muli %add3A_840, %mul3A_841 : i32
      %swap3A_843 = arith.index_cast %mul3A_842 : i32 to index
      %swap3A_844 = tpu.vector_load %arg11[%swap3A_843] {strides = array<i32>} : memref<4096xi32, #tpu.memory_space<vmem>>, vector<16xi32>,
      tpu.vector_store %arg11[%swap3A_843], %broadcast_in_dim3A_1 {strides = array<i32>} : memref<4096xi32, #tpu.memory_space<vmem>>, vector<16xi32>,
      %mul3A_845 = arith.constant 8 : i32
      %mul3A_846 = arith.muli %scan3A_827, %mul3A_845 : i32
      %add3A_847 = arith.constant 2 : i32
      %add3A_848 = arith.addi %mul3A_846, %add3A_847 : i32
      %mul3A_849 = arith.constant 16 : i32
      %mul3A_850 = arith.muli %add3A_848, %mul3A_849 : i32
      %swap3A_851 = arith.index_cast %mul3A_850 : i32 to index
      %swap3A_852 = tpu.vector_load %arg11[%swap3A_851] {strides = array<i32>} : memref<4096xi32, #tpu.memory_space<vmem>>, vector<16xi32>,
      tpu.vector_store %arg11[%swap3A_851], %broadcast_in_dim3A_1 {strides = array<i32>} : memref<4096xi32, #tpu.memory_space<vmem>>, vector<16xi32>,
      %mul3A_853 = arith.constant 8 : i32
      %mul3A_854 = arith.muli %scan3A_827, %mul3A_853 : i32
      %add3A_855 = arith.constant 3 : i32
      %add3A_856 = arith.addi %mul3A_854, %add3A_855 : i32
      %mul3A_857 = arith.constant 16 : i32
      %mul3A_858 = arith.muli %add3A_856, %mul3A_857 : i32
      %swap3A_859 = arith.index_cast %mul3A_858 : i32 to index
      %swap3A_860 = tpu.vector_load %arg11[%swap3A_859] {strides = array<i32>} : memref<4096xi32, #tpu.memory_space<vmem>>, vector<16xi32>,
      tpu.vector_store %arg11[%swap3A_859], %broadcast_in_dim3A_1 {strides = array<i32>} : memref<4096xi32, #tpu.memory_space<vmem>>, vector<16xi32>,
      %mul3A_861 = arith.constant 8 : i32
      %mul3A_862 = arith.muli %scan3A_827, %mul3A_861 : i32
      %add3A_863 = arith.constant 4 : i32
      %add3A_864 = arith.addi %mul3A_862, %add3A_863 : i32
      %mul3A_865 = arith.constant 16 : i32
      %mul3A_866 = arith.muli %add3A_864, %mul3A_865 : i32
      %swap3A_867 = arith.index_cast %mul3A_866 : i32 to index
      %swap3A_868 = tpu.vector_load %arg11[%swap3A_867] {strides = array<i32>} : memref<4096xi32, #tpu.memory_space<vmem>>, vector<16xi32>,
      tpu.vector_store %arg11[%swap3A_867], %broadcast_in_dim3A_1 {strides = array<i32>} : memref<4096xi32, #tpu.memory_space<vmem>>, vector<16xi32>,
      %mul3A_869 = arith.constant 8 : i32
      %mul3A_870 = arith.muli %scan3A_827, %mul3A_869 : i32
      %add3A_871 = arith.constant 5 : i32
      %add3A_872 = arith.addi %mul3A_870, %add3A_871 : i32
      %mul3A_873 = arith.constant 16 : i32
      %mul3A_874 = arith.muli %add3A_872, %mul3A_873 : i32
      %swap3A_875 = arith.index_cast %mul3A_874 : i32 to index
      %swap3A_876 = tpu.vector_load %arg11[%swap3A_875] {strides = array<i32>} : memref<4096xi32, #tpu.memory_space<vmem>>, vector<16xi32>,
      tpu.vector_store %arg11[%swap3A_875], %broadcast_in_dim3A_1 {strides = array<i32>} : memref<4096xi32, #tpu.memory_space<vmem>>, vector<16xi32>,
      %mul3A_877 = arith.constant 8 : i32
      %mul3A_878 = arith.muli %scan3A_827, %mul3A_877 : i32
      %add3A_879 = arith.constant 6 : i32
      %add3A_880 = arith.addi %mul3A_878, %add3A_879 : i32
      %mul3A_881 = arith.constant 16 : i32
      %mul3A_882 = arith.muli %add3A_880, %mul3A_881 : i32
      %swap3A_883 = arith.index_cast %mul3A_882 : i32 to index
      %swap3A_884 = tpu.vector_load %arg11[%swap3A_883] {strides = array<i32>} : memref<4096xi32, #tpu.memory_space<vmem>>, vector<16xi32>,
      tpu.vector_store %arg11[%swap3A_883], %broadcast_in_dim3A_1 {strides = array<i32>} : memref<4096xi32, #tpu.memory_space<vmem>>, vector<16xi32>,
      %mul3A_885 = arith.constant 8 : i32
      %mul3A_886 = arith.muli %scan3A_827, %mul3A_885 : i32
      %add3A_887 = arith.constant 7 : i32
      %add3A_888 = arith.addi %mul3A_886, %add3A_887 : i32
      %mul3A_889 = arith.constant 16 : i32
      %mul3A_890 = arith.muli %add3A_888, %mul3A_889 : i32
      %swap3A_891 = arith.index_cast %mul3A_890 : i32 to index
      %swap3A_892 = tpu.vector_load %arg11[%swap3A_891] {strides = array<i32>} : memref<4096xi32, #tpu.memory_space<vmem>>, vector<16xi32>,
      tpu.vector_store %arg11[%swap3A_891], %broadcast_in_dim3A_1 {strides = array<i32>} : memref<4096xi32, #tpu.memory_space<vmem>>, vector<16xi32>,
      %scan3A_893 = arith.constant 0 : i32
      scf.yield %scan3A_893 : i32
    }
    %scan3A_68 = arith.constant 32 : i32
    %broadcast_in_dim3A_69 = arith.constant 0 : i32
    %broadcast_in_dim3A_70 = vector.broadcast %broadcast_in_dim3A_69 : i32 to vector<16xi32>
    %broadcast_in_dim3A_71 = arith.constant 0 : i32
    %broadcast_in_dim3A_72 = vector.broadcast %broadcast_in_dim3A_71 : i32 to vector<16xi32>
    %scan3A_73 = arith.constant 0 : i32
    %scan3A_74 = arith.constant 0 : i32
    %scan3A_75 = arith.constant 32 : i32
    %scan3A_76 = arith.addi %scan3A_74, %scan3A_75 : i32
    %scan3A_77 = arith.constant 1 : i32
    %scan3A_78 = scf.for %scan3A_827 = %scan3A_74 to %scan3A_76 step %scan3A_77 iter_args(%scan3A_828 = %scan3A_73) -> (i32)  : i32 {
      %mul3A_829 = arith.constant 4 : i32
      %mul3A_830 = arith.muli %scan3A_827, %mul3A_829 : i32
      %add3A_831 = arith.constant 0 : i32
      %add3A_832 = arith.addi %mul3A_830, %add3A_831 : i32
      %mul3A_833 = arith.constant 16 : i32
      %mul3A_834 = arith.muli %add3A_832, %mul3A_833 : i32
      %get3A_835 = arith.index_cast %mul3A_834 : i32 to index
      %get3A_836 = tpu.vector_load %arg10[%get3A_835] {strides = array<i32>} : memref<2048xi32, #tpu.memory_space<vmem>>, vector<16xi32>,
      %and3A = arith.andi %get3A_836, %broadcast_in_dim3A_72 : vector<16xi32>
      %eq3A_837 = arith.cmpi eq, %and3A, %broadcast_in_dim3A_70 : vector<16xi32>
      %shift_right_logical3A = arith.shrui %get3A_836, %broadcast_in_dim3A_61 : vector<16xi32>
      %and3A_838 = arith.andi %shift_right_logical3A, %broadcast_in_dim3A_5 : vector<16xi32>
      %mul3A_839 = arith.constant 256 : i32
      %mul3A_840 = vector.broadcast %mul3A_839 : i32 to vector<16xi32>
      %mul3A_841 = arith.muli %iota3A, %mul3A_840 : vector<16xi32>
      %add3A_842 = arith.addi %mul3A_841, %and3A_838 : vector<16xi32>
      tpu.vector_store_idx %arg11[%add3A_842], %broadcast_in_dim3A_3 masked %eq3A_837 {add = true} : memref<4096xi32, #tpu.memory_space<vmem>>[vector<16xi32>], vector<16xi32>, vector<16xi1>
      %mul3A_843 = arith.constant 4 : i32
      %mul3A_844 = arith.muli %scan3A_827, %mul3A_843 : i32
      %add3A_845 = arith.constant 1 : i32
      %add3A_846 = arith.addi %mul3A_844, %add3A_845 : i32
      %mul3A_847 = arith.constant 16 : i32
      %mul3A_848 = arith.muli %add3A_846, %mul3A_847 : i32
      %get3A_849 = arith.index_cast %mul3A_848 : i32 to index
      %get3A_850 = tpu.vector_load %arg10[%get3A_849] {strides = array<i32>} : memref<2048xi32, #tpu.memory_space<vmem>>, vector<16xi32>,
      %and3A_851 = arith.andi %get3A_850, %broadcast_in_dim3A_72 : vector<16xi32>
      %eq3A_852 = arith.cmpi eq, %and3A_851, %broadcast_in_dim3A_70 : vector<16xi32>
      %shift_right_logical3A_853 = arith.shrui %get3A_850, %broadcast_in_dim3A_61 : vector<16xi32>
      %and3A_854 = arith.andi %shift_right_logical3A_853, %broadcast_in_dim3A_5 : vector<16xi32>
      %mul3A_855 = arith.constant 256 : i32
      %mul3A_856 = vector.broadcast %mul3A_855 : i32 to vector<16xi32>
      %mul3A_857 = arith.muli %iota3A, %mul3A_856 : vector<16xi32>
      %add3A_858 = arith.addi %mul3A_857, %and3A_854 : vector<16xi32>
      tpu.vector_store_idx %arg11[%add3A_858], %broadcast_in_dim3A_3 masked %eq3A_852 {add = true} : memref<4096xi32, #tpu.memory_space<vmem>>[vector<16xi32>], vector<16xi32>, vector<16xi1>
      %mul3A_859 = arith.constant 4 : i32
      %mul3A_860 = arith.muli %scan3A_827, %mul3A_859 : i32
      %add3A_861 = arith.constant 2 : i32
      %add3A_862 = arith.addi %mul3A_860, %add3A_861 : i32
      %mul3A_863 = arith.constant 16 : i32
      %mul3A_864 = arith.muli %add3A_862, %mul3A_863 : i32
      %get3A_865 = arith.index_cast %mul3A_864 : i32 to index
      %get3A_866 = tpu.vector_load %arg10[%get3A_865] {strides = array<i32>} : memref<2048xi32, #tpu.memory_space<vmem>>, vector<16xi32>,
      %and3A_867 = arith.andi %get3A_866, %broadcast_in_dim3A_72 : vector<16xi32>
      %eq3A_868 = arith.cmpi eq, %and3A_867, %broadcast_in_dim3A_70 : vector<16xi32>
      %shift_right_logical3A_869 = arith.shrui %get3A_866, %broadcast_in_dim3A_61 : vector<16xi32>
      %and3A_870 = arith.andi %shift_right_logical3A_869, %broadcast_in_dim3A_5 : vector<16xi32>
      %mul3A_871 = arith.constant 256 : i32
      %mul3A_872 = vector.broadcast %mul3A_871 : i32 to vector<16xi32>
      %mul3A_873 = arith.muli %iota3A, %mul3A_872 : vector<16xi32>
      %add3A_874 = arith.addi %mul3A_873, %and3A_870 : vector<16xi32>
      tpu.vector_store_idx %arg11[%add3A_874], %broadcast_in_dim3A_3 masked %eq3A_868 {add = true} : memref<4096xi32, #tpu.memory_space<vmem>>[vector<16xi32>], vector<16xi32>, vector<16xi1>
      %mul3A_875 = arith.constant 4 : i32
      %mul3A_876 = arith.muli %scan3A_827, %mul3A_875 : i32
      %add3A_877 = arith.constant 3 : i32
      %add3A_878 = arith.addi %mul3A_876, %add3A_877 : i32
      %mul3A_879 = arith.constant 16 : i32
      %mul3A_880 = arith.muli %add3A_878, %mul3A_879 : i32
      %get3A_881 = arith.index_cast %mul3A_880 : i32 to index
      %get3A_882 = tpu.vector_load %arg10[%get3A_881] {strides = array<i32>} : memref<2048xi32, #tpu.memory_space<vmem>>, vector<16xi32>,
      %and3A_883 = arith.andi %get3A_882, %broadcast_in_dim3A_72 : vector<16xi32>
      %eq3A_884 = arith.cmpi eq, %and3A_883, %broadcast_in_dim3A_70 : vector<16xi32>
      %shift_right_logical3A_885 = arith.shrui %get3A_882, %broadcast_in_dim3A_61 : vector<16xi32>
      %and3A_886 = arith.andi %shift_right_logical3A_885, %broadcast_in_dim3A_5 : vector<16xi32>
      %mul3A_887 = arith.constant 256 : i32
      %mul3A_888 = vector.broadcast %mul3A_887 : i32 to vector<16xi32>
      %mul3A_889 = arith.muli %iota3A, %mul3A_888 : vector<16xi32>
      %add3A_890 = arith.addi %mul3A_889, %and3A_886 : vector<16xi32>
      tpu.vector_store_idx %arg11[%add3A_890], %broadcast_in_dim3A_3 masked %eq3A_884 {add = true} : memref<4096xi32, #tpu.memory_space<vmem>>[vector<16xi32>], vector<16xi32>, vector<16xi1>
      %scan3A_891 = arith.constant 0 : i32
      scf.yield %scan3A_891 : i32
    }
    %scan3A_79 = arith.constant 32 : i32
    %scan3A_80 = arith.constant 0 : i32
    %scan3A_81 = arith.constant 0 : i32
    %scan3A_82 = arith.constant 16 : i32
    %scan3A_83 = arith.addi %scan3A_81, %scan3A_82 : i32
    %scan3A_84 = arith.constant 1 : i32
    %scan3A_85 = scf.for %scan3A_827 = %scan3A_81 to %scan3A_83 step %scan3A_84 iter_args(%scan3A_828 = %scan3A_80) -> (i32)  : i32 {
      %mul3A_829 = arith.constant 16 : i32
      %mul3A_830 = arith.muli %scan3A_827, %mul3A_829 : i32
      %add3A_831 = arith.constant 0 : i32
      %add3A_832 = arith.addi %add3A_831, %mul3A_830 : i32
      %get3A_833 = arith.index_cast %add3A_832 : i32 to index
      %get3A_834 = tpu.vector_load %arg11[%get3A_833] {strides = array<i32>} : memref<4096xi32, #tpu.memory_space<vmem>>, vector<16xi32>,
      %add3A_835 = arith.addi %broadcast_in_dim3A_1, %get3A_834 : vector<16xi32>
      %mul3A_836 = arith.constant 16 : i32
      %mul3A_837 = arith.muli %scan3A_827, %mul3A_836 : i32
      %add3A_838 = arith.constant 256 : i32
      %add3A_839 = arith.addi %add3A_838, %mul3A_837 : i32
      %get3A_840 = arith.index_cast %add3A_839 : i32 to index
      %get3A_841 = tpu.vector_load %arg11[%get3A_840] {strides = array<i32>} : memref<4096xi32, #tpu.memory_space<vmem>>, vector<16xi32>,
      %add3A_842 = arith.addi %add3A_835, %get3A_841 : vector<16xi32>
      %mul3A_843 = arith.constant 16 : i32
      %mul3A_844 = arith.muli %scan3A_827, %mul3A_843 : i32
      %add3A_845 = arith.constant 512 : i32
      %add3A_846 = arith.addi %add3A_845, %mul3A_844 : i32
      %get3A_847 = arith.index_cast %add3A_846 : i32 to index
      %get3A_848 = tpu.vector_load %arg11[%get3A_847] {strides = array<i32>} : memref<4096xi32, #tpu.memory_space<vmem>>, vector<16xi32>,
      %add3A_849 = arith.addi %add3A_842, %get3A_848 : vector<16xi32>
      %mul3A_850 = arith.constant 16 : i32
      %mul3A_851 = arith.muli %scan3A_827, %mul3A_850 : i32
      %add3A_852 = arith.constant 768 : i32
      %add3A_853 = arith.addi %add3A_852, %mul3A_851 : i32
      %get3A_854 = arith.index_cast %add3A_853 : i32 to index
      %get3A_855 = tpu.vector_load %arg11[%get3A_854] {strides = array<i32>} : memref<4096xi32, #tpu.memory_space<vmem>>, vector<16xi32>,
      %add3A_856 = arith.addi %add3A_849, %get3A_855 : vector<16xi32>
      %mul3A_857 = arith.constant 16 : i32
      %mul3A_858 = arith.muli %scan3A_827, %mul3A_857 : i32
      %add3A_859 = arith.constant 1024 : i32
      %add3A_860 = arith.addi %add3A_859, %mul3A_858 : i32
      %get3A_861 = arith.index_cast %add3A_860 : i32 to index
      %get3A_862 = tpu.vector_load %arg11[%get3A_861] {strides = array<i32>} : memref<4096xi32, #tpu.memory_space<vmem>>, vector<16xi32>,
      %add3A_863 = arith.addi %add3A_856, %get3A_862 : vector<16xi32>
      %mul3A_864 = arith.constant 16 : i32
      %mul3A_865 = arith.muli %scan3A_827, %mul3A_864 : i32
      %add3A_866 = arith.constant 1280 : i32
      %add3A_867 = arith.addi %add3A_866, %mul3A_865 : i32
      %get3A_868 = arith.index_cast %add3A_867 : i32 to index
      %get3A_869 = tpu.vector_load %arg11[%get3A_868] {strides = array<i32>} : memref<4096xi32, #tpu.memory_space<vmem>>, vector<16xi32>,
      %add3A_870 = arith.addi %add3A_863, %get3A_869 : vector<16xi32>
      %mul3A_871 = arith.constant 16 : i32
      %mul3A_872 = arith.muli %scan3A_827, %mul3A_871 : i32
      %add3A_873 = arith.constant 1536 : i32
      %add3A_874 = arith.addi %add3A_873, %mul3A_872 : i32
      %get3A_875 = arith.index_cast %add3A_874 : i32 to index
      %get3A_876 = tpu.vector_load %arg11[%get3A_875] {strides = array<i32>} : memref<4096xi32, #tpu.memory_space<vmem>>, vector<16xi32>,
      %add3A_877 = arith.addi %add3A_870, %get3A_876 : vector<16xi32>
      %mul3A_878 = arith.constant 16 : i32
      %mul3A_879 = arith.muli %scan3A_827, %mul3A_878 : i32
      %add3A_880 = arith.constant 1792 : i32
      %add3A_881 = arith.addi %add3A_880, %mul3A_879 : i32
      %get3A_882 = arith.index_cast %add3A_881 : i32 to index
      %get3A_883 = tpu.vector_load %arg11[%get3A_882] {strides = array<i32>} : memref<4096xi32, #tpu.memory_space<vmem>>, vector<16xi32>,
      %add3A_884 = arith.addi %add3A_877, %get3A_883 : vector<16xi32>
      %mul3A_885 = arith.constant 16 : i32
      %mul3A_886 = arith.muli %scan3A_827, %mul3A_885 : i32
      %add3A_887 = arith.constant 2048 : i32
      %add3A_888 = arith.addi %add3A_887, %mul3A_886 : i32
      %get3A_889 = arith.index_cast %add3A_888 : i32 to index
      %get3A_890 = tpu.vector_load %arg11[%get3A_889] {strides = array<i32>} : memref<4096xi32, #tpu.memory_space<vmem>>, vector<16xi32>,
      %add3A_891 = arith.addi %add3A_884, %get3A_890 : vector<16xi32>
      %mul3A_892 = arith.constant 16 : i32
      %mul3A_893 = arith.muli %scan3A_827, %mul3A_892 : i32
      %add3A_894 = arith.constant 2304 : i32
      %add3A_895 = arith.addi %add3A_894, %mul3A_893 : i32
      %get3A_896 = arith.index_cast %add3A_895 : i32 to index
      %get3A_897 = tpu.vector_load %arg11[%get3A_896] {strides = array<i32>} : memref<4096xi32, #tpu.memory_space<vmem>>, vector<16xi32>,
      %add3A_898 = arith.addi %add3A_891, %get3A_897 : vector<16xi32>
      %mul3A_899 = arith.constant 16 : i32
      %mul3A_900 = arith.muli %scan3A_827, %mul3A_899 : i32
      %add3A_901 = arith.constant 2560 : i32
      %add3A_902 = arith.addi %add3A_901, %mul3A_900 : i32
      %get3A_903 = arith.index_cast %add3A_902 : i32 to index
      %get3A_904 = tpu.vector_load %arg11[%get3A_903] {strides = array<i32>} : memref<4096xi32, #tpu.memory_space<vmem>>, vector<16xi32>,
      %add3A_905 = arith.addi %add3A_898, %get3A_904 : vector<16xi32>
      %mul3A_906 = arith.constant 16 : i32
      %mul3A_907 = arith.muli %scan3A_827, %mul3A_906 : i32
      %add3A_908 = arith.constant 2816 : i32
      %add3A_909 = arith.addi %add3A_908, %mul3A_907 : i32
      %get3A_910 = arith.index_cast %add3A_909 : i32 to index
      %get3A_911 = tpu.vector_load %arg11[%get3A_910] {strides = array<i32>} : memref<4096xi32, #tpu.memory_space<vmem>>, vector<16xi32>,
      %add3A_912 = arith.addi %add3A_905, %get3A_911 : vector<16xi32>
      %mul3A_913 = arith.constant 16 : i32
      %mul3A_914 = arith.muli %scan3A_827, %mul3A_913 : i32
      %add3A_915 = arith.constant 3072 : i32
      %add3A_916 = arith.addi %add3A_915, %mul3A_914 : i32
      %get3A_917 = arith.index_cast %add3A_916 : i32 to index
      %get3A_918 = tpu.vector_load %arg11[%get3A_917] {strides = array<i32>} : memref<4096xi32, #tpu.memory_space<vmem>>, vector<16xi32>,
      %add3A_919 = arith.addi %add3A_912, %get3A_918 : vector<16xi32>
      %mul3A_920 = arith.constant 16 : i32
      %mul3A_921 = arith.muli %scan3A_827, %mul3A_920 : i32
      %add3A_922 = arith.constant 3328 : i32
      %add3A_923 = arith.addi %add3A_922, %mul3A_921 : i32
      %get3A_924 = arith.index_cast %add3A_923 : i32 to index
      %get3A_925 = tpu.vector_load %arg11[%get3A_924] {strides = array<i32>} : memref<4096xi32, #tpu.memory_space<vmem>>, vector<16xi32>,
      %add3A_926 = arith.addi %add3A_919, %get3A_925 : vector<16xi32>
      %mul3A_927 = arith.constant 16 : i32
      %mul3A_928 = arith.muli %scan3A_827, %mul3A_927 : i32
      %add3A_929 = arith.constant 3584 : i32
      %add3A_930 = arith.addi %add3A_929, %mul3A_928 : i32
      %get3A_931 = arith.index_cast %add3A_930 : i32 to index
      %get3A_932 = tpu.vector_load %arg11[%get3A_931] {strides = array<i32>} : memref<4096xi32, #tpu.memory_space<vmem>>, vector<16xi32>,
      %add3A_933 = arith.addi %add3A_926, %get3A_932 : vector<16xi32>
      %mul3A_934 = arith.constant 16 : i32
      %mul3A_935 = arith.muli %scan3A_827, %mul3A_934 : i32
      %add3A_936 = arith.constant 3840 : i32
      %add3A_937 = arith.addi %add3A_936, %mul3A_935 : i32
      %get3A_938 = arith.index_cast %add3A_937 : i32 to index
      %get3A_939 = tpu.vector_load %arg11[%get3A_938] {strides = array<i32>} : memref<4096xi32, #tpu.memory_space<vmem>>, vector<16xi32>,
      %add3A_940 = arith.addi %add3A_933, %get3A_939 : vector<16xi32>
      %mul3A_941 = arith.constant 16 : i32
      %mul3A_942 = arith.muli %scan3A_827, %mul3A_941 : i32
      %swap3A_943 = arith.index_cast %mul3A_942 : i32 to index
      %swap3A_944 = tpu.vector_load %arg12[%swap3A_943] {strides = array<i32>} : memref<256xi32, #tpu.memory_space<vmem>>, vector<16xi32>,
      tpu.vector_store %arg12[%swap3A_943], %add3A_940 {strides = array<i32>} : memref<256xi32, #tpu.memory_space<vmem>>, vector<16xi32>,
      %scan3A_945 = arith.constant 0 : i32
      scf.yield %scan3A_945 : i32
    }
    %scan3A_86 = arith.constant 16 : i32
    %scan3A_87 = arith.constant 0 : i32
    %scan3A_88 = arith.constant 0 : i32
    %scan3A_89 = arith.constant 16 : i32
    %scan3A_90 = arith.addi %scan3A_88, %scan3A_89 : i32
    %scan3A_91 = arith.constant 1 : i32
    %scan3A_92 = scf.for %scan3A_827 = %scan3A_88 to %scan3A_90 step %scan3A_91 iter_args(%scan3A_828 = %scan3A_87) -> (i32)  : i32 {
      %mul3A_829 = arith.constant 16 : i32
      %mul3A_830 = arith.muli %scan3A_827, %mul3A_829 : i32
      %add3A_831 = arith.constant 0 : i32
      %add3A_832 = arith.addi %add3A_831, %mul3A_830 : i32
      %add3A_833 = vector.broadcast %add3A_832 : i32 to vector<16xi32>
      %add3A_834 = arith.addi %add3A_833, %iota3A : vector<16xi32>
      %mul3A_835 = arith.constant 16 : i32
      %mul3A_836 = arith.muli %scan3A_827, %mul3A_835 : i32
      %swap3A_837 = arith.index_cast %mul3A_836 : i32 to index
      %swap3A_838 = tpu.vector_load %arg24[%swap3A_837] {strides = array<i32>} : memref<256xi32, #tpu.memory_space<vmem>>, vector<16xi32>,
      tpu.vector_store %arg24[%swap3A_837], %add3A_834 {strides = array<i32>} : memref<256xi32, #tpu.memory_space<vmem>>, vector<16xi32>,
      %scan3A_839 = arith.constant 0 : i32
      scf.yield %scan3A_839 : i32
    }
    %scan3A_93 = arith.constant 16 : i32
    "tpu.region"() ({
      %run_scoped3A = tpu.sem_alloc : memref<!tpu.dma_semaphore, #tpu.memory_space<semaphore_mem>>
      %dma_start3A = arith.constant 0 : i32
      %dma_start3A_827 = tpu.memref_slice %arg28[%dma_start3A] : memref<1024xi32, #tpu.memory_space<vmem_shared>> -> memref<1024xi32, #tpu.memory_space<vmem_shared>>
      tpu.enqueue_indirect_dma source(%arg12 : memref<256xi32, #tpu.memory_space<vmem>>) target(%dma_start3A_827 : memref<1024xi32, #tpu.memory_space<vmem_shared>>) offsets(%arg24 : memref<256xi32, #tpu.memory_space<vmem>>) semaphore(%run_scoped3A : memref<!tpu.dma_semaphore, #tpu.memory_space<semaphore_mem>>) {add = true}
      %dma_wait3A = arith.constant 0 : i32
      %dma_wait3A_828 = tpu.memref_slice %arg28[%dma_wait3A] : memref<1024xi32, #tpu.memory_space<vmem_shared>> -> memref<1024xi32, #tpu.memory_space<vmem_shared>>
      tpu.wait_indirect_dma semaphore(%run_scoped3A : memref<!tpu.dma_semaphore, #tpu.memory_space<semaphore_mem>>) src(%arg12 : memref<256xi32, #tpu.memory_space<vmem>>) dst(%dma_wait3A_828 : memref<1024xi32, #tpu.memory_space<vmem_shared>>)
      tpu.yield
    }) : () -> ()
    %barrier3A_94 = arith.constant 0 : index
    tpu.barrier barrier_id(%barrier3A_94)
    "tpu.region"() ({
      %run_scoped3A = tpu.sem_alloc : memref<!tpu.dma_semaphore, #tpu.memory_space<semaphore_mem>>
      %dma_start3A = arith.constant 0 : i32
      %dma_start3A_827 = tpu.memref_slice %arg28[%dma_start3A] : memref<1024xi32, #tpu.memory_space<vmem_shared>> -> memref<256xi32, #tpu.memory_space<vmem_shared>>
      %dma_start3A_828 = arith.constant 0 : i32
      %dma_start3A_829 = tpu.memref_slice %arg28[%dma_start3A_828] : memref<1024xi32, #tpu.memory_space<vmem_shared>> -> memref<256xi32, #tpu.memory_space<vmem_shared>>
      tpu.enqueue_dma source(%dma_start3A_829 : memref<256xi32, #tpu.memory_space<vmem_shared>>) target(%arg12 : memref<256xi32, #tpu.memory_space<vmem>>) target_semaphore(%run_scoped3A : memref<!tpu.dma_semaphore, #tpu.memory_space<semaphore_mem>>)
      %dma_wait3A = arith.constant 0 : i32
      %dma_wait3A_830 = tpu.memref_slice %arg28[%dma_wait3A] : memref<1024xi32, #tpu.memory_space<vmem_shared>> -> memref<256xi32, #tpu.memory_space<vmem_shared>>
      %dma_wait3A_831 = arith.constant 0 : i32
      %dma_wait3A_832 = tpu.memref_slice %arg28[%dma_wait3A_831] : memref<1024xi32, #tpu.memory_space<vmem_shared>> -> memref<256xi32, #tpu.memory_space<vmem_shared>>
      tpu.wait_dma2 semaphore(%run_scoped3A : memref<!tpu.dma_semaphore, #tpu.memory_space<semaphore_mem>>) src(%dma_wait3A_832 : memref<256xi32, #tpu.memory_space<vmem_shared>>) dst(%arg12 : memref<256xi32, #tpu.memory_space<vmem>>)
      tpu.yield
    }) : () -> ()
    %broadcast_in_dim3A_95 = arith.constant 256 : i32
    %broadcast_in_dim3A_96 = vector.broadcast %broadcast_in_dim3A_95 : i32 to vector<16xi32>
    %scan3A_97 = arith.constant 0 : i32
    %scan3A_98 = arith.constant 16 : i32
    %scan3A_99 = arith.addi %scan3A_97, %scan3A_98 : i32
    %scan3A_100 = arith.constant 1 : i32
    %scan3A_101 = scf.for %scan3A_827 = %scan3A_97 to %scan3A_99 step %scan3A_100 iter_args(%scan3A_828 = %broadcast_in_dim3A_1) -> (vector<16xi32>)  : i32 {
      %mul3A_829 = arith.constant 16 : i32
      %mul3A_830 = vector.broadcast %mul3A_829 : i32 to vector<16xi32>
      %mul3A_831 = arith.muli %iota3A, %mul3A_830 : vector<16xi32>
      %add3A_832 = vector.broadcast %scan3A_827 : i32 to vector<16xi32>
      %add3A_833 = arith.addi %mul3A_831, %add3A_832 : vector<16xi32>
      %gather3A_834 = tpu.vector_load_idx %arg12[%add3A_833] : memref<256xi32, #tpu.memory_space<vmem>>[vector<16xi32>], vector<16xi32>,
      %add3A_835 = arith.addi %scan3A_828, %gather3A_834 : vector<16xi32>
      scf.yield %add3A_835 : vector<16xi32>
    }
    %scan3A_102 = arith.constant 16 : i32
    %rev3A = arith.constant 15 : i32
    %rev3A_103 = vector.broadcast %rev3A : i32 to vector<16xi32>
    %rev3A_104 = tpu.iota {dimensions = array<i32: 0>} : vector<16xi32>
    %rev3A_105 = arith.subi %rev3A_103, %rev3A_104 : vector<16xi32>
    %rev3A_106 = tpu.dynamic_gather %scan3A_101[%rev3A_105] in [0] : vector<16xi32>, vector<16xi32> -> vector<16xi32>
    %broadcast_in_dim3A_107 = arith.constant true
    %broadcast_in_dim3A_108 = vector.broadcast %broadcast_in_dim3A_107 : i1 to vector<16xi1>
    %masked_cumsum3A = tpu.scan <sum>, %rev3A_106 masked %broadcast_in_dim3A_108 : vector<16xi32>, vector<16xi1> -> vector<16xi32>
    %rev3A_109 = arith.constant 15 : i32
    %rev3A_110 = vector.broadcast %rev3A_109 : i32 to vector<16xi32>
    %rev3A_111 = tpu.iota {dimensions = array<i32: 0>} : vector<16xi32>
    %rev3A_112 = arith.subi %rev3A_110, %rev3A_111 : vector<16xi32>
    %rev3A_113 = tpu.dynamic_gather %masked_cumsum3A[%rev3A_112] in [0] : vector<16xi32>, vector<16xi32> -> vector<16xi32>
    %ge3A = arith.cmpi sge, %rev3A_113, %broadcast_in_dim3A_96 : vector<16xi32>
    %convert_element_type3A_114 = arith.extui %ge3A : vector<16xi1> to vector<16xi32>
    %rev3A_115 = arith.constant 15 : i32
    %rev3A_116 = vector.broadcast %rev3A_115 : i32 to vector<16xi32>
    %rev3A_117 = tpu.iota {dimensions = array<i32: 0>} : vector<16xi32>
    %rev3A_118 = arith.subi %rev3A_116, %rev3A_117 : vector<16xi32>
    %rev3A_119 = tpu.dynamic_gather %convert_element_type3A_114[%rev3A_118] in [0] : vector<16xi32>, vector<16xi32> -> vector<16xi32>
    %gt3A = arith.constant 0 : i32
    %gt3A_120 = vector.broadcast %gt3A : i32 to vector<16xi32>
    %gt3A_121 = arith.cmpi sgt, %rev3A_119, %gt3A_120 : vector<16xi32>
    %all_reduce_ffs3A = tpu.all_reduce %gt3A_121 {dim = 0 : i64, kind = #tpu.reduction_kind<find_first_set>} : vector<16xi1> -> vector<16xi32>
    %sub3A = arith.constant 15 : i32
    %sub3A_122 = vector.broadcast %sub3A : i32 to vector<16xi32>
    %sub3A_123 = arith.subi %sub3A_122, %all_reduce_ffs3A : vector<16xi32>
    %ge3A_124 = arith.constant 15 : i32
    %ge3A_125 = vector.broadcast %ge3A_124 : i32 to vector<16xi32>
    %ge3A_126 = arith.cmpi sge, %sub3A_123, %ge3A_125 : vector<16xi32>
    %add3A = arith.constant 1 : i32
    %add3A_127 = vector.broadcast %add3A : i32 to vector<16xi32>
    %add3A_128 = arith.addi %sub3A_123, %add3A_127 : vector<16xi32>
    %min3A = arith.constant 15 : i32
    %min3A_129 = vector.broadcast %min3A : i32 to vector<16xi32>
    %min3A_130 = arith.minsi %add3A_128, %min3A_129 : vector<16xi32>
    %swap3A_131 = arith.constant 0 : index
    %swap3A_132 = tpu.vector_load %arg26[%swap3A_131] {strides = array<i32>} : memref<128xi32, #tpu.memory_space<vmem>>, vector<16xi32>,
    tpu.vector_store %arg26[%swap3A_131], %rev3A_113 {strides = array<i32>} : memref<128xi32, #tpu.memory_space<vmem>>, vector<16xi32>,
    %gather3A_133 = tpu.vector_load_idx %arg26[%min3A_130] : memref<128xi32, #tpu.memory_space<vmem>>[vector<16xi32>], vector<16xi32>,
    %jit3A = arith.constant 0 : i32
    %broadcast_in_dim3A_134 = vector.broadcast %jit3A : i32 to vector<16xi32>
    %select_n3A = arith.select %ge3A_126, %broadcast_in_dim3A_134, %gather3A_133 : vector<16xi1>, vector<16xi32>
    %mul3A_135 = arith.constant 16 : i32
    %mul3A_136 = vector.broadcast %mul3A_135 : i32 to vector<16xi32>
    %mul3A_137 = arith.muli %sub3A_123, %mul3A_136 : vector<16xi32>
    %add3A_138 = arith.addi %mul3A_137, %iota3A : vector<16xi32>
    %gather3A_139 = tpu.vector_load_idx %arg12[%add3A_138] : memref<256xi32, #tpu.memory_space<vmem>>[vector<16xi32>], vector<16xi32>,
    %rev3A_140 = arith.constant 15 : i32
    %rev3A_141 = vector.broadcast %rev3A_140 : i32 to vector<16xi32>
    %rev3A_142 = tpu.iota {dimensions = array<i32: 0>} : vector<16xi32>
    %rev3A_143 = arith.subi %rev3A_141, %rev3A_142 : vector<16xi32>
    %rev3A_144 = tpu.dynamic_gather %gather3A_139[%rev3A_143] in [0] : vector<16xi32>, vector<16xi32> -> vector<16xi32>
    %broadcast_in_dim3A_145 = arith.constant true
    %broadcast_in_dim3A_146 = vector.broadcast %broadcast_in_dim3A_145 : i1 to vector<16xi1>
    %masked_cumsum3A_147 = tpu.scan <sum>, %rev3A_144 masked %broadcast_in_dim3A_146 : vector<16xi32>, vector<16xi1> -> vector<16xi32>
    %rev3A_148 = arith.constant 15 : i32
    %rev3A_149 = vector.broadcast %rev3A_148 : i32 to vector<16xi32>
    %rev3A_150 = tpu.iota {dimensions = array<i32: 0>} : vector<16xi32>
    %rev3A_151 = arith.subi %rev3A_149, %rev3A_150 : vector<16xi32>
    %rev3A_152 = tpu.dynamic_gather %masked_cumsum3A_147[%rev3A_151] in [0] : vector<16xi32>, vector<16xi32> -> vector<16xi32>
    %add3A_153 = arith.addi %rev3A_152, %select_n3A : vector<16xi32>
    %ge3A_154 = arith.cmpi sge, %add3A_153, %broadcast_in_dim3A_96 : vector<16xi32>
    %convert_element_type3A_155 = arith.extui %ge3A_154 : vector<16xi1> to vector<16xi32>
    %rev3A_156 = arith.constant 15 : i32
    %rev3A_157 = vector.broadcast %rev3A_156 : i32 to vector<16xi32>
    %rev3A_158 = tpu.iota {dimensions = array<i32: 0>} : vector<16xi32>
    %rev3A_159 = arith.subi %rev3A_157, %rev3A_158 : vector<16xi32>
    %rev3A_160 = tpu.dynamic_gather %convert_element_type3A_155[%rev3A_159] in [0] : vector<16xi32>, vector<16xi32> -> vector<16xi32>
    %gt3A_161 = arith.constant 0 : i32
    %gt3A_162 = vector.broadcast %gt3A_161 : i32 to vector<16xi32>
    %gt3A_163 = arith.cmpi sgt, %rev3A_160, %gt3A_162 : vector<16xi32>
    %all_reduce_ffs3A_164 = tpu.all_reduce %gt3A_163 {dim = 0 : i64, kind = #tpu.reduction_kind<find_first_set>} : vector<16xi1> -> vector<16xi32>
    %sub3A_165 = arith.constant 15 : i32
    %sub3A_166 = vector.broadcast %sub3A_165 : i32 to vector<16xi32>
    %sub3A_167 = arith.subi %sub3A_166, %all_reduce_ffs3A_164 : vector<16xi32>
    %mul3A_168 = arith.constant 16 : i32
    %mul3A_169 = vector.broadcast %mul3A_168 : i32 to vector<16xi32>
    %mul3A_170 = arith.muli %sub3A_123, %mul3A_169 : vector<16xi32>
    %add3A_171 = arith.addi %mul3A_170, %sub3A_167 : vector<16xi32>
    %swap3A_172 = arith.constant 0 : index
    %swap3A_173 = tpu.vector_load %arg26[%swap3A_172] {strides = array<i32>} : memref<128xi32, #tpu.memory_space<vmem>>, vector<16xi32>,
    tpu.vector_store %arg26[%swap3A_172], %add3A_153 {strides = array<i32>} : memref<128xi32, #tpu.memory_space<vmem>>, vector<16xi32>,
    %gather3A_174 = tpu.vector_load_idx %arg26[%sub3A_167] : memref<128xi32, #tpu.memory_space<vmem>>[vector<16xi32>], vector<16xi32>,
    %swap3A_175 = arith.constant 0 : index
    %swap3A_176 = tpu.vector_load %arg26[%swap3A_175] {strides = array<i32>} : memref<128xi32, #tpu.memory_space<vmem>>, vector<16xi32>,
    tpu.vector_store %arg26[%swap3A_175], %gather3A_139 {strides = array<i32>} : memref<128xi32, #tpu.memory_space<vmem>>, vector<16xi32>,
    %gather3A_177 = tpu.vector_load_idx %arg26[%sub3A_167] : memref<128xi32, #tpu.memory_space<vmem>>[vector<16xi32>], vector<16xi32>,
    %slice3A = vector.extract_strided_slice %gather3A_174 {offsets = [0], sizes = [1], strides = [1]} : vector<16xi32> to vector<1xi32>
    %squeeze3A = vector.extract %slice3A[0] : i32 from vector<1xi32>
    %slice3A_178 = vector.extract_strided_slice %gather3A_177 {offsets = [0], sizes = [1], strides = [1]} : vector<16xi32> to vector<1xi32>
    %squeeze3A_179 = vector.extract %slice3A_178[0] : i32 from vector<1xi32>
    %sub3A_180 = arith.subi %squeeze3A, %squeeze3A_179 : i32
    %sub3A_181 = arith.constant 256 : i32
    %sub3A_182 = arith.subi %sub3A_181, %sub3A_180 : i32
    %slice3A_183 = vector.extract_strided_slice %add3A_171 {offsets = [0], sizes = [1], strides = [1]} : vector<16xi32> to vector<1xi32>
    %squeeze3A_184 = vector.extract %slice3A_183[0] : i32 from vector<1xi32>
    %shift_left3A = arith.constant 24 : i32
    %shift_left3A_185 = arith.shli %squeeze3A_184, %shift_left3A : i32
    %or3A = arith.constant 0 : i32
    %or3A_186 = arith.ori %or3A, %shift_left3A_185 : i32
    %shift_left3A_187 = arith.constant 255 : i32
    %shift_left3A_188 = arith.constant 24 : i32
    %shift_left3A_189 = arith.shli %shift_left3A_187, %shift_left3A_188 : i32
    %or3A_190 = arith.constant 0 : i32
    %or3A_191 = arith.ori %or3A_190, %shift_left3A_189 : i32
    %broadcast_in_dim3A_192 = arith.constant 16 : i32
    %broadcast_in_dim3A_193 = vector.broadcast %broadcast_in_dim3A_192 : i32 to vector<16xi32>
    %scan3A_194 = arith.constant 0 : i32
    %scan3A_195 = arith.constant 0 : i32
    %scan3A_196 = arith.constant 32 : i32
    %scan3A_197 = arith.addi %scan3A_195, %scan3A_196 : i32
    %scan3A_198 = arith.constant 1 : i32
    %scan3A_199 = scf.for %scan3A_827 = %scan3A_195 to %scan3A_197 step %scan3A_198 iter_args(%scan3A_828 = %scan3A_194) -> (i32)  : i32 {
      %mul3A_829 = arith.constant 8 : i32
      %mul3A_830 = arith.muli %scan3A_827, %mul3A_829 : i32
      %add3A_831 = arith.constant 0 : i32
      %add3A_832 = arith.addi %mul3A_830, %add3A_831 : i32
      %mul3A_833 = arith.constant 16 : i32
      %mul3A_834 = arith.muli %add3A_832, %mul3A_833 : i32
      %swap3A_835 = arith.index_cast %mul3A_834 : i32 to index
      %swap3A_836 = tpu.vector_load %arg11[%swap3A_835] {strides = array<i32>} : memref<4096xi32, #tpu.memory_space<vmem>>, vector<16xi32>,
      tpu.vector_store %arg11[%swap3A_835], %broadcast_in_dim3A_1 {strides = array<i32>} : memref<4096xi32, #tpu.memory_space<vmem>>, vector<16xi32>,
      %mul3A_837 = arith.constant 8 : i32
      %mul3A_838 = arith.muli %scan3A_827, %mul3A_837 : i32
      %add3A_839 = arith.constant 1 : i32
      %add3A_840 = arith.addi %mul3A_838, %add3A_839 : i32
      %mul3A_841 = arith.constant 16 : i32
      %mul3A_842 = arith.muli %add3A_840, %mul3A_841 : i32
      %swap3A_843 = arith.index_cast %mul3A_842 : i32 to index
      %swap3A_844 = tpu.vector_load %arg11[%swap3A_843] {strides = array<i32>} : memref<4096xi32, #tpu.memory_space<vmem>>, vector<16xi32>,
      tpu.vector_store %arg11[%swap3A_843], %broadcast_in_dim3A_1 {strides = array<i32>} : memref<4096xi32, #tpu.memory_space<vmem>>, vector<16xi32>,
      %mul3A_845 = arith.constant 8 : i32
      %mul3A_846 = arith.muli %scan3A_827, %mul3A_845 : i32
      %add3A_847 = arith.constant 2 : i32
      %add3A_848 = arith.addi %mul3A_846, %add3A_847 : i32
      %mul3A_849 = arith.constant 16 : i32
      %mul3A_850 = arith.muli %add3A_848, %mul3A_849 : i32
      %swap3A_851 = arith.index_cast %mul3A_850 : i32 to index
      %swap3A_852 = tpu.vector_load %arg11[%swap3A_851] {strides = array<i32>} : memref<4096xi32, #tpu.memory_space<vmem>>, vector<16xi32>,
      tpu.vector_store %arg11[%swap3A_851], %broadcast_in_dim3A_1 {strides = array<i32>} : memref<4096xi32, #tpu.memory_space<vmem>>, vector<16xi32>,
      %mul3A_853 = arith.constant 8 : i32
      %mul3A_854 = arith.muli %scan3A_827, %mul3A_853 : i32
      %add3A_855 = arith.constant 3 : i32
      %add3A_856 = arith.addi %mul3A_854, %add3A_855 : i32
      %mul3A_857 = arith.constant 16 : i32
      %mul3A_858 = arith.muli %add3A_856, %mul3A_857 : i32
      %swap3A_859 = arith.index_cast %mul3A_858 : i32 to index
      %swap3A_860 = tpu.vector_load %arg11[%swap3A_859] {strides = array<i32>} : memref<4096xi32, #tpu.memory_space<vmem>>, vector<16xi32>,
      tpu.vector_store %arg11[%swap3A_859], %broadcast_in_dim3A_1 {strides = array<i32>} : memref<4096xi32, #tpu.memory_space<vmem>>, vector<16xi32>,
      %mul3A_861 = arith.constant 8 : i32
      %mul3A_862 = arith.muli %scan3A_827, %mul3A_861 : i32
      %add3A_863 = arith.constant 4 : i32
      %add3A_864 = arith.addi %mul3A_862, %add3A_863 : i32
      %mul3A_865 = arith.constant 16 : i32
      %mul3A_866 = arith.muli %add3A_864, %mul3A_865 : i32
      %swap3A_867 = arith.index_cast %mul3A_866 : i32 to index
      %swap3A_868 = tpu.vector_load %arg11[%swap3A_867] {strides = array<i32>} : memref<4096xi32, #tpu.memory_space<vmem>>, vector<16xi32>,
      tpu.vector_store %arg11[%swap3A_867], %broadcast_in_dim3A_1 {strides = array<i32>} : memref<4096xi32, #tpu.memory_space<vmem>>, vector<16xi32>,
      %mul3A_869 = arith.constant 8 : i32
      %mul3A_870 = arith.muli %scan3A_827, %mul3A_869 : i32
      %add3A_871 = arith.constant 5 : i32
      %add3A_872 = arith.addi %mul3A_870, %add3A_871 : i32
      %mul3A_873 = arith.constant 16 : i32
      %mul3A_874 = arith.muli %add3A_872, %mul3A_873 : i32
      %swap3A_875 = arith.index_cast %mul3A_874 : i32 to index
      %swap3A_876 = tpu.vector_load %arg11[%swap3A_875] {strides = array<i32>} : memref<4096xi32, #tpu.memory_space<vmem>>, vector<16xi32>,
      tpu.vector_store %arg11[%swap3A_875], %broadcast_in_dim3A_1 {strides = array<i32>} : memref<4096xi32, #tpu.memory_space<vmem>>, vector<16xi32>,
      %mul3A_877 = arith.constant 8 : i32
      %mul3A_878 = arith.muli %scan3A_827, %mul3A_877 : i32
      %add3A_879 = arith.constant 6 : i32
      %add3A_880 = arith.addi %mul3A_878, %add3A_879 : i32
      %mul3A_881 = arith.constant 16 : i32
      %mul3A_882 = arith.muli %add3A_880, %mul3A_881 : i32
      %swap3A_883 = arith.index_cast %mul3A_882 : i32 to index
      %swap3A_884 = tpu.vector_load %arg11[%swap3A_883] {strides = array<i32>} : memref<4096xi32, #tpu.memory_space<vmem>>, vector<16xi32>,
      tpu.vector_store %arg11[%swap3A_883], %broadcast_in_dim3A_1 {strides = array<i32>} : memref<4096xi32, #tpu.memory_space<vmem>>, vector<16xi32>,
      %mul3A_885 = arith.constant 8 : i32
      %mul3A_886 = arith.muli %scan3A_827, %mul3A_885 : i32
      %add3A_887 = arith.constant 7 : i32
      %add3A_888 = arith.addi %mul3A_886, %add3A_887 : i32
      %mul3A_889 = arith.constant 16 : i32
      %mul3A_890 = arith.muli %add3A_888, %mul3A_889 : i32
      %swap3A_891 = arith.index_cast %mul3A_890 : i32 to index
      %swap3A_892 = tpu.vector_load %arg11[%swap3A_891] {strides = array<i32>} : memref<4096xi32, #tpu.memory_space<vmem>>, vector<16xi32>,
      tpu.vector_store %arg11[%swap3A_891], %broadcast_in_dim3A_1 {strides = array<i32>} : memref<4096xi32, #tpu.memory_space<vmem>>, vector<16xi32>,
      %scan3A_893 = arith.constant 0 : i32
      scf.yield %scan3A_893 : i32
    }
    %scan3A_200 = arith.constant 32 : i32
    %broadcast_in_dim3A_201 = vector.broadcast %or3A_186 : i32 to vector<16xi32>
    %broadcast_in_dim3A_202 = vector.broadcast %or3A_191 : i32 to vector<16xi32>
    %scan3A_203 = arith.constant 0 : i32
    %scan3A_204 = arith.constant 0 : i32
    %scan3A_205 = arith.constant 32 : i32
    %scan3A_206 = arith.addi %scan3A_204, %scan3A_205 : i32
    %scan3A_207 = arith.constant 1 : i32
    %scan3A_208 = scf.for %scan3A_827 = %scan3A_204 to %scan3A_206 step %scan3A_207 iter_args(%scan3A_828 = %scan3A_203) -> (i32)  : i32 {
      %mul3A_829 = arith.constant 4 : i32
      %mul3A_830 = arith.muli %scan3A_827, %mul3A_829 : i32
      %add3A_831 = arith.constant 0 : i32
      %add3A_832 = arith.addi %mul3A_830, %add3A_831 : i32
      %mul3A_833 = arith.constant 16 : i32
      %mul3A_834 = arith.muli %add3A_832, %mul3A_833 : i32
      %get3A_835 = arith.index_cast %mul3A_834 : i32 to index
      %get3A_836 = tpu.vector_load %arg10[%get3A_835] {strides = array<i32>} : memref<2048xi32, #tpu.memory_space<vmem>>, vector<16xi32>,
      %and3A = arith.andi %get3A_836, %broadcast_in_dim3A_202 : vector<16xi32>
      %eq3A_837 = arith.cmpi eq, %and3A, %broadcast_in_dim3A_201 : vector<16xi32>
      %shift_right_logical3A = arith.shrui %get3A_836, %broadcast_in_dim3A_193 : vector<16xi32>
      %and3A_838 = arith.andi %shift_right_logical3A, %broadcast_in_dim3A_5 : vector<16xi32>
      %mul3A_839 = arith.constant 256 : i32
      %mul3A_840 = vector.broadcast %mul3A_839 : i32 to vector<16xi32>
      %mul3A_841 = arith.muli %iota3A, %mul3A_840 : vector<16xi32>
      %add3A_842 = arith.addi %mul3A_841, %and3A_838 : vector<16xi32>
      tpu.vector_store_idx %arg11[%add3A_842], %broadcast_in_dim3A_3 masked %eq3A_837 {add = true} : memref<4096xi32, #tpu.memory_space<vmem>>[vector<16xi32>], vector<16xi32>, vector<16xi1>
      %mul3A_843 = arith.constant 4 : i32
      %mul3A_844 = arith.muli %scan3A_827, %mul3A_843 : i32
      %add3A_845 = arith.constant 1 : i32
      %add3A_846 = arith.addi %mul3A_844, %add3A_845 : i32
      %mul3A_847 = arith.constant 16 : i32
      %mul3A_848 = arith.muli %add3A_846, %mul3A_847 : i32
      %get3A_849 = arith.index_cast %mul3A_848 : i32 to index
      %get3A_850 = tpu.vector_load %arg10[%get3A_849] {strides = array<i32>} : memref<2048xi32, #tpu.memory_space<vmem>>, vector<16xi32>,
      %and3A_851 = arith.andi %get3A_850, %broadcast_in_dim3A_202 : vector<16xi32>
      %eq3A_852 = arith.cmpi eq, %and3A_851, %broadcast_in_dim3A_201 : vector<16xi32>
      %shift_right_logical3A_853 = arith.shrui %get3A_850, %broadcast_in_dim3A_193 : vector<16xi32>
      %and3A_854 = arith.andi %shift_right_logical3A_853, %broadcast_in_dim3A_5 : vector<16xi32>
      %mul3A_855 = arith.constant 256 : i32
      %mul3A_856 = vector.broadcast %mul3A_855 : i32 to vector<16xi32>
      %mul3A_857 = arith.muli %iota3A, %mul3A_856 : vector<16xi32>
      %add3A_858 = arith.addi %mul3A_857, %and3A_854 : vector<16xi32>
      tpu.vector_store_idx %arg11[%add3A_858], %broadcast_in_dim3A_3 masked %eq3A_852 {add = true} : memref<4096xi32, #tpu.memory_space<vmem>>[vector<16xi32>], vector<16xi32>, vector<16xi1>
      %mul3A_859 = arith.constant 4 : i32
      %mul3A_860 = arith.muli %scan3A_827, %mul3A_859 : i32
      %add3A_861 = arith.constant 2 : i32
      %add3A_862 = arith.addi %mul3A_860, %add3A_861 : i32
      %mul3A_863 = arith.constant 16 : i32
      %mul3A_864 = arith.muli %add3A_862, %mul3A_863 : i32
      %get3A_865 = arith.index_cast %mul3A_864 : i32 to index
      %get3A_866 = tpu.vector_load %arg10[%get3A_865] {strides = array<i32>} : memref<2048xi32, #tpu.memory_space<vmem>>, vector<16xi32>,
      %and3A_867 = arith.andi %get3A_866, %broadcast_in_dim3A_202 : vector<16xi32>
      %eq3A_868 = arith.cmpi eq, %and3A_867, %broadcast_in_dim3A_201 : vector<16xi32>
      %shift_right_logical3A_869 = arith.shrui %get3A_866, %broadcast_in_dim3A_193 : vector<16xi32>
      %and3A_870 = arith.andi %shift_right_logical3A_869, %broadcast_in_dim3A_5 : vector<16xi32>
      %mul3A_871 = arith.constant 256 : i32
      %mul3A_872 = vector.broadcast %mul3A_871 : i32 to vector<16xi32>
      %mul3A_873 = arith.muli %iota3A, %mul3A_872 : vector<16xi32>
      %add3A_874 = arith.addi %mul3A_873, %and3A_870 : vector<16xi32>
      tpu.vector_store_idx %arg11[%add3A_874], %broadcast_in_dim3A_3 masked %eq3A_868 {add = true} : memref<4096xi32, #tpu.memory_space<vmem>>[vector<16xi32>], vector<16xi32>, vector<16xi1>
      %mul3A_875 = arith.constant 4 : i32
      %mul3A_876 = arith.muli %scan3A_827, %mul3A_875 : i32
      %add3A_877 = arith.constant 3 : i32
      %add3A_878 = arith.addi %mul3A_876, %add3A_877 : i32
      %mul3A_879 = arith.constant 16 : i32
      %mul3A_880 = arith.muli %add3A_878, %mul3A_879 : i32
      %get3A_881 = arith.index_cast %mul3A_880 : i32 to index
      %get3A_882 = tpu.vector_load %arg10[%get3A_881] {strides = array<i32>} : memref<2048xi32, #tpu.memory_space<vmem>>, vector<16xi32>,
      %and3A_883 = arith.andi %get3A_882, %broadcast_in_dim3A_202 : vector<16xi32>
      %eq3A_884 = arith.cmpi eq, %and3A_883, %broadcast_in_dim3A_201 : vector<16xi32>
      %shift_right_logical3A_885 = arith.shrui %get3A_882, %broadcast_in_dim3A_193 : vector<16xi32>
      %and3A_886 = arith.andi %shift_right_logical3A_885, %broadcast_in_dim3A_5 : vector<16xi32>
      %mul3A_887 = arith.constant 256 : i32
      %mul3A_888 = vector.broadcast %mul3A_887 : i32 to vector<16xi32>
      %mul3A_889 = arith.muli %iota3A, %mul3A_888 : vector<16xi32>
      %add3A_890 = arith.addi %mul3A_889, %and3A_886 : vector<16xi32>
      tpu.vector_store_idx %arg11[%add3A_890], %broadcast_in_dim3A_3 masked %eq3A_884 {add = true} : memref<4096xi32, #tpu.memory_space<vmem>>[vector<16xi32>], vector<16xi32>, vector<16xi1>
      %scan3A_891 = arith.constant 0 : i32
      scf.yield %scan3A_891 : i32
    }
    %scan3A_209 = arith.constant 32 : i32
    %scan3A_210 = arith.constant 0 : i32
    %scan3A_211 = arith.constant 0 : i32
    %scan3A_212 = arith.constant 16 : i32
    %scan3A_213 = arith.addi %scan3A_211, %scan3A_212 : i32
    %scan3A_214 = arith.constant 1 : i32
    %scan3A_215 = scf.for %scan3A_827 = %scan3A_211 to %scan3A_213 step %scan3A_214 iter_args(%scan3A_828 = %scan3A_210) -> (i32)  : i32 {
      %mul3A_829 = arith.constant 16 : i32
      %mul3A_830 = arith.muli %scan3A_827, %mul3A_829 : i32
      %add3A_831 = arith.constant 0 : i32
      %add3A_832 = arith.addi %add3A_831, %mul3A_830 : i32
      %get3A_833 = arith.index_cast %add3A_832 : i32 to index
      %get3A_834 = tpu.vector_load %arg11[%get3A_833] {strides = array<i32>} : memref<4096xi32, #tpu.memory_space<vmem>>, vector<16xi32>,
      %add3A_835 = arith.addi %broadcast_in_dim3A_1, %get3A_834 : vector<16xi32>
      %mul3A_836 = arith.constant 16 : i32
      %mul3A_837 = arith.muli %scan3A_827, %mul3A_836 : i32
      %add3A_838 = arith.constant 256 : i32
      %add3A_839 = arith.addi %add3A_838, %mul3A_837 : i32
      %get3A_840 = arith.index_cast %add3A_839 : i32 to index
      %get3A_841 = tpu.vector_load %arg11[%get3A_840] {strides = array<i32>} : memref<4096xi32, #tpu.memory_space<vmem>>, vector<16xi32>,
      %add3A_842 = arith.addi %add3A_835, %get3A_841 : vector<16xi32>
      %mul3A_843 = arith.constant 16 : i32
      %mul3A_844 = arith.muli %scan3A_827, %mul3A_843 : i32
      %add3A_845 = arith.constant 512 : i32
      %add3A_846 = arith.addi %add3A_845, %mul3A_844 : i32
      %get3A_847 = arith.index_cast %add3A_846 : i32 to index
      %get3A_848 = tpu.vector_load %arg11[%get3A_847] {strides = array<i32>} : memref<4096xi32, #tpu.memory_space<vmem>>, vector<16xi32>,
      %add3A_849 = arith.addi %add3A_842, %get3A_848 : vector<16xi32>
      %mul3A_850 = arith.constant 16 : i32
      %mul3A_851 = arith.muli %scan3A_827, %mul3A_850 : i32
      %add3A_852 = arith.constant 768 : i32
      %add3A_853 = arith.addi %add3A_852, %mul3A_851 : i32
      %get3A_854 = arith.index_cast %add3A_853 : i32 to index
      %get3A_855 = tpu.vector_load %arg11[%get3A_854] {strides = array<i32>} : memref<4096xi32, #tpu.memory_space<vmem>>, vector<16xi32>,
      %add3A_856 = arith.addi %add3A_849, %get3A_855 : vector<16xi32>
      %mul3A_857 = arith.constant 16 : i32
      %mul3A_858 = arith.muli %scan3A_827, %mul3A_857 : i32
      %add3A_859 = arith.constant 1024 : i32
      %add3A_860 = arith.addi %add3A_859, %mul3A_858 : i32
      %get3A_861 = arith.index_cast %add3A_860 : i32 to index
      %get3A_862 = tpu.vector_load %arg11[%get3A_861] {strides = array<i32>} : memref<4096xi32, #tpu.memory_space<vmem>>, vector<16xi32>,
      %add3A_863 = arith.addi %add3A_856, %get3A_862 : vector<16xi32>
      %mul3A_864 = arith.constant 16 : i32
      %mul3A_865 = arith.muli %scan3A_827, %mul3A_864 : i32
      %add3A_866 = arith.constant 1280 : i32
      %add3A_867 = arith.addi %add3A_866, %mul3A_865 : i32
      %get3A_868 = arith.index_cast %add3A_867 : i32 to index
      %get3A_869 = tpu.vector_load %arg11[%get3A_868] {strides = array<i32>} : memref<4096xi32, #tpu.memory_space<vmem>>, vector<16xi32>,
      %add3A_870 = arith.addi %add3A_863, %get3A_869 : vector<16xi32>
      %mul3A_871 = arith.constant 16 : i32
      %mul3A_872 = arith.muli %scan3A_827, %mul3A_871 : i32
      %add3A_873 = arith.constant 1536 : i32
      %add3A_874 = arith.addi %add3A_873, %mul3A_872 : i32
      %get3A_875 = arith.index_cast %add3A_874 : i32 to index
      %get3A_876 = tpu.vector_load %arg11[%get3A_875] {strides = array<i32>} : memref<4096xi32, #tpu.memory_space<vmem>>, vector<16xi32>,
      %add3A_877 = arith.addi %add3A_870, %get3A_876 : vector<16xi32>
      %mul3A_878 = arith.constant 16 : i32
      %mul3A_879 = arith.muli %scan3A_827, %mul3A_878 : i32
      %add3A_880 = arith.constant 1792 : i32
      %add3A_881 = arith.addi %add3A_880, %mul3A_879 : i32
      %get3A_882 = arith.index_cast %add3A_881 : i32 to index
      %get3A_883 = tpu.vector_load %arg11[%get3A_882] {strides = array<i32>} : memref<4096xi32, #tpu.memory_space<vmem>>, vector<16xi32>,
      %add3A_884 = arith.addi %add3A_877, %get3A_883 : vector<16xi32>
      %mul3A_885 = arith.constant 16 : i32
      %mul3A_886 = arith.muli %scan3A_827, %mul3A_885 : i32
      %add3A_887 = arith.constant 2048 : i32
      %add3A_888 = arith.addi %add3A_887, %mul3A_886 : i32
      %get3A_889 = arith.index_cast %add3A_888 : i32 to index
      %get3A_890 = tpu.vector_load %arg11[%get3A_889] {strides = array<i32>} : memref<4096xi32, #tpu.memory_space<vmem>>, vector<16xi32>,
      %add3A_891 = arith.addi %add3A_884, %get3A_890 : vector<16xi32>
      %mul3A_892 = arith.constant 16 : i32
      %mul3A_893 = arith.muli %scan3A_827, %mul3A_892 : i32
      %add3A_894 = arith.constant 2304 : i32
      %add3A_895 = arith.addi %add3A_894, %mul3A_893 : i32
      %get3A_896 = arith.index_cast %add3A_895 : i32 to index
      %get3A_897 = tpu.vector_load %arg11[%get3A_896] {strides = array<i32>} : memref<4096xi32, #tpu.memory_space<vmem>>, vector<16xi32>,
      %add3A_898 = arith.addi %add3A_891, %get3A_897 : vector<16xi32>
      %mul3A_899 = arith.constant 16 : i32
      %mul3A_900 = arith.muli %scan3A_827, %mul3A_899 : i32
      %add3A_901 = arith.constant 2560 : i32
      %add3A_902 = arith.addi %add3A_901, %mul3A_900 : i32
      %get3A_903 = arith.index_cast %add3A_902 : i32 to index
      %get3A_904 = tpu.vector_load %arg11[%get3A_903] {strides = array<i32>} : memref<4096xi32, #tpu.memory_space<vmem>>, vector<16xi32>,
      %add3A_905 = arith.addi %add3A_898, %get3A_904 : vector<16xi32>
      %mul3A_906 = arith.constant 16 : i32
      %mul3A_907 = arith.muli %scan3A_827, %mul3A_906 : i32
      %add3A_908 = arith.constant 2816 : i32
      %add3A_909 = arith.addi %add3A_908, %mul3A_907 : i32
      %get3A_910 = arith.index_cast %add3A_909 : i32 to index
      %get3A_911 = tpu.vector_load %arg11[%get3A_910] {strides = array<i32>} : memref<4096xi32, #tpu.memory_space<vmem>>, vector<16xi32>,
      %add3A_912 = arith.addi %add3A_905, %get3A_911 : vector<16xi32>
      %mul3A_913 = arith.constant 16 : i32
      %mul3A_914 = arith.muli %scan3A_827, %mul3A_913 : i32
      %add3A_915 = arith.constant 3072 : i32
      %add3A_916 = arith.addi %add3A_915, %mul3A_914 : i32
      %get3A_917 = arith.index_cast %add3A_916 : i32 to index
      %get3A_918 = tpu.vector_load %arg11[%get3A_917] {strides = array<i32>} : memref<4096xi32, #tpu.memory_space<vmem>>, vector<16xi32>,
      %add3A_919 = arith.addi %add3A_912, %get3A_918 : vector<16xi32>
      %mul3A_920 = arith.constant 16 : i32
      %mul3A_921 = arith.muli %scan3A_827, %mul3A_920 : i32
      %add3A_922 = arith.constant 3328 : i32
      %add3A_923 = arith.addi %add3A_922, %mul3A_921 : i32
      %get3A_924 = arith.index_cast %add3A_923 : i32 to index
      %get3A_925 = tpu.vector_load %arg11[%get3A_924] {strides = array<i32>} : memref<4096xi32, #tpu.memory_space<vmem>>, vector<16xi32>,
      %add3A_926 = arith.addi %add3A_919, %get3A_925 : vector<16xi32>
      %mul3A_927 = arith.constant 16 : i32
      %mul3A_928 = arith.muli %scan3A_827, %mul3A_927 : i32
      %add3A_929 = arith.constant 3584 : i32
      %add3A_930 = arith.addi %add3A_929, %mul3A_928 : i32
      %get3A_931 = arith.index_cast %add3A_930 : i32 to index
      %get3A_932 = tpu.vector_load %arg11[%get3A_931] {strides = array<i32>} : memref<4096xi32, #tpu.memory_space<vmem>>, vector<16xi32>,
      %add3A_933 = arith.addi %add3A_926, %get3A_932 : vector<16xi32>
      %mul3A_934 = arith.constant 16 : i32
      %mul3A_935 = arith.muli %scan3A_827, %mul3A_934 : i32
      %add3A_936 = arith.constant 3840 : i32
      %add3A_937 = arith.addi %add3A_936, %mul3A_935 : i32
      %get3A_938 = arith.index_cast %add3A_937 : i32 to index
      %get3A_939 = tpu.vector_load %arg11[%get3A_938] {strides = array<i32>} : memref<4096xi32, #tpu.memory_space<vmem>>, vector<16xi32>,
      %add3A_940 = arith.addi %add3A_933, %get3A_939 : vector<16xi32>
      %mul3A_941 = arith.constant 16 : i32
      %mul3A_942 = arith.muli %scan3A_827, %mul3A_941 : i32
      %swap3A_943 = arith.index_cast %mul3A_942 : i32 to index
      %swap3A_944 = tpu.vector_load %arg12[%swap3A_943] {strides = array<i32>} : memref<256xi32, #tpu.memory_space<vmem>>, vector<16xi32>,
      tpu.vector_store %arg12[%swap3A_943], %add3A_940 {strides = array<i32>} : memref<256xi32, #tpu.memory_space<vmem>>, vector<16xi32>,
      %scan3A_945 = arith.constant 0 : i32
      scf.yield %scan3A_945 : i32
    }
    %scan3A_216 = arith.constant 16 : i32
    %scan3A_217 = arith.constant 0 : i32
    %scan3A_218 = arith.constant 0 : i32
    %scan3A_219 = arith.constant 16 : i32
    %scan3A_220 = arith.addi %scan3A_218, %scan3A_219 : i32
    %scan3A_221 = arith.constant 1 : i32
    %scan3A_222 = scf.for %scan3A_827 = %scan3A_218 to %scan3A_220 step %scan3A_221 iter_args(%scan3A_828 = %scan3A_217) -> (i32)  : i32 {
      %mul3A_829 = arith.constant 16 : i32
      %mul3A_830 = arith.muli %scan3A_827, %mul3A_829 : i32
      %add3A_831 = arith.constant 256 : i32
      %add3A_832 = arith.addi %add3A_831, %mul3A_830 : i32
      %add3A_833 = vector.broadcast %add3A_832 : i32 to vector<16xi32>
      %add3A_834 = arith.addi %add3A_833, %iota3A : vector<16xi32>
      %mul3A_835 = arith.constant 16 : i32
      %mul3A_836 = arith.muli %scan3A_827, %mul3A_835 : i32
      %swap3A_837 = arith.index_cast %mul3A_836 : i32 to index
      %swap3A_838 = tpu.vector_load %arg24[%swap3A_837] {strides = array<i32>} : memref<256xi32, #tpu.memory_space<vmem>>, vector<16xi32>,
      tpu.vector_store %arg24[%swap3A_837], %add3A_834 {strides = array<i32>} : memref<256xi32, #tpu.memory_space<vmem>>, vector<16xi32>,
      %scan3A_839 = arith.constant 0 : i32
      scf.yield %scan3A_839 : i32
    }
    %scan3A_223 = arith.constant 16 : i32
    "tpu.region"() ({
      %run_scoped3A = tpu.sem_alloc : memref<!tpu.dma_semaphore, #tpu.memory_space<semaphore_mem>>
      %dma_start3A = arith.constant 0 : i32
      %dma_start3A_827 = tpu.memref_slice %arg28[%dma_start3A] : memref<1024xi32, #tpu.memory_space<vmem_shared>> -> memref<1024xi32, #tpu.memory_space<vmem_shared>>
      tpu.enqueue_indirect_dma source(%arg12 : memref<256xi32, #tpu.memory_space<vmem>>) target(%dma_start3A_827 : memref<1024xi32, #tpu.memory_space<vmem_shared>>) offsets(%arg24 : memref<256xi32, #tpu.memory_space<vmem>>) semaphore(%run_scoped3A : memref<!tpu.dma_semaphore, #tpu.memory_space<semaphore_mem>>) {add = true}
      %dma_wait3A = arith.constant 0 : i32
      %dma_wait3A_828 = tpu.memref_slice %arg28[%dma_wait3A] : memref<1024xi32, #tpu.memory_space<vmem_shared>> -> memref<1024xi32, #tpu.memory_space<vmem_shared>>
      tpu.wait_indirect_dma semaphore(%run_scoped3A : memref<!tpu.dma_semaphore, #tpu.memory_space<semaphore_mem>>) src(%arg12 : memref<256xi32, #tpu.memory_space<vmem>>) dst(%dma_wait3A_828 : memref<1024xi32, #tpu.memory_space<vmem_shared>>)
      tpu.yield
    }) : () -> ()
    %barrier3A_224 = arith.constant 0 : index
    tpu.barrier barrier_id(%barrier3A_224)
    "tpu.region"() ({
      %run_scoped3A = tpu.sem_alloc : memref<!tpu.dma_semaphore, #tpu.memory_space<semaphore_mem>>
      %dma_start3A = arith.constant 256 : i32
      %dma_start3A_827 = tpu.memref_slice %arg28[%dma_start3A] : memref<1024xi32, #tpu.memory_space<vmem_shared>> -> memref<256xi32, #tpu.memory_space<vmem_shared>>
      %dma_start3A_828 = arith.constant 256 : i32
      %dma_start3A_829 = tpu.memref_slice %arg28[%dma_start3A_828] : memref<1024xi32, #tpu.memory_space<vmem_shared>> -> memref<256xi32, #tpu.memory_space<vmem_shared>>
      tpu.enqueue_dma source(%dma_start3A_829 : memref<256xi32, #tpu.memory_space<vmem_shared>>) target(%arg12 : memref<256xi32, #tpu.memory_space<vmem>>) target_semaphore(%run_scoped3A : memref<!tpu.dma_semaphore, #tpu.memory_space<semaphore_mem>>)
      %dma_wait3A = arith.constant 256 : i32
      %dma_wait3A_830 = tpu.memref_slice %arg28[%dma_wait3A] : memref<1024xi32, #tpu.memory_space<vmem_shared>> -> memref<256xi32, #tpu.memory_space<vmem_shared>>
      %dma_wait3A_831 = arith.constant 256 : i32
      %dma_wait3A_832 = tpu.memref_slice %arg28[%dma_wait3A_831] : memref<1024xi32, #tpu.memory_space<vmem_shared>> -> memref<256xi32, #tpu.memory_space<vmem_shared>>
      tpu.wait_dma2 semaphore(%run_scoped3A : memref<!tpu.dma_semaphore, #tpu.memory_space<semaphore_mem>>) src(%dma_wait3A_832 : memref<256xi32, #tpu.memory_space<vmem_shared>>) dst(%arg12 : memref<256xi32, #tpu.memory_space<vmem>>)
      tpu.yield
    }) : () -> ()
    %broadcast_in_dim3A_225 = vector.broadcast %sub3A_182 : i32 to vector<16xi32>
    %scan3A_226 = arith.constant 0 : i32
    %scan3A_227 = arith.constant 16 : i32
    %scan3A_228 = arith.addi %scan3A_226, %scan3A_227 : i32
    %scan3A_229 = arith.constant 1 : i32
    %scan3A_230 = scf.for %scan3A_827 = %scan3A_226 to %scan3A_228 step %scan3A_229 iter_args(%scan3A_828 = %broadcast_in_dim3A_1) -> (vector<16xi32>)  : i32 {
      %mul3A_829 = arith.constant 16 : i32
      %mul3A_830 = vector.broadcast %mul3A_829 : i32 to vector<16xi32>
      %mul3A_831 = arith.muli %iota3A, %mul3A_830 : vector<16xi32>
      %add3A_832 = vector.broadcast %scan3A_827 : i32 to vector<16xi32>
      %add3A_833 = arith.addi %mul3A_831, %add3A_832 : vector<16xi32>
      %gather3A_834 = tpu.vector_load_idx %arg12[%add3A_833] : memref<256xi32, #tpu.memory_space<vmem>>[vector<16xi32>], vector<16xi32>,
      %add3A_835 = arith.addi %scan3A_828, %gather3A_834 : vector<16xi32>
      scf.yield %add3A_835 : vector<16xi32>
    }
    %scan3A_231 = arith.constant 16 : i32
    %rev3A_232 = arith.constant 15 : i32
    %rev3A_233 = vector.broadcast %rev3A_232 : i32 to vector<16xi32>
    %rev3A_234 = tpu.iota {dimensions = array<i32: 0>} : vector<16xi32>
    %rev3A_235 = arith.subi %rev3A_233, %rev3A_234 : vector<16xi32>
    %rev3A_236 = tpu.dynamic_gather %scan3A_230[%rev3A_235] in [0] : vector<16xi32>, vector<16xi32> -> vector<16xi32>
    %broadcast_in_dim3A_237 = arith.constant true
    %broadcast_in_dim3A_238 = vector.broadcast %broadcast_in_dim3A_237 : i1 to vector<16xi1>
    %masked_cumsum3A_239 = tpu.scan <sum>, %rev3A_236 masked %broadcast_in_dim3A_238 : vector<16xi32>, vector<16xi1> -> vector<16xi32>
    %rev3A_240 = arith.constant 15 : i32
    %rev3A_241 = vector.broadcast %rev3A_240 : i32 to vector<16xi32>
    %rev3A_242 = tpu.iota {dimensions = array<i32: 0>} : vector<16xi32>
    %rev3A_243 = arith.subi %rev3A_241, %rev3A_242 : vector<16xi32>
    %rev3A_244 = tpu.dynamic_gather %masked_cumsum3A_239[%rev3A_243] in [0] : vector<16xi32>, vector<16xi32> -> vector<16xi32>
    %ge3A_245 = arith.cmpi sge, %rev3A_244, %broadcast_in_dim3A_225 : vector<16xi32>
    %convert_element_type3A_246 = arith.extui %ge3A_245 : vector<16xi1> to vector<16xi32>
    %rev3A_247 = arith.constant 15 : i32
    %rev3A_248 = vector.broadcast %rev3A_247 : i32 to vector<16xi32>
    %rev3A_249 = tpu.iota {dimensions = array<i32: 0>} : vector<16xi32>
    %rev3A_250 = arith.subi %rev3A_248, %rev3A_249 : vector<16xi32>
    %rev3A_251 = tpu.dynamic_gather %convert_element_type3A_246[%rev3A_250] in [0] : vector<16xi32>, vector<16xi32> -> vector<16xi32>
    %gt3A_252 = arith.constant 0 : i32
    %gt3A_253 = vector.broadcast %gt3A_252 : i32 to vector<16xi32>
    %gt3A_254 = arith.cmpi sgt, %rev3A_251, %gt3A_253 : vector<16xi32>
    %all_reduce_ffs3A_255 = tpu.all_reduce %gt3A_254 {dim = 0 : i64, kind = #tpu.reduction_kind<find_first_set>} : vector<16xi1> -> vector<16xi32>
    %sub3A_256 = arith.constant 15 : i32
    %sub3A_257 = vector.broadcast %sub3A_256 : i32 to vector<16xi32>
    %sub3A_258 = arith.subi %sub3A_257, %all_reduce_ffs3A_255 : vector<16xi32>
    %ge3A_259 = arith.constant 15 : i32
    %ge3A_260 = vector.broadcast %ge3A_259 : i32 to vector<16xi32>
    %ge3A_261 = arith.cmpi sge, %sub3A_258, %ge3A_260 : vector<16xi32>
    %add3A_262 = arith.constant 1 : i32
    %add3A_263 = vector.broadcast %add3A_262 : i32 to vector<16xi32>
    %add3A_264 = arith.addi %sub3A_258, %add3A_263 : vector<16xi32>
    %min3A_265 = arith.constant 15 : i32
    %min3A_266 = vector.broadcast %min3A_265 : i32 to vector<16xi32>
    %min3A_267 = arith.minsi %add3A_264, %min3A_266 : vector<16xi32>
    %swap3A_268 = arith.constant 0 : index
    %swap3A_269 = tpu.vector_load %arg26[%swap3A_268] {strides = array<i32>} : memref<128xi32, #tpu.memory_space<vmem>>, vector<16xi32>,
    tpu.vector_store %arg26[%swap3A_268], %rev3A_244 {strides = array<i32>} : memref<128xi32, #tpu.memory_space<vmem>>, vector<16xi32>,
    %gather3A_270 = tpu.vector_load_idx %arg26[%min3A_267] : memref<128xi32, #tpu.memory_space<vmem>>[vector<16xi32>], vector<16xi32>,
    %jit3A_271 = arith.constant 0 : i32
    %broadcast_in_dim3A_272 = vector.broadcast %jit3A_271 : i32 to vector<16xi32>
    %select_n3A_273 = arith.select %ge3A_261, %broadcast_in_dim3A_272, %gather3A_270 : vector<16xi1>, vector<16xi32>
    %mul3A_274 = arith.constant 16 : i32
    %mul3A_275 = vector.broadcast %mul3A_274 : i32 to vector<16xi32>
    %mul3A_276 = arith.muli %sub3A_258, %mul3A_275 : vector<16xi32>
    %add3A_277 = arith.addi %mul3A_276, %iota3A : vector<16xi32>
    %gather3A_278 = tpu.vector_load_idx %arg12[%add3A_277] : memref<256xi32, #tpu.memory_space<vmem>>[vector<16xi32>], vector<16xi32>,
    %rev3A_279 = arith.constant 15 : i32
    %rev3A_280 = vector.broadcast %rev3A_279 : i32 to vector<16xi32>
    %rev3A_281 = tpu.iota {dimensions = array<i32: 0>} : vector<16xi32>
    %rev3A_282 = arith.subi %rev3A_280, %rev3A_281 : vector<16xi32>
    %rev3A_283 = tpu.dynamic_gather %gather3A_278[%rev3A_282] in [0] : vector<16xi32>, vector<16xi32> -> vector<16xi32>
    %broadcast_in_dim3A_284 = arith.constant true
    %broadcast_in_dim3A_285 = vector.broadcast %broadcast_in_dim3A_284 : i1 to vector<16xi1>
    %masked_cumsum3A_286 = tpu.scan <sum>, %rev3A_283 masked %broadcast_in_dim3A_285 : vector<16xi32>, vector<16xi1> -> vector<16xi32>
    %rev3A_287 = arith.constant 15 : i32
    %rev3A_288 = vector.broadcast %rev3A_287 : i32 to vector<16xi32>
    %rev3A_289 = tpu.iota {dimensions = array<i32: 0>} : vector<16xi32>
    %rev3A_290 = arith.subi %rev3A_288, %rev3A_289 : vector<16xi32>
    %rev3A_291 = tpu.dynamic_gather %masked_cumsum3A_286[%rev3A_290] in [0] : vector<16xi32>, vector<16xi32> -> vector<16xi32>
    %add3A_292 = arith.addi %rev3A_291, %select_n3A_273 : vector<16xi32>
    %ge3A_293 = arith.cmpi sge, %add3A_292, %broadcast_in_dim3A_225 : vector<16xi32>
    %convert_element_type3A_294 = arith.extui %ge3A_293 : vector<16xi1> to vector<16xi32>
    %rev3A_295 = arith.constant 15 : i32
    %rev3A_296 = vector.broadcast %rev3A_295 : i32 to vector<16xi32>
    %rev3A_297 = tpu.iota {dimensions = array<i32: 0>} : vector<16xi32>
    %rev3A_298 = arith.subi %rev3A_296, %rev3A_297 : vector<16xi32>
    %rev3A_299 = tpu.dynamic_gather %convert_element_type3A_294[%rev3A_298] in [0] : vector<16xi32>, vector<16xi32> -> vector<16xi32>
    %gt3A_300 = arith.constant 0 : i32
    %gt3A_301 = vector.broadcast %gt3A_300 : i32 to vector<16xi32>
    %gt3A_302 = arith.cmpi sgt, %rev3A_299, %gt3A_301 : vector<16xi32>
    %all_reduce_ffs3A_303 = tpu.all_reduce %gt3A_302 {dim = 0 : i64, kind = #tpu.reduction_kind<find_first_set>} : vector<16xi1> -> vector<16xi32>
    %sub3A_304 = arith.constant 15 : i32
    %sub3A_305 = vector.broadcast %sub3A_304 : i32 to vector<16xi32>
    %sub3A_306 = arith.subi %sub3A_305, %all_reduce_ffs3A_303 : vector<16xi32>
    %mul3A_307 = arith.constant 16 : i32
    %mul3A_308 = vector.broadcast %mul3A_307 : i32 to vector<16xi32>
    %mul3A_309 = arith.muli %sub3A_258, %mul3A_308 : vector<16xi32>
    %add3A_310 = arith.addi %mul3A_309, %sub3A_306 : vector<16xi32>
    %swap3A_311 = arith.constant 0 : index
    %swap3A_312 = tpu.vector_load %arg26[%swap3A_311] {strides = array<i32>} : memref<128xi32, #tpu.memory_space<vmem>>, vector<16xi32>,
    tpu.vector_store %arg26[%swap3A_311], %add3A_292 {strides = array<i32>} : memref<128xi32, #tpu.memory_space<vmem>>, vector<16xi32>,
    %gather3A_313 = tpu.vector_load_idx %arg26[%sub3A_306] : memref<128xi32, #tpu.memory_space<vmem>>[vector<16xi32>], vector<16xi32>,
    %swap3A_314 = arith.constant 0 : index
    %swap3A_315 = tpu.vector_load %arg26[%swap3A_314] {strides = array<i32>} : memref<128xi32, #tpu.memory_space<vmem>>, vector<16xi32>,
    tpu.vector_store %arg26[%swap3A_314], %gather3A_278 {strides = array<i32>} : memref<128xi32, #tpu.memory_space<vmem>>, vector<16xi32>,
    %gather3A_316 = tpu.vector_load_idx %arg26[%sub3A_306] : memref<128xi32, #tpu.memory_space<vmem>>[vector<16xi32>], vector<16xi32>,
    %slice3A_317 = vector.extract_strided_slice %gather3A_313 {offsets = [0], sizes = [1], strides = [1]} : vector<16xi32> to vector<1xi32>
    %squeeze3A_318 = vector.extract %slice3A_317[0] : i32 from vector<1xi32>
    %slice3A_319 = vector.extract_strided_slice %gather3A_316 {offsets = [0], sizes = [1], strides = [1]} : vector<16xi32> to vector<1xi32>
    %squeeze3A_320 = vector.extract %slice3A_319[0] : i32 from vector<1xi32>
    %sub3A_321 = arith.subi %squeeze3A_318, %squeeze3A_320 : i32
    %sub3A_322 = arith.subi %sub3A_182, %sub3A_321 : i32
    %slice3A_323 = vector.extract_strided_slice %add3A_310 {offsets = [0], sizes = [1], strides = [1]} : vector<16xi32> to vector<1xi32>
    %squeeze3A_324 = vector.extract %slice3A_323[0] : i32 from vector<1xi32>
    %shift_left3A_325 = arith.constant 16 : i32
    %shift_left3A_326 = arith.shli %squeeze3A_324, %shift_left3A_325 : i32
    %or3A_327 = arith.ori %or3A_186, %shift_left3A_326 : i32
    %shift_left3A_328 = arith.constant 255 : i32
    %shift_left3A_329 = arith.constant 16 : i32
    %shift_left3A_330 = arith.shli %shift_left3A_328, %shift_left3A_329 : i32
    %or3A_331 = arith.ori %or3A_191, %shift_left3A_330 : i32
    %broadcast_in_dim3A_332 = arith.constant 8 : i32
    %broadcast_in_dim3A_333 = vector.broadcast %broadcast_in_dim3A_332 : i32 to vector<16xi32>
    %scan3A_334 = arith.constant 0 : i32
    %scan3A_335 = arith.constant 0 : i32
    %scan3A_336 = arith.constant 32 : i32
    %scan3A_337 = arith.addi %scan3A_335, %scan3A_336 : i32
    %scan3A_338 = arith.constant 1 : i32
    %scan3A_339 = scf.for %scan3A_827 = %scan3A_335 to %scan3A_337 step %scan3A_338 iter_args(%scan3A_828 = %scan3A_334) -> (i32)  : i32 {
      %mul3A_829 = arith.constant 8 : i32
      %mul3A_830 = arith.muli %scan3A_827, %mul3A_829 : i32
      %add3A_831 = arith.constant 0 : i32
      %add3A_832 = arith.addi %mul3A_830, %add3A_831 : i32
      %mul3A_833 = arith.constant 16 : i32
      %mul3A_834 = arith.muli %add3A_832, %mul3A_833 : i32
      %swap3A_835 = arith.index_cast %mul3A_834 : i32 to index
      %swap3A_836 = tpu.vector_load %arg11[%swap3A_835] {strides = array<i32>} : memref<4096xi32, #tpu.memory_space<vmem>>, vector<16xi32>,
      tpu.vector_store %arg11[%swap3A_835], %broadcast_in_dim3A_1 {strides = array<i32>} : memref<4096xi32, #tpu.memory_space<vmem>>, vector<16xi32>,
      %mul3A_837 = arith.constant 8 : i32
      %mul3A_838 = arith.muli %scan3A_827, %mul3A_837 : i32
      %add3A_839 = arith.constant 1 : i32
      %add3A_840 = arith.addi %mul3A_838, %add3A_839 : i32
      %mul3A_841 = arith.constant 16 : i32
      %mul3A_842 = arith.muli %add3A_840, %mul3A_841 : i32
      %swap3A_843 = arith.index_cast %mul3A_842 : i32 to index
      %swap3A_844 = tpu.vector_load %arg11[%swap3A_843] {strides = array<i32>} : memref<4096xi32, #tpu.memory_space<vmem>>, vector<16xi32>,
      tpu.vector_store %arg11[%swap3A_843], %broadcast_in_dim3A_1 {strides = array<i32>} : memref<4096xi32, #tpu.memory_space<vmem>>, vector<16xi32>,
      %mul3A_845 = arith.constant 8 : i32
      %mul3A_846 = arith.muli %scan3A_827, %mul3A_845 : i32
      %add3A_847 = arith.constant 2 : i32
      %add3A_848 = arith.addi %mul3A_846, %add3A_847 : i32
      %mul3A_849 = arith.constant 16 : i32
      %mul3A_850 = arith.muli %add3A_848, %mul3A_849 : i32
      %swap3A_851 = arith.index_cast %mul3A_850 : i32 to index
      %swap3A_852 = tpu.vector_load %arg11[%swap3A_851] {strides = array<i32>} : memref<4096xi32, #tpu.memory_space<vmem>>, vector<16xi32>,
      tpu.vector_store %arg11[%swap3A_851], %broadcast_in_dim3A_1 {strides = array<i32>} : memref<4096xi32, #tpu.memory_space<vmem>>, vector<16xi32>,
      %mul3A_853 = arith.constant 8 : i32
      %mul3A_854 = arith.muli %scan3A_827, %mul3A_853 : i32
      %add3A_855 = arith.constant 3 : i32
      %add3A_856 = arith.addi %mul3A_854, %add3A_855 : i32
      %mul3A_857 = arith.constant 16 : i32
      %mul3A_858 = arith.muli %add3A_856, %mul3A_857 : i32
      %swap3A_859 = arith.index_cast %mul3A_858 : i32 to index
      %swap3A_860 = tpu.vector_load %arg11[%swap3A_859] {strides = array<i32>} : memref<4096xi32, #tpu.memory_space<vmem>>, vector<16xi32>,
      tpu.vector_store %arg11[%swap3A_859], %broadcast_in_dim3A_1 {strides = array<i32>} : memref<4096xi32, #tpu.memory_space<vmem>>, vector<16xi32>,
      %mul3A_861 = arith.constant 8 : i32
      %mul3A_862 = arith.muli %scan3A_827, %mul3A_861 : i32
      %add3A_863 = arith.constant 4 : i32
      %add3A_864 = arith.addi %mul3A_862, %add3A_863 : i32
      %mul3A_865 = arith.constant 16 : i32
      %mul3A_866 = arith.muli %add3A_864, %mul3A_865 : i32
      %swap3A_867 = arith.index_cast %mul3A_866 : i32 to index
      %swap3A_868 = tpu.vector_load %arg11[%swap3A_867] {strides = array<i32>} : memref<4096xi32, #tpu.memory_space<vmem>>, vector<16xi32>,
      tpu.vector_store %arg11[%swap3A_867], %broadcast_in_dim3A_1 {strides = array<i32>} : memref<4096xi32, #tpu.memory_space<vmem>>, vector<16xi32>,
      %mul3A_869 = arith.constant 8 : i32
      %mul3A_870 = arith.muli %scan3A_827, %mul3A_869 : i32
      %add3A_871 = arith.constant 5 : i32
      %add3A_872 = arith.addi %mul3A_870, %add3A_871 : i32
      %mul3A_873 = arith.constant 16 : i32
      %mul3A_874 = arith.muli %add3A_872, %mul3A_873 : i32
      %swap3A_875 = arith.index_cast %mul3A_874 : i32 to index
      %swap3A_876 = tpu.vector_load %arg11[%swap3A_875] {strides = array<i32>} : memref<4096xi32, #tpu.memory_space<vmem>>, vector<16xi32>,
      tpu.vector_store %arg11[%swap3A_875], %broadcast_in_dim3A_1 {strides = array<i32>} : memref<4096xi32, #tpu.memory_space<vmem>>, vector<16xi32>,
      %mul3A_877 = arith.constant 8 : i32
      %mul3A_878 = arith.muli %scan3A_827, %mul3A_877 : i32
      %add3A_879 = arith.constant 6 : i32
      %add3A_880 = arith.addi %mul3A_878, %add3A_879 : i32
      %mul3A_881 = arith.constant 16 : i32
      %mul3A_882 = arith.muli %add3A_880, %mul3A_881 : i32
      %swap3A_883 = arith.index_cast %mul3A_882 : i32 to index
      %swap3A_884 = tpu.vector_load %arg11[%swap3A_883] {strides = array<i32>} : memref<4096xi32, #tpu.memory_space<vmem>>, vector<16xi32>,
      tpu.vector_store %arg11[%swap3A_883], %broadcast_in_dim3A_1 {strides = array<i32>} : memref<4096xi32, #tpu.memory_space<vmem>>, vector<16xi32>,
      %mul3A_885 = arith.constant 8 : i32
      %mul3A_886 = arith.muli %scan3A_827, %mul3A_885 : i32
      %add3A_887 = arith.constant 7 : i32
      %add3A_888 = arith.addi %mul3A_886, %add3A_887 : i32
      %mul3A_889 = arith.constant 16 : i32
      %mul3A_890 = arith.muli %add3A_888, %mul3A_889 : i32
      %swap3A_891 = arith.index_cast %mul3A_890 : i32 to index
      %swap3A_892 = tpu.vector_load %arg11[%swap3A_891] {strides = array<i32>} : memref<4096xi32, #tpu.memory_space<vmem>>, vector<16xi32>,
      tpu.vector_store %arg11[%swap3A_891], %broadcast_in_dim3A_1 {strides = array<i32>} : memref<4096xi32, #tpu.memory_space<vmem>>, vector<16xi32>,
      %scan3A_893 = arith.constant 0 : i32
      scf.yield %scan3A_893 : i32
    }
    %scan3A_340 = arith.constant 32 : i32
    %broadcast_in_dim3A_341 = vector.broadcast %or3A_327 : i32 to vector<16xi32>
    %broadcast_in_dim3A_342 = vector.broadcast %or3A_331 : i32 to vector<16xi32>
    %scan3A_343 = arith.constant 0 : i32
    %scan3A_344 = arith.constant 0 : i32
    %scan3A_345 = arith.constant 32 : i32
    %scan3A_346 = arith.addi %scan3A_344, %scan3A_345 : i32
    %scan3A_347 = arith.constant 1 : i32
    %scan3A_348 = scf.for %scan3A_827 = %scan3A_344 to %scan3A_346 step %scan3A_347 iter_args(%scan3A_828 = %scan3A_343) -> (i32)  : i32 {
      %mul3A_829 = arith.constant 4 : i32
      %mul3A_830 = arith.muli %scan3A_827, %mul3A_829 : i32
      %add3A_831 = arith.constant 0 : i32
      %add3A_832 = arith.addi %mul3A_830, %add3A_831 : i32
      %mul3A_833 = arith.constant 16 : i32
      %mul3A_834 = arith.muli %add3A_832, %mul3A_833 : i32
      %get3A_835 = arith.index_cast %mul3A_834 : i32 to index
      %get3A_836 = tpu.vector_load %arg10[%get3A_835] {strides = array<i32>} : memref<2048xi32, #tpu.memory_space<vmem>>, vector<16xi32>,
      %and3A = arith.andi %get3A_836, %broadcast_in_dim3A_342 : vector<16xi32>
      %eq3A_837 = arith.cmpi eq, %and3A, %broadcast_in_dim3A_341 : vector<16xi32>
      %shift_right_logical3A = arith.shrui %get3A_836, %broadcast_in_dim3A_333 : vector<16xi32>
      %and3A_838 = arith.andi %shift_right_logical3A, %broadcast_in_dim3A_5 : vector<16xi32>
      %mul3A_839 = arith.constant 256 : i32
      %mul3A_840 = vector.broadcast %mul3A_839 : i32 to vector<16xi32>
      %mul3A_841 = arith.muli %iota3A, %mul3A_840 : vector<16xi32>
      %add3A_842 = arith.addi %mul3A_841, %and3A_838 : vector<16xi32>
      tpu.vector_store_idx %arg11[%add3A_842], %broadcast_in_dim3A_3 masked %eq3A_837 {add = true} : memref<4096xi32, #tpu.memory_space<vmem>>[vector<16xi32>], vector<16xi32>, vector<16xi1>
      %mul3A_843 = arith.constant 4 : i32
      %mul3A_844 = arith.muli %scan3A_827, %mul3A_843 : i32
      %add3A_845 = arith.constant 1 : i32
      %add3A_846 = arith.addi %mul3A_844, %add3A_845 : i32
      %mul3A_847 = arith.constant 16 : i32
      %mul3A_848 = arith.muli %add3A_846, %mul3A_847 : i32
      %get3A_849 = arith.index_cast %mul3A_848 : i32 to index
      %get3A_850 = tpu.vector_load %arg10[%get3A_849] {strides = array<i32>} : memref<2048xi32, #tpu.memory_space<vmem>>, vector<16xi32>,
      %and3A_851 = arith.andi %get3A_850, %broadcast_in_dim3A_342 : vector<16xi32>
      %eq3A_852 = arith.cmpi eq, %and3A_851, %broadcast_in_dim3A_341 : vector<16xi32>
      %shift_right_logical3A_853 = arith.shrui %get3A_850, %broadcast_in_dim3A_333 : vector<16xi32>
      %and3A_854 = arith.andi %shift_right_logical3A_853, %broadcast_in_dim3A_5 : vector<16xi32>
      %mul3A_855 = arith.constant 256 : i32
      %mul3A_856 = vector.broadcast %mul3A_855 : i32 to vector<16xi32>
      %mul3A_857 = arith.muli %iota3A, %mul3A_856 : vector<16xi32>
      %add3A_858 = arith.addi %mul3A_857, %and3A_854 : vector<16xi32>
      tpu.vector_store_idx %arg11[%add3A_858], %broadcast_in_dim3A_3 masked %eq3A_852 {add = true} : memref<4096xi32, #tpu.memory_space<vmem>>[vector<16xi32>], vector<16xi32>, vector<16xi1>
      %mul3A_859 = arith.constant 4 : i32
      %mul3A_860 = arith.muli %scan3A_827, %mul3A_859 : i32
      %add3A_861 = arith.constant 2 : i32
      %add3A_862 = arith.addi %mul3A_860, %add3A_861 : i32
      %mul3A_863 = arith.constant 16 : i32
      %mul3A_864 = arith.muli %add3A_862, %mul3A_863 : i32
      %get3A_865 = arith.index_cast %mul3A_864 : i32 to index
      %get3A_866 = tpu.vector_load %arg10[%get3A_865] {strides = array<i32>} : memref<2048xi32, #tpu.memory_space<vmem>>, vector<16xi32>,
      %and3A_867 = arith.andi %get3A_866, %broadcast_in_dim3A_342 : vector<16xi32>
      %eq3A_868 = arith.cmpi eq, %and3A_867, %broadcast_in_dim3A_341 : vector<16xi32>
      %shift_right_logical3A_869 = arith.shrui %get3A_866, %broadcast_in_dim3A_333 : vector<16xi32>
      %and3A_870 = arith.andi %shift_right_logical3A_869, %broadcast_in_dim3A_5 : vector<16xi32>
      %mul3A_871 = arith.constant 256 : i32
      %mul3A_872 = vector.broadcast %mul3A_871 : i32 to vector<16xi32>
      %mul3A_873 = arith.muli %iota3A, %mul3A_872 : vector<16xi32>
      %add3A_874 = arith.addi %mul3A_873, %and3A_870 : vector<16xi32>
      tpu.vector_store_idx %arg11[%add3A_874], %broadcast_in_dim3A_3 masked %eq3A_868 {add = true} : memref<4096xi32, #tpu.memory_space<vmem>>[vector<16xi32>], vector<16xi32>, vector<16xi1>
      %mul3A_875 = arith.constant 4 : i32
      %mul3A_876 = arith.muli %scan3A_827, %mul3A_875 : i32
      %add3A_877 = arith.constant 3 : i32
      %add3A_878 = arith.addi %mul3A_876, %add3A_877 : i32
      %mul3A_879 = arith.constant 16 : i32
      %mul3A_880 = arith.muli %add3A_878, %mul3A_879 : i32
      %get3A_881 = arith.index_cast %mul3A_880 : i32 to index
      %get3A_882 = tpu.vector_load %arg10[%get3A_881] {strides = array<i32>} : memref<2048xi32, #tpu.memory_space<vmem>>, vector<16xi32>,
      %and3A_883 = arith.andi %get3A_882, %broadcast_in_dim3A_342 : vector<16xi32>
      %eq3A_884 = arith.cmpi eq, %and3A_883, %broadcast_in_dim3A_341 : vector<16xi32>
      %shift_right_logical3A_885 = arith.shrui %get3A_882, %broadcast_in_dim3A_333 : vector<16xi32>
      %and3A_886 = arith.andi %shift_right_logical3A_885, %broadcast_in_dim3A_5 : vector<16xi32>
      %mul3A_887 = arith.constant 256 : i32
      %mul3A_888 = vector.broadcast %mul3A_887 : i32 to vector<16xi32>
      %mul3A_889 = arith.muli %iota3A, %mul3A_888 : vector<16xi32>
      %add3A_890 = arith.addi %mul3A_889, %and3A_886 : vector<16xi32>
      tpu.vector_store_idx %arg11[%add3A_890], %broadcast_in_dim3A_3 masked %eq3A_884 {add = true} : memref<4096xi32, #tpu.memory_space<vmem>>[vector<16xi32>], vector<16xi32>, vector<16xi1>
      %scan3A_891 = arith.constant 0 : i32
      scf.yield %scan3A_891 : i32
    }
    %scan3A_349 = arith.constant 32 : i32
    %scan3A_350 = arith.constant 0 : i32
    %scan3A_351 = arith.constant 0 : i32
    %scan3A_352 = arith.constant 16 : i32
    %scan3A_353 = arith.addi %scan3A_351, %scan3A_352 : i32
    %scan3A_354 = arith.constant 1 : i32
    %scan3A_355 = scf.for %scan3A_827 = %scan3A_351 to %scan3A_353 step %scan3A_354 iter_args(%scan3A_828 = %scan3A_350) -> (i32)  : i32 {
      %mul3A_829 = arith.constant 16 : i32
      %mul3A_830 = arith.muli %scan3A_827, %mul3A_829 : i32
      %add3A_831 = arith.constant 0 : i32
      %add3A_832 = arith.addi %add3A_831, %mul3A_830 : i32
      %get3A_833 = arith.index_cast %add3A_832 : i32 to index
      %get3A_834 = tpu.vector_load %arg11[%get3A_833] {strides = array<i32>} : memref<4096xi32, #tpu.memory_space<vmem>>, vector<16xi32>,
      %add3A_835 = arith.addi %broadcast_in_dim3A_1, %get3A_834 : vector<16xi32>
      %mul3A_836 = arith.constant 16 : i32
      %mul3A_837 = arith.muli %scan3A_827, %mul3A_836 : i32
      %add3A_838 = arith.constant 256 : i32
      %add3A_839 = arith.addi %add3A_838, %mul3A_837 : i32
      %get3A_840 = arith.index_cast %add3A_839 : i32 to index
      %get3A_841 = tpu.vector_load %arg11[%get3A_840] {strides = array<i32>} : memref<4096xi32, #tpu.memory_space<vmem>>, vector<16xi32>,
      %add3A_842 = arith.addi %add3A_835, %get3A_841 : vector<16xi32>
      %mul3A_843 = arith.constant 16 : i32
      %mul3A_844 = arith.muli %scan3A_827, %mul3A_843 : i32
      %add3A_845 = arith.constant 512 : i32
      %add3A_846 = arith.addi %add3A_845, %mul3A_844 : i32
      %get3A_847 = arith.index_cast %add3A_846 : i32 to index
      %get3A_848 = tpu.vector_load %arg11[%get3A_847] {strides = array<i32>} : memref<4096xi32, #tpu.memory_space<vmem>>, vector<16xi32>,
      %add3A_849 = arith.addi %add3A_842, %get3A_848 : vector<16xi32>
      %mul3A_850 = arith.constant 16 : i32
      %mul3A_851 = arith.muli %scan3A_827, %mul3A_850 : i32
      %add3A_852 = arith.constant 768 : i32
      %add3A_853 = arith.addi %add3A_852, %mul3A_851 : i32
      %get3A_854 = arith.index_cast %add3A_853 : i32 to index
      %get3A_855 = tpu.vector_load %arg11[%get3A_854] {strides = array<i32>} : memref<4096xi32, #tpu.memory_space<vmem>>, vector<16xi32>,
      %add3A_856 = arith.addi %add3A_849, %get3A_855 : vector<16xi32>
      %mul3A_857 = arith.constant 16 : i32
      %mul3A_858 = arith.muli %scan3A_827, %mul3A_857 : i32
      %add3A_859 = arith.constant 1024 : i32
      %add3A_860 = arith.addi %add3A_859, %mul3A_858 : i32
      %get3A_861 = arith.index_cast %add3A_860 : i32 to index
      %get3A_862 = tpu.vector_load %arg11[%get3A_861] {strides = array<i32>} : memref<4096xi32, #tpu.memory_space<vmem>>, vector<16xi32>,
      %add3A_863 = arith.addi %add3A_856, %get3A_862 : vector<16xi32>
      %mul3A_864 = arith.constant 16 : i32
      %mul3A_865 = arith.muli %scan3A_827, %mul3A_864 : i32
      %add3A_866 = arith.constant 1280 : i32
      %add3A_867 = arith.addi %add3A_866, %mul3A_865 : i32
      %get3A_868 = arith.index_cast %add3A_867 : i32 to index
      %get3A_869 = tpu.vector_load %arg11[%get3A_868] {strides = array<i32>} : memref<4096xi32, #tpu.memory_space<vmem>>, vector<16xi32>,
      %add3A_870 = arith.addi %add3A_863, %get3A_869 : vector<16xi32>
      %mul3A_871 = arith.constant 16 : i32
      %mul3A_872 = arith.muli %scan3A_827, %mul3A_871 : i32
      %add3A_873 = arith.constant 1536 : i32
      %add3A_874 = arith.addi %add3A_873, %mul3A_872 : i32
      %get3A_875 = arith.index_cast %add3A_874 : i32 to index
      %get3A_876 = tpu.vector_load %arg11[%get3A_875] {strides = array<i32>} : memref<4096xi32, #tpu.memory_space<vmem>>, vector<16xi32>,
      %add3A_877 = arith.addi %add3A_870, %get3A_876 : vector<16xi32>
      %mul3A_878 = arith.constant 16 : i32
      %mul3A_879 = arith.muli %scan3A_827, %mul3A_878 : i32
      %add3A_880 = arith.constant 1792 : i32
      %add3A_881 = arith.addi %add3A_880, %mul3A_879 : i32
      %get3A_882 = arith.index_cast %add3A_881 : i32 to index
      %get3A_883 = tpu.vector_load %arg11[%get3A_882] {strides = array<i32>} : memref<4096xi32, #tpu.memory_space<vmem>>, vector<16xi32>,
      %add3A_884 = arith.addi %add3A_877, %get3A_883 : vector<16xi32>
      %mul3A_885 = arith.constant 16 : i32
      %mul3A_886 = arith.muli %scan3A_827, %mul3A_885 : i32
      %add3A_887 = arith.constant 2048 : i32
      %add3A_888 = arith.addi %add3A_887, %mul3A_886 : i32
      %get3A_889 = arith.index_cast %add3A_888 : i32 to index
      %get3A_890 = tpu.vector_load %arg11[%get3A_889] {strides = array<i32>} : memref<4096xi32, #tpu.memory_space<vmem>>, vector<16xi32>,
      %add3A_891 = arith.addi %add3A_884, %get3A_890 : vector<16xi32>
      %mul3A_892 = arith.constant 16 : i32
      %mul3A_893 = arith.muli %scan3A_827, %mul3A_892 : i32
      %add3A_894 = arith.constant 2304 : i32
      %add3A_895 = arith.addi %add3A_894, %mul3A_893 : i32
      %get3A_896 = arith.index_cast %add3A_895 : i32 to index
      %get3A_897 = tpu.vector_load %arg11[%get3A_896] {strides = array<i32>} : memref<4096xi32, #tpu.memory_space<vmem>>, vector<16xi32>,
      %add3A_898 = arith.addi %add3A_891, %get3A_897 : vector<16xi32>
      %mul3A_899 = arith.constant 16 : i32
      %mul3A_900 = arith.muli %scan3A_827, %mul3A_899 : i32
      %add3A_901 = arith.constant 2560 : i32
      %add3A_902 = arith.addi %add3A_901, %mul3A_900 : i32
      %get3A_903 = arith.index_cast %add3A_902 : i32 to index
      %get3A_904 = tpu.vector_load %arg11[%get3A_903] {strides = array<i32>} : memref<4096xi32, #tpu.memory_space<vmem>>, vector<16xi32>,
      %add3A_905 = arith.addi %add3A_898, %get3A_904 : vector<16xi32>
      %mul3A_906 = arith.constant 16 : i32
      %mul3A_907 = arith.muli %scan3A_827, %mul3A_906 : i32
      %add3A_908 = arith.constant 2816 : i32
      %add3A_909 = arith.addi %add3A_908, %mul3A_907 : i32
      %get3A_910 = arith.index_cast %add3A_909 : i32 to index
      %get3A_911 = tpu.vector_load %arg11[%get3A_910] {strides = array<i32>} : memref<4096xi32, #tpu.memory_space<vmem>>, vector<16xi32>,
      %add3A_912 = arith.addi %add3A_905, %get3A_911 : vector<16xi32>
      %mul3A_913 = arith.constant 16 : i32
      %mul3A_914 = arith.muli %scan3A_827, %mul3A_913 : i32
      %add3A_915 = arith.constant 3072 : i32
      %add3A_916 = arith.addi %add3A_915, %mul3A_914 : i32
      %get3A_917 = arith.index_cast %add3A_916 : i32 to index
      %get3A_918 = tpu.vector_load %arg11[%get3A_917] {strides = array<i32>} : memref<4096xi32, #tpu.memory_space<vmem>>, vector<16xi32>,
      %add3A_919 = arith.addi %add3A_912, %get3A_918 : vector<16xi32>
      %mul3A_920 = arith.constant 16 : i32
      %mul3A_921 = arith.muli %scan3A_827, %mul3A_920 : i32
      %add3A_922 = arith.constant 3328 : i32
      %add3A_923 = arith.addi %add3A_922, %mul3A_921 : i32
      %get3A_924 = arith.index_cast %add3A_923 : i32 to index
      %get3A_925 = tpu.vector_load %arg11[%get3A_924] {strides = array<i32>} : memref<4096xi32, #tpu.memory_space<vmem>>, vector<16xi32>,
      %add3A_926 = arith.addi %add3A_919, %get3A_925 : vector<16xi32>
      %mul3A_927 = arith.constant 16 : i32
      %mul3A_928 = arith.muli %scan3A_827, %mul3A_927 : i32
      %add3A_929 = arith.constant 3584 : i32
      %add3A_930 = arith.addi %add3A_929, %mul3A_928 : i32
      %get3A_931 = arith.index_cast %add3A_930 : i32 to index
      %get3A_932 = tpu.vector_load %arg11[%get3A_931] {strides = array<i32>} : memref<4096xi32, #tpu.memory_space<vmem>>, vector<16xi32>,
      %add3A_933 = arith.addi %add3A_926, %get3A_932 : vector<16xi32>
      %mul3A_934 = arith.constant 16 : i32
      %mul3A_935 = arith.muli %scan3A_827, %mul3A_934 : i32
      %add3A_936 = arith.constant 3840 : i32
      %add3A_937 = arith.addi %add3A_936, %mul3A_935 : i32
      %get3A_938 = arith.index_cast %add3A_937 : i32 to index
      %get3A_939 = tpu.vector_load %arg11[%get3A_938] {strides = array<i32>} : memref<4096xi32, #tpu.memory_space<vmem>>, vector<16xi32>,
      %add3A_940 = arith.addi %add3A_933, %get3A_939 : vector<16xi32>
      %mul3A_941 = arith.constant 16 : i32
      %mul3A_942 = arith.muli %scan3A_827, %mul3A_941 : i32
      %swap3A_943 = arith.index_cast %mul3A_942 : i32 to index
      %swap3A_944 = tpu.vector_load %arg12[%swap3A_943] {strides = array<i32>} : memref<256xi32, #tpu.memory_space<vmem>>, vector<16xi32>,
      tpu.vector_store %arg12[%swap3A_943], %add3A_940 {strides = array<i32>} : memref<256xi32, #tpu.memory_space<vmem>>, vector<16xi32>,
      %scan3A_945 = arith.constant 0 : i32
      scf.yield %scan3A_945 : i32
    }
    %scan3A_356 = arith.constant 16 : i32
    %scan3A_357 = arith.constant 0 : i32
    %scan3A_358 = arith.constant 0 : i32
    %scan3A_359 = arith.constant 16 : i32
    %scan3A_360 = arith.addi %scan3A_358, %scan3A_359 : i32
    %scan3A_361 = arith.constant 1 : i32
    %scan3A_362 = scf.for %scan3A_827 = %scan3A_358 to %scan3A_360 step %scan3A_361 iter_args(%scan3A_828 = %scan3A_357) -> (i32)  : i32 {
      %mul3A_829 = arith.constant 16 : i32
      %mul3A_830 = arith.muli %scan3A_827, %mul3A_829 : i32
      %add3A_831 = arith.constant 512 : i32
      %add3A_832 = arith.addi %add3A_831, %mul3A_830 : i32
      %add3A_833 = vector.broadcast %add3A_832 : i32 to vector<16xi32>
      %add3A_834 = arith.addi %add3A_833, %iota3A : vector<16xi32>
      %mul3A_835 = arith.constant 16 : i32
      %mul3A_836 = arith.muli %scan3A_827, %mul3A_835 : i32
      %swap3A_837 = arith.index_cast %mul3A_836 : i32 to index
      %swap3A_838 = tpu.vector_load %arg24[%swap3A_837] {strides = array<i32>} : memref<256xi32, #tpu.memory_space<vmem>>, vector<16xi32>,
      tpu.vector_store %arg24[%swap3A_837], %add3A_834 {strides = array<i32>} : memref<256xi32, #tpu.memory_space<vmem>>, vector<16xi32>,
      %scan3A_839 = arith.constant 0 : i32
      scf.yield %scan3A_839 : i32
    }
    %scan3A_363 = arith.constant 16 : i32
    "tpu.region"() ({
      %run_scoped3A = tpu.sem_alloc : memref<!tpu.dma_semaphore, #tpu.memory_space<semaphore_mem>>
      %dma_start3A = arith.constant 0 : i32
      %dma_start3A_827 = tpu.memref_slice %arg28[%dma_start3A] : memref<1024xi32, #tpu.memory_space<vmem_shared>> -> memref<1024xi32, #tpu.memory_space<vmem_shared>>
      tpu.enqueue_indirect_dma source(%arg12 : memref<256xi32, #tpu.memory_space<vmem>>) target(%dma_start3A_827 : memref<1024xi32, #tpu.memory_space<vmem_shared>>) offsets(%arg24 : memref<256xi32, #tpu.memory_space<vmem>>) semaphore(%run_scoped3A : memref<!tpu.dma_semaphore, #tpu.memory_space<semaphore_mem>>) {add = true}
      %dma_wait3A = arith.constant 0 : i32
      %dma_wait3A_828 = tpu.memref_slice %arg28[%dma_wait3A] : memref<1024xi32, #tpu.memory_space<vmem_shared>> -> memref<1024xi32, #tpu.memory_space<vmem_shared>>
      tpu.wait_indirect_dma semaphore(%run_scoped3A : memref<!tpu.dma_semaphore, #tpu.memory_space<semaphore_mem>>) src(%arg12 : memref<256xi32, #tpu.memory_space<vmem>>) dst(%dma_wait3A_828 : memref<1024xi32, #tpu.memory_space<vmem_shared>>)
      tpu.yield
    }) : () -> ()
    %barrier3A_364 = arith.constant 0 : index
    tpu.barrier barrier_id(%barrier3A_364)
    "tpu.region"() ({
      %run_scoped3A = tpu.sem_alloc : memref<!tpu.dma_semaphore, #tpu.memory_space<semaphore_mem>>
      %dma_start3A = arith.constant 512 : i32
      %dma_start3A_827 = tpu.memref_slice %arg28[%dma_start3A] : memref<1024xi32, #tpu.memory_space<vmem_shared>> -> memref<256xi32, #tpu.memory_space<vmem_shared>>
      %dma_start3A_828 = arith.constant 512 : i32
      %dma_start3A_829 = tpu.memref_slice %arg28[%dma_start3A_828] : memref<1024xi32, #tpu.memory_space<vmem_shared>> -> memref<256xi32, #tpu.memory_space<vmem_shared>>
      tpu.enqueue_dma source(%dma_start3A_829 : memref<256xi32, #tpu.memory_space<vmem_shared>>) target(%arg12 : memref<256xi32, #tpu.memory_space<vmem>>) target_semaphore(%run_scoped3A : memref<!tpu.dma_semaphore, #tpu.memory_space<semaphore_mem>>)
      %dma_wait3A = arith.constant 512 : i32
      %dma_wait3A_830 = tpu.memref_slice %arg28[%dma_wait3A] : memref<1024xi32, #tpu.memory_space<vmem_shared>> -> memref<256xi32, #tpu.memory_space<vmem_shared>>
      %dma_wait3A_831 = arith.constant 512 : i32
      %dma_wait3A_832 = tpu.memref_slice %arg28[%dma_wait3A_831] : memref<1024xi32, #tpu.memory_space<vmem_shared>> -> memref<256xi32, #tpu.memory_space<vmem_shared>>
      tpu.wait_dma2 semaphore(%run_scoped3A : memref<!tpu.dma_semaphore, #tpu.memory_space<semaphore_mem>>) src(%dma_wait3A_832 : memref<256xi32, #tpu.memory_space<vmem_shared>>) dst(%arg12 : memref<256xi32, #tpu.memory_space<vmem>>)
      tpu.yield
    }) : () -> ()
    %broadcast_in_dim3A_365 = vector.broadcast %sub3A_322 : i32 to vector<16xi32>
    %scan3A_366 = arith.constant 0 : i32
    %scan3A_367 = arith.constant 16 : i32
    %scan3A_368 = arith.addi %scan3A_366, %scan3A_367 : i32
    %scan3A_369 = arith.constant 1 : i32
    %scan3A_370 = scf.for %scan3A_827 = %scan3A_366 to %scan3A_368 step %scan3A_369 iter_args(%scan3A_828 = %broadcast_in_dim3A_1) -> (vector<16xi32>)  : i32 {
      %mul3A_829 = arith.constant 16 : i32
      %mul3A_830 = vector.broadcast %mul3A_829 : i32 to vector<16xi32>
      %mul3A_831 = arith.muli %iota3A, %mul3A_830 : vector<16xi32>
      %add3A_832 = vector.broadcast %scan3A_827 : i32 to vector<16xi32>
      %add3A_833 = arith.addi %mul3A_831, %add3A_832 : vector<16xi32>
      %gather3A_834 = tpu.vector_load_idx %arg12[%add3A_833] : memref<256xi32, #tpu.memory_space<vmem>>[vector<16xi32>], vector<16xi32>,
      %add3A_835 = arith.addi %scan3A_828, %gather3A_834 : vector<16xi32>
      scf.yield %add3A_835 : vector<16xi32>
    }
    %scan3A_371 = arith.constant 16 : i32
    %rev3A_372 = arith.constant 15 : i32
    %rev3A_373 = vector.broadcast %rev3A_372 : i32 to vector<16xi32>
    %rev3A_374 = tpu.iota {dimensions = array<i32: 0>} : vector<16xi32>
    %rev3A_375 = arith.subi %rev3A_373, %rev3A_374 : vector<16xi32>
    %rev3A_376 = tpu.dynamic_gather %scan3A_370[%rev3A_375] in [0] : vector<16xi32>, vector<16xi32> -> vector<16xi32>
    %broadcast_in_dim3A_377 = arith.constant true
    %broadcast_in_dim3A_378 = vector.broadcast %broadcast_in_dim3A_377 : i1 to vector<16xi1>
    %masked_cumsum3A_379 = tpu.scan <sum>, %rev3A_376 masked %broadcast_in_dim3A_378 : vector<16xi32>, vector<16xi1> -> vector<16xi32>
    %rev3A_380 = arith.constant 15 : i32
    %rev3A_381 = vector.broadcast %rev3A_380 : i32 to vector<16xi32>
    %rev3A_382 = tpu.iota {dimensions = array<i32: 0>} : vector<16xi32>
    %rev3A_383 = arith.subi %rev3A_381, %rev3A_382 : vector<16xi32>
    %rev3A_384 = tpu.dynamic_gather %masked_cumsum3A_379[%rev3A_383] in [0] : vector<16xi32>, vector<16xi32> -> vector<16xi32>
    %ge3A_385 = arith.cmpi sge, %rev3A_384, %broadcast_in_dim3A_365 : vector<16xi32>
    %convert_element_type3A_386 = arith.extui %ge3A_385 : vector<16xi1> to vector<16xi32>
    %rev3A_387 = arith.constant 15 : i32
    %rev3A_388 = vector.broadcast %rev3A_387 : i32 to vector<16xi32>
    %rev3A_389 = tpu.iota {dimensions = array<i32: 0>} : vector<16xi32>
    %rev3A_390 = arith.subi %rev3A_388, %rev3A_389 : vector<16xi32>
    %rev3A_391 = tpu.dynamic_gather %convert_element_type3A_386[%rev3A_390] in [0] : vector<16xi32>, vector<16xi32> -> vector<16xi32>
    %gt3A_392 = arith.constant 0 : i32
    %gt3A_393 = vector.broadcast %gt3A_392 : i32 to vector<16xi32>
    %gt3A_394 = arith.cmpi sgt, %rev3A_391, %gt3A_393 : vector<16xi32>
    %all_reduce_ffs3A_395 = tpu.all_reduce %gt3A_394 {dim = 0 : i64, kind = #tpu.reduction_kind<find_first_set>} : vector<16xi1> -> vector<16xi32>
    %sub3A_396 = arith.constant 15 : i32
    %sub3A_397 = vector.broadcast %sub3A_396 : i32 to vector<16xi32>
    %sub3A_398 = arith.subi %sub3A_397, %all_reduce_ffs3A_395 : vector<16xi32>
    %ge3A_399 = arith.constant 15 : i32
    %ge3A_400 = vector.broadcast %ge3A_399 : i32 to vector<16xi32>
    %ge3A_401 = arith.cmpi sge, %sub3A_398, %ge3A_400 : vector<16xi32>
    %add3A_402 = arith.constant 1 : i32
    %add3A_403 = vector.broadcast %add3A_402 : i32 to vector<16xi32>
    %add3A_404 = arith.addi %sub3A_398, %add3A_403 : vector<16xi32>
    %min3A_405 = arith.constant 15 : i32
    %min3A_406 = vector.broadcast %min3A_405 : i32 to vector<16xi32>
    %min3A_407 = arith.minsi %add3A_404, %min3A_406 : vector<16xi32>
    %swap3A_408 = arith.constant 0 : index
    %swap3A_409 = tpu.vector_load %arg26[%swap3A_408] {strides = array<i32>} : memref<128xi32, #tpu.memory_space<vmem>>, vector<16xi32>,
    tpu.vector_store %arg26[%swap3A_408], %rev3A_384 {strides = array<i32>} : memref<128xi32, #tpu.memory_space<vmem>>, vector<16xi32>,
    %gather3A_410 = tpu.vector_load_idx %arg26[%min3A_407] : memref<128xi32, #tpu.memory_space<vmem>>[vector<16xi32>], vector<16xi32>,
    %jit3A_411 = arith.constant 0 : i32
    %broadcast_in_dim3A_412 = vector.broadcast %jit3A_411 : i32 to vector<16xi32>
    %select_n3A_413 = arith.select %ge3A_401, %broadcast_in_dim3A_412, %gather3A_410 : vector<16xi1>, vector<16xi32>
    %mul3A_414 = arith.constant 16 : i32
    %mul3A_415 = vector.broadcast %mul3A_414 : i32 to vector<16xi32>
    %mul3A_416 = arith.muli %sub3A_398, %mul3A_415 : vector<16xi32>
    %add3A_417 = arith.addi %mul3A_416, %iota3A : vector<16xi32>
    %gather3A_418 = tpu.vector_load_idx %arg12[%add3A_417] : memref<256xi32, #tpu.memory_space<vmem>>[vector<16xi32>], vector<16xi32>,
    %rev3A_419 = arith.constant 15 : i32
    %rev3A_420 = vector.broadcast %rev3A_419 : i32 to vector<16xi32>
    %rev3A_421 = tpu.iota {dimensions = array<i32: 0>} : vector<16xi32>
    %rev3A_422 = arith.subi %rev3A_420, %rev3A_421 : vector<16xi32>
    %rev3A_423 = tpu.dynamic_gather %gather3A_418[%rev3A_422] in [0] : vector<16xi32>, vector<16xi32> -> vector<16xi32>
    %broadcast_in_dim3A_424 = arith.constant true
    %broadcast_in_dim3A_425 = vector.broadcast %broadcast_in_dim3A_424 : i1 to vector<16xi1>
    %masked_cumsum3A_426 = tpu.scan <sum>, %rev3A_423 masked %broadcast_in_dim3A_425 : vector<16xi32>, vector<16xi1> -> vector<16xi32>
    %rev3A_427 = arith.constant 15 : i32
    %rev3A_428 = vector.broadcast %rev3A_427 : i32 to vector<16xi32>
    %rev3A_429 = tpu.iota {dimensions = array<i32: 0>} : vector<16xi32>
    %rev3A_430 = arith.subi %rev3A_428, %rev3A_429 : vector<16xi32>
    %rev3A_431 = tpu.dynamic_gather %masked_cumsum3A_426[%rev3A_430] in [0] : vector<16xi32>, vector<16xi32> -> vector<16xi32>
    %add3A_432 = arith.addi %rev3A_431, %select_n3A_413 : vector<16xi32>
    %ge3A_433 = arith.cmpi sge, %add3A_432, %broadcast_in_dim3A_365 : vector<16xi32>
    %convert_element_type3A_434 = arith.extui %ge3A_433 : vector<16xi1> to vector<16xi32>
    %rev3A_435 = arith.constant 15 : i32
    %rev3A_436 = vector.broadcast %rev3A_435 : i32 to vector<16xi32>
    %rev3A_437 = tpu.iota {dimensions = array<i32: 0>} : vector<16xi32>
    %rev3A_438 = arith.subi %rev3A_436, %rev3A_437 : vector<16xi32>
    %rev3A_439 = tpu.dynamic_gather %convert_element_type3A_434[%rev3A_438] in [0] : vector<16xi32>, vector<16xi32> -> vector<16xi32>
    %gt3A_440 = arith.constant 0 : i32
    %gt3A_441 = vector.broadcast %gt3A_440 : i32 to vector<16xi32>
    %gt3A_442 = arith.cmpi sgt, %rev3A_439, %gt3A_441 : vector<16xi32>
    %all_reduce_ffs3A_443 = tpu.all_reduce %gt3A_442 {dim = 0 : i64, kind = #tpu.reduction_kind<find_first_set>} : vector<16xi1> -> vector<16xi32>
    %sub3A_444 = arith.constant 15 : i32
    %sub3A_445 = vector.broadcast %sub3A_444 : i32 to vector<16xi32>
    %sub3A_446 = arith.subi %sub3A_445, %all_reduce_ffs3A_443 : vector<16xi32>
    %mul3A_447 = arith.constant 16 : i32
    %mul3A_448 = vector.broadcast %mul3A_447 : i32 to vector<16xi32>
    %mul3A_449 = arith.muli %sub3A_398, %mul3A_448 : vector<16xi32>
    %add3A_450 = arith.addi %mul3A_449, %sub3A_446 : vector<16xi32>
    %swap3A_451 = arith.constant 0 : index
    %swap3A_452 = tpu.vector_load %arg26[%swap3A_451] {strides = array<i32>} : memref<128xi32, #tpu.memory_space<vmem>>, vector<16xi32>,
    tpu.vector_store %arg26[%swap3A_451], %add3A_432 {strides = array<i32>} : memref<128xi32, #tpu.memory_space<vmem>>, vector<16xi32>,
    %gather3A_453 = tpu.vector_load_idx %arg26[%sub3A_446] : memref<128xi32, #tpu.memory_space<vmem>>[vector<16xi32>], vector<16xi32>,
    %swap3A_454 = arith.constant 0 : index
    %swap3A_455 = tpu.vector_load %arg26[%swap3A_454] {strides = array<i32>} : memref<128xi32, #tpu.memory_space<vmem>>, vector<16xi32>,
    tpu.vector_store %arg26[%swap3A_454], %gather3A_418 {strides = array<i32>} : memref<128xi32, #tpu.memory_space<vmem>>, vector<16xi32>,
    %gather3A_456 = tpu.vector_load_idx %arg26[%sub3A_446] : memref<128xi32, #tpu.memory_space<vmem>>[vector<16xi32>], vector<16xi32>,
    %slice3A_457 = vector.extract_strided_slice %gather3A_453 {offsets = [0], sizes = [1], strides = [1]} : vector<16xi32> to vector<1xi32>
    %squeeze3A_458 = vector.extract %slice3A_457[0] : i32 from vector<1xi32>
    %slice3A_459 = vector.extract_strided_slice %gather3A_456 {offsets = [0], sizes = [1], strides = [1]} : vector<16xi32> to vector<1xi32>
    %squeeze3A_460 = vector.extract %slice3A_459[0] : i32 from vector<1xi32>
    %sub3A_461 = arith.subi %squeeze3A_458, %squeeze3A_460 : i32
    %sub3A_462 = arith.subi %sub3A_322, %sub3A_461 : i32
    %slice3A_463 = vector.extract_strided_slice %add3A_450 {offsets = [0], sizes = [1], strides = [1]} : vector<16xi32> to vector<1xi32>
    %squeeze3A_464 = vector.extract %slice3A_463[0] : i32 from vector<1xi32>
    %shift_left3A_465 = arith.constant 8 : i32
    %shift_left3A_466 = arith.shli %squeeze3A_464, %shift_left3A_465 : i32
    %or3A_467 = arith.ori %or3A_327, %shift_left3A_466 : i32
    %shift_left3A_468 = arith.constant 255 : i32
    %shift_left3A_469 = arith.constant 8 : i32
    %shift_left3A_470 = arith.shli %shift_left3A_468, %shift_left3A_469 : i32
    %or3A_471 = arith.ori %or3A_331, %shift_left3A_470 : i32
    %broadcast_in_dim3A_472 = arith.constant 0 : i32
    %broadcast_in_dim3A_473 = vector.broadcast %broadcast_in_dim3A_472 : i32 to vector<16xi32>
    %scan3A_474 = arith.constant 0 : i32
    %scan3A_475 = arith.constant 0 : i32
    %scan3A_476 = arith.constant 32 : i32
    %scan3A_477 = arith.addi %scan3A_475, %scan3A_476 : i32
    %scan3A_478 = arith.constant 1 : i32
    %scan3A_479 = scf.for %scan3A_827 = %scan3A_475 to %scan3A_477 step %scan3A_478 iter_args(%scan3A_828 = %scan3A_474) -> (i32)  : i32 {
      %mul3A_829 = arith.constant 8 : i32
      %mul3A_830 = arith.muli %scan3A_827, %mul3A_829 : i32
      %add3A_831 = arith.constant 0 : i32
      %add3A_832 = arith.addi %mul3A_830, %add3A_831 : i32
      %mul3A_833 = arith.constant 16 : i32
      %mul3A_834 = arith.muli %add3A_832, %mul3A_833 : i32
      %swap3A_835 = arith.index_cast %mul3A_834 : i32 to index
      %swap3A_836 = tpu.vector_load %arg11[%swap3A_835] {strides = array<i32>} : memref<4096xi32, #tpu.memory_space<vmem>>, vector<16xi32>,
      tpu.vector_store %arg11[%swap3A_835], %broadcast_in_dim3A_1 {strides = array<i32>} : memref<4096xi32, #tpu.memory_space<vmem>>, vector<16xi32>,
      %mul3A_837 = arith.constant 8 : i32
      %mul3A_838 = arith.muli %scan3A_827, %mul3A_837 : i32
      %add3A_839 = arith.constant 1 : i32
      %add3A_840 = arith.addi %mul3A_838, %add3A_839 : i32
      %mul3A_841 = arith.constant 16 : i32
      %mul3A_842 = arith.muli %add3A_840, %mul3A_841 : i32
      %swap3A_843 = arith.index_cast %mul3A_842 : i32 to index
      %swap3A_844 = tpu.vector_load %arg11[%swap3A_843] {strides = array<i32>} : memref<4096xi32, #tpu.memory_space<vmem>>, vector<16xi32>,
      tpu.vector_store %arg11[%swap3A_843], %broadcast_in_dim3A_1 {strides = array<i32>} : memref<4096xi32, #tpu.memory_space<vmem>>, vector<16xi32>,
      %mul3A_845 = arith.constant 8 : i32
      %mul3A_846 = arith.muli %scan3A_827, %mul3A_845 : i32
      %add3A_847 = arith.constant 2 : i32
      %add3A_848 = arith.addi %mul3A_846, %add3A_847 : i32
      %mul3A_849 = arith.constant 16 : i32
      %mul3A_850 = arith.muli %add3A_848, %mul3A_849 : i32
      %swap3A_851 = arith.index_cast %mul3A_850 : i32 to index
      %swap3A_852 = tpu.vector_load %arg11[%swap3A_851] {strides = array<i32>} : memref<4096xi32, #tpu.memory_space<vmem>>, vector<16xi32>,
      tpu.vector_store %arg11[%swap3A_851], %broadcast_in_dim3A_1 {strides = array<i32>} : memref<4096xi32, #tpu.memory_space<vmem>>, vector<16xi32>,
      %mul3A_853 = arith.constant 8 : i32
      %mul3A_854 = arith.muli %scan3A_827, %mul3A_853 : i32
      %add3A_855 = arith.constant 3 : i32
      %add3A_856 = arith.addi %mul3A_854, %add3A_855 : i32
      %mul3A_857 = arith.constant 16 : i32
      %mul3A_858 = arith.muli %add3A_856, %mul3A_857 : i32
      %swap3A_859 = arith.index_cast %mul3A_858 : i32 to index
      %swap3A_860 = tpu.vector_load %arg11[%swap3A_859] {strides = array<i32>} : memref<4096xi32, #tpu.memory_space<vmem>>, vector<16xi32>,
      tpu.vector_store %arg11[%swap3A_859], %broadcast_in_dim3A_1 {strides = array<i32>} : memref<4096xi32, #tpu.memory_space<vmem>>, vector<16xi32>,
      %mul3A_861 = arith.constant 8 : i32
      %mul3A_862 = arith.muli %scan3A_827, %mul3A_861 : i32
      %add3A_863 = arith.constant 4 : i32
      %add3A_864 = arith.addi %mul3A_862, %add3A_863 : i32
      %mul3A_865 = arith.constant 16 : i32
      %mul3A_866 = arith.muli %add3A_864, %mul3A_865 : i32
      %swap3A_867 = arith.index_cast %mul3A_866 : i32 to index
      %swap3A_868 = tpu.vector_load %arg11[%swap3A_867] {strides = array<i32>} : memref<4096xi32, #tpu.memory_space<vmem>>, vector<16xi32>,
      tpu.vector_store %arg11[%swap3A_867], %broadcast_in_dim3A_1 {strides = array<i32>} : memref<4096xi32, #tpu.memory_space<vmem>>, vector<16xi32>,
      %mul3A_869 = arith.constant 8 : i32
      %mul3A_870 = arith.muli %scan3A_827, %mul3A_869 : i32
      %add3A_871 = arith.constant 5 : i32
      %add3A_872 = arith.addi %mul3A_870, %add3A_871 : i32
      %mul3A_873 = arith.constant 16 : i32
      %mul3A_874 = arith.muli %add3A_872, %mul3A_873 : i32
      %swap3A_875 = arith.index_cast %mul3A_874 : i32 to index
      %swap3A_876 = tpu.vector_load %arg11[%swap3A_875] {strides = array<i32>} : memref<4096xi32, #tpu.memory_space<vmem>>, vector<16xi32>,
      tpu.vector_store %arg11[%swap3A_875], %broadcast_in_dim3A_1 {strides = array<i32>} : memref<4096xi32, #tpu.memory_space<vmem>>, vector<16xi32>,
      %mul3A_877 = arith.constant 8 : i32
      %mul3A_878 = arith.muli %scan3A_827, %mul3A_877 : i32
      %add3A_879 = arith.constant 6 : i32
      %add3A_880 = arith.addi %mul3A_878, %add3A_879 : i32
      %mul3A_881 = arith.constant 16 : i32
      %mul3A_882 = arith.muli %add3A_880, %mul3A_881 : i32
      %swap3A_883 = arith.index_cast %mul3A_882 : i32 to index
      %swap3A_884 = tpu.vector_load %arg11[%swap3A_883] {strides = array<i32>} : memref<4096xi32, #tpu.memory_space<vmem>>, vector<16xi32>,
      tpu.vector_store %arg11[%swap3A_883], %broadcast_in_dim3A_1 {strides = array<i32>} : memref<4096xi32, #tpu.memory_space<vmem>>, vector<16xi32>,
      %mul3A_885 = arith.constant 8 : i32
      %mul3A_886 = arith.muli %scan3A_827, %mul3A_885 : i32
      %add3A_887 = arith.constant 7 : i32
      %add3A_888 = arith.addi %mul3A_886, %add3A_887 : i32
      %mul3A_889 = arith.constant 16 : i32
      %mul3A_890 = arith.muli %add3A_888, %mul3A_889 : i32
      %swap3A_891 = arith.index_cast %mul3A_890 : i32 to index
      %swap3A_892 = tpu.vector_load %arg11[%swap3A_891] {strides = array<i32>} : memref<4096xi32, #tpu.memory_space<vmem>>, vector<16xi32>,
      tpu.vector_store %arg11[%swap3A_891], %broadcast_in_dim3A_1 {strides = array<i32>} : memref<4096xi32, #tpu.memory_space<vmem>>, vector<16xi32>,
      %scan3A_893 = arith.constant 0 : i32
      scf.yield %scan3A_893 : i32
    }
    %scan3A_480 = arith.constant 32 : i32
    %broadcast_in_dim3A_481 = vector.broadcast %or3A_467 : i32 to vector<16xi32>
    %broadcast_in_dim3A_482 = vector.broadcast %or3A_471 : i32 to vector<16xi32>
    %scan3A_483 = arith.constant 0 : i32
    %scan3A_484 = arith.constant 0 : i32
    %scan3A_485 = arith.constant 32 : i32
    %scan3A_486 = arith.addi %scan3A_484, %scan3A_485 : i32
    %scan3A_487 = arith.constant 1 : i32
    %scan3A_488 = scf.for %scan3A_827 = %scan3A_484 to %scan3A_486 step %scan3A_487 iter_args(%scan3A_828 = %scan3A_483) -> (i32)  : i32 {
      %mul3A_829 = arith.constant 4 : i32
      %mul3A_830 = arith.muli %scan3A_827, %mul3A_829 : i32
      %add3A_831 = arith.constant 0 : i32
      %add3A_832 = arith.addi %mul3A_830, %add3A_831 : i32
      %mul3A_833 = arith.constant 16 : i32
      %mul3A_834 = arith.muli %add3A_832, %mul3A_833 : i32
      %get3A_835 = arith.index_cast %mul3A_834 : i32 to index
      %get3A_836 = tpu.vector_load %arg10[%get3A_835] {strides = array<i32>} : memref<2048xi32, #tpu.memory_space<vmem>>, vector<16xi32>,
      %and3A = arith.andi %get3A_836, %broadcast_in_dim3A_482 : vector<16xi32>
      %eq3A_837 = arith.cmpi eq, %and3A, %broadcast_in_dim3A_481 : vector<16xi32>
      %shift_right_logical3A = arith.shrui %get3A_836, %broadcast_in_dim3A_473 : vector<16xi32>
      %and3A_838 = arith.andi %shift_right_logical3A, %broadcast_in_dim3A_5 : vector<16xi32>
      %mul3A_839 = arith.constant 256 : i32
      %mul3A_840 = vector.broadcast %mul3A_839 : i32 to vector<16xi32>
      %mul3A_841 = arith.muli %iota3A, %mul3A_840 : vector<16xi32>
      %add3A_842 = arith.addi %mul3A_841, %and3A_838 : vector<16xi32>
      tpu.vector_store_idx %arg11[%add3A_842], %broadcast_in_dim3A_3 masked %eq3A_837 {add = true} : memref<4096xi32, #tpu.memory_space<vmem>>[vector<16xi32>], vector<16xi32>, vector<16xi1>
      %mul3A_843 = arith.constant 4 : i32
      %mul3A_844 = arith.muli %scan3A_827, %mul3A_843 : i32
      %add3A_845 = arith.constant 1 : i32
      %add3A_846 = arith.addi %mul3A_844, %add3A_845 : i32
      %mul3A_847 = arith.constant 16 : i32
      %mul3A_848 = arith.muli %add3A_846, %mul3A_847 : i32
      %get3A_849 = arith.index_cast %mul3A_848 : i32 to index
      %get3A_850 = tpu.vector_load %arg10[%get3A_849] {strides = array<i32>} : memref<2048xi32, #tpu.memory_space<vmem>>, vector<16xi32>,
      %and3A_851 = arith.andi %get3A_850, %broadcast_in_dim3A_482 : vector<16xi32>
      %eq3A_852 = arith.cmpi eq, %and3A_851, %broadcast_in_dim3A_481 : vector<16xi32>
      %shift_right_logical3A_853 = arith.shrui %get3A_850, %broadcast_in_dim3A_473 : vector<16xi32>
      %and3A_854 = arith.andi %shift_right_logical3A_853, %broadcast_in_dim3A_5 : vector<16xi32>
      %mul3A_855 = arith.constant 256 : i32
      %mul3A_856 = vector.broadcast %mul3A_855 : i32 to vector<16xi32>
      %mul3A_857 = arith.muli %iota3A, %mul3A_856 : vector<16xi32>
      %add3A_858 = arith.addi %mul3A_857, %and3A_854 : vector<16xi32>
      tpu.vector_store_idx %arg11[%add3A_858], %broadcast_in_dim3A_3 masked %eq3A_852 {add = true} : memref<4096xi32, #tpu.memory_space<vmem>>[vector<16xi32>], vector<16xi32>, vector<16xi1>
      %mul3A_859 = arith.constant 4 : i32
      %mul3A_860 = arith.muli %scan3A_827, %mul3A_859 : i32
      %add3A_861 = arith.constant 2 : i32
      %add3A_862 = arith.addi %mul3A_860, %add3A_861 : i32
      %mul3A_863 = arith.constant 16 : i32
      %mul3A_864 = arith.muli %add3A_862, %mul3A_863 : i32
      %get3A_865 = arith.index_cast %mul3A_864 : i32 to index
      %get3A_866 = tpu.vector_load %arg10[%get3A_865] {strides = array<i32>} : memref<2048xi32, #tpu.memory_space<vmem>>, vector<16xi32>,
      %and3A_867 = arith.andi %get3A_866, %broadcast_in_dim3A_482 : vector<16xi32>
      %eq3A_868 = arith.cmpi eq, %and3A_867, %broadcast_in_dim3A_481 : vector<16xi32>
      %shift_right_logical3A_869 = arith.shrui %get3A_866, %broadcast_in_dim3A_473 : vector<16xi32>
      %and3A_870 = arith.andi %shift_right_logical3A_869, %broadcast_in_dim3A_5 : vector<16xi32>
      %mul3A_871 = arith.constant 256 : i32
      %mul3A_872 = vector.broadcast %mul3A_871 : i32 to vector<16xi32>
      %mul3A_873 = arith.muli %iota3A, %mul3A_872 : vector<16xi32>
      %add3A_874 = arith.addi %mul3A_873, %and3A_870 : vector<16xi32>
      tpu.vector_store_idx %arg11[%add3A_874], %broadcast_in_dim3A_3 masked %eq3A_868 {add = true} : memref<4096xi32, #tpu.memory_space<vmem>>[vector<16xi32>], vector<16xi32>, vector<16xi1>
      %mul3A_875 = arith.constant 4 : i32
      %mul3A_876 = arith.muli %scan3A_827, %mul3A_875 : i32
      %add3A_877 = arith.constant 3 : i32
      %add3A_878 = arith.addi %mul3A_876, %add3A_877 : i32
      %mul3A_879 = arith.constant 16 : i32
      %mul3A_880 = arith.muli %add3A_878, %mul3A_879 : i32
      %get3A_881 = arith.index_cast %mul3A_880 : i32 to index
      %get3A_882 = tpu.vector_load %arg10[%get3A_881] {strides = array<i32>} : memref<2048xi32, #tpu.memory_space<vmem>>, vector<16xi32>,
      %and3A_883 = arith.andi %get3A_882, %broadcast_in_dim3A_482 : vector<16xi32>
      %eq3A_884 = arith.cmpi eq, %and3A_883, %broadcast_in_dim3A_481 : vector<16xi32>
      %shift_right_logical3A_885 = arith.shrui %get3A_882, %broadcast_in_dim3A_473 : vector<16xi32>
      %and3A_886 = arith.andi %shift_right_logical3A_885, %broadcast_in_dim3A_5 : vector<16xi32>
      %mul3A_887 = arith.constant 256 : i32
      %mul3A_888 = vector.broadcast %mul3A_887 : i32 to vector<16xi32>
      %mul3A_889 = arith.muli %iota3A, %mul3A_888 : vector<16xi32>
      %add3A_890 = arith.addi %mul3A_889, %and3A_886 : vector<16xi32>
      tpu.vector_store_idx %arg11[%add3A_890], %broadcast_in_dim3A_3 masked %eq3A_884 {add = true} : memref<4096xi32, #tpu.memory_space<vmem>>[vector<16xi32>], vector<16xi32>, vector<16xi1>
      %scan3A_891 = arith.constant 0 : i32
      scf.yield %scan3A_891 : i32
    }
    %scan3A_489 = arith.constant 32 : i32
    %scan3A_490 = arith.constant 0 : i32
    %scan3A_491 = arith.constant 0 : i32
    %scan3A_492 = arith.constant 16 : i32
    %scan3A_493 = arith.addi %scan3A_491, %scan3A_492 : i32
    %scan3A_494 = arith.constant 1 : i32
    %scan3A_495 = scf.for %scan3A_827 = %scan3A_491 to %scan3A_493 step %scan3A_494 iter_args(%scan3A_828 = %scan3A_490) -> (i32)  : i32 {
      %mul3A_829 = arith.constant 16 : i32
      %mul3A_830 = arith.muli %scan3A_827, %mul3A_829 : i32
      %add3A_831 = arith.constant 0 : i32
      %add3A_832 = arith.addi %add3A_831, %mul3A_830 : i32
      %get3A_833 = arith.index_cast %add3A_832 : i32 to index
      %get3A_834 = tpu.vector_load %arg11[%get3A_833] {strides = array<i32>} : memref<4096xi32, #tpu.memory_space<vmem>>, vector<16xi32>,
      %add3A_835 = arith.addi %broadcast_in_dim3A_1, %get3A_834 : vector<16xi32>
      %mul3A_836 = arith.constant 16 : i32
      %mul3A_837 = arith.muli %scan3A_827, %mul3A_836 : i32
      %add3A_838 = arith.constant 256 : i32
      %add3A_839 = arith.addi %add3A_838, %mul3A_837 : i32
      %get3A_840 = arith.index_cast %add3A_839 : i32 to index
      %get3A_841 = tpu.vector_load %arg11[%get3A_840] {strides = array<i32>} : memref<4096xi32, #tpu.memory_space<vmem>>, vector<16xi32>,
      %add3A_842 = arith.addi %add3A_835, %get3A_841 : vector<16xi32>
      %mul3A_843 = arith.constant 16 : i32
      %mul3A_844 = arith.muli %scan3A_827, %mul3A_843 : i32
      %add3A_845 = arith.constant 512 : i32
      %add3A_846 = arith.addi %add3A_845, %mul3A_844 : i32
      %get3A_847 = arith.index_cast %add3A_846 : i32 to index
      %get3A_848 = tpu.vector_load %arg11[%get3A_847] {strides = array<i32>} : memref<4096xi32, #tpu.memory_space<vmem>>, vector<16xi32>,
      %add3A_849 = arith.addi %add3A_842, %get3A_848 : vector<16xi32>
      %mul3A_850 = arith.constant 16 : i32
      %mul3A_851 = arith.muli %scan3A_827, %mul3A_850 : i32
      %add3A_852 = arith.constant 768 : i32
      %add3A_853 = arith.addi %add3A_852, %mul3A_851 : i32
      %get3A_854 = arith.index_cast %add3A_853 : i32 to index
      %get3A_855 = tpu.vector_load %arg11[%get3A_854] {strides = array<i32>} : memref<4096xi32, #tpu.memory_space<vmem>>, vector<16xi32>,
      %add3A_856 = arith.addi %add3A_849, %get3A_855 : vector<16xi32>
      %mul3A_857 = arith.constant 16 : i32
      %mul3A_858 = arith.muli %scan3A_827, %mul3A_857 : i32
      %add3A_859 = arith.constant 1024 : i32
      %add3A_860 = arith.addi %add3A_859, %mul3A_858 : i32
      %get3A_861 = arith.index_cast %add3A_860 : i32 to index
      %get3A_862 = tpu.vector_load %arg11[%get3A_861] {strides = array<i32>} : memref<4096xi32, #tpu.memory_space<vmem>>, vector<16xi32>,
      %add3A_863 = arith.addi %add3A_856, %get3A_862 : vector<16xi32>
      %mul3A_864 = arith.constant 16 : i32
      %mul3A_865 = arith.muli %scan3A_827, %mul3A_864 : i32
      %add3A_866 = arith.constant 1280 : i32
      %add3A_867 = arith.addi %add3A_866, %mul3A_865 : i32
      %get3A_868 = arith.index_cast %add3A_867 : i32 to index
      %get3A_869 = tpu.vector_load %arg11[%get3A_868] {strides = array<i32>} : memref<4096xi32, #tpu.memory_space<vmem>>, vector<16xi32>,
      %add3A_870 = arith.addi %add3A_863, %get3A_869 : vector<16xi32>
      %mul3A_871 = arith.constant 16 : i32
      %mul3A_872 = arith.muli %scan3A_827, %mul3A_871 : i32
      %add3A_873 = arith.constant 1536 : i32
      %add3A_874 = arith.addi %add3A_873, %mul3A_872 : i32
      %get3A_875 = arith.index_cast %add3A_874 : i32 to index
      %get3A_876 = tpu.vector_load %arg11[%get3A_875] {strides = array<i32>} : memref<4096xi32, #tpu.memory_space<vmem>>, vector<16xi32>,
      %add3A_877 = arith.addi %add3A_870, %get3A_876 : vector<16xi32>
      %mul3A_878 = arith.constant 16 : i32
      %mul3A_879 = arith.muli %scan3A_827, %mul3A_878 : i32
      %add3A_880 = arith.constant 1792 : i32
      %add3A_881 = arith.addi %add3A_880, %mul3A_879 : i32
      %get3A_882 = arith.index_cast %add3A_881 : i32 to index
      %get3A_883 = tpu.vector_load %arg11[%get3A_882] {strides = array<i32>} : memref<4096xi32, #tpu.memory_space<vmem>>, vector<16xi32>,
      %add3A_884 = arith.addi %add3A_877, %get3A_883 : vector<16xi32>
      %mul3A_885 = arith.constant 16 : i32
      %mul3A_886 = arith.muli %scan3A_827, %mul3A_885 : i32
      %add3A_887 = arith.constant 2048 : i32
      %add3A_888 = arith.addi %add3A_887, %mul3A_886 : i32
      %get3A_889 = arith.index_cast %add3A_888 : i32 to index
      %get3A_890 = tpu.vector_load %arg11[%get3A_889] {strides = array<i32>} : memref<4096xi32, #tpu.memory_space<vmem>>, vector<16xi32>,
      %add3A_891 = arith.addi %add3A_884, %get3A_890 : vector<16xi32>
      %mul3A_892 = arith.constant 16 : i32
      %mul3A_893 = arith.muli %scan3A_827, %mul3A_892 : i32
      %add3A_894 = arith.constant 2304 : i32
      %add3A_895 = arith.addi %add3A_894, %mul3A_893 : i32
      %get3A_896 = arith.index_cast %add3A_895 : i32 to index
      %get3A_897 = tpu.vector_load %arg11[%get3A_896] {strides = array<i32>} : memref<4096xi32, #tpu.memory_space<vmem>>, vector<16xi32>,
      %add3A_898 = arith.addi %add3A_891, %get3A_897 : vector<16xi32>
      %mul3A_899 = arith.constant 16 : i32
      %mul3A_900 = arith.muli %scan3A_827, %mul3A_899 : i32
      %add3A_901 = arith.constant 2560 : i32
      %add3A_902 = arith.addi %add3A_901, %mul3A_900 : i32
      %get3A_903 = arith.index_cast %add3A_902 : i32 to index
      %get3A_904 = tpu.vector_load %arg11[%get3A_903] {strides = array<i32>} : memref<4096xi32, #tpu.memory_space<vmem>>, vector<16xi32>,
      %add3A_905 = arith.addi %add3A_898, %get3A_904 : vector<16xi32>
      %mul3A_906 = arith.constant 16 : i32
      %mul3A_907 = arith.muli %scan3A_827, %mul3A_906 : i32
      %add3A_908 = arith.constant 2816 : i32
      %add3A_909 = arith.addi %add3A_908, %mul3A_907 : i32
      %get3A_910 = arith.index_cast %add3A_909 : i32 to index
      %get3A_911 = tpu.vector_load %arg11[%get3A_910] {strides = array<i32>} : memref<4096xi32, #tpu.memory_space<vmem>>, vector<16xi32>,
      %add3A_912 = arith.addi %add3A_905, %get3A_911 : vector<16xi32>
      %mul3A_913 = arith.constant 16 : i32
      %mul3A_914 = arith.muli %scan3A_827, %mul3A_913 : i32
      %add3A_915 = arith.constant 3072 : i32
      %add3A_916 = arith.addi %add3A_915, %mul3A_914 : i32
      %get3A_917 = arith.index_cast %add3A_916 : i32 to index
      %get3A_918 = tpu.vector_load %arg11[%get3A_917] {strides = array<i32>} : memref<4096xi32, #tpu.memory_space<vmem>>, vector<16xi32>,
      %add3A_919 = arith.addi %add3A_912, %get3A_918 : vector<16xi32>
      %mul3A_920 = arith.constant 16 : i32
      %mul3A_921 = arith.muli %scan3A_827, %mul3A_920 : i32
      %add3A_922 = arith.constant 3328 : i32
      %add3A_923 = arith.addi %add3A_922, %mul3A_921 : i32
      %get3A_924 = arith.index_cast %add3A_923 : i32 to index
      %get3A_925 = tpu.vector_load %arg11[%get3A_924] {strides = array<i32>} : memref<4096xi32, #tpu.memory_space<vmem>>, vector<16xi32>,
      %add3A_926 = arith.addi %add3A_919, %get3A_925 : vector<16xi32>
      %mul3A_927 = arith.constant 16 : i32
      %mul3A_928 = arith.muli %scan3A_827, %mul3A_927 : i32
      %add3A_929 = arith.constant 3584 : i32
      %add3A_930 = arith.addi %add3A_929, %mul3A_928 : i32
      %get3A_931 = arith.index_cast %add3A_930 : i32 to index
      %get3A_932 = tpu.vector_load %arg11[%get3A_931] {strides = array<i32>} : memref<4096xi32, #tpu.memory_space<vmem>>, vector<16xi32>,
      %add3A_933 = arith.addi %add3A_926, %get3A_932 : vector<16xi32>
      %mul3A_934 = arith.constant 16 : i32
      %mul3A_935 = arith.muli %scan3A_827, %mul3A_934 : i32
      %add3A_936 = arith.constant 3840 : i32
      %add3A_937 = arith.addi %add3A_936, %mul3A_935 : i32
      %get3A_938 = arith.index_cast %add3A_937 : i32 to index
      %get3A_939 = tpu.vector_load %arg11[%get3A_938] {strides = array<i32>} : memref<4096xi32, #tpu.memory_space<vmem>>, vector<16xi32>,
      %add3A_940 = arith.addi %add3A_933, %get3A_939 : vector<16xi32>
      %mul3A_941 = arith.constant 16 : i32
      %mul3A_942 = arith.muli %scan3A_827, %mul3A_941 : i32
      %swap3A_943 = arith.index_cast %mul3A_942 : i32 to index
      %swap3A_944 = tpu.vector_load %arg12[%swap3A_943] {strides = array<i32>} : memref<256xi32, #tpu.memory_space<vmem>>, vector<16xi32>,
      tpu.vector_store %arg12[%swap3A_943], %add3A_940 {strides = array<i32>} : memref<256xi32, #tpu.memory_space<vmem>>, vector<16xi32>,
      %scan3A_945 = arith.constant 0 : i32
      scf.yield %scan3A_945 : i32
    }
    %scan3A_496 = arith.constant 16 : i32
    %scan3A_497 = arith.constant 0 : i32
    %scan3A_498 = arith.constant 0 : i32
    %scan3A_499 = arith.constant 16 : i32
    %scan3A_500 = arith.addi %scan3A_498, %scan3A_499 : i32
    %scan3A_501 = arith.constant 1 : i32
    %scan3A_502 = scf.for %scan3A_827 = %scan3A_498 to %scan3A_500 step %scan3A_501 iter_args(%scan3A_828 = %scan3A_497) -> (i32)  : i32 {
      %mul3A_829 = arith.constant 16 : i32
      %mul3A_830 = arith.muli %scan3A_827, %mul3A_829 : i32
      %add3A_831 = arith.constant 768 : i32
      %add3A_832 = arith.addi %add3A_831, %mul3A_830 : i32
      %add3A_833 = vector.broadcast %add3A_832 : i32 to vector<16xi32>
      %add3A_834 = arith.addi %add3A_833, %iota3A : vector<16xi32>
      %mul3A_835 = arith.constant 16 : i32
      %mul3A_836 = arith.muli %scan3A_827, %mul3A_835 : i32
      %swap3A_837 = arith.index_cast %mul3A_836 : i32 to index
      %swap3A_838 = tpu.vector_load %arg24[%swap3A_837] {strides = array<i32>} : memref<256xi32, #tpu.memory_space<vmem>>, vector<16xi32>,
      tpu.vector_store %arg24[%swap3A_837], %add3A_834 {strides = array<i32>} : memref<256xi32, #tpu.memory_space<vmem>>, vector<16xi32>,
      %scan3A_839 = arith.constant 0 : i32
      scf.yield %scan3A_839 : i32
    }
    %scan3A_503 = arith.constant 16 : i32
    "tpu.region"() ({
      %run_scoped3A = tpu.sem_alloc : memref<!tpu.dma_semaphore, #tpu.memory_space<semaphore_mem>>
      %dma_start3A = arith.constant 0 : i32
      %dma_start3A_827 = tpu.memref_slice %arg28[%dma_start3A] : memref<1024xi32, #tpu.memory_space<vmem_shared>> -> memref<1024xi32, #tpu.memory_space<vmem_shared>>
      tpu.enqueue_indirect_dma source(%arg12 : memref<256xi32, #tpu.memory_space<vmem>>) target(%dma_start3A_827 : memref<1024xi32, #tpu.memory_space<vmem_shared>>) offsets(%arg24 : memref<256xi32, #tpu.memory_space<vmem>>) semaphore(%run_scoped3A : memref<!tpu.dma_semaphore, #tpu.memory_space<semaphore_mem>>) {add = true}
      %dma_wait3A = arith.constant 0 : i32
      %dma_wait3A_828 = tpu.memref_slice %arg28[%dma_wait3A] : memref<1024xi32, #tpu.memory_space<vmem_shared>> -> memref<1024xi32, #tpu.memory_space<vmem_shared>>
      tpu.wait_indirect_dma semaphore(%run_scoped3A : memref<!tpu.dma_semaphore, #tpu.memory_space<semaphore_mem>>) src(%arg12 : memref<256xi32, #tpu.memory_space<vmem>>) dst(%dma_wait3A_828 : memref<1024xi32, #tpu.memory_space<vmem_shared>>)
      tpu.yield
    }) : () -> ()
    %barrier3A_504 = arith.constant 0 : index
    tpu.barrier barrier_id(%barrier3A_504)
    "tpu.region"() ({
      %run_scoped3A = tpu.sem_alloc : memref<!tpu.dma_semaphore, #tpu.memory_space<semaphore_mem>>
      %dma_start3A = arith.constant 768 : i32
      %dma_start3A_827 = tpu.memref_slice %arg28[%dma_start3A] : memref<1024xi32, #tpu.memory_space<vmem_shared>> -> memref<256xi32, #tpu.memory_space<vmem_shared>>
      %dma_start3A_828 = arith.constant 768 : i32
      %dma_start3A_829 = tpu.memref_slice %arg28[%dma_start3A_828] : memref<1024xi32, #tpu.memory_space<vmem_shared>> -> memref<256xi32, #tpu.memory_space<vmem_shared>>
      tpu.enqueue_dma source(%dma_start3A_829 : memref<256xi32, #tpu.memory_space<vmem_shared>>) target(%arg12 : memref<256xi32, #tpu.memory_space<vmem>>) target_semaphore(%run_scoped3A : memref<!tpu.dma_semaphore, #tpu.memory_space<semaphore_mem>>)
      %dma_wait3A = arith.constant 768 : i32
      %dma_wait3A_830 = tpu.memref_slice %arg28[%dma_wait3A] : memref<1024xi32, #tpu.memory_space<vmem_shared>> -> memref<256xi32, #tpu.memory_space<vmem_shared>>
      %dma_wait3A_831 = arith.constant 768 : i32
      %dma_wait3A_832 = tpu.memref_slice %arg28[%dma_wait3A_831] : memref<1024xi32, #tpu.memory_space<vmem_shared>> -> memref<256xi32, #tpu.memory_space<vmem_shared>>
      tpu.wait_dma2 semaphore(%run_scoped3A : memref<!tpu.dma_semaphore, #tpu.memory_space<semaphore_mem>>) src(%dma_wait3A_832 : memref<256xi32, #tpu.memory_space<vmem_shared>>) dst(%arg12 : memref<256xi32, #tpu.memory_space<vmem>>)
      tpu.yield
    }) : () -> ()
    %broadcast_in_dim3A_505 = vector.broadcast %sub3A_462 : i32 to vector<16xi32>
    %scan3A_506 = arith.constant 0 : i32
    %scan3A_507 = arith.constant 16 : i32
    %scan3A_508 = arith.addi %scan3A_506, %scan3A_507 : i32
    %scan3A_509 = arith.constant 1 : i32
    %scan3A_510 = scf.for %scan3A_827 = %scan3A_506 to %scan3A_508 step %scan3A_509 iter_args(%scan3A_828 = %broadcast_in_dim3A_1) -> (vector<16xi32>)  : i32 {
      %mul3A_829 = arith.constant 16 : i32
      %mul3A_830 = vector.broadcast %mul3A_829 : i32 to vector<16xi32>
      %mul3A_831 = arith.muli %iota3A, %mul3A_830 : vector<16xi32>
      %add3A_832 = vector.broadcast %scan3A_827 : i32 to vector<16xi32>
      %add3A_833 = arith.addi %mul3A_831, %add3A_832 : vector<16xi32>
      %gather3A_834 = tpu.vector_load_idx %arg12[%add3A_833] : memref<256xi32, #tpu.memory_space<vmem>>[vector<16xi32>], vector<16xi32>,
      %add3A_835 = arith.addi %scan3A_828, %gather3A_834 : vector<16xi32>
      scf.yield %add3A_835 : vector<16xi32>
    }
    %scan3A_511 = arith.constant 16 : i32
    %rev3A_512 = arith.constant 15 : i32
    %rev3A_513 = vector.broadcast %rev3A_512 : i32 to vector<16xi32>
    %rev3A_514 = tpu.iota {dimensions = array<i32: 0>} : vector<16xi32>
    %rev3A_515 = arith.subi %rev3A_513, %rev3A_514 : vector<16xi32>
    %rev3A_516 = tpu.dynamic_gather %scan3A_510[%rev3A_515] in [0] : vector<16xi32>, vector<16xi32> -> vector<16xi32>
    %broadcast_in_dim3A_517 = arith.constant true
    %broadcast_in_dim3A_518 = vector.broadcast %broadcast_in_dim3A_517 : i1 to vector<16xi1>
    %masked_cumsum3A_519 = tpu.scan <sum>, %rev3A_516 masked %broadcast_in_dim3A_518 : vector<16xi32>, vector<16xi1> -> vector<16xi32>
    %rev3A_520 = arith.constant 15 : i32
    %rev3A_521 = vector.broadcast %rev3A_520 : i32 to vector<16xi32>
    %rev3A_522 = tpu.iota {dimensions = array<i32: 0>} : vector<16xi32>
    %rev3A_523 = arith.subi %rev3A_521, %rev3A_522 : vector<16xi32>
    %rev3A_524 = tpu.dynamic_gather %masked_cumsum3A_519[%rev3A_523] in [0] : vector<16xi32>, vector<16xi32> -> vector<16xi32>
    %ge3A_525 = arith.cmpi sge, %rev3A_524, %broadcast_in_dim3A_505 : vector<16xi32>
    %convert_element_type3A_526 = arith.extui %ge3A_525 : vector<16xi1> to vector<16xi32>
    %rev3A_527 = arith.constant 15 : i32
    %rev3A_528 = vector.broadcast %rev3A_527 : i32 to vector<16xi32>
    %rev3A_529 = tpu.iota {dimensions = array<i32: 0>} : vector<16xi32>
    %rev3A_530 = arith.subi %rev3A_528, %rev3A_529 : vector<16xi32>
    %rev3A_531 = tpu.dynamic_gather %convert_element_type3A_526[%rev3A_530] in [0] : vector<16xi32>, vector<16xi32> -> vector<16xi32>
    %gt3A_532 = arith.constant 0 : i32
    %gt3A_533 = vector.broadcast %gt3A_532 : i32 to vector<16xi32>
    %gt3A_534 = arith.cmpi sgt, %rev3A_531, %gt3A_533 : vector<16xi32>
    %all_reduce_ffs3A_535 = tpu.all_reduce %gt3A_534 {dim = 0 : i64, kind = #tpu.reduction_kind<find_first_set>} : vector<16xi1> -> vector<16xi32>
    %sub3A_536 = arith.constant 15 : i32
    %sub3A_537 = vector.broadcast %sub3A_536 : i32 to vector<16xi32>
    %sub3A_538 = arith.subi %sub3A_537, %all_reduce_ffs3A_535 : vector<16xi32>
    %ge3A_539 = arith.constant 15 : i32
    %ge3A_540 = vector.broadcast %ge3A_539 : i32 to vector<16xi32>
    %ge3A_541 = arith.cmpi sge, %sub3A_538, %ge3A_540 : vector<16xi32>
    %add3A_542 = arith.constant 1 : i32
    %add3A_543 = vector.broadcast %add3A_542 : i32 to vector<16xi32>
    %add3A_544 = arith.addi %sub3A_538, %add3A_543 : vector<16xi32>
    %min3A_545 = arith.constant 15 : i32
    %min3A_546 = vector.broadcast %min3A_545 : i32 to vector<16xi32>
    %min3A_547 = arith.minsi %add3A_544, %min3A_546 : vector<16xi32>
    %swap3A_548 = arith.constant 0 : index
    %swap3A_549 = tpu.vector_load %arg26[%swap3A_548] {strides = array<i32>} : memref<128xi32, #tpu.memory_space<vmem>>, vector<16xi32>,
    tpu.vector_store %arg26[%swap3A_548], %rev3A_524 {strides = array<i32>} : memref<128xi32, #tpu.memory_space<vmem>>, vector<16xi32>,
    %gather3A_550 = tpu.vector_load_idx %arg26[%min3A_547] : memref<128xi32, #tpu.memory_space<vmem>>[vector<16xi32>], vector<16xi32>,
    %jit3A_551 = arith.constant 0 : i32
    %broadcast_in_dim3A_552 = vector.broadcast %jit3A_551 : i32 to vector<16xi32>
    %select_n3A_553 = arith.select %ge3A_541, %broadcast_in_dim3A_552, %gather3A_550 : vector<16xi1>, vector<16xi32>
    %mul3A_554 = arith.constant 16 : i32
    %mul3A_555 = vector.broadcast %mul3A_554 : i32 to vector<16xi32>
    %mul3A_556 = arith.muli %sub3A_538, %mul3A_555 : vector<16xi32>
    %add3A_557 = arith.addi %mul3A_556, %iota3A : vector<16xi32>
    %gather3A_558 = tpu.vector_load_idx %arg12[%add3A_557] : memref<256xi32, #tpu.memory_space<vmem>>[vector<16xi32>], vector<16xi32>,
    %rev3A_559 = arith.constant 15 : i32
    %rev3A_560 = vector.broadcast %rev3A_559 : i32 to vector<16xi32>
    %rev3A_561 = tpu.iota {dimensions = array<i32: 0>} : vector<16xi32>
    %rev3A_562 = arith.subi %rev3A_560, %rev3A_561 : vector<16xi32>
    %rev3A_563 = tpu.dynamic_gather %gather3A_558[%rev3A_562] in [0] : vector<16xi32>, vector<16xi32> -> vector<16xi32>
    %broadcast_in_dim3A_564 = arith.constant true
    %broadcast_in_dim3A_565 = vector.broadcast %broadcast_in_dim3A_564 : i1 to vector<16xi1>
    %masked_cumsum3A_566 = tpu.scan <sum>, %rev3A_563 masked %broadcast_in_dim3A_565 : vector<16xi32>, vector<16xi1> -> vector<16xi32>
    %rev3A_567 = arith.constant 15 : i32
    %rev3A_568 = vector.broadcast %rev3A_567 : i32 to vector<16xi32>
    %rev3A_569 = tpu.iota {dimensions = array<i32: 0>} : vector<16xi32>
    %rev3A_570 = arith.subi %rev3A_568, %rev3A_569 : vector<16xi32>
    %rev3A_571 = tpu.dynamic_gather %masked_cumsum3A_566[%rev3A_570] in [0] : vector<16xi32>, vector<16xi32> -> vector<16xi32>
    %add3A_572 = arith.addi %rev3A_571, %select_n3A_553 : vector<16xi32>
    %ge3A_573 = arith.cmpi sge, %add3A_572, %broadcast_in_dim3A_505 : vector<16xi32>
    %convert_element_type3A_574 = arith.extui %ge3A_573 : vector<16xi1> to vector<16xi32>
    %rev3A_575 = arith.constant 15 : i32
    %rev3A_576 = vector.broadcast %rev3A_575 : i32 to vector<16xi32>
    %rev3A_577 = tpu.iota {dimensions = array<i32: 0>} : vector<16xi32>
    %rev3A_578 = arith.subi %rev3A_576, %rev3A_577 : vector<16xi32>
    %rev3A_579 = tpu.dynamic_gather %convert_element_type3A_574[%rev3A_578] in [0] : vector<16xi32>, vector<16xi32> -> vector<16xi32>
    %gt3A_580 = arith.constant 0 : i32
    %gt3A_581 = vector.broadcast %gt3A_580 : i32 to vector<16xi32>
    %gt3A_582 = arith.cmpi sgt, %rev3A_579, %gt3A_581 : vector<16xi32>
    %all_reduce_ffs3A_583 = tpu.all_reduce %gt3A_582 {dim = 0 : i64, kind = #tpu.reduction_kind<find_first_set>} : vector<16xi1> -> vector<16xi32>
    %sub3A_584 = arith.constant 15 : i32
    %sub3A_585 = vector.broadcast %sub3A_584 : i32 to vector<16xi32>
    %sub3A_586 = arith.subi %sub3A_585, %all_reduce_ffs3A_583 : vector<16xi32>
    %mul3A_587 = arith.constant 16 : i32
    %mul3A_588 = vector.broadcast %mul3A_587 : i32 to vector<16xi32>
    %mul3A_589 = arith.muli %sub3A_538, %mul3A_588 : vector<16xi32>
    %add3A_590 = arith.addi %mul3A_589, %sub3A_586 : vector<16xi32>
    %swap3A_591 = arith.constant 0 : index
    %swap3A_592 = tpu.vector_load %arg26[%swap3A_591] {strides = array<i32>} : memref<128xi32, #tpu.memory_space<vmem>>, vector<16xi32>,
    tpu.vector_store %arg26[%swap3A_591], %add3A_572 {strides = array<i32>} : memref<128xi32, #tpu.memory_space<vmem>>, vector<16xi32>,
    %gather3A_593 = tpu.vector_load_idx %arg26[%sub3A_586] : memref<128xi32, #tpu.memory_space<vmem>>[vector<16xi32>], vector<16xi32>,
    %swap3A_594 = arith.constant 0 : index
    %swap3A_595 = tpu.vector_load %arg26[%swap3A_594] {strides = array<i32>} : memref<128xi32, #tpu.memory_space<vmem>>, vector<16xi32>,
    tpu.vector_store %arg26[%swap3A_594], %gather3A_558 {strides = array<i32>} : memref<128xi32, #tpu.memory_space<vmem>>, vector<16xi32>,
    %gather3A_596 = tpu.vector_load_idx %arg26[%sub3A_586] : memref<128xi32, #tpu.memory_space<vmem>>[vector<16xi32>], vector<16xi32>,
    %slice3A_597 = vector.extract_strided_slice %gather3A_593 {offsets = [0], sizes = [1], strides = [1]} : vector<16xi32> to vector<1xi32>
    %squeeze3A_598 = vector.extract %slice3A_597[0] : i32 from vector<1xi32>
    %slice3A_599 = vector.extract_strided_slice %gather3A_596 {offsets = [0], sizes = [1], strides = [1]} : vector<16xi32> to vector<1xi32>
    %squeeze3A_600 = vector.extract %slice3A_599[0] : i32 from vector<1xi32>
    %sub3A_601 = arith.subi %squeeze3A_598, %squeeze3A_600 : i32
    %sub3A_602 = arith.subi %sub3A_462, %sub3A_601 : i32
    %slice3A_603 = vector.extract_strided_slice %add3A_590 {offsets = [0], sizes = [1], strides = [1]} : vector<16xi32> to vector<1xi32>
    %squeeze3A_604 = vector.extract %slice3A_603[0] : i32 from vector<1xi32>
    %shift_left3A_605 = arith.constant 0 : i32
    %shift_left3A_606 = arith.shli %squeeze3A_604, %shift_left3A_605 : i32
    %or3A_607 = arith.ori %or3A_467, %shift_left3A_606 : i32
    %shift_left3A_608 = arith.constant 255 : i32
    %shift_left3A_609 = arith.constant 0 : i32
    %shift_left3A_610 = arith.shli %shift_left3A_608, %shift_left3A_609 : i32
    %or3A_611 = arith.ori %or3A_471, %shift_left3A_610 : i32
    %xor3A_612 = arith.constant -2147483648 : i32
    %xor3A_613 = arith.xori %or3A_607, %xor3A_612 : i32
    %broadcast_in_dim3A_614 = vector.broadcast %or3A_607 : i32 to vector<16xi32>
    %broadcast_in_dim3A_615 = vector.broadcast %xor3A_613 : i32 to vector<16xi32>
    %scan3A_616 = arith.constant 0 : i32
    %scan3A_617 = arith.constant 0 : i32
    %scan3A_618 = arith.constant 0 : i32
    %scan3A_619 = arith.constant 128 : i32
    %scan3A_620 = arith.addi %scan3A_618, %scan3A_619 : i32
    %scan3A_621 = arith.constant 1 : i32
    %scan3A_622:2 = scf.for %scan3A_827 = %scan3A_618 to %scan3A_620 step %scan3A_621 iter_args(%scan3A_828 = %scan3A_616, %scan3A_829 = %scan3A_617) -> (i32, i32)  : i32 {
      %mul3A_830 = arith.constant 16 : i32
      %mul3A_831 = arith.muli %scan3A_827, %mul3A_830 : i32
      %get3A_832 = arith.index_cast %mul3A_831 : i32 to index
      %get3A_833 = tpu.vector_load %arg10[%get3A_832] {strides = array<i32>} : memref<2048xi32, #tpu.memory_space<vmem>>, vector<16xi32>,
      %xor3A_834 = arith.xori %get3A_833, %broadcast_in_dim3A_7 : vector<16xi32>
      %gt3A_835 = arith.cmpi sgt, %xor3A_834, %broadcast_in_dim3A_615 : vector<16xi32>
      %eq3A_836 = arith.cmpi eq, %get3A_833, %broadcast_in_dim3A_614 : vector<16xi32>
      %mul3A_837 = arith.constant 16 : i32
      %mul3A_838 = arith.muli %scan3A_827, %mul3A_837 : i32
      %add3A_839 = arith.addi %mul3A_0, %mul3A_838 : i32
      %add3A_840 = vector.broadcast %add3A_839 : i32 to vector<16xi32>
      %add3A_841 = arith.addi %add3A_840, %iota3A : vector<16xi32>
      %convert_element_type3A_842 = arith.extui %gt3A_835 : vector<16xi1> to vector<16xi32>
      %broadcast_in_dim3A_843 = arith.constant true
      %broadcast_in_dim3A_844 = vector.broadcast %broadcast_in_dim3A_843 : i1 to vector<16xi1>
      %masked_cumsum3A_845 = tpu.scan <sum>, %convert_element_type3A_842 masked %broadcast_in_dim3A_844 : vector<16xi32>, vector<16xi1> -> vector<16xi32>
      %add3A_846 = vector.broadcast %scan3A_828 : i32 to vector<16xi32>
      %add3A_847 = arith.addi %add3A_846, %masked_cumsum3A_845 : vector<16xi32>
      %sub3A_848 = arith.subi %add3A_847, %convert_element_type3A_842 : vector<16xi32>
      tpu.vector_store_idx %arg15[%sub3A_848], %add3A_841 masked %gt3A_835 : memref<256xi32, #tpu.memory_space<vmem>>[vector<16xi32>], vector<16xi32>, vector<16xi1>
      %convert_element_type3A_849 = arith.extui %eq3A_836 : vector<16xi1> to vector<16xi32>
      %broadcast_in_dim3A_850 = arith.constant true
      %broadcast_in_dim3A_851 = vector.broadcast %broadcast_in_dim3A_850 : i1 to vector<16xi1>
      %masked_cumsum3A_852 = tpu.scan <sum>, %convert_element_type3A_849 masked %broadcast_in_dim3A_851 : vector<16xi32>, vector<16xi1> -> vector<16xi32>
      %add3A_853 = vector.broadcast %scan3A_829 : i32 to vector<16xi32>
      %add3A_854 = arith.addi %add3A_853, %masked_cumsum3A_852 : vector<16xi32>
      %sub3A_855 = arith.subi %add3A_854, %convert_element_type3A_849 : vector<16xi32>
      %broadcast_in_dim3A_856 = arith.constant 256 : i32
      %broadcast_in_dim3A_857 = vector.broadcast %broadcast_in_dim3A_856 : i32 to vector<16xi32>
      %lt3A_858 = arith.cmpi slt, %sub3A_855, %broadcast_in_dim3A_857 : vector<16xi32>
      %and3A = arith.andi %eq3A_836, %lt3A_858 : vector<16xi1>
      tpu.vector_store_idx %arg16[%sub3A_855], %add3A_841 masked %and3A : memref<256xi32, #tpu.memory_space<vmem>>[vector<16xi32>], vector<16xi32>, vector<16xi1>
      %all_reduce_population_count3A = tpu.all_reduce %gt3A_835 {dim = 0 : i64, kind = #tpu.reduction_kind<sum>} : vector<16xi1> -> vector<16xi32>
      %slice3A_859 = vector.extract_strided_slice %all_reduce_population_count3A {offsets = [0], sizes = [1], strides = [1]} : vector<16xi32> to vector<1xi32>
      %squeeze3A_860 = vector.extract %slice3A_859[0] : i32 from vector<1xi32>
      %add3A_861 = arith.addi %scan3A_828, %squeeze3A_860 : i32
      %all_reduce_population_count3A_862 = tpu.all_reduce %eq3A_836 {dim = 0 : i64, kind = #tpu.reduction_kind<sum>} : vector<16xi1> -> vector<16xi32>
      %slice3A_863 = vector.extract_strided_slice %all_reduce_population_count3A_862 {offsets = [0], sizes = [1], strides = [1]} : vector<16xi32> to vector<1xi32>
      %squeeze3A_864 = vector.extract %slice3A_863[0] : i32 from vector<1xi32>
      %add3A_865 = arith.addi %scan3A_829, %squeeze3A_864 : i32
      scf.yield %add3A_861, %add3A_865 : i32, i32
    }
    %scan3A_623 = arith.constant 128 : i32
    %broadcast_in_dim3A_624 = vector.broadcast %scan3A_622#0 : i32 to vector<16xi32>
    %swap3A_625 = arith.constant 0 : index
    %swap3A_626 = tpu.vector_load %arg20[%swap3A_625] {strides = array<i32>} : memref<16xi32, #tpu.memory_space<vmem>>, vector<16xi32>,
    tpu.vector_store %arg20[%swap3A_625], %broadcast_in_dim3A_624 {strides = array<i32>} : memref<16xi32, #tpu.memory_space<vmem>>, vector<16xi32>,
    %mul3A_627 = arith.constant 16 : i32
    %mul3A_628 = arith.muli %arg1, %mul3A_627 : i32
    "tpu.region"() ({
      %run_scoped3A = tpu.sem_alloc : memref<!tpu.dma_semaphore, #tpu.memory_space<semaphore_mem>>
      %dma_start3A = tpu.memref_slice %arg29[%mul3A_628] : memref<256xi32, #tpu.memory_space<vmem_shared>> -> memref<16xi32, #tpu.memory_space<vmem_shared>>
      %dma_start3A_827 = tpu.memref_slice %arg29[%mul3A_628] : memref<256xi32, #tpu.memory_space<vmem_shared>> -> memref<16xi32, #tpu.memory_space<vmem_shared>>
      tpu.enqueue_dma source(%arg20 : memref<16xi32, #tpu.memory_space<vmem>>) target(%dma_start3A_827 : memref<16xi32, #tpu.memory_space<vmem_shared>>) target_semaphore(%run_scoped3A : memref<!tpu.dma_semaphore, #tpu.memory_space<semaphore_mem>>)
      %dma_wait3A = tpu.memref_slice %arg29[%mul3A_628] : memref<256xi32, #tpu.memory_space<vmem_shared>> -> memref<16xi32, #tpu.memory_space<vmem_shared>>
      %dma_wait3A_828 = tpu.memref_slice %arg29[%mul3A_628] : memref<256xi32, #tpu.memory_space<vmem_shared>> -> memref<16xi32, #tpu.memory_space<vmem_shared>>
      tpu.wait_dma2 semaphore(%run_scoped3A : memref<!tpu.dma_semaphore, #tpu.memory_space<semaphore_mem>>) src(%arg20 : memref<16xi32, #tpu.memory_space<vmem>>) dst(%dma_wait3A_828 : memref<16xi32, #tpu.memory_space<vmem_shared>>)
      tpu.yield
    }) : () -> ()
    %broadcast_in_dim3A_629 = vector.broadcast %scan3A_622#1 : i32 to vector<16xi32>
    %swap3A_630 = arith.constant 0 : index
    %swap3A_631 = tpu.vector_load %arg20[%swap3A_630] {strides = array<i32>} : memref<16xi32, #tpu.memory_space<vmem>>, vector<16xi32>,
    tpu.vector_store %arg20[%swap3A_630], %broadcast_in_dim3A_629 {strides = array<i32>} : memref<16xi32, #tpu.memory_space<vmem>>, vector<16xi32>,
    %mul3A_632 = arith.constant 16 : i32
    %mul3A_633 = arith.muli %arg1, %mul3A_632 : i32
    "tpu.region"() ({
      %run_scoped3A = tpu.sem_alloc : memref<!tpu.dma_semaphore, #tpu.memory_space<semaphore_mem>>
      %dma_start3A = tpu.memref_slice %arg30[%mul3A_633] : memref<256xi32, #tpu.memory_space<vmem_shared>> -> memref<16xi32, #tpu.memory_space<vmem_shared>>
      %dma_start3A_827 = tpu.memref_slice %arg30[%mul3A_633] : memref<256xi32, #tpu.memory_space<vmem_shared>> -> memref<16xi32, #tpu.memory_space<vmem_shared>>
      tpu.enqueue_dma source(%arg20 : memref<16xi32, #tpu.memory_space<vmem>>) target(%dma_start3A_827 : memref<16xi32, #tpu.memory_space<vmem_shared>>) target_semaphore(%run_scoped3A : memref<!tpu.dma_semaphore, #tpu.memory_space<semaphore_mem>>)
      %dma_wait3A = tpu.memref_slice %arg30[%mul3A_633] : memref<256xi32, #tpu.memory_space<vmem_shared>> -> memref<16xi32, #tpu.memory_space<vmem_shared>>
      %dma_wait3A_828 = tpu.memref_slice %arg30[%mul3A_633] : memref<256xi32, #tpu.memory_space<vmem_shared>> -> memref<16xi32, #tpu.memory_space<vmem_shared>>
      tpu.wait_dma2 semaphore(%run_scoped3A : memref<!tpu.dma_semaphore, #tpu.memory_space<semaphore_mem>>) src(%arg20 : memref<16xi32, #tpu.memory_space<vmem>>) dst(%dma_wait3A_828 : memref<16xi32, #tpu.memory_space<vmem_shared>>)
      tpu.yield
    }) : () -> ()
    %barrier3A_634 = arith.constant 0 : index
    tpu.barrier barrier_id(%barrier3A_634)
    "tpu.region"() ({
      %run_scoped3A = tpu.sem_alloc : memref<!tpu.dma_semaphore, #tpu.memory_space<semaphore_mem>>
      tpu.enqueue_dma source(%arg29 : memref<256xi32, #tpu.memory_space<vmem_shared>>) target(%arg14 : memref<256xi32, #tpu.memory_space<vmem>>) target_semaphore(%run_scoped3A : memref<!tpu.dma_semaphore, #tpu.memory_space<semaphore_mem>>)
      tpu.wait_dma2 semaphore(%run_scoped3A : memref<!tpu.dma_semaphore, #tpu.memory_space<semaphore_mem>>) src(%arg29 : memref<256xi32, #tpu.memory_space<vmem_shared>>) dst(%arg14 : memref<256xi32, #tpu.memory_space<vmem>>)
      tpu.yield
    }) : () -> ()
    %scan3A_635 = arith.constant 0 : i32
    %scan3A_636 = arith.constant 16 : i32
    %scan3A_637 = arith.addi %scan3A_635, %scan3A_636 : i32
    %scan3A_638 = arith.constant 1 : i32
    %scan3A_639 = scf.for %scan3A_827 = %scan3A_635 to %scan3A_637 step %scan3A_638 iter_args(%scan3A_828 = %broadcast_in_dim3A_1) -> (vector<16xi32>)  : i32 {
      %eq3A_829 = vector.broadcast %scan3A_827 : i32 to vector<16xi32>
      %eq3A_830 = arith.cmpi eq, %iota3A, %eq3A_829 : vector<16xi32>
      %mul3A_831 = arith.constant 16 : i32
      %mul3A_832 = arith.muli %scan3A_827, %mul3A_831 : i32
      %get3A_833 = arith.index_cast %mul3A_832 : i32 to index
      %get3A_834 = tpu.vector_load %arg14[%get3A_833] {strides = array<i32>} : memref<256xi32, #tpu.memory_space<vmem>>, vector<16xi32>,
      %select_n3A_835 = arith.select %eq3A_830, %get3A_834, %scan3A_828 : vector<16xi1>, vector<16xi32>
      scf.yield %select_n3A_835 : vector<16xi32>
    }
    %scan3A_640 = arith.constant 16 : i32
    "tpu.region"() ({
      %run_scoped3A = tpu.sem_alloc : memref<!tpu.dma_semaphore, #tpu.memory_space<semaphore_mem>>
      tpu.enqueue_dma source(%arg30 : memref<256xi32, #tpu.memory_space<vmem_shared>>) target(%arg14 : memref<256xi32, #tpu.memory_space<vmem>>) target_semaphore(%run_scoped3A : memref<!tpu.dma_semaphore, #tpu.memory_space<semaphore_mem>>)
      tpu.wait_dma2 semaphore(%run_scoped3A : memref<!tpu.dma_semaphore, #tpu.memory_space<semaphore_mem>>) src(%arg30 : memref<256xi32, #tpu.memory_space<vmem_shared>>) dst(%arg14 : memref<256xi32, #tpu.memory_space<vmem>>)
      tpu.yield
    }) : () -> ()
    %scan3A_641 = arith.constant 0 : i32
    %scan3A_642 = arith.constant 16 : i32
    %scan3A_643 = arith.addi %scan3A_641, %scan3A_642 : i32
    %scan3A_644 = arith.constant 1 : i32
    %scan3A_645 = scf.for %scan3A_827 = %scan3A_641 to %scan3A_643 step %scan3A_644 iter_args(%scan3A_828 = %broadcast_in_dim3A_1) -> (vector<16xi32>)  : i32 {
      %eq3A_829 = vector.broadcast %scan3A_827 : i32 to vector<16xi32>
      %eq3A_830 = arith.cmpi eq, %iota3A, %eq3A_829 : vector<16xi32>
      %mul3A_831 = arith.constant 16 : i32
      %mul3A_832 = arith.muli %scan3A_827, %mul3A_831 : i32
      %get3A_833 = arith.index_cast %mul3A_832 : i32 to index
      %get3A_834 = tpu.vector_load %arg14[%get3A_833] {strides = array<i32>} : memref<256xi32, #tpu.memory_space<vmem>>, vector<16xi32>,
      %select_n3A_835 = arith.select %eq3A_830, %get3A_834, %scan3A_828 : vector<16xi1>, vector<16xi32>
      scf.yield %select_n3A_835 : vector<16xi32>
    }
    %scan3A_646 = arith.constant 16 : i32
    %swap3A_647 = arith.constant 0 : index
    %swap3A_648 = tpu.vector_load %arg26[%swap3A_647] {strides = array<i32>} : memref<128xi32, #tpu.memory_space<vmem>>, vector<16xi32>,
    tpu.vector_store %arg26[%swap3A_647], %scan3A_639 {strides = array<i32>} : memref<128xi32, #tpu.memory_space<vmem>>, vector<16xi32>,
    %xor3A_649 = arith.constant 1 : i32
    %xor3A_650 = vector.broadcast %xor3A_649 : i32 to vector<16xi32>
    %xor3A_651 = arith.xori %iota3A, %xor3A_650 : vector<16xi32>
    %gather3A_652 = tpu.vector_load_idx %arg26[%xor3A_651] : memref<128xi32, #tpu.memory_space<vmem>>[vector<16xi32>], vector<16xi32>,
    %add3A_653 = arith.addi %scan3A_639, %gather3A_652 : vector<16xi32>
    %swap3A_654 = arith.constant 0 : index
    %swap3A_655 = tpu.vector_load %arg26[%swap3A_654] {strides = array<i32>} : memref<128xi32, #tpu.memory_space<vmem>>, vector<16xi32>,
    tpu.vector_store %arg26[%swap3A_654], %add3A_653 {strides = array<i32>} : memref<128xi32, #tpu.memory_space<vmem>>, vector<16xi32>,
    %xor3A_656 = arith.constant 2 : i32
    %xor3A_657 = vector.broadcast %xor3A_656 : i32 to vector<16xi32>
    %xor3A_658 = arith.xori %iota3A, %xor3A_657 : vector<16xi32>
    %gather3A_659 = tpu.vector_load_idx %arg26[%xor3A_658] : memref<128xi32, #tpu.memory_space<vmem>>[vector<16xi32>], vector<16xi32>,
    %add3A_660 = arith.addi %add3A_653, %gather3A_659 : vector<16xi32>
    %swap3A_661 = arith.constant 0 : index
    %swap3A_662 = tpu.vector_load %arg26[%swap3A_661] {strides = array<i32>} : memref<128xi32, #tpu.memory_space<vmem>>, vector<16xi32>,
    tpu.vector_store %arg26[%swap3A_661], %add3A_660 {strides = array<i32>} : memref<128xi32, #tpu.memory_space<vmem>>, vector<16xi32>,
    %xor3A_663 = arith.constant 4 : i32
    %xor3A_664 = vector.broadcast %xor3A_663 : i32 to vector<16xi32>
    %xor3A_665 = arith.xori %iota3A, %xor3A_664 : vector<16xi32>
    %gather3A_666 = tpu.vector_load_idx %arg26[%xor3A_665] : memref<128xi32, #tpu.memory_space<vmem>>[vector<16xi32>], vector<16xi32>,
    %add3A_667 = arith.addi %add3A_660, %gather3A_666 : vector<16xi32>
    %swap3A_668 = arith.constant 0 : index
    %swap3A_669 = tpu.vector_load %arg26[%swap3A_668] {strides = array<i32>} : memref<128xi32, #tpu.memory_space<vmem>>, vector<16xi32>,
    tpu.vector_store %arg26[%swap3A_668], %add3A_667 {strides = array<i32>} : memref<128xi32, #tpu.memory_space<vmem>>, vector<16xi32>,
    %xor3A_670 = arith.constant 8 : i32
    %xor3A_671 = vector.broadcast %xor3A_670 : i32 to vector<16xi32>
    %xor3A_672 = arith.xori %iota3A, %xor3A_671 : vector<16xi32>
    %gather3A_673 = tpu.vector_load_idx %arg26[%xor3A_672] : memref<128xi32, #tpu.memory_space<vmem>>[vector<16xi32>], vector<16xi32>,
    %add3A_674 = arith.addi %add3A_667, %gather3A_673 : vector<16xi32>
    %slice3A_675 = vector.extract_strided_slice %add3A_674 {offsets = [0], sizes = [1], strides = [1]} : vector<16xi32> to vector<1xi32>
    %squeeze3A_676 = vector.extract %slice3A_675[0] : i32 from vector<1xi32>
    %sub3A_677 = arith.constant 256 : i32
    %sub3A_678 = arith.subi %sub3A_677, %squeeze3A_676 : i32
    %lt3A = vector.broadcast %arg1 : i32 to vector<16xi32>
    %lt3A_679 = arith.cmpi slt, %iota3A, %lt3A : vector<16xi32>
    %jit3A_680 = arith.constant 0 : i32
    %broadcast_in_dim3A_681 = vector.broadcast %jit3A_680 : i32 to vector<16xi32>
    %select_n3A_682 = arith.select %lt3A_679, %scan3A_645, %broadcast_in_dim3A_681 : vector<16xi1>, vector<16xi32>
    %swap3A_683 = arith.constant 0 : index
    %swap3A_684 = tpu.vector_load %arg26[%swap3A_683] {strides = array<i32>} : memref<128xi32, #tpu.memory_space<vmem>>, vector<16xi32>,
    tpu.vector_store %arg26[%swap3A_683], %select_n3A_682 {strides = array<i32>} : memref<128xi32, #tpu.memory_space<vmem>>, vector<16xi32>,
    %xor3A_685 = arith.constant 1 : i32
    %xor3A_686 = vector.broadcast %xor3A_685 : i32 to vector<16xi32>
    %xor3A_687 = arith.xori %iota3A, %xor3A_686 : vector<16xi32>
    %gather3A_688 = tpu.vector_load_idx %arg26[%xor3A_687] : memref<128xi32, #tpu.memory_space<vmem>>[vector<16xi32>], vector<16xi32>,
    %add3A_689 = arith.addi %select_n3A_682, %gather3A_688 : vector<16xi32>
    %swap3A_690 = arith.constant 0 : index
    %swap3A_691 = tpu.vector_load %arg26[%swap3A_690] {strides = array<i32>} : memref<128xi32, #tpu.memory_space<vmem>>, vector<16xi32>,
    tpu.vector_store %arg26[%swap3A_690], %add3A_689 {strides = array<i32>} : memref<128xi32, #tpu.memory_space<vmem>>, vector<16xi32>,
    %xor3A_692 = arith.constant 2 : i32
    %xor3A_693 = vector.broadcast %xor3A_692 : i32 to vector<16xi32>
    %xor3A_694 = arith.xori %iota3A, %xor3A_693 : vector<16xi32>
    %gather3A_695 = tpu.vector_load_idx %arg26[%xor3A_694] : memref<128xi32, #tpu.memory_space<vmem>>[vector<16xi32>], vector<16xi32>,
    %add3A_696 = arith.addi %add3A_689, %gather3A_695 : vector<16xi32>
    %swap3A_697 = arith.constant 0 : index
    %swap3A_698 = tpu.vector_load %arg26[%swap3A_697] {strides = array<i32>} : memref<128xi32, #tpu.memory_space<vmem>>, vector<16xi32>,
    tpu.vector_store %arg26[%swap3A_697], %add3A_696 {strides = array<i32>} : memref<128xi32, #tpu.memory_space<vmem>>, vector<16xi32>,
    %xor3A_699 = arith.constant 4 : i32
    %xor3A_700 = vector.broadcast %xor3A_699 : i32 to vector<16xi32>
    %xor3A_701 = arith.xori %iota3A, %xor3A_700 : vector<16xi32>
    %gather3A_702 = tpu.vector_load_idx %arg26[%xor3A_701] : memref<128xi32, #tpu.memory_space<vmem>>[vector<16xi32>], vector<16xi32>,
    %add3A_703 = arith.addi %add3A_696, %gather3A_702 : vector<16xi32>
    %swap3A_704 = arith.constant 0 : index
    %swap3A_705 = tpu.vector_load %arg26[%swap3A_704] {strides = array<i32>} : memref<128xi32, #tpu.memory_space<vmem>>, vector<16xi32>,
    tpu.vector_store %arg26[%swap3A_704], %add3A_703 {strides = array<i32>} : memref<128xi32, #tpu.memory_space<vmem>>, vector<16xi32>,
    %xor3A_706 = arith.constant 8 : i32
    %xor3A_707 = vector.broadcast %xor3A_706 : i32 to vector<16xi32>
    %xor3A_708 = arith.xori %iota3A, %xor3A_707 : vector<16xi32>
    %gather3A_709 = tpu.vector_load_idx %arg26[%xor3A_708] : memref<128xi32, #tpu.memory_space<vmem>>[vector<16xi32>], vector<16xi32>,
    %add3A_710 = arith.addi %add3A_703, %gather3A_709 : vector<16xi32>
    %slice3A_711 = vector.extract_strided_slice %add3A_710 {offsets = [0], sizes = [1], strides = [1]} : vector<16xi32> to vector<1xi32>
    %squeeze3A_712 = vector.extract %slice3A_711[0] : i32 from vector<1xi32>
    %sub3A_713 = arith.subi %sub3A_678, %squeeze3A_712 : i32
    %jit3A_714 = arith.constant 0 : i32
    %max3A_715 = arith.maxsi %jit3A_714, %sub3A_713 : i32
    %min3A_716 = arith.minsi %scan3A_622#1, %max3A_715 : i32
    %add3A_717 = arith.addi %scan3A_622#0, %min3A_716 : i32
    %scan3A_718 = arith.constant 0 : i32
    %scan3A_719 = arith.constant 0 : i32
    %scan3A_720 = arith.constant 16 : i32
    %scan3A_721 = arith.addi %scan3A_719, %scan3A_720 : i32
    %scan3A_722 = arith.constant 1 : i32
    %scan3A_723 = scf.for %scan3A_827 = %scan3A_719 to %scan3A_721 step %scan3A_722 iter_args(%scan3A_828 = %scan3A_718) -> (i32)  : i32 {
      %mul3A_829 = arith.constant 16 : i32
      %mul3A_830 = arith.muli %scan3A_827, %mul3A_829 : i32
      %lt3A_831 = arith.cmpi slt, %mul3A_830, %min3A_716 : i32
      %convert_element_type3A_832 = arith.extui %lt3A_831 : i1 to i32
      %cond3A_833 = arith.constant 0 : i32
      %cond3A_834 = arith.cmpi ne, %convert_element_type3A_832, %cond3A_833 : i32
      scf.if %cond3A_834 {
        %mul3A_836 = arith.constant 16 : i32
        %mul3A_837 = arith.muli %scan3A_827, %mul3A_836 : i32
        %add3A_838 = vector.broadcast %mul3A_837 : i32 to vector<16xi32>
        %add3A_839 = arith.addi %add3A_838, %iota3A : vector<16xi32>
        %lt3A_840 = vector.broadcast %min3A_716 : i32 to vector<16xi32>
        %lt3A_841 = arith.cmpi slt, %add3A_839, %lt3A_840 : vector<16xi32>
        %mul3A_842 = arith.constant 16 : i32
        %mul3A_843 = arith.muli %scan3A_827, %mul3A_842 : i32
        %add3A_844 = arith.addi %scan3A_622#0, %mul3A_843 : i32
        %add3A_845 = vector.broadcast %add3A_844 : i32 to vector<16xi32>
        %add3A_846 = arith.addi %add3A_845, %iota3A : vector<16xi32>
        %mul3A_847 = arith.constant 16 : i32
        %mul3A_848 = arith.muli %scan3A_827, %mul3A_847 : i32
        %get3A_849 = arith.index_cast %mul3A_848 : i32 to index
        %get3A_850 = tpu.vector_load %arg16[%get3A_849] {strides = array<i32>} : memref<256xi32, #tpu.memory_space<vmem>>, vector<16xi32>,
        tpu.vector_store_idx %arg15[%add3A_846], %get3A_850 masked %lt3A_841 : memref<256xi32, #tpu.memory_space<vmem>>[vector<16xi32>], vector<16xi32>, vector<16xi1>
      } else {
      }
      %scan3A_835 = arith.constant 0 : i32
      scf.yield %scan3A_835 : i32
    }
    %scan3A_724 = arith.constant 16 : i32
    %get3A = arith.constant 0 : index
    %get3A_725 = tpu.vector_load %arg18[%get3A] {strides = array<i32>} : memref<16xf32, #tpu.memory_space<vmem>>, vector<16xf32>,
    %broadcast_in_dim3A_726 = arith.constant -1.00000008E-7 : f32
    %broadcast_in_dim3A_727 = vector.broadcast %broadcast_in_dim3A_726 : f32 to vector<16xf32>
    %broadcast_in_dim3A_728 = arith.constant 0.000000e+00 : f32
    %broadcast_in_dim3A_729 = vector.broadcast %broadcast_in_dim3A_728 : f32 to vector<16xf32>
    %scan3A_730 = arith.constant 0 : i32
    %scan3A_731 = arith.constant 16 : i32
    %scan3A_732 = arith.addi %scan3A_730, %scan3A_731 : i32
    %scan3A_733 = arith.constant 1 : i32
    %scan3A_734 = scf.for %scan3A_827 = %scan3A_730 to %scan3A_732 step %scan3A_733 iter_args(%scan3A_828 = %broadcast_in_dim3A_729) -> (vector<16xf32>)  : i32 {
      %mul3A_829 = arith.constant 16 : i32
      %mul3A_830 = arith.muli %scan3A_827, %mul3A_829 : i32
      %get3A_831 = arith.index_cast %mul3A_830 : i32 to index
      %get3A_832 = tpu.vector_load %arg15[%get3A_831] {strides = array<i32>} : memref<256xi32, #tpu.memory_space<vmem>>, vector<16xi32>,
      %mul3A_833 = arith.constant 16 : i32
      %mul3A_834 = arith.muli %scan3A_827, %mul3A_833 : i32
      %add3A_835 = vector.broadcast %mul3A_834 : i32 to vector<16xi32>
      %add3A_836 = arith.addi %add3A_835, %iota3A : vector<16xi32>
      %lt3A_837 = vector.broadcast %add3A_717 : i32 to vector<16xi32>
      %lt3A_838 = arith.cmpi slt, %add3A_836, %lt3A_837 : vector<16xi32>
      %sub3A_839 = vector.broadcast %mul3A_0 : i32 to vector<16xi32>
      %sub3A_840 = arith.subi %get3A_832, %sub3A_839 : vector<16xi32>
      %gather3A_841 = tpu.vector_load_idx %arg8[%sub3A_840] masked %lt3A_838 : memref<2048xf32, #tpu.memory_space<vmem>>[vector<16xi32>], vector<16xf32>, vector<16xi1>
      %gather3A_842 = tpu.vector_load_idx %arg9[%sub3A_840] masked %lt3A_838 : memref<2048xf32, #tpu.memory_space<vmem>>[vector<16xi32>], vector<16xf32>, vector<16xi1>
      %sub3A_843 = arith.subf %get3A_725, %gather3A_842 : vector<16xf32>
      %mul3A_844 = arith.mulf %broadcast_in_dim3A_727, %sub3A_843 : vector<16xf32>
      %exp3A = math.exp %mul3A_844 : vector<16xf32>
      %mul3A_845 = arith.mulf %gather3A_841, %exp3A : vector<16xf32>
      %sub3A_846 = arith.subf %mul3A_845, %scan3A_58 : vector<16xf32>
      %exp3A_847 = math.exp %sub3A_846 : vector<16xf32>
      %jit3A_848 = arith.constant 0.000000e+00 : f32
      %broadcast_in_dim3A_849 = vector.broadcast %jit3A_848 : f32 to vector<16xf32>
      %select_n3A_850 = arith.select %lt3A_838, %exp3A_847, %broadcast_in_dim3A_849 : vector<16xi1>, vector<16xf32>
      %mul3A_851 = arith.constant 16 : i32
      %mul3A_852 = arith.muli %scan3A_827, %mul3A_851 : i32
      %swap3A_853 = arith.index_cast %mul3A_852 : i32 to index
      %swap3A_854 = tpu.vector_load %arg17[%swap3A_853] {strides = array<i32>} : memref<256xf32, #tpu.memory_space<vmem>>, vector<16xf32>,
      tpu.vector_store %arg17[%swap3A_853], %select_n3A_850 {strides = array<i32>} : memref<256xf32, #tpu.memory_space<vmem>>, vector<16xf32>,
      %broadcast_in_dim3A_855 = vector.broadcast %mul3A_0 : i32 to vector<16xi32>
      %select_n3A_856 = arith.select %lt3A_838, %get3A_832, %broadcast_in_dim3A_855 : vector<16xi1>, vector<16xi32>
      %mul3A_857 = arith.constant 16 : i32
      %mul3A_858 = arith.muli %scan3A_827, %mul3A_857 : i32
      %swap3A_859 = arith.index_cast %mul3A_858 : i32 to index
      %swap3A_860 = tpu.vector_load %arg15[%swap3A_859] {strides = array<i32>} : memref<256xi32, #tpu.memory_space<vmem>>, vector<16xi32>,
      tpu.vector_store %arg15[%swap3A_859], %select_n3A_856 {strides = array<i32>} : memref<256xi32, #tpu.memory_space<vmem>>, vector<16xi32>,
      %add3A_861 = arith.addf %scan3A_828, %select_n3A_850 : vector<16xf32>
      scf.yield %add3A_861 : vector<16xf32>
    }
    %scan3A_735 = arith.constant 16 : i32
    %swap3A_736 = arith.constant 0 : index
    %swap3A_737 = tpu.vector_load %arg25[%swap3A_736] {strides = array<i32>} : memref<128xf32, #tpu.memory_space<vmem>>, vector<16xf32>,
    tpu.vector_store %arg25[%swap3A_736], %scan3A_734 {strides = array<i32>} : memref<128xf32, #tpu.memory_space<vmem>>, vector<16xf32>,
    %xor3A_738 = arith.constant 1 : i32
    %xor3A_739 = vector.broadcast %xor3A_738 : i32 to vector<16xi32>
    %xor3A_740 = arith.xori %iota3A, %xor3A_739 : vector<16xi32>
    %gather3A_741 = tpu.vector_load_idx %arg25[%xor3A_740] : memref<128xf32, #tpu.memory_space<vmem>>[vector<16xi32>], vector<16xf32>,
    %add3A_742 = arith.addf %scan3A_734, %gather3A_741 : vector<16xf32>
    %swap3A_743 = arith.constant 0 : index
    %swap3A_744 = tpu.vector_load %arg25[%swap3A_743] {strides = array<i32>} : memref<128xf32, #tpu.memory_space<vmem>>, vector<16xf32>,
    tpu.vector_store %arg25[%swap3A_743], %add3A_742 {strides = array<i32>} : memref<128xf32, #tpu.memory_space<vmem>>, vector<16xf32>,
    %xor3A_745 = arith.constant 2 : i32
    %xor3A_746 = vector.broadcast %xor3A_745 : i32 to vector<16xi32>
    %xor3A_747 = arith.xori %iota3A, %xor3A_746 : vector<16xi32>
    %gather3A_748 = tpu.vector_load_idx %arg25[%xor3A_747] : memref<128xf32, #tpu.memory_space<vmem>>[vector<16xi32>], vector<16xf32>,
    %add3A_749 = arith.addf %add3A_742, %gather3A_748 : vector<16xf32>
    %swap3A_750 = arith.constant 0 : index
    %swap3A_751 = tpu.vector_load %arg25[%swap3A_750] {strides = array<i32>} : memref<128xf32, #tpu.memory_space<vmem>>, vector<16xf32>,
    tpu.vector_store %arg25[%swap3A_750], %add3A_749 {strides = array<i32>} : memref<128xf32, #tpu.memory_space<vmem>>, vector<16xf32>,
    %xor3A_752 = arith.constant 4 : i32
    %xor3A_753 = vector.broadcast %xor3A_752 : i32 to vector<16xi32>
    %xor3A_754 = arith.xori %iota3A, %xor3A_753 : vector<16xi32>
    %gather3A_755 = tpu.vector_load_idx %arg25[%xor3A_754] : memref<128xf32, #tpu.memory_space<vmem>>[vector<16xi32>], vector<16xf32>,
    %add3A_756 = arith.addf %add3A_749, %gather3A_755 : vector<16xf32>
    %swap3A_757 = arith.constant 0 : index
    %swap3A_758 = tpu.vector_load %arg25[%swap3A_757] {strides = array<i32>} : memref<128xf32, #tpu.memory_space<vmem>>, vector<16xf32>,
    tpu.vector_store %arg25[%swap3A_757], %add3A_756 {strides = array<i32>} : memref<128xf32, #tpu.memory_space<vmem>>, vector<16xf32>,
    %xor3A_759 = arith.constant 8 : i32
    %xor3A_760 = vector.broadcast %xor3A_759 : i32 to vector<16xi32>
    %xor3A_761 = arith.xori %iota3A, %xor3A_760 : vector<16xi32>
    %gather3A_762 = tpu.vector_load_idx %arg25[%xor3A_761] : memref<128xf32, #tpu.memory_space<vmem>>[vector<16xi32>], vector<16xf32>,
    %add3A_763 = arith.addf %add3A_756, %gather3A_762 : vector<16xf32>
    %broadcast_in_dim3A_764 = arith.constant true
    %broadcast_in_dim3A_765 = vector.broadcast %broadcast_in_dim3A_764 : i1 to vector<16xi1>
    %masked_cumsum3A_766 = tpu.scan <sum>, %scan3A_645 masked %broadcast_in_dim3A_765 : vector<16xi32>, vector<16xi1> -> vector<16xi32>
    %sub3A_767 = arith.subi %masked_cumsum3A_766, %scan3A_645 : vector<16xi32>
    %broadcast_in_dim3A_768 = vector.broadcast %sub3A_678 : i32 to vector<16xi32>
    %sub3A_769 = arith.subi %broadcast_in_dim3A_768, %sub3A_767 : vector<16xi32>
    %jit3A_770 = arith.constant 0 : i32
    %max3A_771 = vector.broadcast %jit3A_770 : i32 to vector<16xi32>
    %max3A_772 = arith.maxsi %max3A_771, %sub3A_769 : vector<16xi32>
    %min3A_773 = arith.minsi %scan3A_645, %max3A_772 : vector<16xi32>
    %add3A_774 = arith.addi %scan3A_639, %min3A_773 : vector<16xi32>
    %lt3A_775 = vector.broadcast %arg1 : i32 to vector<16xi32>
    %lt3A_776 = arith.cmpi slt, %iota3A, %lt3A_775 : vector<16xi32>
    %jit3A_777 = arith.constant 0 : i32
    %broadcast_in_dim3A_778 = vector.broadcast %jit3A_777 : i32 to vector<16xi32>
    %select_n3A_779 = arith.select %lt3A_776, %add3A_774, %broadcast_in_dim3A_778 : vector<16xi1>, vector<16xi32>
    %swap3A_780 = arith.constant 0 : index
    %swap3A_781 = tpu.vector_load %arg26[%swap3A_780] {strides = array<i32>} : memref<128xi32, #tpu.memory_space<vmem>>, vector<16xi32>,
    tpu.vector_store %arg26[%swap3A_780], %select_n3A_779 {strides = array<i32>} : memref<128xi32, #tpu.memory_space<vmem>>, vector<16xi32>,
    %xor3A_782 = arith.constant 1 : i32
    %xor3A_783 = vector.broadcast %xor3A_782 : i32 to vector<16xi32>
    %xor3A_784 = arith.xori %iota3A, %xor3A_783 : vector<16xi32>
    %gather3A_785 = tpu.vector_load_idx %arg26[%xor3A_784] : memref<128xi32, #tpu.memory_space<vmem>>[vector<16xi32>], vector<16xi32>,
    %add3A_786 = arith.addi %select_n3A_779, %gather3A_785 : vector<16xi32>
    %swap3A_787 = arith.constant 0 : index
    %swap3A_788 = tpu.vector_load %arg26[%swap3A_787] {strides = array<i32>} : memref<128xi32, #tpu.memory_space<vmem>>, vector<16xi32>,
    tpu.vector_store %arg26[%swap3A_787], %add3A_786 {strides = array<i32>} : memref<128xi32, #tpu.memory_space<vmem>>, vector<16xi32>,
    %xor3A_789 = arith.constant 2 : i32
    %xor3A_790 = vector.broadcast %xor3A_789 : i32 to vector<16xi32>
    %xor3A_791 = arith.xori %iota3A, %xor3A_790 : vector<16xi32>
    %gather3A_792 = tpu.vector_load_idx %arg26[%xor3A_791] : memref<128xi32, #tpu.memory_space<vmem>>[vector<16xi32>], vector<16xi32>,
    %add3A_793 = arith.addi %add3A_786, %gather3A_792 : vector<16xi32>
    %swap3A_794 = arith.constant 0 : index
    %swap3A_795 = tpu.vector_load %arg26[%swap3A_794] {strides = array<i32>} : memref<128xi32, #tpu.memory_space<vmem>>, vector<16xi32>,
    tpu.vector_store %arg26[%swap3A_794], %add3A_793 {strides = array<i32>} : memref<128xi32, #tpu.memory_space<vmem>>, vector<16xi32>,
    %xor3A_796 = arith.constant 4 : i32
    %xor3A_797 = vector.broadcast %xor3A_796 : i32 to vector<16xi32>
    %xor3A_798 = arith.xori %iota3A, %xor3A_797 : vector<16xi32>
    %gather3A_799 = tpu.vector_load_idx %arg26[%xor3A_798] : memref<128xi32, #tpu.memory_space<vmem>>[vector<16xi32>], vector<16xi32>,
    %add3A_800 = arith.addi %add3A_793, %gather3A_799 : vector<16xi32>
    %swap3A_801 = arith.constant 0 : index
    %swap3A_802 = tpu.vector_load %arg26[%swap3A_801] {strides = array<i32>} : memref<128xi32, #tpu.memory_space<vmem>>, vector<16xi32>,
    tpu.vector_store %arg26[%swap3A_801], %add3A_800 {strides = array<i32>} : memref<128xi32, #tpu.memory_space<vmem>>, vector<16xi32>,
    %xor3A_803 = arith.constant 8 : i32
    %xor3A_804 = vector.broadcast %xor3A_803 : i32 to vector<16xi32>
    %xor3A_805 = arith.xori %iota3A, %xor3A_804 : vector<16xi32>
    %gather3A_806 = tpu.vector_load_idx %arg26[%xor3A_805] : memref<128xi32, #tpu.memory_space<vmem>>[vector<16xi32>], vector<16xi32>,
    %add3A_807 = arith.addi %add3A_800, %gather3A_806 : vector<16xi32>
    %slice3A_808 = vector.extract_strided_slice %add3A_807 {offsets = [0], sizes = [1], strides = [1]} : vector<16xi32> to vector<1xi32>
    %squeeze3A_809 = vector.extract %slice3A_808[0] : i32 from vector<1xi32>
    %scan3A_810 = arith.constant 0 : i32
    %scan3A_811 = arith.constant 0 : i32
    %scan3A_812 = arith.constant 16 : i32
    %scan3A_813 = arith.addi %scan3A_811, %scan3A_812 : i32
    %scan3A_814 = arith.constant 1 : i32
    %scan3A_815 = scf.for %scan3A_827 = %scan3A_811 to %scan3A_813 step %scan3A_814 iter_args(%scan3A_828 = %scan3A_810) -> (i32)  : i32 {
      %mul3A_829 = arith.constant 16 : i32
      %mul3A_830 = arith.muli %scan3A_827, %mul3A_829 : i32
      %lt3A_831 = arith.cmpi slt, %mul3A_830, %add3A_717 : i32
      %convert_element_type3A_832 = arith.extui %lt3A_831 : i1 to i32
      %cond3A_833 = arith.constant 0 : i32
      %cond3A_834 = arith.cmpi ne, %convert_element_type3A_832, %cond3A_833 : i32
      scf.if %cond3A_834 {
        %mul3A_836 = arith.constant 16 : i32
        %mul3A_837 = arith.muli %scan3A_827, %mul3A_836 : i32
        %add3A_838 = vector.broadcast %mul3A_837 : i32 to vector<16xi32>
        %add3A_839 = arith.addi %add3A_838, %iota3A : vector<16xi32>
        %lt3A_840 = vector.broadcast %add3A_717 : i32 to vector<16xi32>
        %lt3A_841 = arith.cmpi slt, %add3A_839, %lt3A_840 : vector<16xi32>
        %mul3A_842 = arith.constant 16 : i32
        %mul3A_843 = arith.muli %scan3A_827, %mul3A_842 : i32
        %add3A_844 = arith.addi %squeeze3A_809, %mul3A_843 : i32
        %add3A_845 = vector.broadcast %add3A_844 : i32 to vector<16xi32>
        %add3A_846 = arith.addi %add3A_845, %iota3A : vector<16xi32>
        %add3A_847 = arith.constant 256 : i32
        %add3A_848 = vector.broadcast %add3A_847 : i32 to vector<16xi32>
        %add3A_849 = arith.addi %add3A_848, %iota3A : vector<16xi32>
        %select_n3A_850 = arith.select %lt3A_841, %add3A_846, %add3A_849 : vector<16xi1>, vector<16xi32>
        %swap3A_851 = arith.constant 0 : index
        %swap3A_852 = tpu.vector_load %arg21[%swap3A_851] {strides = array<i32>} : memref<16xi32, #tpu.memory_space<vmem>>, vector<16xi32>,
        tpu.vector_store %arg21[%swap3A_851], %select_n3A_850 {strides = array<i32>} : memref<16xi32, #tpu.memory_space<vmem>>, vector<16xi32>,
        %mul3A_853 = arith.constant 16 : i32
        %mul3A_854 = arith.muli %scan3A_827, %mul3A_853 : i32
        %get3A_855 = arith.index_cast %mul3A_854 : i32 to index
        %get3A_856 = tpu.vector_load %arg15[%get3A_855] {strides = array<i32>} : memref<256xi32, #tpu.memory_space<vmem>>, vector<16xi32>,
        %swap3A_857 = arith.constant 0 : index
        %swap3A_858 = tpu.vector_load %arg22[%swap3A_857] {strides = array<i32>} : memref<16xi32, #tpu.memory_space<vmem>>, vector<16xi32>,
        tpu.vector_store %arg22[%swap3A_857], %get3A_856 {strides = array<i32>} : memref<16xi32, #tpu.memory_space<vmem>>, vector<16xi32>,
        %mul3A_859 = arith.constant 16 : i32
        %mul3A_860 = arith.muli %scan3A_827, %mul3A_859 : i32
        %get3A_861 = arith.index_cast %mul3A_860 : i32 to index
        %get3A_862 = tpu.vector_load %arg17[%get3A_861] {strides = array<i32>} : memref<256xf32, #tpu.memory_space<vmem>>, vector<16xf32>,
        %swap3A_863 = arith.constant 0 : index
        %swap3A_864 = tpu.vector_load %arg23[%swap3A_863] {strides = array<i32>} : memref<16xf32, #tpu.memory_space<vmem>>, vector<16xf32>,
        tpu.vector_store %arg23[%swap3A_863], %get3A_862 {strides = array<i32>} : memref<16xf32, #tpu.memory_space<vmem>>, vector<16xf32>,
        %dma_start3A = arith.constant 0 : i32
        %dma_start3A_865 = tpu.memref_slice %arg5[%dma_start3A] : memref<272xi32, #tpu.memory_space<hbm>> -> memref<272xi32, #tpu.memory_space<hbm>>
        tpu.enqueue_indirect_dma source(%arg22 : memref<16xi32, #tpu.memory_space<vmem>>) target(%dma_start3A_865 : memref<272xi32, #tpu.memory_space<hbm>>) offsets(%arg21 : memref<16xi32, #tpu.memory_space<vmem>>) semaphore(%arg31 : memref<!tpu.dma_semaphore, #tpu.memory_space<semaphore_mem>>)
        %dma_wait3A = arith.constant 0 : i32
        %dma_wait3A_866 = tpu.memref_slice %arg5[%dma_wait3A] : memref<272xi32, #tpu.memory_space<hbm>> -> memref<272xi32, #tpu.memory_space<hbm>>
        tpu.wait_indirect_dma semaphore(%arg31 : memref<!tpu.dma_semaphore, #tpu.memory_space<semaphore_mem>>) src(%arg22 : memref<16xi32, #tpu.memory_space<vmem>>) dst(%dma_wait3A_866 : memref<272xi32, #tpu.memory_space<hbm>>)
        %dma_start3A_867 = arith.constant 0 : i32
        %dma_start3A_868 = tpu.memref_slice %arg6[%dma_start3A_867] : memref<272xf32, #tpu.memory_space<hbm>> -> memref<272xf32, #tpu.memory_space<hbm>>
        tpu.enqueue_indirect_dma source(%arg23 : memref<16xf32, #tpu.memory_space<vmem>>) target(%dma_start3A_868 : memref<272xf32, #tpu.memory_space<hbm>>) offsets(%arg21 : memref<16xi32, #tpu.memory_space<vmem>>) semaphore(%arg31 : memref<!tpu.dma_semaphore, #tpu.memory_space<semaphore_mem>>)
        %dma_wait3A_869 = arith.constant 0 : i32
        %dma_wait3A_870 = tpu.memref_slice %arg6[%dma_wait3A_869] : memref<272xf32, #tpu.memory_space<hbm>> -> memref<272xf32, #tpu.memory_space<hbm>>
        tpu.wait_indirect_dma semaphore(%arg31 : memref<!tpu.dma_semaphore, #tpu.memory_space<semaphore_mem>>) src(%arg23 : memref<16xf32, #tpu.memory_space<vmem>>) dst(%dma_wait3A_870 : memref<272xf32, #tpu.memory_space<hbm>>)
      } else {
      }
      %scan3A_835 = arith.constant 0 : i32
      scf.yield %scan3A_835 : i32
    }
    %scan3A_816 = arith.constant 16 : i32
    %swap3A_817 = arith.constant 0 : index
    %swap3A_818 = tpu.vector_load %arg19[%swap3A_817] {strides = array<i32>} : memref<16xf32, #tpu.memory_space<vmem>>, vector<16xf32>,
    tpu.vector_store %arg19[%swap3A_817], %add3A_763 {strides = array<i32>} : memref<16xf32, #tpu.memory_space<vmem>>, vector<16xf32>,
    %mul3A_819 = arith.constant 16 : i32
    %mul3A_820 = arith.muli %arg1, %mul3A_819 : i32
    "tpu.region"() ({
      %run_scoped3A = tpu.sem_alloc : memref<!tpu.dma_semaphore, #tpu.memory_space<semaphore_mem>>
      %dma_start3A = tpu.memref_slice %arg27[%mul3A_820] : memref<256xf32, #tpu.memory_space<vmem_shared>> -> memref<16xf32, #tpu.memory_space<vmem_shared>>
      %dma_start3A_827 = tpu.memref_slice %arg27[%mul3A_820] : memref<256xf32, #tpu.memory_space<vmem_shared>> -> memref<16xf32, #tpu.memory_space<vmem_shared>>
      tpu.enqueue_dma source(%arg19 : memref<16xf32, #tpu.memory_space<vmem>>) target(%dma_start3A_827 : memref<16xf32, #tpu.memory_space<vmem_shared>>) target_semaphore(%run_scoped3A : memref<!tpu.dma_semaphore, #tpu.memory_space<semaphore_mem>>)
      %dma_wait3A = tpu.memref_slice %arg27[%mul3A_820] : memref<256xf32, #tpu.memory_space<vmem_shared>> -> memref<16xf32, #tpu.memory_space<vmem_shared>>
      %dma_wait3A_828 = tpu.memref_slice %arg27[%mul3A_820] : memref<256xf32, #tpu.memory_space<vmem_shared>> -> memref<16xf32, #tpu.memory_space<vmem_shared>>
      tpu.wait_dma2 semaphore(%run_scoped3A : memref<!tpu.dma_semaphore, #tpu.memory_space<semaphore_mem>>) src(%arg19 : memref<16xf32, #tpu.memory_space<vmem>>) dst(%dma_wait3A_828 : memref<16xf32, #tpu.memory_space<vmem_shared>>)
      tpu.yield
    }) : () -> ()
    %barrier3A_821 = arith.constant 0 : index
    tpu.barrier barrier_id(%barrier3A_821)
    %eq3A_822 = arith.constant 0 : i32
    %eq3A_823 = arith.cmpi eq, %arg1, %eq3A_822 : i32
    %convert_element_type3A_824 = arith.extui %eq3A_823 : i1 to i32
    %cond3A_825 = arith.constant 0 : i32
    %cond3A_826 = arith.cmpi ne, %convert_element_type3A_824, %cond3A_825 : i32
    scf.if %cond3A_826 {
      "tpu.region"() ({
        %run_scoped3A = tpu.sem_alloc : memref<!tpu.dma_semaphore, #tpu.memory_space<semaphore_mem>>
        tpu.enqueue_dma source(%arg27 : memref<256xf32, #tpu.memory_space<vmem_shared>>) target(%arg13 : memref<256xf32, #tpu.memory_space<vmem>>) target_semaphore(%run_scoped3A : memref<!tpu.dma_semaphore, #tpu.memory_space<semaphore_mem>>)
        tpu.wait_dma2 semaphore(%run_scoped3A : memref<!tpu.dma_semaphore, #tpu.memory_space<semaphore_mem>>) src(%arg27 : memref<256xf32, #tpu.memory_space<vmem_shared>>) dst(%arg13 : memref<256xf32, #tpu.memory_space<vmem>>)
        tpu.yield
      }) : () -> ()
      %broadcast_in_dim3A_827 = arith.constant 0.000000e+00 : f32
      %broadcast_in_dim3A_828 = vector.broadcast %broadcast_in_dim3A_827 : f32 to vector<16xf32>
      %scan3A_829 = arith.constant 0 : i32
      %scan3A_830 = arith.constant 16 : i32
      %scan3A_831 = arith.addi %scan3A_829, %scan3A_830 : i32
      %scan3A_832 = arith.constant 1 : i32
      %scan3A_833 = scf.for %scan3A_837 = %scan3A_829 to %scan3A_831 step %scan3A_832 iter_args(%scan3A_838 = %broadcast_in_dim3A_828) -> (vector<16xf32>)  : i32 {
        %mul3A_839 = arith.constant 16 : i32
        %mul3A_840 = arith.muli %scan3A_837, %mul3A_839 : i32
        %get3A_841 = arith.index_cast %mul3A_840 : i32 to index
        %get3A_842 = tpu.vector_load %arg13[%get3A_841] {strides = array<i32>} : memref<256xf32, #tpu.memory_space<vmem>>, vector<16xf32>,
        %add3A_843 = arith.addf %scan3A_838, %get3A_842 : vector<16xf32>
        scf.yield %add3A_843 : vector<16xf32>
      }
      %scan3A_834 = arith.constant 16 : i32
      %swap3A_835 = arith.constant 0 : index
      %swap3A_836 = tpu.vector_load %arg19[%swap3A_835] {strides = array<i32>} : memref<16xf32, #tpu.memory_space<vmem>>, vector<16xf32>,
      tpu.vector_store %arg19[%swap3A_835], %scan3A_833 {strides = array<i32>} : memref<16xf32, #tpu.memory_space<vmem>>, vector<16xf32>,
      "tpu.region"() ({
        %run_scoped3A = tpu.sem_alloc : memref<!tpu.dma_semaphore, #tpu.memory_space<semaphore_mem>>
        tpu.enqueue_dma source(%arg19 : memref<16xf32, #tpu.memory_space<vmem>>) target(%arg7 : memref<16xf32, #tpu.memory_space<hbm>>) target_semaphore(%run_scoped3A : memref<!tpu.dma_semaphore, #tpu.memory_space<semaphore_mem>>)
        tpu.wait_dma2 semaphore(%run_scoped3A : memref<!tpu.dma_semaphore, #tpu.memory_space<semaphore_mem>>) src(%arg19 : memref<16xf32, #tpu.memory_space<vmem>>) dst(%arg7 : memref<16xf32, #tpu.memory_space<hbm>>)
        tpu.yield
      }) : () -> ()
    } else {
    }
    return
  }
}

module attributes {stable_mosaic.version = 14 : i64} {
  func.func @_alpha_body(%arg0: i32, %arg1: memref<2048x1024xf32, #tpu.memory_space<vmem>>, %arg2: memref<1x1024xf32, #tpu.memory_space<vmem>>, %arg3: memref<1x1x2048xf32, #tpu.memory_space<vmem>>) attributes {dimension_semantics = [#tpu.dimension_semantics<arbitrary>], iteration_bounds = array<i64: 16>, scalar_prefetch = 0 : i64, scratch_operands = 0 : i64, tpu.core_type = #tpu.core_type<tc>, window_params = [{transform_indices = @transform_0, window_bounds = array<i64: 2048, 1024>}, {pipeline_mode = #tpu.pipeline_mode<synchronous>, transform_indices = @transform_1, window_bounds = array<i64: 1, 1024>}, {transform_indices = @transform_2, window_bounds = array<i64: 1, 1, 2048>}]} {
    %get3A = arith.constant 0 : index
    %get3A_0 = arith.constant 0 : index
    %get3A_1 = vector.load %arg1[%get3A, %get3A_0] : memref<2048x1024xf32, #tpu.memory_space<vmem>>, vector<2048x1024xf32>
    %get3A_2 = arith.constant 0 : index
    %get3A_3 = arith.constant 0 : index
    %get3A_4 = vector.load %arg2[%get3A_2, %get3A_3] : memref<1x1024xf32, #tpu.memory_space<vmem>>, vector<1x1024xf32>
    %dot_general3A = arith.constant dense<0.000000e+00> : vector<1x2048xf32>
    %dot_general3A_5 = tpu.matmul %get3A_4, %get3A_1, %dot_general3A {dimension_numbers = #tpu.dot_dimension_numbers<[1], [1], [0], [0], [0, 0, 1, 0], [], []>, transpose_lhs_hint = false} : vector<1x1024xf32>, vector<2048x1024xf32>, vector<1x2048xf32> -> vector<1x2048xf32>
    %reshape3A = vector.shape_cast %dot_general3A_5 : vector<1x2048xf32> to vector<1x1x2048xf32>
    %swap3A = arith.constant 0 : index
    %swap3A_6 = arith.constant 0 : index
    %swap3A_7 = arith.constant 0 : index
    %swap3A_8 = vector.load %arg3[%swap3A, %swap3A_6, %swap3A_7] : memref<1x1x2048xf32, #tpu.memory_space<vmem>>, vector<1x1x2048xf32>
    tpu.vector_store %arg3[%swap3A, %swap3A_6, %swap3A_7], %reshape3A {strides = array<i32>} : memref<1x1x2048xf32, #tpu.memory_space<vmem>>, vector<1x1x2048xf32>,
    return
  }
  func.func @transform_0(%arg0: i32) -> (i32, i32) {
    %c0_i32 = arith.constant 0 : i32
    %c0_i32_0 = arith.constant 0 : i32
    return %arg0, %c0_i32 : i32, i32
  }
  func.func @transform_1(%arg0: i32) -> (i32, i32) {
    %c0_i32 = arith.constant 0 : i32
    %c0_i32_0 = arith.constant 0 : i32
    %c0_i32_1 = arith.constant 0 : i32
    return %c0_i32, %c0_i32_0 : i32, i32
  }
  func.func @transform_2(%arg0: i32) -> (i32, i32, i32) {
    %c0_i32 = arith.constant 0 : i32
    %c0_i32_0 = arith.constant 0 : i32
    %c0_i32_1 = arith.constant 0 : i32
    return %arg0, %c0_i32, %c0_i32_0 : i32, i32, i32
  }
}

module attributes {stable_mosaic.version = 14 : i64} {
  func.func @_gru_body(%arg0: memref<1x1024xf32, #tpu.memory_space<vmem>>, %arg1: memref<3072x1025xf32, #tpu.memory_space<vmem>>, %arg2: memref<3072x1024xf32, #tpu.memory_space<vmem>>, %arg3: memref<1025x1xf32, #tpu.memory_space<vmem>>, %arg4: memref<1024x1xf32, #tpu.memory_space<vmem>>, %arg5: memref<1x1024xf32, #tpu.memory_space<vmem>>, %arg6: memref<3072x1xf32, #tpu.memory_space<vmem>>, %arg7: memref<3072x1xf32, #tpu.memory_space<vmem>>, %arg8: memref<1024x1xf32, #tpu.memory_space<vmem>>, %arg9: memref<1x1xf32, #tpu.memory_space<vmem>>) attributes {dimension_semantics = [], scalar_prefetch = 0 : i64, scratch_operands = 0 : i64, tpu.core_type = #tpu.core_type<tc>} {
    %get3A = arith.constant 0 : index
    %get3A_0 = arith.constant 0 : index
    %get3A_1 = vector.load %arg1[%get3A, %get3A_0] : memref<3072x1025xf32, #tpu.memory_space<vmem>>, vector<3072x1025xf32>
    %get3A_2 = arith.constant 0 : index
    %get3A_3 = arith.constant 0 : index
    %get3A_4 = vector.load %arg3[%get3A_2, %get3A_3] : memref<1025x1xf32, #tpu.memory_space<vmem>>, vector<1025x1xf32>
    %dot_general3A = arith.constant dense<0.000000e+00> : vector<3072x1xf32>
    %dot_general3A_5 = tpu.matmul %get3A_1, %get3A_4, %dot_general3A {dimension_numbers = #tpu.dot_dimension_numbers<[1], [0], [0], [1], [0, 0, 1, 1], [], []>, transpose_lhs_hint = false} : vector<3072x1025xf32>, vector<1025x1xf32>, vector<3072x1xf32> -> vector<3072x1xf32>
    %get3A_6 = arith.constant 0 : index
    %get3A_7 = arith.constant 0 : index
    %get3A_8 = vector.load %arg6[%get3A_6, %get3A_7] : memref<3072x1xf32, #tpu.memory_space<vmem>>, vector<3072x1xf32>
    %add3A = arith.addf %dot_general3A_5, %get3A_8 : vector<3072x1xf32>
    %get3A_9 = arith.constant 0 : index
    %get3A_10 = arith.constant 0 : index
    %get3A_11 = vector.load %arg2[%get3A_9, %get3A_10] : memref<3072x1024xf32, #tpu.memory_space<vmem>>, vector<3072x1024xf32>
    %get3A_12 = arith.constant 0 : index
    %get3A_13 = arith.constant 0 : index
    %get3A_14 = vector.load %arg4[%get3A_12, %get3A_13] : memref<1024x1xf32, #tpu.memory_space<vmem>>, vector<1024x1xf32>
    %dot_general3A_15 = arith.constant dense<0.000000e+00> : vector<3072x1xf32>
    %dot_general3A_16 = tpu.matmul %get3A_11, %get3A_14, %dot_general3A_15 {dimension_numbers = #tpu.dot_dimension_numbers<[1], [0], [0], [1], [0, 0, 1, 1], [], []>, transpose_lhs_hint = false} : vector<3072x1024xf32>, vector<1024x1xf32>, vector<3072x1xf32> -> vector<3072x1xf32>
    %get3A_17 = arith.constant 0 : index
    %get3A_18 = arith.constant 0 : index
    %get3A_19 = vector.load %arg7[%get3A_17, %get3A_18] : memref<3072x1xf32, #tpu.memory_space<vmem>>, vector<3072x1xf32>
    %add3A_20 = arith.addf %dot_general3A_16, %get3A_19 : vector<3072x1xf32>
    %slice3A = vector.extract_strided_slice %add3A {offsets = [0, 0], sizes = [1024, 1], strides = [1, 1]} : vector<3072x1xf32> to vector<1024x1xf32>
    %slice3A_21 = vector.extract_strided_slice %add3A {offsets = [1024, 0], sizes = [1024, 1], strides = [1, 1]} : vector<3072x1xf32> to vector<1024x1xf32>
    %slice3A_22 = vector.extract_strided_slice %add3A {offsets = [2048, 0], sizes = [1024, 1], strides = [1, 1]} : vector<3072x1xf32> to vector<1024x1xf32>
    %slice3A_23 = vector.extract_strided_slice %add3A_20 {offsets = [0, 0], sizes = [1024, 1], strides = [1, 1]} : vector<3072x1xf32> to vector<1024x1xf32>
    %slice3A_24 = vector.extract_strided_slice %add3A_20 {offsets = [1024, 0], sizes = [1024, 1], strides = [1, 1]} : vector<3072x1xf32> to vector<1024x1xf32>
    %slice3A_25 = vector.extract_strided_slice %add3A_20 {offsets = [2048, 0], sizes = [1024, 1], strides = [1, 1]} : vector<3072x1xf32> to vector<1024x1xf32>
    %add3A_26 = arith.addf %slice3A, %slice3A_23 : vector<1024x1xf32>
    %logistic3A = arith.negf %add3A_26 : vector<1024x1xf32>
    %logistic3A_27 = math.exp %logistic3A : vector<1024x1xf32>
    %logistic3A_28 = arith.constant 1.000000e+00 : f32
    %logistic3A_29 = vector.broadcast %logistic3A_28 : f32 to vector<1024x1xf32>
    %logistic3A_30 = arith.addf %logistic3A_29, %logistic3A_27 : vector<1024x1xf32>
    %logistic3A_31 = arith.divf %logistic3A_29, %logistic3A_30 : vector<1024x1xf32>
    %add3A_32 = arith.addf %slice3A_21, %slice3A_24 : vector<1024x1xf32>
    %logistic3A_33 = arith.negf %add3A_32 : vector<1024x1xf32>
    %logistic3A_34 = math.exp %logistic3A_33 : vector<1024x1xf32>
    %logistic3A_35 = arith.constant 1.000000e+00 : f32
    %logistic3A_36 = vector.broadcast %logistic3A_35 : f32 to vector<1024x1xf32>
    %logistic3A_37 = arith.addf %logistic3A_36, %logistic3A_34 : vector<1024x1xf32>
    %logistic3A_38 = arith.divf %logistic3A_36, %logistic3A_37 : vector<1024x1xf32>
    %mul3A = arith.mulf %logistic3A_31, %slice3A_25 : vector<1024x1xf32>
    %add3A_39 = arith.addf %slice3A_22, %mul3A : vector<1024x1xf32>
    %tanh3A = math.tanh %add3A_39 : vector<1024x1xf32>
    %sub3A = arith.constant 1.000000e+00 : f32
    %sub3A_40 = vector.broadcast %sub3A : f32 to vector<1024x1xf32>
    %sub3A_41 = arith.subf %sub3A_40, %logistic3A_38 : vector<1024x1xf32>
    %mul3A_42 = arith.mulf %sub3A_41, %tanh3A : vector<1024x1xf32>
    %get3A_43 = arith.constant 0 : index
    %get3A_44 = arith.constant 0 : index
    %get3A_45 = vector.load %arg4[%get3A_43, %get3A_44] : memref<1024x1xf32, #tpu.memory_space<vmem>>, vector<1024x1xf32>
    %mul3A_46 = arith.mulf %logistic3A_38, %get3A_45 : vector<1024x1xf32>
    %add3A_47 = arith.addf %mul3A_42, %mul3A_46 : vector<1024x1xf32>
    %swap3A = arith.constant 0 : index
    %swap3A_48 = arith.constant 0 : index
    %swap3A_49 = vector.load %arg8[%swap3A, %swap3A_48] : memref<1024x1xf32, #tpu.memory_space<vmem>>, vector<1024x1xf32>
    tpu.vector_store %arg8[%swap3A, %swap3A_48], %add3A_47 {strides = array<i32>} : memref<1024x1xf32, #tpu.memory_space<vmem>>, vector<1024x1xf32>,
    %get3A_50 = arith.constant 0 : index
    %get3A_51 = arith.constant 0 : index
    %get3A_52 = vector.load %arg5[%get3A_50, %get3A_51] : memref<1x1024xf32, #tpu.memory_space<vmem>>, vector<1x1024xf32>
    %get3A_53 = arith.constant 0 : index
    %get3A_54 = arith.constant 0 : index
    %get3A_55 = vector.load %arg0[%get3A_53, %get3A_54] : memref<1x1024xf32, #tpu.memory_space<vmem>>, vector<1x1024xf32>
    %reshape3A = vector.shape_cast %get3A_55 : vector<1x1024xf32> to vector<1024x1xf32>
    %dot_general3A_56 = arith.constant dense<0.000000e+00> : vector<1x1xf32>
    %dot_general3A_57 = tpu.matmul %get3A_52, %reshape3A, %dot_general3A_56 {dimension_numbers = #tpu.dot_dimension_numbers<[1], [0], [0], [1], [0, 0, 1, 1], [], []>, transpose_lhs_hint = false} : vector<1x1024xf32>, vector<1024x1xf32>, vector<1x1xf32> -> vector<1x1xf32>
    %swap3A_58 = arith.constant 0 : index
    %swap3A_59 = arith.constant 0 : index
    %swap3A_60 = vector.load %arg9[%swap3A_58, %swap3A_59] : memref<1x1xf32, #tpu.memory_space<vmem>>, vector<1x1xf32>
    tpu.vector_store %arg9[%swap3A_58, %swap3A_59], %dot_general3A_57 {strides = array<i32>} : memref<1x1xf32, #tpu.memory_space<vmem>>, vector<1x1xf32>,
    return
  }
}

module attributes {stable_mosaic.version = 14 : i64} {
  func.func @_gather_body(%arg0: memref<272xi32, #tpu.memory_space<smem>>, %arg1: memref<272xf32, #tpu.memory_space<smem>>, %arg2: memref<16xf32, #tpu.memory_space<smem>>, %arg3: memref<1x1xf32, #tpu.memory_space<smem>>, %arg4: memref<1xf32, #tpu.memory_space<smem>>, %arg5: memref<32768x1x1024xf32, #tpu.memory_space<any>>, %arg6: memref<1x1024xf32, #tpu.memory_space<vmem>>, %arg7: memref<1x1xf32, #tpu.memory_space<vmem>>, %arg8: memref<16x1x1024xf32, #tpu.memory_space<vmem>>, %arg9: memref<16x!tpu.dma_semaphore, #tpu.memory_space<semaphore_mem>>) attributes {dimension_semantics = [], scalar_prefetch = 0 : i64, scratch_operands = 2 : i64, tpu.core_type = #tpu.core_type<tc>} {
    %get3A = arith.constant 0 : index
    %get3A_0 = memref.load %arg0[%get3A] : memref<272xi32, #tpu.memory_space<smem>>
    %dma_start3A = arith.constant 0 : i32
    %dma_start3A_1 = tpu.memref_slice %arg9[%dma_start3A] : memref<16x!tpu.dma_semaphore, #tpu.memory_space<semaphore_mem>> -> memref<1x!tpu.dma_semaphore, #tpu.memory_space<semaphore_mem>>
    %dma_start3A_2 = tpu.memref_squeeze %dma_start3A_1 : memref<1x!tpu.dma_semaphore, #tpu.memory_space<semaphore_mem>> -> memref<!tpu.dma_semaphore, #tpu.memory_space<semaphore_mem>>
    %dma_start3A_3 = arith.constant 0 : i32
    %dma_start3A_4 = arith.constant 0 : i32
    %dma_start3A_5 = arith.constant 0 : i32
    %dma_start3A_6 = tpu.memref_slice %arg8[%dma_start3A_3, %dma_start3A_4, %dma_start3A_5] : memref<16x1x1024xf32, #tpu.memory_space<vmem>> -> memref<1x1x1024xf32, #tpu.memory_space<vmem>>
    %dma_start3A_7 = arith.constant 0 : i32
    %dma_start3A_8 = arith.constant 0 : i32
    %dma_start3A_9 = tpu.memref_slice %arg5[%get3A_0, %dma_start3A_7, %dma_start3A_8] : memref<32768x1x1024xf32, #tpu.memory_space<any>> -> memref<1x1x1024xf32, #tpu.memory_space<any>>
    tpu.enqueue_dma source(%dma_start3A_9 : memref<1x1x1024xf32, #tpu.memory_space<any>>) target(%dma_start3A_6 : memref<1x1x1024xf32, #tpu.memory_space<vmem>>) target_semaphore(%dma_start3A_2 : memref<!tpu.dma_semaphore, #tpu.memory_space<semaphore_mem>>)
    %get3A_10 = arith.constant 1 : index
    %get3A_11 = memref.load %arg0[%get3A_10] : memref<272xi32, #tpu.memory_space<smem>>
    %dma_start3A_12 = arith.constant 1 : i32
    %dma_start3A_13 = tpu.memref_slice %arg9[%dma_start3A_12] : memref<16x!tpu.dma_semaphore, #tpu.memory_space<semaphore_mem>> -> memref<1x!tpu.dma_semaphore, #tpu.memory_space<semaphore_mem>>
    %dma_start3A_14 = tpu.memref_squeeze %dma_start3A_13 : memref<1x!tpu.dma_semaphore, #tpu.memory_space<semaphore_mem>> -> memref<!tpu.dma_semaphore, #tpu.memory_space<semaphore_mem>>
    %dma_start3A_15 = arith.constant 1 : i32
    %dma_start3A_16 = arith.constant 0 : i32
    %dma_start3A_17 = arith.constant 0 : i32
    %dma_start3A_18 = tpu.memref_slice %arg8[%dma_start3A_15, %dma_start3A_16, %dma_start3A_17] : memref<16x1x1024xf32, #tpu.memory_space<vmem>> -> memref<1x1x1024xf32, #tpu.memory_space<vmem>>
    %dma_start3A_19 = arith.constant 0 : i32
    %dma_start3A_20 = arith.constant 0 : i32
    %dma_start3A_21 = tpu.memref_slice %arg5[%get3A_11, %dma_start3A_19, %dma_start3A_20] : memref<32768x1x1024xf32, #tpu.memory_space<any>> -> memref<1x1x1024xf32, #tpu.memory_space<any>>
    tpu.enqueue_dma source(%dma_start3A_21 : memref<1x1x1024xf32, #tpu.memory_space<any>>) target(%dma_start3A_18 : memref<1x1x1024xf32, #tpu.memory_space<vmem>>) target_semaphore(%dma_start3A_14 : memref<!tpu.dma_semaphore, #tpu.memory_space<semaphore_mem>>)
    %get3A_22 = arith.constant 2 : index
    %get3A_23 = memref.load %arg0[%get3A_22] : memref<272xi32, #tpu.memory_space<smem>>
    %dma_start3A_24 = arith.constant 2 : i32
    %dma_start3A_25 = tpu.memref_slice %arg9[%dma_start3A_24] : memref<16x!tpu.dma_semaphore, #tpu.memory_space<semaphore_mem>> -> memref<1x!tpu.dma_semaphore, #tpu.memory_space<semaphore_mem>>
    %dma_start3A_26 = tpu.memref_squeeze %dma_start3A_25 : memref<1x!tpu.dma_semaphore, #tpu.memory_space<semaphore_mem>> -> memref<!tpu.dma_semaphore, #tpu.memory_space<semaphore_mem>>
    %dma_start3A_27 = arith.constant 2 : i32
    %dma_start3A_28 = arith.constant 0 : i32
    %dma_start3A_29 = arith.constant 0 : i32
    %dma_start3A_30 = tpu.memref_slice %arg8[%dma_start3A_27, %dma_start3A_28, %dma_start3A_29] : memref<16x1x1024xf32, #tpu.memory_space<vmem>> -> memref<1x1x1024xf32, #tpu.memory_space<vmem>>
    %dma_start3A_31 = arith.constant 0 : i32
    %dma_start3A_32 = arith.constant 0 : i32
    %dma_start3A_33 = tpu.memref_slice %arg5[%get3A_23, %dma_start3A_31, %dma_start3A_32] : memref<32768x1x1024xf32, #tpu.memory_space<any>> -> memref<1x1x1024xf32, #tpu.memory_space<any>>
    tpu.enqueue_dma source(%dma_start3A_33 : memref<1x1x1024xf32, #tpu.memory_space<any>>) target(%dma_start3A_30 : memref<1x1x1024xf32, #tpu.memory_space<vmem>>) target_semaphore(%dma_start3A_26 : memref<!tpu.dma_semaphore, #tpu.memory_space<semaphore_mem>>)
    %get3A_34 = arith.constant 3 : index
    %get3A_35 = memref.load %arg0[%get3A_34] : memref<272xi32, #tpu.memory_space<smem>>
    %dma_start3A_36 = arith.constant 3 : i32
    %dma_start3A_37 = tpu.memref_slice %arg9[%dma_start3A_36] : memref<16x!tpu.dma_semaphore, #tpu.memory_space<semaphore_mem>> -> memref<1x!tpu.dma_semaphore, #tpu.memory_space<semaphore_mem>>
    %dma_start3A_38 = tpu.memref_squeeze %dma_start3A_37 : memref<1x!tpu.dma_semaphore, #tpu.memory_space<semaphore_mem>> -> memref<!tpu.dma_semaphore, #tpu.memory_space<semaphore_mem>>
    %dma_start3A_39 = arith.constant 3 : i32
    %dma_start3A_40 = arith.constant 0 : i32
    %dma_start3A_41 = arith.constant 0 : i32
    %dma_start3A_42 = tpu.memref_slice %arg8[%dma_start3A_39, %dma_start3A_40, %dma_start3A_41] : memref<16x1x1024xf32, #tpu.memory_space<vmem>> -> memref<1x1x1024xf32, #tpu.memory_space<vmem>>
    %dma_start3A_43 = arith.constant 0 : i32
    %dma_start3A_44 = arith.constant 0 : i32
    %dma_start3A_45 = tpu.memref_slice %arg5[%get3A_35, %dma_start3A_43, %dma_start3A_44] : memref<32768x1x1024xf32, #tpu.memory_space<any>> -> memref<1x1x1024xf32, #tpu.memory_space<any>>
    tpu.enqueue_dma source(%dma_start3A_45 : memref<1x1x1024xf32, #tpu.memory_space<any>>) target(%dma_start3A_42 : memref<1x1x1024xf32, #tpu.memory_space<vmem>>) target_semaphore(%dma_start3A_38 : memref<!tpu.dma_semaphore, #tpu.memory_space<semaphore_mem>>)
    %get3A_46 = arith.constant 4 : index
    %get3A_47 = memref.load %arg0[%get3A_46] : memref<272xi32, #tpu.memory_space<smem>>
    %dma_start3A_48 = arith.constant 4 : i32
    %dma_start3A_49 = tpu.memref_slice %arg9[%dma_start3A_48] : memref<16x!tpu.dma_semaphore, #tpu.memory_space<semaphore_mem>> -> memref<1x!tpu.dma_semaphore, #tpu.memory_space<semaphore_mem>>
    %dma_start3A_50 = tpu.memref_squeeze %dma_start3A_49 : memref<1x!tpu.dma_semaphore, #tpu.memory_space<semaphore_mem>> -> memref<!tpu.dma_semaphore, #tpu.memory_space<semaphore_mem>>
    %dma_start3A_51 = arith.constant 4 : i32
    %dma_start3A_52 = arith.constant 0 : i32
    %dma_start3A_53 = arith.constant 0 : i32
    %dma_start3A_54 = tpu.memref_slice %arg8[%dma_start3A_51, %dma_start3A_52, %dma_start3A_53] : memref<16x1x1024xf32, #tpu.memory_space<vmem>> -> memref<1x1x1024xf32, #tpu.memory_space<vmem>>
    %dma_start3A_55 = arith.constant 0 : i32
    %dma_start3A_56 = arith.constant 0 : i32
    %dma_start3A_57 = tpu.memref_slice %arg5[%get3A_47, %dma_start3A_55, %dma_start3A_56] : memref<32768x1x1024xf32, #tpu.memory_space<any>> -> memref<1x1x1024xf32, #tpu.memory_space<any>>
    tpu.enqueue_dma source(%dma_start3A_57 : memref<1x1x1024xf32, #tpu.memory_space<any>>) target(%dma_start3A_54 : memref<1x1x1024xf32, #tpu.memory_space<vmem>>) target_semaphore(%dma_start3A_50 : memref<!tpu.dma_semaphore, #tpu.memory_space<semaphore_mem>>)
    %get3A_58 = arith.constant 5 : index
    %get3A_59 = memref.load %arg0[%get3A_58] : memref<272xi32, #tpu.memory_space<smem>>
    %dma_start3A_60 = arith.constant 5 : i32
    %dma_start3A_61 = tpu.memref_slice %arg9[%dma_start3A_60] : memref<16x!tpu.dma_semaphore, #tpu.memory_space<semaphore_mem>> -> memref<1x!tpu.dma_semaphore, #tpu.memory_space<semaphore_mem>>
    %dma_start3A_62 = tpu.memref_squeeze %dma_start3A_61 : memref<1x!tpu.dma_semaphore, #tpu.memory_space<semaphore_mem>> -> memref<!tpu.dma_semaphore, #tpu.memory_space<semaphore_mem>>
    %dma_start3A_63 = arith.constant 5 : i32
    %dma_start3A_64 = arith.constant 0 : i32
    %dma_start3A_65 = arith.constant 0 : i32
    %dma_start3A_66 = tpu.memref_slice %arg8[%dma_start3A_63, %dma_start3A_64, %dma_start3A_65] : memref<16x1x1024xf32, #tpu.memory_space<vmem>> -> memref<1x1x1024xf32, #tpu.memory_space<vmem>>
    %dma_start3A_67 = arith.constant 0 : i32
    %dma_start3A_68 = arith.constant 0 : i32
    %dma_start3A_69 = tpu.memref_slice %arg5[%get3A_59, %dma_start3A_67, %dma_start3A_68] : memref<32768x1x1024xf32, #tpu.memory_space<any>> -> memref<1x1x1024xf32, #tpu.memory_space<any>>
    tpu.enqueue_dma source(%dma_start3A_69 : memref<1x1x1024xf32, #tpu.memory_space<any>>) target(%dma_start3A_66 : memref<1x1x1024xf32, #tpu.memory_space<vmem>>) target_semaphore(%dma_start3A_62 : memref<!tpu.dma_semaphore, #tpu.memory_space<semaphore_mem>>)
    %get3A_70 = arith.constant 6 : index
    %get3A_71 = memref.load %arg0[%get3A_70] : memref<272xi32, #tpu.memory_space<smem>>
    %dma_start3A_72 = arith.constant 6 : i32
    %dma_start3A_73 = tpu.memref_slice %arg9[%dma_start3A_72] : memref<16x!tpu.dma_semaphore, #tpu.memory_space<semaphore_mem>> -> memref<1x!tpu.dma_semaphore, #tpu.memory_space<semaphore_mem>>
    %dma_start3A_74 = tpu.memref_squeeze %dma_start3A_73 : memref<1x!tpu.dma_semaphore, #tpu.memory_space<semaphore_mem>> -> memref<!tpu.dma_semaphore, #tpu.memory_space<semaphore_mem>>
    %dma_start3A_75 = arith.constant 6 : i32
    %dma_start3A_76 = arith.constant 0 : i32
    %dma_start3A_77 = arith.constant 0 : i32
    %dma_start3A_78 = tpu.memref_slice %arg8[%dma_start3A_75, %dma_start3A_76, %dma_start3A_77] : memref<16x1x1024xf32, #tpu.memory_space<vmem>> -> memref<1x1x1024xf32, #tpu.memory_space<vmem>>
    %dma_start3A_79 = arith.constant 0 : i32
    %dma_start3A_80 = arith.constant 0 : i32
    %dma_start3A_81 = tpu.memref_slice %arg5[%get3A_71, %dma_start3A_79, %dma_start3A_80] : memref<32768x1x1024xf32, #tpu.memory_space<any>> -> memref<1x1x1024xf32, #tpu.memory_space<any>>
    tpu.enqueue_dma source(%dma_start3A_81 : memref<1x1x1024xf32, #tpu.memory_space<any>>) target(%dma_start3A_78 : memref<1x1x1024xf32, #tpu.memory_space<vmem>>) target_semaphore(%dma_start3A_74 : memref<!tpu.dma_semaphore, #tpu.memory_space<semaphore_mem>>)
    %get3A_82 = arith.constant 7 : index
    %get3A_83 = memref.load %arg0[%get3A_82] : memref<272xi32, #tpu.memory_space<smem>>
    %dma_start3A_84 = arith.constant 7 : i32
    %dma_start3A_85 = tpu.memref_slice %arg9[%dma_start3A_84] : memref<16x!tpu.dma_semaphore, #tpu.memory_space<semaphore_mem>> -> memref<1x!tpu.dma_semaphore, #tpu.memory_space<semaphore_mem>>
    %dma_start3A_86 = tpu.memref_squeeze %dma_start3A_85 : memref<1x!tpu.dma_semaphore, #tpu.memory_space<semaphore_mem>> -> memref<!tpu.dma_semaphore, #tpu.memory_space<semaphore_mem>>
    %dma_start3A_87 = arith.constant 7 : i32
    %dma_start3A_88 = arith.constant 0 : i32
    %dma_start3A_89 = arith.constant 0 : i32
    %dma_start3A_90 = tpu.memref_slice %arg8[%dma_start3A_87, %dma_start3A_88, %dma_start3A_89] : memref<16x1x1024xf32, #tpu.memory_space<vmem>> -> memref<1x1x1024xf32, #tpu.memory_space<vmem>>
    %dma_start3A_91 = arith.constant 0 : i32
    %dma_start3A_92 = arith.constant 0 : i32
    %dma_start3A_93 = tpu.memref_slice %arg5[%get3A_83, %dma_start3A_91, %dma_start3A_92] : memref<32768x1x1024xf32, #tpu.memory_space<any>> -> memref<1x1x1024xf32, #tpu.memory_space<any>>
    tpu.enqueue_dma source(%dma_start3A_93 : memref<1x1x1024xf32, #tpu.memory_space<any>>) target(%dma_start3A_90 : memref<1x1x1024xf32, #tpu.memory_space<vmem>>) target_semaphore(%dma_start3A_86 : memref<!tpu.dma_semaphore, #tpu.memory_space<semaphore_mem>>)
    %get3A_94 = arith.constant 8 : index
    %get3A_95 = memref.load %arg0[%get3A_94] : memref<272xi32, #tpu.memory_space<smem>>
    %dma_start3A_96 = arith.constant 8 : i32
    %dma_start3A_97 = tpu.memref_slice %arg9[%dma_start3A_96] : memref<16x!tpu.dma_semaphore, #tpu.memory_space<semaphore_mem>> -> memref<1x!tpu.dma_semaphore, #tpu.memory_space<semaphore_mem>>
    %dma_start3A_98 = tpu.memref_squeeze %dma_start3A_97 : memref<1x!tpu.dma_semaphore, #tpu.memory_space<semaphore_mem>> -> memref<!tpu.dma_semaphore, #tpu.memory_space<semaphore_mem>>
    %dma_start3A_99 = arith.constant 8 : i32
    %dma_start3A_100 = arith.constant 0 : i32
    %dma_start3A_101 = arith.constant 0 : i32
    %dma_start3A_102 = tpu.memref_slice %arg8[%dma_start3A_99, %dma_start3A_100, %dma_start3A_101] : memref<16x1x1024xf32, #tpu.memory_space<vmem>> -> memref<1x1x1024xf32, #tpu.memory_space<vmem>>
    %dma_start3A_103 = arith.constant 0 : i32
    %dma_start3A_104 = arith.constant 0 : i32
    %dma_start3A_105 = tpu.memref_slice %arg5[%get3A_95, %dma_start3A_103, %dma_start3A_104] : memref<32768x1x1024xf32, #tpu.memory_space<any>> -> memref<1x1x1024xf32, #tpu.memory_space<any>>
    tpu.enqueue_dma source(%dma_start3A_105 : memref<1x1x1024xf32, #tpu.memory_space<any>>) target(%dma_start3A_102 : memref<1x1x1024xf32, #tpu.memory_space<vmem>>) target_semaphore(%dma_start3A_98 : memref<!tpu.dma_semaphore, #tpu.memory_space<semaphore_mem>>)
    %get3A_106 = arith.constant 9 : index
    %get3A_107 = memref.load %arg0[%get3A_106] : memref<272xi32, #tpu.memory_space<smem>>
    %dma_start3A_108 = arith.constant 9 : i32
    %dma_start3A_109 = tpu.memref_slice %arg9[%dma_start3A_108] : memref<16x!tpu.dma_semaphore, #tpu.memory_space<semaphore_mem>> -> memref<1x!tpu.dma_semaphore, #tpu.memory_space<semaphore_mem>>
    %dma_start3A_110 = tpu.memref_squeeze %dma_start3A_109 : memref<1x!tpu.dma_semaphore, #tpu.memory_space<semaphore_mem>> -> memref<!tpu.dma_semaphore, #tpu.memory_space<semaphore_mem>>
    %dma_start3A_111 = arith.constant 9 : i32
    %dma_start3A_112 = arith.constant 0 : i32
    %dma_start3A_113 = arith.constant 0 : i32
    %dma_start3A_114 = tpu.memref_slice %arg8[%dma_start3A_111, %dma_start3A_112, %dma_start3A_113] : memref<16x1x1024xf32, #tpu.memory_space<vmem>> -> memref<1x1x1024xf32, #tpu.memory_space<vmem>>
    %dma_start3A_115 = arith.constant 0 : i32
    %dma_start3A_116 = arith.constant 0 : i32
    %dma_start3A_117 = tpu.memref_slice %arg5[%get3A_107, %dma_start3A_115, %dma_start3A_116] : memref<32768x1x1024xf32, #tpu.memory_space<any>> -> memref<1x1x1024xf32, #tpu.memory_space<any>>
    tpu.enqueue_dma source(%dma_start3A_117 : memref<1x1x1024xf32, #tpu.memory_space<any>>) target(%dma_start3A_114 : memref<1x1x1024xf32, #tpu.memory_space<vmem>>) target_semaphore(%dma_start3A_110 : memref<!tpu.dma_semaphore, #tpu.memory_space<semaphore_mem>>)
    %get3A_118 = arith.constant 10 : index
    %get3A_119 = memref.load %arg0[%get3A_118] : memref<272xi32, #tpu.memory_space<smem>>
    %dma_start3A_120 = arith.constant 10 : i32
    %dma_start3A_121 = tpu.memref_slice %arg9[%dma_start3A_120] : memref<16x!tpu.dma_semaphore, #tpu.memory_space<semaphore_mem>> -> memref<1x!tpu.dma_semaphore, #tpu.memory_space<semaphore_mem>>
    %dma_start3A_122 = tpu.memref_squeeze %dma_start3A_121 : memref<1x!tpu.dma_semaphore, #tpu.memory_space<semaphore_mem>> -> memref<!tpu.dma_semaphore, #tpu.memory_space<semaphore_mem>>
    %dma_start3A_123 = arith.constant 10 : i32
    %dma_start3A_124 = arith.constant 0 : i32
    %dma_start3A_125 = arith.constant 0 : i32
    %dma_start3A_126 = tpu.memref_slice %arg8[%dma_start3A_123, %dma_start3A_124, %dma_start3A_125] : memref<16x1x1024xf32, #tpu.memory_space<vmem>> -> memref<1x1x1024xf32, #tpu.memory_space<vmem>>
    %dma_start3A_127 = arith.constant 0 : i32
    %dma_start3A_128 = arith.constant 0 : i32
    %dma_start3A_129 = tpu.memref_slice %arg5[%get3A_119, %dma_start3A_127, %dma_start3A_128] : memref<32768x1x1024xf32, #tpu.memory_space<any>> -> memref<1x1x1024xf32, #tpu.memory_space<any>>
    tpu.enqueue_dma source(%dma_start3A_129 : memref<1x1x1024xf32, #tpu.memory_space<any>>) target(%dma_start3A_126 : memref<1x1x1024xf32, #tpu.memory_space<vmem>>) target_semaphore(%dma_start3A_122 : memref<!tpu.dma_semaphore, #tpu.memory_space<semaphore_mem>>)
    %get3A_130 = arith.constant 11 : index
    %get3A_131 = memref.load %arg0[%get3A_130] : memref<272xi32, #tpu.memory_space<smem>>
    %dma_start3A_132 = arith.constant 11 : i32
    %dma_start3A_133 = tpu.memref_slice %arg9[%dma_start3A_132] : memref<16x!tpu.dma_semaphore, #tpu.memory_space<semaphore_mem>> -> memref<1x!tpu.dma_semaphore, #tpu.memory_space<semaphore_mem>>
    %dma_start3A_134 = tpu.memref_squeeze %dma_start3A_133 : memref<1x!tpu.dma_semaphore, #tpu.memory_space<semaphore_mem>> -> memref<!tpu.dma_semaphore, #tpu.memory_space<semaphore_mem>>
    %dma_start3A_135 = arith.constant 11 : i32
    %dma_start3A_136 = arith.constant 0 : i32
    %dma_start3A_137 = arith.constant 0 : i32
    %dma_start3A_138 = tpu.memref_slice %arg8[%dma_start3A_135, %dma_start3A_136, %dma_start3A_137] : memref<16x1x1024xf32, #tpu.memory_space<vmem>> -> memref<1x1x1024xf32, #tpu.memory_space<vmem>>
    %dma_start3A_139 = arith.constant 0 : i32
    %dma_start3A_140 = arith.constant 0 : i32
    %dma_start3A_141 = tpu.memref_slice %arg5[%get3A_131, %dma_start3A_139, %dma_start3A_140] : memref<32768x1x1024xf32, #tpu.memory_space<any>> -> memref<1x1x1024xf32, #tpu.memory_space<any>>
    tpu.enqueue_dma source(%dma_start3A_141 : memref<1x1x1024xf32, #tpu.memory_space<any>>) target(%dma_start3A_138 : memref<1x1x1024xf32, #tpu.memory_space<vmem>>) target_semaphore(%dma_start3A_134 : memref<!tpu.dma_semaphore, #tpu.memory_space<semaphore_mem>>)
    %get3A_142 = arith.constant 12 : index
    %get3A_143 = memref.load %arg0[%get3A_142] : memref<272xi32, #tpu.memory_space<smem>>
    %dma_start3A_144 = arith.constant 12 : i32
    %dma_start3A_145 = tpu.memref_slice %arg9[%dma_start3A_144] : memref<16x!tpu.dma_semaphore, #tpu.memory_space<semaphore_mem>> -> memref<1x!tpu.dma_semaphore, #tpu.memory_space<semaphore_mem>>
    %dma_start3A_146 = tpu.memref_squeeze %dma_start3A_145 : memref<1x!tpu.dma_semaphore, #tpu.memory_space<semaphore_mem>> -> memref<!tpu.dma_semaphore, #tpu.memory_space<semaphore_mem>>
    %dma_start3A_147 = arith.constant 12 : i32
    %dma_start3A_148 = arith.constant 0 : i32
    %dma_start3A_149 = arith.constant 0 : i32
    %dma_start3A_150 = tpu.memref_slice %arg8[%dma_start3A_147, %dma_start3A_148, %dma_start3A_149] : memref<16x1x1024xf32, #tpu.memory_space<vmem>> -> memref<1x1x1024xf32, #tpu.memory_space<vmem>>
    %dma_start3A_151 = arith.constant 0 : i32
    %dma_start3A_152 = arith.constant 0 : i32
    %dma_start3A_153 = tpu.memref_slice %arg5[%get3A_143, %dma_start3A_151, %dma_start3A_152] : memref<32768x1x1024xf32, #tpu.memory_space<any>> -> memref<1x1x1024xf32, #tpu.memory_space<any>>
    tpu.enqueue_dma source(%dma_start3A_153 : memref<1x1x1024xf32, #tpu.memory_space<any>>) target(%dma_start3A_150 : memref<1x1x1024xf32, #tpu.memory_space<vmem>>) target_semaphore(%dma_start3A_146 : memref<!tpu.dma_semaphore, #tpu.memory_space<semaphore_mem>>)
    %get3A_154 = arith.constant 13 : index
    %get3A_155 = memref.load %arg0[%get3A_154] : memref<272xi32, #tpu.memory_space<smem>>
    %dma_start3A_156 = arith.constant 13 : i32
    %dma_start3A_157 = tpu.memref_slice %arg9[%dma_start3A_156] : memref<16x!tpu.dma_semaphore, #tpu.memory_space<semaphore_mem>> -> memref<1x!tpu.dma_semaphore, #tpu.memory_space<semaphore_mem>>
    %dma_start3A_158 = tpu.memref_squeeze %dma_start3A_157 : memref<1x!tpu.dma_semaphore, #tpu.memory_space<semaphore_mem>> -> memref<!tpu.dma_semaphore, #tpu.memory_space<semaphore_mem>>
    %dma_start3A_159 = arith.constant 13 : i32
    %dma_start3A_160 = arith.constant 0 : i32
    %dma_start3A_161 = arith.constant 0 : i32
    %dma_start3A_162 = tpu.memref_slice %arg8[%dma_start3A_159, %dma_start3A_160, %dma_start3A_161] : memref<16x1x1024xf32, #tpu.memory_space<vmem>> -> memref<1x1x1024xf32, #tpu.memory_space<vmem>>
    %dma_start3A_163 = arith.constant 0 : i32
    %dma_start3A_164 = arith.constant 0 : i32
    %dma_start3A_165 = tpu.memref_slice %arg5[%get3A_155, %dma_start3A_163, %dma_start3A_164] : memref<32768x1x1024xf32, #tpu.memory_space<any>> -> memref<1x1x1024xf32, #tpu.memory_space<any>>
    tpu.enqueue_dma source(%dma_start3A_165 : memref<1x1x1024xf32, #tpu.memory_space<any>>) target(%dma_start3A_162 : memref<1x1x1024xf32, #tpu.memory_space<vmem>>) target_semaphore(%dma_start3A_158 : memref<!tpu.dma_semaphore, #tpu.memory_space<semaphore_mem>>)
    %get3A_166 = arith.constant 14 : index
    %get3A_167 = memref.load %arg0[%get3A_166] : memref<272xi32, #tpu.memory_space<smem>>
    %dma_start3A_168 = arith.constant 14 : i32
    %dma_start3A_169 = tpu.memref_slice %arg9[%dma_start3A_168] : memref<16x!tpu.dma_semaphore, #tpu.memory_space<semaphore_mem>> -> memref<1x!tpu.dma_semaphore, #tpu.memory_space<semaphore_mem>>
    %dma_start3A_170 = tpu.memref_squeeze %dma_start3A_169 : memref<1x!tpu.dma_semaphore, #tpu.memory_space<semaphore_mem>> -> memref<!tpu.dma_semaphore, #tpu.memory_space<semaphore_mem>>
    %dma_start3A_171 = arith.constant 14 : i32
    %dma_start3A_172 = arith.constant 0 : i32
    %dma_start3A_173 = arith.constant 0 : i32
    %dma_start3A_174 = tpu.memref_slice %arg8[%dma_start3A_171, %dma_start3A_172, %dma_start3A_173] : memref<16x1x1024xf32, #tpu.memory_space<vmem>> -> memref<1x1x1024xf32, #tpu.memory_space<vmem>>
    %dma_start3A_175 = arith.constant 0 : i32
    %dma_start3A_176 = arith.constant 0 : i32
    %dma_start3A_177 = tpu.memref_slice %arg5[%get3A_167, %dma_start3A_175, %dma_start3A_176] : memref<32768x1x1024xf32, #tpu.memory_space<any>> -> memref<1x1x1024xf32, #tpu.memory_space<any>>
    tpu.enqueue_dma source(%dma_start3A_177 : memref<1x1x1024xf32, #tpu.memory_space<any>>) target(%dma_start3A_174 : memref<1x1x1024xf32, #tpu.memory_space<vmem>>) target_semaphore(%dma_start3A_170 : memref<!tpu.dma_semaphore, #tpu.memory_space<semaphore_mem>>)
    %get3A_178 = arith.constant 15 : index
    %get3A_179 = memref.load %arg0[%get3A_178] : memref<272xi32, #tpu.memory_space<smem>>
    %dma_start3A_180 = arith.constant 15 : i32
    %dma_start3A_181 = tpu.memref_slice %arg9[%dma_start3A_180] : memref<16x!tpu.dma_semaphore, #tpu.memory_space<semaphore_mem>> -> memref<1x!tpu.dma_semaphore, #tpu.memory_space<semaphore_mem>>
    %dma_start3A_182 = tpu.memref_squeeze %dma_start3A_181 : memref<1x!tpu.dma_semaphore, #tpu.memory_space<semaphore_mem>> -> memref<!tpu.dma_semaphore, #tpu.memory_space<semaphore_mem>>
    %dma_start3A_183 = arith.constant 15 : i32
    %dma_start3A_184 = arith.constant 0 : i32
    %dma_start3A_185 = arith.constant 0 : i32
    %dma_start3A_186 = tpu.memref_slice %arg8[%dma_start3A_183, %dma_start3A_184, %dma_start3A_185] : memref<16x1x1024xf32, #tpu.memory_space<vmem>> -> memref<1x1x1024xf32, #tpu.memory_space<vmem>>
    %dma_start3A_187 = arith.constant 0 : i32
    %dma_start3A_188 = arith.constant 0 : i32
    %dma_start3A_189 = tpu.memref_slice %arg5[%get3A_179, %dma_start3A_187, %dma_start3A_188] : memref<32768x1x1024xf32, #tpu.memory_space<any>> -> memref<1x1x1024xf32, #tpu.memory_space<any>>
    tpu.enqueue_dma source(%dma_start3A_189 : memref<1x1x1024xf32, #tpu.memory_space<any>>) target(%dma_start3A_186 : memref<1x1x1024xf32, #tpu.memory_space<vmem>>) target_semaphore(%dma_start3A_182 : memref<!tpu.dma_semaphore, #tpu.memory_space<semaphore_mem>>)
    %broadcast_in_dim3A = arith.constant 0.000000e+00 : f32
    %broadcast_in_dim3A_190 = vector.broadcast %broadcast_in_dim3A : f32 to vector<1x1024xf32>
    %scan3A = arith.constant 0 : i32
    %scan3A_191 = arith.constant 16 : i32
    %scan3A_192 = arith.addi %scan3A, %scan3A_191 : i32
    %scan3A_193 = arith.constant 1 : i32
    %scan3A_194 = scf.for %scan3A_213 = %scan3A to %scan3A_192 step %scan3A_193 iter_args(%scan3A_214 = %broadcast_in_dim3A_190) -> (vector<1x1024xf32>)  : i32 {
      %mul3A_215 = arith.constant 16 : i32
      %mul3A_216 = arith.muli %scan3A_213, %mul3A_215 : i32
      %add3A_217 = arith.constant 0 : i32
      %add3A_218 = arith.addi %mul3A_216, %add3A_217 : i32
      %get3A_219 = arith.index_cast %add3A_218 : i32 to index
      %get3A_220 = memref.load %arg0[%get3A_219] : memref<272xi32, #tpu.memory_space<smem>>
      %dma_wait3A = arith.constant 0 : i32
      %dma_wait3A_221 = tpu.memref_slice %arg9[%dma_wait3A] : memref<16x!tpu.dma_semaphore, #tpu.memory_space<semaphore_mem>> -> memref<1x!tpu.dma_semaphore, #tpu.memory_space<semaphore_mem>>
      %dma_wait3A_222 = tpu.memref_squeeze %dma_wait3A_221 : memref<1x!tpu.dma_semaphore, #tpu.memory_space<semaphore_mem>> -> memref<!tpu.dma_semaphore, #tpu.memory_space<semaphore_mem>>
      %dma_wait3A_223 = arith.constant 0 : i32
      %dma_wait3A_224 = arith.constant 0 : i32
      %dma_wait3A_225 = arith.constant 0 : i32
      %dma_wait3A_226 = tpu.memref_slice %arg8[%dma_wait3A_223, %dma_wait3A_224, %dma_wait3A_225] : memref<16x1x1024xf32, #tpu.memory_space<vmem>> -> memref<1x1x1024xf32, #tpu.memory_space<vmem>>
      %dma_wait3A_227 = arith.constant 0 : i32
      %dma_wait3A_228 = arith.constant 0 : i32
      %dma_wait3A_229 = tpu.memref_slice %arg5[%get3A_220, %dma_wait3A_227, %dma_wait3A_228] : memref<32768x1x1024xf32, #tpu.memory_space<any>> -> memref<1x1x1024xf32, #tpu.memory_space<any>>
      tpu.wait_dma2 semaphore(%dma_wait3A_222 : memref<!tpu.dma_semaphore, #tpu.memory_space<semaphore_mem>>) src(%dma_wait3A_229 : memref<1x1x1024xf32, #tpu.memory_space<any>>) dst(%dma_wait3A_226 : memref<1x1x1024xf32, #tpu.memory_space<vmem>>)
      %get3A_230 = arith.index_cast %add3A_218 : i32 to index
      %get3A_231 = memref.load %arg1[%get3A_230] : memref<272xf32, #tpu.memory_space<smem>>
      %get3A_232 = arith.constant 0 : index
      %get3A_233 = arith.constant 0 : index
      %get3A_234 = arith.constant 0 : index
      %get3A_235 = vector.load %arg8[%get3A_232, %get3A_233, %get3A_234] : memref<16x1x1024xf32, #tpu.memory_space<vmem>>, vector<1x1x1024xf32>
      %reshape3A_236 = vector.shape_cast %get3A_235 : vector<1x1x1024xf32> to vector<1x1024xf32>
      %mul3A_237 = vector.broadcast %get3A_231 : f32 to vector<1x1024xf32>
      %mul3A_238 = arith.mulf %mul3A_237, %reshape3A_236 : vector<1x1024xf32>
      %add3A_239 = arith.addf %scan3A_214, %mul3A_238 : vector<1x1024xf32>
      %lt3A = arith.constant 15 : i32
      %lt3A_240 = arith.cmpi slt, %scan3A_213, %lt3A : i32
      %convert_element_type3A = arith.extui %lt3A_240 : i1 to i32
      %cond3A = arith.constant 0 : i32
      %cond3A_241 = arith.cmpi ne, %convert_element_type3A, %cond3A : i32
      scf.if %cond3A_241 {
        %add3A_707 = arith.constant 16 : i32
        %add3A_708 = arith.addi %add3A_218, %add3A_707 : i32
        %get3A_709 = arith.index_cast %add3A_708 : i32 to index
        %get3A_710 = memref.load %arg0[%get3A_709] : memref<272xi32, #tpu.memory_space<smem>>
        %dma_start3A_711 = arith.constant 0 : i32
        %dma_start3A_712 = tpu.memref_slice %arg9[%dma_start3A_711] : memref<16x!tpu.dma_semaphore, #tpu.memory_space<semaphore_mem>> -> memref<1x!tpu.dma_semaphore, #tpu.memory_space<semaphore_mem>>
        %dma_start3A_713 = tpu.memref_squeeze %dma_start3A_712 : memref<1x!tpu.dma_semaphore, #tpu.memory_space<semaphore_mem>> -> memref<!tpu.dma_semaphore, #tpu.memory_space<semaphore_mem>>
        %dma_start3A_714 = arith.constant 0 : i32
        %dma_start3A_715 = arith.constant 0 : i32
        %dma_start3A_716 = arith.constant 0 : i32
        %dma_start3A_717 = tpu.memref_slice %arg8[%dma_start3A_714, %dma_start3A_715, %dma_start3A_716] : memref<16x1x1024xf32, #tpu.memory_space<vmem>> -> memref<1x1x1024xf32, #tpu.memory_space<vmem>>
        %dma_start3A_718 = arith.constant 0 : i32
        %dma_start3A_719 = arith.constant 0 : i32
        %dma_start3A_720 = tpu.memref_slice %arg5[%get3A_710, %dma_start3A_718, %dma_start3A_719] : memref<32768x1x1024xf32, #tpu.memory_space<any>> -> memref<1x1x1024xf32, #tpu.memory_space<any>>
        tpu.enqueue_dma source(%dma_start3A_720 : memref<1x1x1024xf32, #tpu.memory_space<any>>) target(%dma_start3A_717 : memref<1x1x1024xf32, #tpu.memory_space<vmem>>) target_semaphore(%dma_start3A_713 : memref<!tpu.dma_semaphore, #tpu.memory_space<semaphore_mem>>)
      } else {
      }
      %mul3A_242 = arith.constant 16 : i32
      %mul3A_243 = arith.muli %scan3A_213, %mul3A_242 : i32
      %add3A_244 = arith.constant 1 : i32
      %add3A_245 = arith.addi %mul3A_243, %add3A_244 : i32
      %get3A_246 = arith.index_cast %add3A_245 : i32 to index
      %get3A_247 = memref.load %arg0[%get3A_246] : memref<272xi32, #tpu.memory_space<smem>>
      %dma_wait3A_248 = arith.constant 1 : i32
      %dma_wait3A_249 = tpu.memref_slice %arg9[%dma_wait3A_248] : memref<16x!tpu.dma_semaphore, #tpu.memory_space<semaphore_mem>> -> memref<1x!tpu.dma_semaphore, #tpu.memory_space<semaphore_mem>>
      %dma_wait3A_250 = tpu.memref_squeeze %dma_wait3A_249 : memref<1x!tpu.dma_semaphore, #tpu.memory_space<semaphore_mem>> -> memref<!tpu.dma_semaphore, #tpu.memory_space<semaphore_mem>>
      %dma_wait3A_251 = arith.constant 1 : i32
      %dma_wait3A_252 = arith.constant 0 : i32
      %dma_wait3A_253 = arith.constant 0 : i32
      %dma_wait3A_254 = tpu.memref_slice %arg8[%dma_wait3A_251, %dma_wait3A_252, %dma_wait3A_253] : memref<16x1x1024xf32, #tpu.memory_space<vmem>> -> memref<1x1x1024xf32, #tpu.memory_space<vmem>>
      %dma_wait3A_255 = arith.constant 0 : i32
      %dma_wait3A_256 = arith.constant 0 : i32
      %dma_wait3A_257 = tpu.memref_slice %arg5[%get3A_247, %dma_wait3A_255, %dma_wait3A_256] : memref<32768x1x1024xf32, #tpu.memory_space<any>> -> memref<1x1x1024xf32, #tpu.memory_space<any>>
      tpu.wait_dma2 semaphore(%dma_wait3A_250 : memref<!tpu.dma_semaphore, #tpu.memory_space<semaphore_mem>>) src(%dma_wait3A_257 : memref<1x1x1024xf32, #tpu.memory_space<any>>) dst(%dma_wait3A_254 : memref<1x1x1024xf32, #tpu.memory_space<vmem>>)
      %get3A_258 = arith.index_cast %add3A_245 : i32 to index
      %get3A_259 = memref.load %arg1[%get3A_258] : memref<272xf32, #tpu.memory_space<smem>>
      %get3A_260 = arith.constant 1 : index
      %get3A_261 = arith.constant 0 : index
      %get3A_262 = arith.constant 0 : index
      %get3A_263 = vector.load %arg8[%get3A_260, %get3A_261, %get3A_262] : memref<16x1x1024xf32, #tpu.memory_space<vmem>>, vector<1x1x1024xf32>
      %reshape3A_264 = vector.shape_cast %get3A_263 : vector<1x1x1024xf32> to vector<1x1024xf32>
      %mul3A_265 = vector.broadcast %get3A_259 : f32 to vector<1x1024xf32>
      %mul3A_266 = arith.mulf %mul3A_265, %reshape3A_264 : vector<1x1024xf32>
      %add3A_267 = arith.addf %add3A_239, %mul3A_266 : vector<1x1024xf32>
      %lt3A_268 = arith.constant 15 : i32
      %lt3A_269 = arith.cmpi slt, %scan3A_213, %lt3A_268 : i32
      %convert_element_type3A_270 = arith.extui %lt3A_269 : i1 to i32
      %cond3A_271 = arith.constant 0 : i32
      %cond3A_272 = arith.cmpi ne, %convert_element_type3A_270, %cond3A_271 : i32
      scf.if %cond3A_272 {
        %add3A_707 = arith.constant 16 : i32
        %add3A_708 = arith.addi %add3A_245, %add3A_707 : i32
        %get3A_709 = arith.index_cast %add3A_708 : i32 to index
        %get3A_710 = memref.load %arg0[%get3A_709] : memref<272xi32, #tpu.memory_space<smem>>
        %dma_start3A_711 = arith.constant 1 : i32
        %dma_start3A_712 = tpu.memref_slice %arg9[%dma_start3A_711] : memref<16x!tpu.dma_semaphore, #tpu.memory_space<semaphore_mem>> -> memref<1x!tpu.dma_semaphore, #tpu.memory_space<semaphore_mem>>
        %dma_start3A_713 = tpu.memref_squeeze %dma_start3A_712 : memref<1x!tpu.dma_semaphore, #tpu.memory_space<semaphore_mem>> -> memref<!tpu.dma_semaphore, #tpu.memory_space<semaphore_mem>>
        %dma_start3A_714 = arith.constant 1 : i32
        %dma_start3A_715 = arith.constant 0 : i32
        %dma_start3A_716 = arith.constant 0 : i32
        %dma_start3A_717 = tpu.memref_slice %arg8[%dma_start3A_714, %dma_start3A_715, %dma_start3A_716] : memref<16x1x1024xf32, #tpu.memory_space<vmem>> -> memref<1x1x1024xf32, #tpu.memory_space<vmem>>
        %dma_start3A_718 = arith.constant 0 : i32
        %dma_start3A_719 = arith.constant 0 : i32
        %dma_start3A_720 = tpu.memref_slice %arg5[%get3A_710, %dma_start3A_718, %dma_start3A_719] : memref<32768x1x1024xf32, #tpu.memory_space<any>> -> memref<1x1x1024xf32, #tpu.memory_space<any>>
        tpu.enqueue_dma source(%dma_start3A_720 : memref<1x1x1024xf32, #tpu.memory_space<any>>) target(%dma_start3A_717 : memref<1x1x1024xf32, #tpu.memory_space<vmem>>) target_semaphore(%dma_start3A_713 : memref<!tpu.dma_semaphore, #tpu.memory_space<semaphore_mem>>)
      } else {
      }
      %mul3A_273 = arith.constant 16 : i32
      %mul3A_274 = arith.muli %scan3A_213, %mul3A_273 : i32
      %add3A_275 = arith.constant 2 : i32
      %add3A_276 = arith.addi %mul3A_274, %add3A_275 : i32
      %get3A_277 = arith.index_cast %add3A_276 : i32 to index
      %get3A_278 = memref.load %arg0[%get3A_277] : memref<272xi32, #tpu.memory_space<smem>>
      %dma_wait3A_279 = arith.constant 2 : i32
      %dma_wait3A_280 = tpu.memref_slice %arg9[%dma_wait3A_279] : memref<16x!tpu.dma_semaphore, #tpu.memory_space<semaphore_mem>> -> memref<1x!tpu.dma_semaphore, #tpu.memory_space<semaphore_mem>>
      %dma_wait3A_281 = tpu.memref_squeeze %dma_wait3A_280 : memref<1x!tpu.dma_semaphore, #tpu.memory_space<semaphore_mem>> -> memref<!tpu.dma_semaphore, #tpu.memory_space<semaphore_mem>>
      %dma_wait3A_282 = arith.constant 2 : i32
      %dma_wait3A_283 = arith.constant 0 : i32
      %dma_wait3A_284 = arith.constant 0 : i32
      %dma_wait3A_285 = tpu.memref_slice %arg8[%dma_wait3A_282, %dma_wait3A_283, %dma_wait3A_284] : memref<16x1x1024xf32, #tpu.memory_space<vmem>> -> memref<1x1x1024xf32, #tpu.memory_space<vmem>>
      %dma_wait3A_286 = arith.constant 0 : i32
      %dma_wait3A_287 = arith.constant 0 : i32
      %dma_wait3A_288 = tpu.memref_slice %arg5[%get3A_278, %dma_wait3A_286, %dma_wait3A_287] : memref<32768x1x1024xf32, #tpu.memory_space<any>> -> memref<1x1x1024xf32, #tpu.memory_space<any>>
      tpu.wait_dma2 semaphore(%dma_wait3A_281 : memref<!tpu.dma_semaphore, #tpu.memory_space<semaphore_mem>>) src(%dma_wait3A_288 : memref<1x1x1024xf32, #tpu.memory_space<any>>) dst(%dma_wait3A_285 : memref<1x1x1024xf32, #tpu.memory_space<vmem>>)
      %get3A_289 = arith.index_cast %add3A_276 : i32 to index
      %get3A_290 = memref.load %arg1[%get3A_289] : memref<272xf32, #tpu.memory_space<smem>>
      %get3A_291 = arith.constant 2 : index
      %get3A_292 = arith.constant 0 : index
      %get3A_293 = arith.constant 0 : index
      %get3A_294 = vector.load %arg8[%get3A_291, %get3A_292, %get3A_293] : memref<16x1x1024xf32, #tpu.memory_space<vmem>>, vector<1x1x1024xf32>
      %reshape3A_295 = vector.shape_cast %get3A_294 : vector<1x1x1024xf32> to vector<1x1024xf32>
      %mul3A_296 = vector.broadcast %get3A_290 : f32 to vector<1x1024xf32>
      %mul3A_297 = arith.mulf %mul3A_296, %reshape3A_295 : vector<1x1024xf32>
      %add3A_298 = arith.addf %add3A_267, %mul3A_297 : vector<1x1024xf32>
      %lt3A_299 = arith.constant 15 : i32
      %lt3A_300 = arith.cmpi slt, %scan3A_213, %lt3A_299 : i32
      %convert_element_type3A_301 = arith.extui %lt3A_300 : i1 to i32
      %cond3A_302 = arith.constant 0 : i32
      %cond3A_303 = arith.cmpi ne, %convert_element_type3A_301, %cond3A_302 : i32
      scf.if %cond3A_303 {
        %add3A_707 = arith.constant 16 : i32
        %add3A_708 = arith.addi %add3A_276, %add3A_707 : i32
        %get3A_709 = arith.index_cast %add3A_708 : i32 to index
        %get3A_710 = memref.load %arg0[%get3A_709] : memref<272xi32, #tpu.memory_space<smem>>
        %dma_start3A_711 = arith.constant 2 : i32
        %dma_start3A_712 = tpu.memref_slice %arg9[%dma_start3A_711] : memref<16x!tpu.dma_semaphore, #tpu.memory_space<semaphore_mem>> -> memref<1x!tpu.dma_semaphore, #tpu.memory_space<semaphore_mem>>
        %dma_start3A_713 = tpu.memref_squeeze %dma_start3A_712 : memref<1x!tpu.dma_semaphore, #tpu.memory_space<semaphore_mem>> -> memref<!tpu.dma_semaphore, #tpu.memory_space<semaphore_mem>>
        %dma_start3A_714 = arith.constant 2 : i32
        %dma_start3A_715 = arith.constant 0 : i32
        %dma_start3A_716 = arith.constant 0 : i32
        %dma_start3A_717 = tpu.memref_slice %arg8[%dma_start3A_714, %dma_start3A_715, %dma_start3A_716] : memref<16x1x1024xf32, #tpu.memory_space<vmem>> -> memref<1x1x1024xf32, #tpu.memory_space<vmem>>
        %dma_start3A_718 = arith.constant 0 : i32
        %dma_start3A_719 = arith.constant 0 : i32
        %dma_start3A_720 = tpu.memref_slice %arg5[%get3A_710, %dma_start3A_718, %dma_start3A_719] : memref<32768x1x1024xf32, #tpu.memory_space<any>> -> memref<1x1x1024xf32, #tpu.memory_space<any>>
        tpu.enqueue_dma source(%dma_start3A_720 : memref<1x1x1024xf32, #tpu.memory_space<any>>) target(%dma_start3A_717 : memref<1x1x1024xf32, #tpu.memory_space<vmem>>) target_semaphore(%dma_start3A_713 : memref<!tpu.dma_semaphore, #tpu.memory_space<semaphore_mem>>)
      } else {
      }
      %mul3A_304 = arith.constant 16 : i32
      %mul3A_305 = arith.muli %scan3A_213, %mul3A_304 : i32
      %add3A_306 = arith.constant 3 : i32
      %add3A_307 = arith.addi %mul3A_305, %add3A_306 : i32
      %get3A_308 = arith.index_cast %add3A_307 : i32 to index
      %get3A_309 = memref.load %arg0[%get3A_308] : memref<272xi32, #tpu.memory_space<smem>>
      %dma_wait3A_310 = arith.constant 3 : i32
      %dma_wait3A_311 = tpu.memref_slice %arg9[%dma_wait3A_310] : memref<16x!tpu.dma_semaphore, #tpu.memory_space<semaphore_mem>> -> memref<1x!tpu.dma_semaphore, #tpu.memory_space<semaphore_mem>>
      %dma_wait3A_312 = tpu.memref_squeeze %dma_wait3A_311 : memref<1x!tpu.dma_semaphore, #tpu.memory_space<semaphore_mem>> -> memref<!tpu.dma_semaphore, #tpu.memory_space<semaphore_mem>>
      %dma_wait3A_313 = arith.constant 3 : i32
      %dma_wait3A_314 = arith.constant 0 : i32
      %dma_wait3A_315 = arith.constant 0 : i32
      %dma_wait3A_316 = tpu.memref_slice %arg8[%dma_wait3A_313, %dma_wait3A_314, %dma_wait3A_315] : memref<16x1x1024xf32, #tpu.memory_space<vmem>> -> memref<1x1x1024xf32, #tpu.memory_space<vmem>>
      %dma_wait3A_317 = arith.constant 0 : i32
      %dma_wait3A_318 = arith.constant 0 : i32
      %dma_wait3A_319 = tpu.memref_slice %arg5[%get3A_309, %dma_wait3A_317, %dma_wait3A_318] : memref<32768x1x1024xf32, #tpu.memory_space<any>> -> memref<1x1x1024xf32, #tpu.memory_space<any>>
      tpu.wait_dma2 semaphore(%dma_wait3A_312 : memref<!tpu.dma_semaphore, #tpu.memory_space<semaphore_mem>>) src(%dma_wait3A_319 : memref<1x1x1024xf32, #tpu.memory_space<any>>) dst(%dma_wait3A_316 : memref<1x1x1024xf32, #tpu.memory_space<vmem>>)
      %get3A_320 = arith.index_cast %add3A_307 : i32 to index
      %get3A_321 = memref.load %arg1[%get3A_320] : memref<272xf32, #tpu.memory_space<smem>>
      %get3A_322 = arith.constant 3 : index
      %get3A_323 = arith.constant 0 : index
      %get3A_324 = arith.constant 0 : index
      %get3A_325 = vector.load %arg8[%get3A_322, %get3A_323, %get3A_324] : memref<16x1x1024xf32, #tpu.memory_space<vmem>>, vector<1x1x1024xf32>
      %reshape3A_326 = vector.shape_cast %get3A_325 : vector<1x1x1024xf32> to vector<1x1024xf32>
      %mul3A_327 = vector.broadcast %get3A_321 : f32 to vector<1x1024xf32>
      %mul3A_328 = arith.mulf %mul3A_327, %reshape3A_326 : vector<1x1024xf32>
      %add3A_329 = arith.addf %add3A_298, %mul3A_328 : vector<1x1024xf32>
      %lt3A_330 = arith.constant 15 : i32
      %lt3A_331 = arith.cmpi slt, %scan3A_213, %lt3A_330 : i32
      %convert_element_type3A_332 = arith.extui %lt3A_331 : i1 to i32
      %cond3A_333 = arith.constant 0 : i32
      %cond3A_334 = arith.cmpi ne, %convert_element_type3A_332, %cond3A_333 : i32
      scf.if %cond3A_334 {
        %add3A_707 = arith.constant 16 : i32
        %add3A_708 = arith.addi %add3A_307, %add3A_707 : i32
        %get3A_709 = arith.index_cast %add3A_708 : i32 to index
        %get3A_710 = memref.load %arg0[%get3A_709] : memref<272xi32, #tpu.memory_space<smem>>
        %dma_start3A_711 = arith.constant 3 : i32
        %dma_start3A_712 = tpu.memref_slice %arg9[%dma_start3A_711] : memref<16x!tpu.dma_semaphore, #tpu.memory_space<semaphore_mem>> -> memref<1x!tpu.dma_semaphore, #tpu.memory_space<semaphore_mem>>
        %dma_start3A_713 = tpu.memref_squeeze %dma_start3A_712 : memref<1x!tpu.dma_semaphore, #tpu.memory_space<semaphore_mem>> -> memref<!tpu.dma_semaphore, #tpu.memory_space<semaphore_mem>>
        %dma_start3A_714 = arith.constant 3 : i32
        %dma_start3A_715 = arith.constant 0 : i32
        %dma_start3A_716 = arith.constant 0 : i32
        %dma_start3A_717 = tpu.memref_slice %arg8[%dma_start3A_714, %dma_start3A_715, %dma_start3A_716] : memref<16x1x1024xf32, #tpu.memory_space<vmem>> -> memref<1x1x1024xf32, #tpu.memory_space<vmem>>
        %dma_start3A_718 = arith.constant 0 : i32
        %dma_start3A_719 = arith.constant 0 : i32
        %dma_start3A_720 = tpu.memref_slice %arg5[%get3A_710, %dma_start3A_718, %dma_start3A_719] : memref<32768x1x1024xf32, #tpu.memory_space<any>> -> memref<1x1x1024xf32, #tpu.memory_space<any>>
        tpu.enqueue_dma source(%dma_start3A_720 : memref<1x1x1024xf32, #tpu.memory_space<any>>) target(%dma_start3A_717 : memref<1x1x1024xf32, #tpu.memory_space<vmem>>) target_semaphore(%dma_start3A_713 : memref<!tpu.dma_semaphore, #tpu.memory_space<semaphore_mem>>)
      } else {
      }
      %mul3A_335 = arith.constant 16 : i32
      %mul3A_336 = arith.muli %scan3A_213, %mul3A_335 : i32
      %add3A_337 = arith.constant 4 : i32
      %add3A_338 = arith.addi %mul3A_336, %add3A_337 : i32
      %get3A_339 = arith.index_cast %add3A_338 : i32 to index
      %get3A_340 = memref.load %arg0[%get3A_339] : memref<272xi32, #tpu.memory_space<smem>>
      %dma_wait3A_341 = arith.constant 4 : i32
      %dma_wait3A_342 = tpu.memref_slice %arg9[%dma_wait3A_341] : memref<16x!tpu.dma_semaphore, #tpu.memory_space<semaphore_mem>> -> memref<1x!tpu.dma_semaphore, #tpu.memory_space<semaphore_mem>>
      %dma_wait3A_343 = tpu.memref_squeeze %dma_wait3A_342 : memref<1x!tpu.dma_semaphore, #tpu.memory_space<semaphore_mem>> -> memref<!tpu.dma_semaphore, #tpu.memory_space<semaphore_mem>>
      %dma_wait3A_344 = arith.constant 4 : i32
      %dma_wait3A_345 = arith.constant 0 : i32
      %dma_wait3A_346 = arith.constant 0 : i32
      %dma_wait3A_347 = tpu.memref_slice %arg8[%dma_wait3A_344, %dma_wait3A_345, %dma_wait3A_346] : memref<16x1x1024xf32, #tpu.memory_space<vmem>> -> memref<1x1x1024xf32, #tpu.memory_space<vmem>>
      %dma_wait3A_348 = arith.constant 0 : i32
      %dma_wait3A_349 = arith.constant 0 : i32
      %dma_wait3A_350 = tpu.memref_slice %arg5[%get3A_340, %dma_wait3A_348, %dma_wait3A_349] : memref<32768x1x1024xf32, #tpu.memory_space<any>> -> memref<1x1x1024xf32, #tpu.memory_space<any>>
      tpu.wait_dma2 semaphore(%dma_wait3A_343 : memref<!tpu.dma_semaphore, #tpu.memory_space<semaphore_mem>>) src(%dma_wait3A_350 : memref<1x1x1024xf32, #tpu.memory_space<any>>) dst(%dma_wait3A_347 : memref<1x1x1024xf32, #tpu.memory_space<vmem>>)
      %get3A_351 = arith.index_cast %add3A_338 : i32 to index
      %get3A_352 = memref.load %arg1[%get3A_351] : memref<272xf32, #tpu.memory_space<smem>>
      %get3A_353 = arith.constant 4 : index
      %get3A_354 = arith.constant 0 : index
      %get3A_355 = arith.constant 0 : index
      %get3A_356 = vector.load %arg8[%get3A_353, %get3A_354, %get3A_355] : memref<16x1x1024xf32, #tpu.memory_space<vmem>>, vector<1x1x1024xf32>
      %reshape3A_357 = vector.shape_cast %get3A_356 : vector<1x1x1024xf32> to vector<1x1024xf32>
      %mul3A_358 = vector.broadcast %get3A_352 : f32 to vector<1x1024xf32>
      %mul3A_359 = arith.mulf %mul3A_358, %reshape3A_357 : vector<1x1024xf32>
      %add3A_360 = arith.addf %add3A_329, %mul3A_359 : vector<1x1024xf32>
      %lt3A_361 = arith.constant 15 : i32
      %lt3A_362 = arith.cmpi slt, %scan3A_213, %lt3A_361 : i32
      %convert_element_type3A_363 = arith.extui %lt3A_362 : i1 to i32
      %cond3A_364 = arith.constant 0 : i32
      %cond3A_365 = arith.cmpi ne, %convert_element_type3A_363, %cond3A_364 : i32
      scf.if %cond3A_365 {
        %add3A_707 = arith.constant 16 : i32
        %add3A_708 = arith.addi %add3A_338, %add3A_707 : i32
        %get3A_709 = arith.index_cast %add3A_708 : i32 to index
        %get3A_710 = memref.load %arg0[%get3A_709] : memref<272xi32, #tpu.memory_space<smem>>
        %dma_start3A_711 = arith.constant 4 : i32
        %dma_start3A_712 = tpu.memref_slice %arg9[%dma_start3A_711] : memref<16x!tpu.dma_semaphore, #tpu.memory_space<semaphore_mem>> -> memref<1x!tpu.dma_semaphore, #tpu.memory_space<semaphore_mem>>
        %dma_start3A_713 = tpu.memref_squeeze %dma_start3A_712 : memref<1x!tpu.dma_semaphore, #tpu.memory_space<semaphore_mem>> -> memref<!tpu.dma_semaphore, #tpu.memory_space<semaphore_mem>>
        %dma_start3A_714 = arith.constant 4 : i32
        %dma_start3A_715 = arith.constant 0 : i32
        %dma_start3A_716 = arith.constant 0 : i32
        %dma_start3A_717 = tpu.memref_slice %arg8[%dma_start3A_714, %dma_start3A_715, %dma_start3A_716] : memref<16x1x1024xf32, #tpu.memory_space<vmem>> -> memref<1x1x1024xf32, #tpu.memory_space<vmem>>
        %dma_start3A_718 = arith.constant 0 : i32
        %dma_start3A_719 = arith.constant 0 : i32
        %dma_start3A_720 = tpu.memref_slice %arg5[%get3A_710, %dma_start3A_718, %dma_start3A_719] : memref<32768x1x1024xf32, #tpu.memory_space<any>> -> memref<1x1x1024xf32, #tpu.memory_space<any>>
        tpu.enqueue_dma source(%dma_start3A_720 : memref<1x1x1024xf32, #tpu.memory_space<any>>) target(%dma_start3A_717 : memref<1x1x1024xf32, #tpu.memory_space<vmem>>) target_semaphore(%dma_start3A_713 : memref<!tpu.dma_semaphore, #tpu.memory_space<semaphore_mem>>)
      } else {
      }
      %mul3A_366 = arith.constant 16 : i32
      %mul3A_367 = arith.muli %scan3A_213, %mul3A_366 : i32
      %add3A_368 = arith.constant 5 : i32
      %add3A_369 = arith.addi %mul3A_367, %add3A_368 : i32
      %get3A_370 = arith.index_cast %add3A_369 : i32 to index
      %get3A_371 = memref.load %arg0[%get3A_370] : memref<272xi32, #tpu.memory_space<smem>>
      %dma_wait3A_372 = arith.constant 5 : i32
      %dma_wait3A_373 = tpu.memref_slice %arg9[%dma_wait3A_372] : memref<16x!tpu.dma_semaphore, #tpu.memory_space<semaphore_mem>> -> memref<1x!tpu.dma_semaphore, #tpu.memory_space<semaphore_mem>>
      %dma_wait3A_374 = tpu.memref_squeeze %dma_wait3A_373 : memref<1x!tpu.dma_semaphore, #tpu.memory_space<semaphore_mem>> -> memref<!tpu.dma_semaphore, #tpu.memory_space<semaphore_mem>>
      %dma_wait3A_375 = arith.constant 5 : i32
      %dma_wait3A_376 = arith.constant 0 : i32
      %dma_wait3A_377 = arith.constant 0 : i32
      %dma_wait3A_378 = tpu.memref_slice %arg8[%dma_wait3A_375, %dma_wait3A_376, %dma_wait3A_377] : memref<16x1x1024xf32, #tpu.memory_space<vmem>> -> memref<1x1x1024xf32, #tpu.memory_space<vmem>>
      %dma_wait3A_379 = arith.constant 0 : i32
      %dma_wait3A_380 = arith.constant 0 : i32
      %dma_wait3A_381 = tpu.memref_slice %arg5[%get3A_371, %dma_wait3A_379, %dma_wait3A_380] : memref<32768x1x1024xf32, #tpu.memory_space<any>> -> memref<1x1x1024xf32, #tpu.memory_space<any>>
      tpu.wait_dma2 semaphore(%dma_wait3A_374 : memref<!tpu.dma_semaphore, #tpu.memory_space<semaphore_mem>>) src(%dma_wait3A_381 : memref<1x1x1024xf32, #tpu.memory_space<any>>) dst(%dma_wait3A_378 : memref<1x1x1024xf32, #tpu.memory_space<vmem>>)
      %get3A_382 = arith.index_cast %add3A_369 : i32 to index
      %get3A_383 = memref.load %arg1[%get3A_382] : memref<272xf32, #tpu.memory_space<smem>>
      %get3A_384 = arith.constant 5 : index
      %get3A_385 = arith.constant 0 : index
      %get3A_386 = arith.constant 0 : index
      %get3A_387 = vector.load %arg8[%get3A_384, %get3A_385, %get3A_386] : memref<16x1x1024xf32, #tpu.memory_space<vmem>>, vector<1x1x1024xf32>
      %reshape3A_388 = vector.shape_cast %get3A_387 : vector<1x1x1024xf32> to vector<1x1024xf32>
      %mul3A_389 = vector.broadcast %get3A_383 : f32 to vector<1x1024xf32>
      %mul3A_390 = arith.mulf %mul3A_389, %reshape3A_388 : vector<1x1024xf32>
      %add3A_391 = arith.addf %add3A_360, %mul3A_390 : vector<1x1024xf32>
      %lt3A_392 = arith.constant 15 : i32
      %lt3A_393 = arith.cmpi slt, %scan3A_213, %lt3A_392 : i32
      %convert_element_type3A_394 = arith.extui %lt3A_393 : i1 to i32
      %cond3A_395 = arith.constant 0 : i32
      %cond3A_396 = arith.cmpi ne, %convert_element_type3A_394, %cond3A_395 : i32
      scf.if %cond3A_396 {
        %add3A_707 = arith.constant 16 : i32
        %add3A_708 = arith.addi %add3A_369, %add3A_707 : i32
        %get3A_709 = arith.index_cast %add3A_708 : i32 to index
        %get3A_710 = memref.load %arg0[%get3A_709] : memref<272xi32, #tpu.memory_space<smem>>
        %dma_start3A_711 = arith.constant 5 : i32
        %dma_start3A_712 = tpu.memref_slice %arg9[%dma_start3A_711] : memref<16x!tpu.dma_semaphore, #tpu.memory_space<semaphore_mem>> -> memref<1x!tpu.dma_semaphore, #tpu.memory_space<semaphore_mem>>
        %dma_start3A_713 = tpu.memref_squeeze %dma_start3A_712 : memref<1x!tpu.dma_semaphore, #tpu.memory_space<semaphore_mem>> -> memref<!tpu.dma_semaphore, #tpu.memory_space<semaphore_mem>>
        %dma_start3A_714 = arith.constant 5 : i32
        %dma_start3A_715 = arith.constant 0 : i32
        %dma_start3A_716 = arith.constant 0 : i32
        %dma_start3A_717 = tpu.memref_slice %arg8[%dma_start3A_714, %dma_start3A_715, %dma_start3A_716] : memref<16x1x1024xf32, #tpu.memory_space<vmem>> -> memref<1x1x1024xf32, #tpu.memory_space<vmem>>
        %dma_start3A_718 = arith.constant 0 : i32
        %dma_start3A_719 = arith.constant 0 : i32
        %dma_start3A_720 = tpu.memref_slice %arg5[%get3A_710, %dma_start3A_718, %dma_start3A_719] : memref<32768x1x1024xf32, #tpu.memory_space<any>> -> memref<1x1x1024xf32, #tpu.memory_space<any>>
        tpu.enqueue_dma source(%dma_start3A_720 : memref<1x1x1024xf32, #tpu.memory_space<any>>) target(%dma_start3A_717 : memref<1x1x1024xf32, #tpu.memory_space<vmem>>) target_semaphore(%dma_start3A_713 : memref<!tpu.dma_semaphore, #tpu.memory_space<semaphore_mem>>)
      } else {
      }
      %mul3A_397 = arith.constant 16 : i32
      %mul3A_398 = arith.muli %scan3A_213, %mul3A_397 : i32
      %add3A_399 = arith.constant 6 : i32
      %add3A_400 = arith.addi %mul3A_398, %add3A_399 : i32
      %get3A_401 = arith.index_cast %add3A_400 : i32 to index
      %get3A_402 = memref.load %arg0[%get3A_401] : memref<272xi32, #tpu.memory_space<smem>>
      %dma_wait3A_403 = arith.constant 6 : i32
      %dma_wait3A_404 = tpu.memref_slice %arg9[%dma_wait3A_403] : memref<16x!tpu.dma_semaphore, #tpu.memory_space<semaphore_mem>> -> memref<1x!tpu.dma_semaphore, #tpu.memory_space<semaphore_mem>>
      %dma_wait3A_405 = tpu.memref_squeeze %dma_wait3A_404 : memref<1x!tpu.dma_semaphore, #tpu.memory_space<semaphore_mem>> -> memref<!tpu.dma_semaphore, #tpu.memory_space<semaphore_mem>>
      %dma_wait3A_406 = arith.constant 6 : i32
      %dma_wait3A_407 = arith.constant 0 : i32
      %dma_wait3A_408 = arith.constant 0 : i32
      %dma_wait3A_409 = tpu.memref_slice %arg8[%dma_wait3A_406, %dma_wait3A_407, %dma_wait3A_408] : memref<16x1x1024xf32, #tpu.memory_space<vmem>> -> memref<1x1x1024xf32, #tpu.memory_space<vmem>>
      %dma_wait3A_410 = arith.constant 0 : i32
      %dma_wait3A_411 = arith.constant 0 : i32
      %dma_wait3A_412 = tpu.memref_slice %arg5[%get3A_402, %dma_wait3A_410, %dma_wait3A_411] : memref<32768x1x1024xf32, #tpu.memory_space<any>> -> memref<1x1x1024xf32, #tpu.memory_space<any>>
      tpu.wait_dma2 semaphore(%dma_wait3A_405 : memref<!tpu.dma_semaphore, #tpu.memory_space<semaphore_mem>>) src(%dma_wait3A_412 : memref<1x1x1024xf32, #tpu.memory_space<any>>) dst(%dma_wait3A_409 : memref<1x1x1024xf32, #tpu.memory_space<vmem>>)
      %get3A_413 = arith.index_cast %add3A_400 : i32 to index
      %get3A_414 = memref.load %arg1[%get3A_413] : memref<272xf32, #tpu.memory_space<smem>>
      %get3A_415 = arith.constant 6 : index
      %get3A_416 = arith.constant 0 : index
      %get3A_417 = arith.constant 0 : index
      %get3A_418 = vector.load %arg8[%get3A_415, %get3A_416, %get3A_417] : memref<16x1x1024xf32, #tpu.memory_space<vmem>>, vector<1x1x1024xf32>
      %reshape3A_419 = vector.shape_cast %get3A_418 : vector<1x1x1024xf32> to vector<1x1024xf32>
      %mul3A_420 = vector.broadcast %get3A_414 : f32 to vector<1x1024xf32>
      %mul3A_421 = arith.mulf %mul3A_420, %reshape3A_419 : vector<1x1024xf32>
      %add3A_422 = arith.addf %add3A_391, %mul3A_421 : vector<1x1024xf32>
      %lt3A_423 = arith.constant 15 : i32
      %lt3A_424 = arith.cmpi slt, %scan3A_213, %lt3A_423 : i32
      %convert_element_type3A_425 = arith.extui %lt3A_424 : i1 to i32
      %cond3A_426 = arith.constant 0 : i32
      %cond3A_427 = arith.cmpi ne, %convert_element_type3A_425, %cond3A_426 : i32
      scf.if %cond3A_427 {
        %add3A_707 = arith.constant 16 : i32
        %add3A_708 = arith.addi %add3A_400, %add3A_707 : i32
        %get3A_709 = arith.index_cast %add3A_708 : i32 to index
        %get3A_710 = memref.load %arg0[%get3A_709] : memref<272xi32, #tpu.memory_space<smem>>
        %dma_start3A_711 = arith.constant 6 : i32
        %dma_start3A_712 = tpu.memref_slice %arg9[%dma_start3A_711] : memref<16x!tpu.dma_semaphore, #tpu.memory_space<semaphore_mem>> -> memref<1x!tpu.dma_semaphore, #tpu.memory_space<semaphore_mem>>
        %dma_start3A_713 = tpu.memref_squeeze %dma_start3A_712 : memref<1x!tpu.dma_semaphore, #tpu.memory_space<semaphore_mem>> -> memref<!tpu.dma_semaphore, #tpu.memory_space<semaphore_mem>>
        %dma_start3A_714 = arith.constant 6 : i32
        %dma_start3A_715 = arith.constant 0 : i32
        %dma_start3A_716 = arith.constant 0 : i32
        %dma_start3A_717 = tpu.memref_slice %arg8[%dma_start3A_714, %dma_start3A_715, %dma_start3A_716] : memref<16x1x1024xf32, #tpu.memory_space<vmem>> -> memref<1x1x1024xf32, #tpu.memory_space<vmem>>
        %dma_start3A_718 = arith.constant 0 : i32
        %dma_start3A_719 = arith.constant 0 : i32
        %dma_start3A_720 = tpu.memref_slice %arg5[%get3A_710, %dma_start3A_718, %dma_start3A_719] : memref<32768x1x1024xf32, #tpu.memory_space<any>> -> memref<1x1x1024xf32, #tpu.memory_space<any>>
        tpu.enqueue_dma source(%dma_start3A_720 : memref<1x1x1024xf32, #tpu.memory_space<any>>) target(%dma_start3A_717 : memref<1x1x1024xf32, #tpu.memory_space<vmem>>) target_semaphore(%dma_start3A_713 : memref<!tpu.dma_semaphore, #tpu.memory_space<semaphore_mem>>)
      } else {
      }
      %mul3A_428 = arith.constant 16 : i32
      %mul3A_429 = arith.muli %scan3A_213, %mul3A_428 : i32
      %add3A_430 = arith.constant 7 : i32
      %add3A_431 = arith.addi %mul3A_429, %add3A_430 : i32
      %get3A_432 = arith.index_cast %add3A_431 : i32 to index
      %get3A_433 = memref.load %arg0[%get3A_432] : memref<272xi32, #tpu.memory_space<smem>>
      %dma_wait3A_434 = arith.constant 7 : i32
      %dma_wait3A_435 = tpu.memref_slice %arg9[%dma_wait3A_434] : memref<16x!tpu.dma_semaphore, #tpu.memory_space<semaphore_mem>> -> memref<1x!tpu.dma_semaphore, #tpu.memory_space<semaphore_mem>>
      %dma_wait3A_436 = tpu.memref_squeeze %dma_wait3A_435 : memref<1x!tpu.dma_semaphore, #tpu.memory_space<semaphore_mem>> -> memref<!tpu.dma_semaphore, #tpu.memory_space<semaphore_mem>>
      %dma_wait3A_437 = arith.constant 7 : i32
      %dma_wait3A_438 = arith.constant 0 : i32
      %dma_wait3A_439 = arith.constant 0 : i32
      %dma_wait3A_440 = tpu.memref_slice %arg8[%dma_wait3A_437, %dma_wait3A_438, %dma_wait3A_439] : memref<16x1x1024xf32, #tpu.memory_space<vmem>> -> memref<1x1x1024xf32, #tpu.memory_space<vmem>>
      %dma_wait3A_441 = arith.constant 0 : i32
      %dma_wait3A_442 = arith.constant 0 : i32
      %dma_wait3A_443 = tpu.memref_slice %arg5[%get3A_433, %dma_wait3A_441, %dma_wait3A_442] : memref<32768x1x1024xf32, #tpu.memory_space<any>> -> memref<1x1x1024xf32, #tpu.memory_space<any>>
      tpu.wait_dma2 semaphore(%dma_wait3A_436 : memref<!tpu.dma_semaphore, #tpu.memory_space<semaphore_mem>>) src(%dma_wait3A_443 : memref<1x1x1024xf32, #tpu.memory_space<any>>) dst(%dma_wait3A_440 : memref<1x1x1024xf32, #tpu.memory_space<vmem>>)
      %get3A_444 = arith.index_cast %add3A_431 : i32 to index
      %get3A_445 = memref.load %arg1[%get3A_444] : memref<272xf32, #tpu.memory_space<smem>>
      %get3A_446 = arith.constant 7 : index
      %get3A_447 = arith.constant 0 : index
      %get3A_448 = arith.constant 0 : index
      %get3A_449 = vector.load %arg8[%get3A_446, %get3A_447, %get3A_448] : memref<16x1x1024xf32, #tpu.memory_space<vmem>>, vector<1x1x1024xf32>
      %reshape3A_450 = vector.shape_cast %get3A_449 : vector<1x1x1024xf32> to vector<1x1024xf32>
      %mul3A_451 = vector.broadcast %get3A_445 : f32 to vector<1x1024xf32>
      %mul3A_452 = arith.mulf %mul3A_451, %reshape3A_450 : vector<1x1024xf32>
      %add3A_453 = arith.addf %add3A_422, %mul3A_452 : vector<1x1024xf32>
      %lt3A_454 = arith.constant 15 : i32
      %lt3A_455 = arith.cmpi slt, %scan3A_213, %lt3A_454 : i32
      %convert_element_type3A_456 = arith.extui %lt3A_455 : i1 to i32
      %cond3A_457 = arith.constant 0 : i32
      %cond3A_458 = arith.cmpi ne, %convert_element_type3A_456, %cond3A_457 : i32
      scf.if %cond3A_458 {
        %add3A_707 = arith.constant 16 : i32
        %add3A_708 = arith.addi %add3A_431, %add3A_707 : i32
        %get3A_709 = arith.index_cast %add3A_708 : i32 to index
        %get3A_710 = memref.load %arg0[%get3A_709] : memref<272xi32, #tpu.memory_space<smem>>
        %dma_start3A_711 = arith.constant 7 : i32
        %dma_start3A_712 = tpu.memref_slice %arg9[%dma_start3A_711] : memref<16x!tpu.dma_semaphore, #tpu.memory_space<semaphore_mem>> -> memref<1x!tpu.dma_semaphore, #tpu.memory_space<semaphore_mem>>
        %dma_start3A_713 = tpu.memref_squeeze %dma_start3A_712 : memref<1x!tpu.dma_semaphore, #tpu.memory_space<semaphore_mem>> -> memref<!tpu.dma_semaphore, #tpu.memory_space<semaphore_mem>>
        %dma_start3A_714 = arith.constant 7 : i32
        %dma_start3A_715 = arith.constant 0 : i32
        %dma_start3A_716 = arith.constant 0 : i32
        %dma_start3A_717 = tpu.memref_slice %arg8[%dma_start3A_714, %dma_start3A_715, %dma_start3A_716] : memref<16x1x1024xf32, #tpu.memory_space<vmem>> -> memref<1x1x1024xf32, #tpu.memory_space<vmem>>
        %dma_start3A_718 = arith.constant 0 : i32
        %dma_start3A_719 = arith.constant 0 : i32
        %dma_start3A_720 = tpu.memref_slice %arg5[%get3A_710, %dma_start3A_718, %dma_start3A_719] : memref<32768x1x1024xf32, #tpu.memory_space<any>> -> memref<1x1x1024xf32, #tpu.memory_space<any>>
        tpu.enqueue_dma source(%dma_start3A_720 : memref<1x1x1024xf32, #tpu.memory_space<any>>) target(%dma_start3A_717 : memref<1x1x1024xf32, #tpu.memory_space<vmem>>) target_semaphore(%dma_start3A_713 : memref<!tpu.dma_semaphore, #tpu.memory_space<semaphore_mem>>)
      } else {
      }
      %mul3A_459 = arith.constant 16 : i32
      %mul3A_460 = arith.muli %scan3A_213, %mul3A_459 : i32
      %add3A_461 = arith.constant 8 : i32
      %add3A_462 = arith.addi %mul3A_460, %add3A_461 : i32
      %get3A_463 = arith.index_cast %add3A_462 : i32 to index
      %get3A_464 = memref.load %arg0[%get3A_463] : memref<272xi32, #tpu.memory_space<smem>>
      %dma_wait3A_465 = arith.constant 8 : i32
      %dma_wait3A_466 = tpu.memref_slice %arg9[%dma_wait3A_465] : memref<16x!tpu.dma_semaphore, #tpu.memory_space<semaphore_mem>> -> memref<1x!tpu.dma_semaphore, #tpu.memory_space<semaphore_mem>>
      %dma_wait3A_467 = tpu.memref_squeeze %dma_wait3A_466 : memref<1x!tpu.dma_semaphore, #tpu.memory_space<semaphore_mem>> -> memref<!tpu.dma_semaphore, #tpu.memory_space<semaphore_mem>>
      %dma_wait3A_468 = arith.constant 8 : i32
      %dma_wait3A_469 = arith.constant 0 : i32
      %dma_wait3A_470 = arith.constant 0 : i32
      %dma_wait3A_471 = tpu.memref_slice %arg8[%dma_wait3A_468, %dma_wait3A_469, %dma_wait3A_470] : memref<16x1x1024xf32, #tpu.memory_space<vmem>> -> memref<1x1x1024xf32, #tpu.memory_space<vmem>>
      %dma_wait3A_472 = arith.constant 0 : i32
      %dma_wait3A_473 = arith.constant 0 : i32
      %dma_wait3A_474 = tpu.memref_slice %arg5[%get3A_464, %dma_wait3A_472, %dma_wait3A_473] : memref<32768x1x1024xf32, #tpu.memory_space<any>> -> memref<1x1x1024xf32, #tpu.memory_space<any>>
      tpu.wait_dma2 semaphore(%dma_wait3A_467 : memref<!tpu.dma_semaphore, #tpu.memory_space<semaphore_mem>>) src(%dma_wait3A_474 : memref<1x1x1024xf32, #tpu.memory_space<any>>) dst(%dma_wait3A_471 : memref<1x1x1024xf32, #tpu.memory_space<vmem>>)
      %get3A_475 = arith.index_cast %add3A_462 : i32 to index
      %get3A_476 = memref.load %arg1[%get3A_475] : memref<272xf32, #tpu.memory_space<smem>>
      %get3A_477 = arith.constant 8 : index
      %get3A_478 = arith.constant 0 : index
      %get3A_479 = arith.constant 0 : index
      %get3A_480 = vector.load %arg8[%get3A_477, %get3A_478, %get3A_479] : memref<16x1x1024xf32, #tpu.memory_space<vmem>>, vector<1x1x1024xf32>
      %reshape3A_481 = vector.shape_cast %get3A_480 : vector<1x1x1024xf32> to vector<1x1024xf32>
      %mul3A_482 = vector.broadcast %get3A_476 : f32 to vector<1x1024xf32>
      %mul3A_483 = arith.mulf %mul3A_482, %reshape3A_481 : vector<1x1024xf32>
      %add3A_484 = arith.addf %add3A_453, %mul3A_483 : vector<1x1024xf32>
      %lt3A_485 = arith.constant 15 : i32
      %lt3A_486 = arith.cmpi slt, %scan3A_213, %lt3A_485 : i32
      %convert_element_type3A_487 = arith.extui %lt3A_486 : i1 to i32
      %cond3A_488 = arith.constant 0 : i32
      %cond3A_489 = arith.cmpi ne, %convert_element_type3A_487, %cond3A_488 : i32
      scf.if %cond3A_489 {
        %add3A_707 = arith.constant 16 : i32
        %add3A_708 = arith.addi %add3A_462, %add3A_707 : i32
        %get3A_709 = arith.index_cast %add3A_708 : i32 to index
        %get3A_710 = memref.load %arg0[%get3A_709] : memref<272xi32, #tpu.memory_space<smem>>
        %dma_start3A_711 = arith.constant 8 : i32
        %dma_start3A_712 = tpu.memref_slice %arg9[%dma_start3A_711] : memref<16x!tpu.dma_semaphore, #tpu.memory_space<semaphore_mem>> -> memref<1x!tpu.dma_semaphore, #tpu.memory_space<semaphore_mem>>
        %dma_start3A_713 = tpu.memref_squeeze %dma_start3A_712 : memref<1x!tpu.dma_semaphore, #tpu.memory_space<semaphore_mem>> -> memref<!tpu.dma_semaphore, #tpu.memory_space<semaphore_mem>>
        %dma_start3A_714 = arith.constant 8 : i32
        %dma_start3A_715 = arith.constant 0 : i32
        %dma_start3A_716 = arith.constant 0 : i32
        %dma_start3A_717 = tpu.memref_slice %arg8[%dma_start3A_714, %dma_start3A_715, %dma_start3A_716] : memref<16x1x1024xf32, #tpu.memory_space<vmem>> -> memref<1x1x1024xf32, #tpu.memory_space<vmem>>
        %dma_start3A_718 = arith.constant 0 : i32
        %dma_start3A_719 = arith.constant 0 : i32
        %dma_start3A_720 = tpu.memref_slice %arg5[%get3A_710, %dma_start3A_718, %dma_start3A_719] : memref<32768x1x1024xf32, #tpu.memory_space<any>> -> memref<1x1x1024xf32, #tpu.memory_space<any>>
        tpu.enqueue_dma source(%dma_start3A_720 : memref<1x1x1024xf32, #tpu.memory_space<any>>) target(%dma_start3A_717 : memref<1x1x1024xf32, #tpu.memory_space<vmem>>) target_semaphore(%dma_start3A_713 : memref<!tpu.dma_semaphore, #tpu.memory_space<semaphore_mem>>)
      } else {
      }
      %mul3A_490 = arith.constant 16 : i32
      %mul3A_491 = arith.muli %scan3A_213, %mul3A_490 : i32
      %add3A_492 = arith.constant 9 : i32
      %add3A_493 = arith.addi %mul3A_491, %add3A_492 : i32
      %get3A_494 = arith.index_cast %add3A_493 : i32 to index
      %get3A_495 = memref.load %arg0[%get3A_494] : memref<272xi32, #tpu.memory_space<smem>>
      %dma_wait3A_496 = arith.constant 9 : i32
      %dma_wait3A_497 = tpu.memref_slice %arg9[%dma_wait3A_496] : memref<16x!tpu.dma_semaphore, #tpu.memory_space<semaphore_mem>> -> memref<1x!tpu.dma_semaphore, #tpu.memory_space<semaphore_mem>>
      %dma_wait3A_498 = tpu.memref_squeeze %dma_wait3A_497 : memref<1x!tpu.dma_semaphore, #tpu.memory_space<semaphore_mem>> -> memref<!tpu.dma_semaphore, #tpu.memory_space<semaphore_mem>>
      %dma_wait3A_499 = arith.constant 9 : i32
      %dma_wait3A_500 = arith.constant 0 : i32
      %dma_wait3A_501 = arith.constant 0 : i32
      %dma_wait3A_502 = tpu.memref_slice %arg8[%dma_wait3A_499, %dma_wait3A_500, %dma_wait3A_501] : memref<16x1x1024xf32, #tpu.memory_space<vmem>> -> memref<1x1x1024xf32, #tpu.memory_space<vmem>>
      %dma_wait3A_503 = arith.constant 0 : i32
      %dma_wait3A_504 = arith.constant 0 : i32
      %dma_wait3A_505 = tpu.memref_slice %arg5[%get3A_495, %dma_wait3A_503, %dma_wait3A_504] : memref<32768x1x1024xf32, #tpu.memory_space<any>> -> memref<1x1x1024xf32, #tpu.memory_space<any>>
      tpu.wait_dma2 semaphore(%dma_wait3A_498 : memref<!tpu.dma_semaphore, #tpu.memory_space<semaphore_mem>>) src(%dma_wait3A_505 : memref<1x1x1024xf32, #tpu.memory_space<any>>) dst(%dma_wait3A_502 : memref<1x1x1024xf32, #tpu.memory_space<vmem>>)
      %get3A_506 = arith.index_cast %add3A_493 : i32 to index
      %get3A_507 = memref.load %arg1[%get3A_506] : memref<272xf32, #tpu.memory_space<smem>>
      %get3A_508 = arith.constant 9 : index
      %get3A_509 = arith.constant 0 : index
      %get3A_510 = arith.constant 0 : index
      %get3A_511 = vector.load %arg8[%get3A_508, %get3A_509, %get3A_510] : memref<16x1x1024xf32, #tpu.memory_space<vmem>>, vector<1x1x1024xf32>
      %reshape3A_512 = vector.shape_cast %get3A_511 : vector<1x1x1024xf32> to vector<1x1024xf32>
      %mul3A_513 = vector.broadcast %get3A_507 : f32 to vector<1x1024xf32>
      %mul3A_514 = arith.mulf %mul3A_513, %reshape3A_512 : vector<1x1024xf32>
      %add3A_515 = arith.addf %add3A_484, %mul3A_514 : vector<1x1024xf32>
      %lt3A_516 = arith.constant 15 : i32
      %lt3A_517 = arith.cmpi slt, %scan3A_213, %lt3A_516 : i32
      %convert_element_type3A_518 = arith.extui %lt3A_517 : i1 to i32
      %cond3A_519 = arith.constant 0 : i32
      %cond3A_520 = arith.cmpi ne, %convert_element_type3A_518, %cond3A_519 : i32
      scf.if %cond3A_520 {
        %add3A_707 = arith.constant 16 : i32
        %add3A_708 = arith.addi %add3A_493, %add3A_707 : i32
        %get3A_709 = arith.index_cast %add3A_708 : i32 to index
        %get3A_710 = memref.load %arg0[%get3A_709] : memref<272xi32, #tpu.memory_space<smem>>
        %dma_start3A_711 = arith.constant 9 : i32
        %dma_start3A_712 = tpu.memref_slice %arg9[%dma_start3A_711] : memref<16x!tpu.dma_semaphore, #tpu.memory_space<semaphore_mem>> -> memref<1x!tpu.dma_semaphore, #tpu.memory_space<semaphore_mem>>
        %dma_start3A_713 = tpu.memref_squeeze %dma_start3A_712 : memref<1x!tpu.dma_semaphore, #tpu.memory_space<semaphore_mem>> -> memref<!tpu.dma_semaphore, #tpu.memory_space<semaphore_mem>>
        %dma_start3A_714 = arith.constant 9 : i32
        %dma_start3A_715 = arith.constant 0 : i32
        %dma_start3A_716 = arith.constant 0 : i32
        %dma_start3A_717 = tpu.memref_slice %arg8[%dma_start3A_714, %dma_start3A_715, %dma_start3A_716] : memref<16x1x1024xf32, #tpu.memory_space<vmem>> -> memref<1x1x1024xf32, #tpu.memory_space<vmem>>
        %dma_start3A_718 = arith.constant 0 : i32
        %dma_start3A_719 = arith.constant 0 : i32
        %dma_start3A_720 = tpu.memref_slice %arg5[%get3A_710, %dma_start3A_718, %dma_start3A_719] : memref<32768x1x1024xf32, #tpu.memory_space<any>> -> memref<1x1x1024xf32, #tpu.memory_space<any>>
        tpu.enqueue_dma source(%dma_start3A_720 : memref<1x1x1024xf32, #tpu.memory_space<any>>) target(%dma_start3A_717 : memref<1x1x1024xf32, #tpu.memory_space<vmem>>) target_semaphore(%dma_start3A_713 : memref<!tpu.dma_semaphore, #tpu.memory_space<semaphore_mem>>)
      } else {
      }
      %mul3A_521 = arith.constant 16 : i32
      %mul3A_522 = arith.muli %scan3A_213, %mul3A_521 : i32
      %add3A_523 = arith.constant 10 : i32
      %add3A_524 = arith.addi %mul3A_522, %add3A_523 : i32
      %get3A_525 = arith.index_cast %add3A_524 : i32 to index
      %get3A_526 = memref.load %arg0[%get3A_525] : memref<272xi32, #tpu.memory_space<smem>>
      %dma_wait3A_527 = arith.constant 10 : i32
      %dma_wait3A_528 = tpu.memref_slice %arg9[%dma_wait3A_527] : memref<16x!tpu.dma_semaphore, #tpu.memory_space<semaphore_mem>> -> memref<1x!tpu.dma_semaphore, #tpu.memory_space<semaphore_mem>>
      %dma_wait3A_529 = tpu.memref_squeeze %dma_wait3A_528 : memref<1x!tpu.dma_semaphore, #tpu.memory_space<semaphore_mem>> -> memref<!tpu.dma_semaphore, #tpu.memory_space<semaphore_mem>>
      %dma_wait3A_530 = arith.constant 10 : i32
      %dma_wait3A_531 = arith.constant 0 : i32
      %dma_wait3A_532 = arith.constant 0 : i32
      %dma_wait3A_533 = tpu.memref_slice %arg8[%dma_wait3A_530, %dma_wait3A_531, %dma_wait3A_532] : memref<16x1x1024xf32, #tpu.memory_space<vmem>> -> memref<1x1x1024xf32, #tpu.memory_space<vmem>>
      %dma_wait3A_534 = arith.constant 0 : i32
      %dma_wait3A_535 = arith.constant 0 : i32
      %dma_wait3A_536 = tpu.memref_slice %arg5[%get3A_526, %dma_wait3A_534, %dma_wait3A_535] : memref<32768x1x1024xf32, #tpu.memory_space<any>> -> memref<1x1x1024xf32, #tpu.memory_space<any>>
      tpu.wait_dma2 semaphore(%dma_wait3A_529 : memref<!tpu.dma_semaphore, #tpu.memory_space<semaphore_mem>>) src(%dma_wait3A_536 : memref<1x1x1024xf32, #tpu.memory_space<any>>) dst(%dma_wait3A_533 : memref<1x1x1024xf32, #tpu.memory_space<vmem>>)
      %get3A_537 = arith.index_cast %add3A_524 : i32 to index
      %get3A_538 = memref.load %arg1[%get3A_537] : memref<272xf32, #tpu.memory_space<smem>>
      %get3A_539 = arith.constant 10 : index
      %get3A_540 = arith.constant 0 : index
      %get3A_541 = arith.constant 0 : index
      %get3A_542 = vector.load %arg8[%get3A_539, %get3A_540, %get3A_541] : memref<16x1x1024xf32, #tpu.memory_space<vmem>>, vector<1x1x1024xf32>
      %reshape3A_543 = vector.shape_cast %get3A_542 : vector<1x1x1024xf32> to vector<1x1024xf32>
      %mul3A_544 = vector.broadcast %get3A_538 : f32 to vector<1x1024xf32>
      %mul3A_545 = arith.mulf %mul3A_544, %reshape3A_543 : vector<1x1024xf32>
      %add3A_546 = arith.addf %add3A_515, %mul3A_545 : vector<1x1024xf32>
      %lt3A_547 = arith.constant 15 : i32
      %lt3A_548 = arith.cmpi slt, %scan3A_213, %lt3A_547 : i32
      %convert_element_type3A_549 = arith.extui %lt3A_548 : i1 to i32
      %cond3A_550 = arith.constant 0 : i32
      %cond3A_551 = arith.cmpi ne, %convert_element_type3A_549, %cond3A_550 : i32
      scf.if %cond3A_551 {
        %add3A_707 = arith.constant 16 : i32
        %add3A_708 = arith.addi %add3A_524, %add3A_707 : i32
        %get3A_709 = arith.index_cast %add3A_708 : i32 to index
        %get3A_710 = memref.load %arg0[%get3A_709] : memref<272xi32, #tpu.memory_space<smem>>
        %dma_start3A_711 = arith.constant 10 : i32
        %dma_start3A_712 = tpu.memref_slice %arg9[%dma_start3A_711] : memref<16x!tpu.dma_semaphore, #tpu.memory_space<semaphore_mem>> -> memref<1x!tpu.dma_semaphore, #tpu.memory_space<semaphore_mem>>
        %dma_start3A_713 = tpu.memref_squeeze %dma_start3A_712 : memref<1x!tpu.dma_semaphore, #tpu.memory_space<semaphore_mem>> -> memref<!tpu.dma_semaphore, #tpu.memory_space<semaphore_mem>>
        %dma_start3A_714 = arith.constant 10 : i32
        %dma_start3A_715 = arith.constant 0 : i32
        %dma_start3A_716 = arith.constant 0 : i32
        %dma_start3A_717 = tpu.memref_slice %arg8[%dma_start3A_714, %dma_start3A_715, %dma_start3A_716] : memref<16x1x1024xf32, #tpu.memory_space<vmem>> -> memref<1x1x1024xf32, #tpu.memory_space<vmem>>
        %dma_start3A_718 = arith.constant 0 : i32
        %dma_start3A_719 = arith.constant 0 : i32
        %dma_start3A_720 = tpu.memref_slice %arg5[%get3A_710, %dma_start3A_718, %dma_start3A_719] : memref<32768x1x1024xf32, #tpu.memory_space<any>> -> memref<1x1x1024xf32, #tpu.memory_space<any>>
        tpu.enqueue_dma source(%dma_start3A_720 : memref<1x1x1024xf32, #tpu.memory_space<any>>) target(%dma_start3A_717 : memref<1x1x1024xf32, #tpu.memory_space<vmem>>) target_semaphore(%dma_start3A_713 : memref<!tpu.dma_semaphore, #tpu.memory_space<semaphore_mem>>)
      } else {
      }
      %mul3A_552 = arith.constant 16 : i32
      %mul3A_553 = arith.muli %scan3A_213, %mul3A_552 : i32
      %add3A_554 = arith.constant 11 : i32
      %add3A_555 = arith.addi %mul3A_553, %add3A_554 : i32
      %get3A_556 = arith.index_cast %add3A_555 : i32 to index
      %get3A_557 = memref.load %arg0[%get3A_556] : memref<272xi32, #tpu.memory_space<smem>>
      %dma_wait3A_558 = arith.constant 11 : i32
      %dma_wait3A_559 = tpu.memref_slice %arg9[%dma_wait3A_558] : memref<16x!tpu.dma_semaphore, #tpu.memory_space<semaphore_mem>> -> memref<1x!tpu.dma_semaphore, #tpu.memory_space<semaphore_mem>>
      %dma_wait3A_560 = tpu.memref_squeeze %dma_wait3A_559 : memref<1x!tpu.dma_semaphore, #tpu.memory_space<semaphore_mem>> -> memref<!tpu.dma_semaphore, #tpu.memory_space<semaphore_mem>>
      %dma_wait3A_561 = arith.constant 11 : i32
      %dma_wait3A_562 = arith.constant 0 : i32
      %dma_wait3A_563 = arith.constant 0 : i32
      %dma_wait3A_564 = tpu.memref_slice %arg8[%dma_wait3A_561, %dma_wait3A_562, %dma_wait3A_563] : memref<16x1x1024xf32, #tpu.memory_space<vmem>> -> memref<1x1x1024xf32, #tpu.memory_space<vmem>>
      %dma_wait3A_565 = arith.constant 0 : i32
      %dma_wait3A_566 = arith.constant 0 : i32
      %dma_wait3A_567 = tpu.memref_slice %arg5[%get3A_557, %dma_wait3A_565, %dma_wait3A_566] : memref<32768x1x1024xf32, #tpu.memory_space<any>> -> memref<1x1x1024xf32, #tpu.memory_space<any>>
      tpu.wait_dma2 semaphore(%dma_wait3A_560 : memref<!tpu.dma_semaphore, #tpu.memory_space<semaphore_mem>>) src(%dma_wait3A_567 : memref<1x1x1024xf32, #tpu.memory_space<any>>) dst(%dma_wait3A_564 : memref<1x1x1024xf32, #tpu.memory_space<vmem>>)
      %get3A_568 = arith.index_cast %add3A_555 : i32 to index
      %get3A_569 = memref.load %arg1[%get3A_568] : memref<272xf32, #tpu.memory_space<smem>>
      %get3A_570 = arith.constant 11 : index
      %get3A_571 = arith.constant 0 : index
      %get3A_572 = arith.constant 0 : index
      %get3A_573 = vector.load %arg8[%get3A_570, %get3A_571, %get3A_572] : memref<16x1x1024xf32, #tpu.memory_space<vmem>>, vector<1x1x1024xf32>
      %reshape3A_574 = vector.shape_cast %get3A_573 : vector<1x1x1024xf32> to vector<1x1024xf32>
      %mul3A_575 = vector.broadcast %get3A_569 : f32 to vector<1x1024xf32>
      %mul3A_576 = arith.mulf %mul3A_575, %reshape3A_574 : vector<1x1024xf32>
      %add3A_577 = arith.addf %add3A_546, %mul3A_576 : vector<1x1024xf32>
      %lt3A_578 = arith.constant 15 : i32
      %lt3A_579 = arith.cmpi slt, %scan3A_213, %lt3A_578 : i32
      %convert_element_type3A_580 = arith.extui %lt3A_579 : i1 to i32
      %cond3A_581 = arith.constant 0 : i32
      %cond3A_582 = arith.cmpi ne, %convert_element_type3A_580, %cond3A_581 : i32
      scf.if %cond3A_582 {
        %add3A_707 = arith.constant 16 : i32
        %add3A_708 = arith.addi %add3A_555, %add3A_707 : i32
        %get3A_709 = arith.index_cast %add3A_708 : i32 to index
        %get3A_710 = memref.load %arg0[%get3A_709] : memref<272xi32, #tpu.memory_space<smem>>
        %dma_start3A_711 = arith.constant 11 : i32
        %dma_start3A_712 = tpu.memref_slice %arg9[%dma_start3A_711] : memref<16x!tpu.dma_semaphore, #tpu.memory_space<semaphore_mem>> -> memref<1x!tpu.dma_semaphore, #tpu.memory_space<semaphore_mem>>
        %dma_start3A_713 = tpu.memref_squeeze %dma_start3A_712 : memref<1x!tpu.dma_semaphore, #tpu.memory_space<semaphore_mem>> -> memref<!tpu.dma_semaphore, #tpu.memory_space<semaphore_mem>>
        %dma_start3A_714 = arith.constant 11 : i32
        %dma_start3A_715 = arith.constant 0 : i32
        %dma_start3A_716 = arith.constant 0 : i32
        %dma_start3A_717 = tpu.memref_slice %arg8[%dma_start3A_714, %dma_start3A_715, %dma_start3A_716] : memref<16x1x1024xf32, #tpu.memory_space<vmem>> -> memref<1x1x1024xf32, #tpu.memory_space<vmem>>
        %dma_start3A_718 = arith.constant 0 : i32
        %dma_start3A_719 = arith.constant 0 : i32
        %dma_start3A_720 = tpu.memref_slice %arg5[%get3A_710, %dma_start3A_718, %dma_start3A_719] : memref<32768x1x1024xf32, #tpu.memory_space<any>> -> memref<1x1x1024xf32, #tpu.memory_space<any>>
        tpu.enqueue_dma source(%dma_start3A_720 : memref<1x1x1024xf32, #tpu.memory_space<any>>) target(%dma_start3A_717 : memref<1x1x1024xf32, #tpu.memory_space<vmem>>) target_semaphore(%dma_start3A_713 : memref<!tpu.dma_semaphore, #tpu.memory_space<semaphore_mem>>)
      } else {
      }
      %mul3A_583 = arith.constant 16 : i32
      %mul3A_584 = arith.muli %scan3A_213, %mul3A_583 : i32
      %add3A_585 = arith.constant 12 : i32
      %add3A_586 = arith.addi %mul3A_584, %add3A_585 : i32
      %get3A_587 = arith.index_cast %add3A_586 : i32 to index
      %get3A_588 = memref.load %arg0[%get3A_587] : memref<272xi32, #tpu.memory_space<smem>>
      %dma_wait3A_589 = arith.constant 12 : i32
      %dma_wait3A_590 = tpu.memref_slice %arg9[%dma_wait3A_589] : memref<16x!tpu.dma_semaphore, #tpu.memory_space<semaphore_mem>> -> memref<1x!tpu.dma_semaphore, #tpu.memory_space<semaphore_mem>>
      %dma_wait3A_591 = tpu.memref_squeeze %dma_wait3A_590 : memref<1x!tpu.dma_semaphore, #tpu.memory_space<semaphore_mem>> -> memref<!tpu.dma_semaphore, #tpu.memory_space<semaphore_mem>>
      %dma_wait3A_592 = arith.constant 12 : i32
      %dma_wait3A_593 = arith.constant 0 : i32
      %dma_wait3A_594 = arith.constant 0 : i32
      %dma_wait3A_595 = tpu.memref_slice %arg8[%dma_wait3A_592, %dma_wait3A_593, %dma_wait3A_594] : memref<16x1x1024xf32, #tpu.memory_space<vmem>> -> memref<1x1x1024xf32, #tpu.memory_space<vmem>>
      %dma_wait3A_596 = arith.constant 0 : i32
      %dma_wait3A_597 = arith.constant 0 : i32
      %dma_wait3A_598 = tpu.memref_slice %arg5[%get3A_588, %dma_wait3A_596, %dma_wait3A_597] : memref<32768x1x1024xf32, #tpu.memory_space<any>> -> memref<1x1x1024xf32, #tpu.memory_space<any>>
      tpu.wait_dma2 semaphore(%dma_wait3A_591 : memref<!tpu.dma_semaphore, #tpu.memory_space<semaphore_mem>>) src(%dma_wait3A_598 : memref<1x1x1024xf32, #tpu.memory_space<any>>) dst(%dma_wait3A_595 : memref<1x1x1024xf32, #tpu.memory_space<vmem>>)
      %get3A_599 = arith.index_cast %add3A_586 : i32 to index
      %get3A_600 = memref.load %arg1[%get3A_599] : memref<272xf32, #tpu.memory_space<smem>>
      %get3A_601 = arith.constant 12 : index
      %get3A_602 = arith.constant 0 : index
      %get3A_603 = arith.constant 0 : index
      %get3A_604 = vector.load %arg8[%get3A_601, %get3A_602, %get3A_603] : memref<16x1x1024xf32, #tpu.memory_space<vmem>>, vector<1x1x1024xf32>
      %reshape3A_605 = vector.shape_cast %get3A_604 : vector<1x1x1024xf32> to vector<1x1024xf32>
      %mul3A_606 = vector.broadcast %get3A_600 : f32 to vector<1x1024xf32>
      %mul3A_607 = arith.mulf %mul3A_606, %reshape3A_605 : vector<1x1024xf32>
      %add3A_608 = arith.addf %add3A_577, %mul3A_607 : vector<1x1024xf32>
      %lt3A_609 = arith.constant 15 : i32
      %lt3A_610 = arith.cmpi slt, %scan3A_213, %lt3A_609 : i32
      %convert_element_type3A_611 = arith.extui %lt3A_610 : i1 to i32
      %cond3A_612 = arith.constant 0 : i32
      %cond3A_613 = arith.cmpi ne, %convert_element_type3A_611, %cond3A_612 : i32
      scf.if %cond3A_613 {
        %add3A_707 = arith.constant 16 : i32
        %add3A_708 = arith.addi %add3A_586, %add3A_707 : i32
        %get3A_709 = arith.index_cast %add3A_708 : i32 to index
        %get3A_710 = memref.load %arg0[%get3A_709] : memref<272xi32, #tpu.memory_space<smem>>
        %dma_start3A_711 = arith.constant 12 : i32
        %dma_start3A_712 = tpu.memref_slice %arg9[%dma_start3A_711] : memref<16x!tpu.dma_semaphore, #tpu.memory_space<semaphore_mem>> -> memref<1x!tpu.dma_semaphore, #tpu.memory_space<semaphore_mem>>
        %dma_start3A_713 = tpu.memref_squeeze %dma_start3A_712 : memref<1x!tpu.dma_semaphore, #tpu.memory_space<semaphore_mem>> -> memref<!tpu.dma_semaphore, #tpu.memory_space<semaphore_mem>>
        %dma_start3A_714 = arith.constant 12 : i32
        %dma_start3A_715 = arith.constant 0 : i32
        %dma_start3A_716 = arith.constant 0 : i32
        %dma_start3A_717 = tpu.memref_slice %arg8[%dma_start3A_714, %dma_start3A_715, %dma_start3A_716] : memref<16x1x1024xf32, #tpu.memory_space<vmem>> -> memref<1x1x1024xf32, #tpu.memory_space<vmem>>
        %dma_start3A_718 = arith.constant 0 : i32
        %dma_start3A_719 = arith.constant 0 : i32
        %dma_start3A_720 = tpu.memref_slice %arg5[%get3A_710, %dma_start3A_718, %dma_start3A_719] : memref<32768x1x1024xf32, #tpu.memory_space<any>> -> memref<1x1x1024xf32, #tpu.memory_space<any>>
        tpu.enqueue_dma source(%dma_start3A_720 : memref<1x1x1024xf32, #tpu.memory_space<any>>) target(%dma_start3A_717 : memref<1x1x1024xf32, #tpu.memory_space<vmem>>) target_semaphore(%dma_start3A_713 : memref<!tpu.dma_semaphore, #tpu.memory_space<semaphore_mem>>)
      } else {
      }
      %mul3A_614 = arith.constant 16 : i32
      %mul3A_615 = arith.muli %scan3A_213, %mul3A_614 : i32
      %add3A_616 = arith.constant 13 : i32
      %add3A_617 = arith.addi %mul3A_615, %add3A_616 : i32
      %get3A_618 = arith.index_cast %add3A_617 : i32 to index
      %get3A_619 = memref.load %arg0[%get3A_618] : memref<272xi32, #tpu.memory_space<smem>>
      %dma_wait3A_620 = arith.constant 13 : i32
      %dma_wait3A_621 = tpu.memref_slice %arg9[%dma_wait3A_620] : memref<16x!tpu.dma_semaphore, #tpu.memory_space<semaphore_mem>> -> memref<1x!tpu.dma_semaphore, #tpu.memory_space<semaphore_mem>>
      %dma_wait3A_622 = tpu.memref_squeeze %dma_wait3A_621 : memref<1x!tpu.dma_semaphore, #tpu.memory_space<semaphore_mem>> -> memref<!tpu.dma_semaphore, #tpu.memory_space<semaphore_mem>>
      %dma_wait3A_623 = arith.constant 13 : i32
      %dma_wait3A_624 = arith.constant 0 : i32
      %dma_wait3A_625 = arith.constant 0 : i32
      %dma_wait3A_626 = tpu.memref_slice %arg8[%dma_wait3A_623, %dma_wait3A_624, %dma_wait3A_625] : memref<16x1x1024xf32, #tpu.memory_space<vmem>> -> memref<1x1x1024xf32, #tpu.memory_space<vmem>>
      %dma_wait3A_627 = arith.constant 0 : i32
      %dma_wait3A_628 = arith.constant 0 : i32
      %dma_wait3A_629 = tpu.memref_slice %arg5[%get3A_619, %dma_wait3A_627, %dma_wait3A_628] : memref<32768x1x1024xf32, #tpu.memory_space<any>> -> memref<1x1x1024xf32, #tpu.memory_space<any>>
      tpu.wait_dma2 semaphore(%dma_wait3A_622 : memref<!tpu.dma_semaphore, #tpu.memory_space<semaphore_mem>>) src(%dma_wait3A_629 : memref<1x1x1024xf32, #tpu.memory_space<any>>) dst(%dma_wait3A_626 : memref<1x1x1024xf32, #tpu.memory_space<vmem>>)
      %get3A_630 = arith.index_cast %add3A_617 : i32 to index
      %get3A_631 = memref.load %arg1[%get3A_630] : memref<272xf32, #tpu.memory_space<smem>>
      %get3A_632 = arith.constant 13 : index
      %get3A_633 = arith.constant 0 : index
      %get3A_634 = arith.constant 0 : index
      %get3A_635 = vector.load %arg8[%get3A_632, %get3A_633, %get3A_634] : memref<16x1x1024xf32, #tpu.memory_space<vmem>>, vector<1x1x1024xf32>
      %reshape3A_636 = vector.shape_cast %get3A_635 : vector<1x1x1024xf32> to vector<1x1024xf32>
      %mul3A_637 = vector.broadcast %get3A_631 : f32 to vector<1x1024xf32>
      %mul3A_638 = arith.mulf %mul3A_637, %reshape3A_636 : vector<1x1024xf32>
      %add3A_639 = arith.addf %add3A_608, %mul3A_638 : vector<1x1024xf32>
      %lt3A_640 = arith.constant 15 : i32
      %lt3A_641 = arith.cmpi slt, %scan3A_213, %lt3A_640 : i32
      %convert_element_type3A_642 = arith.extui %lt3A_641 : i1 to i32
      %cond3A_643 = arith.constant 0 : i32
      %cond3A_644 = arith.cmpi ne, %convert_element_type3A_642, %cond3A_643 : i32
      scf.if %cond3A_644 {
        %add3A_707 = arith.constant 16 : i32
        %add3A_708 = arith.addi %add3A_617, %add3A_707 : i32
        %get3A_709 = arith.index_cast %add3A_708 : i32 to index
        %get3A_710 = memref.load %arg0[%get3A_709] : memref<272xi32, #tpu.memory_space<smem>>
        %dma_start3A_711 = arith.constant 13 : i32
        %dma_start3A_712 = tpu.memref_slice %arg9[%dma_start3A_711] : memref<16x!tpu.dma_semaphore, #tpu.memory_space<semaphore_mem>> -> memref<1x!tpu.dma_semaphore, #tpu.memory_space<semaphore_mem>>
        %dma_start3A_713 = tpu.memref_squeeze %dma_start3A_712 : memref<1x!tpu.dma_semaphore, #tpu.memory_space<semaphore_mem>> -> memref<!tpu.dma_semaphore, #tpu.memory_space<semaphore_mem>>
        %dma_start3A_714 = arith.constant 13 : i32
        %dma_start3A_715 = arith.constant 0 : i32
        %dma_start3A_716 = arith.constant 0 : i32
        %dma_start3A_717 = tpu.memref_slice %arg8[%dma_start3A_714, %dma_start3A_715, %dma_start3A_716] : memref<16x1x1024xf32, #tpu.memory_space<vmem>> -> memref<1x1x1024xf32, #tpu.memory_space<vmem>>
        %dma_start3A_718 = arith.constant 0 : i32
        %dma_start3A_719 = arith.constant 0 : i32
        %dma_start3A_720 = tpu.memref_slice %arg5[%get3A_710, %dma_start3A_718, %dma_start3A_719] : memref<32768x1x1024xf32, #tpu.memory_space<any>> -> memref<1x1x1024xf32, #tpu.memory_space<any>>
        tpu.enqueue_dma source(%dma_start3A_720 : memref<1x1x1024xf32, #tpu.memory_space<any>>) target(%dma_start3A_717 : memref<1x1x1024xf32, #tpu.memory_space<vmem>>) target_semaphore(%dma_start3A_713 : memref<!tpu.dma_semaphore, #tpu.memory_space<semaphore_mem>>)
      } else {
      }
      %mul3A_645 = arith.constant 16 : i32
      %mul3A_646 = arith.muli %scan3A_213, %mul3A_645 : i32
      %add3A_647 = arith.constant 14 : i32
      %add3A_648 = arith.addi %mul3A_646, %add3A_647 : i32
      %get3A_649 = arith.index_cast %add3A_648 : i32 to index
      %get3A_650 = memref.load %arg0[%get3A_649] : memref<272xi32, #tpu.memory_space<smem>>
      %dma_wait3A_651 = arith.constant 14 : i32
      %dma_wait3A_652 = tpu.memref_slice %arg9[%dma_wait3A_651] : memref<16x!tpu.dma_semaphore, #tpu.memory_space<semaphore_mem>> -> memref<1x!tpu.dma_semaphore, #tpu.memory_space<semaphore_mem>>
      %dma_wait3A_653 = tpu.memref_squeeze %dma_wait3A_652 : memref<1x!tpu.dma_semaphore, #tpu.memory_space<semaphore_mem>> -> memref<!tpu.dma_semaphore, #tpu.memory_space<semaphore_mem>>
      %dma_wait3A_654 = arith.constant 14 : i32
      %dma_wait3A_655 = arith.constant 0 : i32
      %dma_wait3A_656 = arith.constant 0 : i32
      %dma_wait3A_657 = tpu.memref_slice %arg8[%dma_wait3A_654, %dma_wait3A_655, %dma_wait3A_656] : memref<16x1x1024xf32, #tpu.memory_space<vmem>> -> memref<1x1x1024xf32, #tpu.memory_space<vmem>>
      %dma_wait3A_658 = arith.constant 0 : i32
      %dma_wait3A_659 = arith.constant 0 : i32
      %dma_wait3A_660 = tpu.memref_slice %arg5[%get3A_650, %dma_wait3A_658, %dma_wait3A_659] : memref<32768x1x1024xf32, #tpu.memory_space<any>> -> memref<1x1x1024xf32, #tpu.memory_space<any>>
      tpu.wait_dma2 semaphore(%dma_wait3A_653 : memref<!tpu.dma_semaphore, #tpu.memory_space<semaphore_mem>>) src(%dma_wait3A_660 : memref<1x1x1024xf32, #tpu.memory_space<any>>) dst(%dma_wait3A_657 : memref<1x1x1024xf32, #tpu.memory_space<vmem>>)
      %get3A_661 = arith.index_cast %add3A_648 : i32 to index
      %get3A_662 = memref.load %arg1[%get3A_661] : memref<272xf32, #tpu.memory_space<smem>>
      %get3A_663 = arith.constant 14 : index
      %get3A_664 = arith.constant 0 : index
      %get3A_665 = arith.constant 0 : index
      %get3A_666 = vector.load %arg8[%get3A_663, %get3A_664, %get3A_665] : memref<16x1x1024xf32, #tpu.memory_space<vmem>>, vector<1x1x1024xf32>
      %reshape3A_667 = vector.shape_cast %get3A_666 : vector<1x1x1024xf32> to vector<1x1024xf32>
      %mul3A_668 = vector.broadcast %get3A_662 : f32 to vector<1x1024xf32>
      %mul3A_669 = arith.mulf %mul3A_668, %reshape3A_667 : vector<1x1024xf32>
      %add3A_670 = arith.addf %add3A_639, %mul3A_669 : vector<1x1024xf32>
      %lt3A_671 = arith.constant 15 : i32
      %lt3A_672 = arith.cmpi slt, %scan3A_213, %lt3A_671 : i32
      %convert_element_type3A_673 = arith.extui %lt3A_672 : i1 to i32
      %cond3A_674 = arith.constant 0 : i32
      %cond3A_675 = arith.cmpi ne, %convert_element_type3A_673, %cond3A_674 : i32
      scf.if %cond3A_675 {
        %add3A_707 = arith.constant 16 : i32
        %add3A_708 = arith.addi %add3A_648, %add3A_707 : i32
        %get3A_709 = arith.index_cast %add3A_708 : i32 to index
        %get3A_710 = memref.load %arg0[%get3A_709] : memref<272xi32, #tpu.memory_space<smem>>
        %dma_start3A_711 = arith.constant 14 : i32
        %dma_start3A_712 = tpu.memref_slice %arg9[%dma_start3A_711] : memref<16x!tpu.dma_semaphore, #tpu.memory_space<semaphore_mem>> -> memref<1x!tpu.dma_semaphore, #tpu.memory_space<semaphore_mem>>
        %dma_start3A_713 = tpu.memref_squeeze %dma_start3A_712 : memref<1x!tpu.dma_semaphore, #tpu.memory_space<semaphore_mem>> -> memref<!tpu.dma_semaphore, #tpu.memory_space<semaphore_mem>>
        %dma_start3A_714 = arith.constant 14 : i32
        %dma_start3A_715 = arith.constant 0 : i32
        %dma_start3A_716 = arith.constant 0 : i32
        %dma_start3A_717 = tpu.memref_slice %arg8[%dma_start3A_714, %dma_start3A_715, %dma_start3A_716] : memref<16x1x1024xf32, #tpu.memory_space<vmem>> -> memref<1x1x1024xf32, #tpu.memory_space<vmem>>
        %dma_start3A_718 = arith.constant 0 : i32
        %dma_start3A_719 = arith.constant 0 : i32
        %dma_start3A_720 = tpu.memref_slice %arg5[%get3A_710, %dma_start3A_718, %dma_start3A_719] : memref<32768x1x1024xf32, #tpu.memory_space<any>> -> memref<1x1x1024xf32, #tpu.memory_space<any>>
        tpu.enqueue_dma source(%dma_start3A_720 : memref<1x1x1024xf32, #tpu.memory_space<any>>) target(%dma_start3A_717 : memref<1x1x1024xf32, #tpu.memory_space<vmem>>) target_semaphore(%dma_start3A_713 : memref<!tpu.dma_semaphore, #tpu.memory_space<semaphore_mem>>)
      } else {
      }
      %mul3A_676 = arith.constant 16 : i32
      %mul3A_677 = arith.muli %scan3A_213, %mul3A_676 : i32
      %add3A_678 = arith.constant 15 : i32
      %add3A_679 = arith.addi %mul3A_677, %add3A_678 : i32
      %get3A_680 = arith.index_cast %add3A_679 : i32 to index
      %get3A_681 = memref.load %arg0[%get3A_680] : memref<272xi32, #tpu.memory_space<smem>>
      %dma_wait3A_682 = arith.constant 15 : i32
      %dma_wait3A_683 = tpu.memref_slice %arg9[%dma_wait3A_682] : memref<16x!tpu.dma_semaphore, #tpu.memory_space<semaphore_mem>> -> memref<1x!tpu.dma_semaphore, #tpu.memory_space<semaphore_mem>>
      %dma_wait3A_684 = tpu.memref_squeeze %dma_wait3A_683 : memref<1x!tpu.dma_semaphore, #tpu.memory_space<semaphore_mem>> -> memref<!tpu.dma_semaphore, #tpu.memory_space<semaphore_mem>>
      %dma_wait3A_685 = arith.constant 15 : i32
      %dma_wait3A_686 = arith.constant 0 : i32
      %dma_wait3A_687 = arith.constant 0 : i32
      %dma_wait3A_688 = tpu.memref_slice %arg8[%dma_wait3A_685, %dma_wait3A_686, %dma_wait3A_687] : memref<16x1x1024xf32, #tpu.memory_space<vmem>> -> memref<1x1x1024xf32, #tpu.memory_space<vmem>>
      %dma_wait3A_689 = arith.constant 0 : i32
      %dma_wait3A_690 = arith.constant 0 : i32
      %dma_wait3A_691 = tpu.memref_slice %arg5[%get3A_681, %dma_wait3A_689, %dma_wait3A_690] : memref<32768x1x1024xf32, #tpu.memory_space<any>> -> memref<1x1x1024xf32, #tpu.memory_space<any>>
      tpu.wait_dma2 semaphore(%dma_wait3A_684 : memref<!tpu.dma_semaphore, #tpu.memory_space<semaphore_mem>>) src(%dma_wait3A_691 : memref<1x1x1024xf32, #tpu.memory_space<any>>) dst(%dma_wait3A_688 : memref<1x1x1024xf32, #tpu.memory_space<vmem>>)
      %get3A_692 = arith.index_cast %add3A_679 : i32 to index
      %get3A_693 = memref.load %arg1[%get3A_692] : memref<272xf32, #tpu.memory_space<smem>>
      %get3A_694 = arith.constant 15 : index
      %get3A_695 = arith.constant 0 : index
      %get3A_696 = arith.constant 0 : index
      %get3A_697 = vector.load %arg8[%get3A_694, %get3A_695, %get3A_696] : memref<16x1x1024xf32, #tpu.memory_space<vmem>>, vector<1x1x1024xf32>
      %reshape3A_698 = vector.shape_cast %get3A_697 : vector<1x1x1024xf32> to vector<1x1024xf32>
      %mul3A_699 = vector.broadcast %get3A_693 : f32 to vector<1x1024xf32>
      %mul3A_700 = arith.mulf %mul3A_699, %reshape3A_698 : vector<1x1024xf32>
      %add3A_701 = arith.addf %add3A_670, %mul3A_700 : vector<1x1024xf32>
      %lt3A_702 = arith.constant 15 : i32
      %lt3A_703 = arith.cmpi slt, %scan3A_213, %lt3A_702 : i32
      %convert_element_type3A_704 = arith.extui %lt3A_703 : i1 to i32
      %cond3A_705 = arith.constant 0 : i32
      %cond3A_706 = arith.cmpi ne, %convert_element_type3A_704, %cond3A_705 : i32
      scf.if %cond3A_706 {
        %add3A_707 = arith.constant 16 : i32
        %add3A_708 = arith.addi %add3A_679, %add3A_707 : i32
        %get3A_709 = arith.index_cast %add3A_708 : i32 to index
        %get3A_710 = memref.load %arg0[%get3A_709] : memref<272xi32, #tpu.memory_space<smem>>
        %dma_start3A_711 = arith.constant 15 : i32
        %dma_start3A_712 = tpu.memref_slice %arg9[%dma_start3A_711] : memref<16x!tpu.dma_semaphore, #tpu.memory_space<semaphore_mem>> -> memref<1x!tpu.dma_semaphore, #tpu.memory_space<semaphore_mem>>
        %dma_start3A_713 = tpu.memref_squeeze %dma_start3A_712 : memref<1x!tpu.dma_semaphore, #tpu.memory_space<semaphore_mem>> -> memref<!tpu.dma_semaphore, #tpu.memory_space<semaphore_mem>>
        %dma_start3A_714 = arith.constant 15 : i32
        %dma_start3A_715 = arith.constant 0 : i32
        %dma_start3A_716 = arith.constant 0 : i32
        %dma_start3A_717 = tpu.memref_slice %arg8[%dma_start3A_714, %dma_start3A_715, %dma_start3A_716] : memref<16x1x1024xf32, #tpu.memory_space<vmem>> -> memref<1x1x1024xf32, #tpu.memory_space<vmem>>
        %dma_start3A_718 = arith.constant 0 : i32
        %dma_start3A_719 = arith.constant 0 : i32
        %dma_start3A_720 = tpu.memref_slice %arg5[%get3A_710, %dma_start3A_718, %dma_start3A_719] : memref<32768x1x1024xf32, #tpu.memory_space<any>> -> memref<1x1x1024xf32, #tpu.memory_space<any>>
        tpu.enqueue_dma source(%dma_start3A_720 : memref<1x1x1024xf32, #tpu.memory_space<any>>) target(%dma_start3A_717 : memref<1x1x1024xf32, #tpu.memory_space<vmem>>) target_semaphore(%dma_start3A_713 : memref<!tpu.dma_semaphore, #tpu.memory_space<semaphore_mem>>)
      } else {
      }
      scf.yield %add3A_701 : vector<1x1024xf32>
    }
    %scan3A_195 = arith.constant 16 : i32
    %get3A_196 = arith.constant 0 : index
    %get3A_197 = arith.constant 0 : index
    %get3A_198 = vector.load %arg6[%get3A_196, %get3A_197] : memref<1x1024xf32, #tpu.memory_space<vmem>>, vector<1x1024xf32>
    %mul3A = arith.mulf %scan3A_194, %get3A_198 : vector<1x1024xf32>
    %reduce_sum3A = vector.shape_cast %mul3A : vector<1x1024xf32> to vector<1x1x1024xf32>
    %reduce_sum3A_199 = arith.constant dense<0.000000e+00> : vector<1xf32>
    %reduce_sum3A_200 = vector.multi_reduction <add>, %reduce_sum3A, %reduce_sum3A_199 [1, 2] : vector<1x1x1024xf32> to vector<1xf32>
    %reduce_sum3A_201 = vector.shape_cast %reduce_sum3A_200 : vector<1xf32> to vector<1x1x1xf32>
    %reduce_sum3A_202 = vector.extract %reduce_sum3A_201[0, 0, 0] : f32 from vector<1x1x1xf32>
    %get3A_203 = arith.constant 0 : index
    %get3A_204 = arith.constant 0 : index
    %get3A_205 = memref.load %arg3[%get3A_203, %get3A_204] : memref<1x1xf32, #tpu.memory_space<smem>>
    %get3A_206 = arith.constant 0 : index
    %get3A_207 = memref.load %arg2[%get3A_206] : memref<16xf32, #tpu.memory_space<smem>>
    %div3A = arith.divf %reduce_sum3A_202, %get3A_207 : f32
    %add3A = arith.addf %get3A_205, %div3A : f32
    %get3A_208 = arith.constant 0 : index
    %get3A_209 = memref.load %arg4[%get3A_208] : memref<1xf32, #tpu.memory_space<smem>>
    %add3A_210 = arith.addf %add3A, %get3A_209 : f32
    %reshape3A = vector.broadcast %add3A_210 : f32 to vector<1x1xf32>
    %swap3A = arith.constant 0 : index
    %swap3A_211 = arith.constant 0 : index
    %swap3A_212 = vector.load %arg7[%swap3A, %swap3A_211] : memref<1x1xf32, #tpu.memory_space<vmem>>, vector<1x1xf32>
    tpu.vector_store %arg7[%swap3A, %swap3A_211], %reshape3A {strides = array<i32>} : memref<1x1xf32, #tpu.memory_space<vmem>>, vector<1x1xf32>,
    return
  }
}

</mosaic_0001>

<sc_bundles>
// kernel: kernel.6.cloned.1.call-start
scs
__scs_entry_jumppad:
0x0: {  	(pc) =	sbr.rel $0x88, $3  }
0x1: {  	(tag) =	ssettag $0x0;
	lr =	simm.s32 $0x1  }
0x2: {  	[smem:$0x3F95] =	sst lr;
	_ =	strace $0xD0000000  }
0x3: {  	_ = 	snop  }
0x4: {  	_ = 	snop  }
0x5: {  	_ = 	snop  }
0x6: {  	_ = 	snop  }
0x7: {  	_ = 	snop  }
__scs_overlays_trampoline_lowered:
0x8: {  	[smem:$0x3FA4] =	sst s0  }
0x9: {  	[smem:$0x3FA5] =	sst s1  }
0xa: {  	[smem:$0x3FA6] =	sst s2  }
0xb: {  	[smem:$0x3FA7] =	sst s3  }
0xc: {  	[smem:$0x3FA8] =	sst s4  }
0xd: {  	[smem:$0x3FA9] =	sst s5  }
0xe: {  	[smem:$0x3FAA] =	sst s6  }
0xf: {  	[smem:$0x3FAB] =	sst s7  }
0x10: {  	[smem:$0x3FAC] =	sst s8  }
0x11: {  	[smem:$0x3FAD] =	sst s9;
	s0 =	simm.s32 @!p0 $0x0  }
0x12: {  	s1 =	sld [smem:$0x3F93];
	s0 =	simm.s32 @p0 $0x1  }
0x13: {  	[smem:$0x3FAE] =	sst s0;
	s0 =	simm.s32 @!p1 $0x0  }
0x14: {  	s2 =	sld [smem:$0x3F92];
	s0 =	simm.s32 @p1 $0x1  }
0x15: {  	[smem:$0x3FAF] =	sst s0;
	s0 =	simm.s32 @!p2 $0x0  }
0x16: {  	s3 =	sld [smem:$0x3FDB];
	s0 =	simm.s32 @p2 $0x1  }
0x17: {  	s4 =	simm.s32 $0x1BF5;
	[smem:$0x3FB1] =	sst s0  }
0x18: {  	s0 =	sld [smem:$0x3F94];
	_ =	swait.ge [sflag:s4], $0x0  }
0x19: {  	s7 =	sld [smem:$0x3F95]  }
0x1a: {  	s8 =	sadd.s32 $0xFFFFE003, lr  }
0x1b: {  	s9 =	sadd.s32 $0xFFFFFEF7, lr;
	s5 =	simm.s32 $0xFFFFFFFF;
	p2 =	slt.u32 s8, $0xFFFFF086  }
0x1c: {  	p1 =	slt.u32 s9, $0xF7A;
	s5 =	simm.s32 @!p2 $0x0  }
0x1d: {  	s5 =	simm.s32 @p1 $0x1;
	p0 =	seq.s32 s7, s2  }
0x1e: {  	s7 =	smul.u32 @!p0 $0xF7A, s2;
	p2 =	seq.s32 @!p0 s5, $0x0  }
0x1f: {  	s9 =	smul.u32 $0xF7A, s1;
	s8 =	simm.s32 @!p0 $0x1BF5;
	p2 =	por !p2, p0  }
0x20: {  	[sflag:s8] =	ssyncset.s32 @!p0 $0xFFFFF086;
	s6 =	sadd.s32 @!p0 s3, s7;
	s7 =	simm.s32 @!p0 $0x108  }
0x21: {  	s3 =	sadd.s32 s3, s9;
	s6 =	sadd.s32 @!p0 $0x88, s6;
	s7 =	simm.s32 @p2 $0x1082  }
0x22: {  	[simem:s7], [sflag:s8] =	dma.local @!p0 [hbm:s6], $0xF7A  }
0x23: {  	s9 =	sor.u32 $0xD0000000, s2;
	s6 =	simm.s32 $0x108;
	_ =	swait.ge @!p0 [sflag:s8], $0x0  }
0x24: {  	s3 =	sadd.s32 $0x88, s3;
	s6 =	simm.s32 @!p1 $0x1082;
	[sflag:s4] =	ssyncset.s32 $0xFFFFF086  }
0x25: {  	[simem:s6], [sflag:s4] =	dma.local [hbm:s3], $0xF7A  }
0x26: {  	[smem:$0x3F95] =	sst s1;
	(tag) =	ssettag s2;
	_ =	strace s9  }
0x27: {  	s1 =	sld [smem:$0x3FA5]  }
0x28: {  	s2 =	sld [smem:$0x3FA6]  }
0x29: {  	s4 =	sld [smem:$0x3FA8]  }
0x2a: {  	p0 =	seq.s32 s5, $0x0;
	s5 =	sld [smem:$0x3FA9]  }
0x2b: {  	s6 =	sld [smem:$0x3FAA]  }
0x2c: {  	s7 =	sld [smem:$0x3FAB]  }
0x2d: {  	s3 =	simm.s32 $0x108;
	s8 =	sld [smem:$0x3FAC]  }
0x2e: {  	s3 =	simm.s32 @!p0 $0x1082;
	s9 =	sld [smem:$0x3FAD]  }
0x2f: {  	lr =	sadd.s32 s0, s3;
	s0 =	sld [smem:$0x3FA4]  }
0x30: {  	s3 =	sld [smem:$0x3FA7]  }
0x31: {  	[smem:$0x3FB0] =	sst s10  }
0x32: {  	s10 =	sld [smem:$0x3FAE];
	_ =	sdelay $0x3  }
0x33: {  	p0 =	seq.s32 s10, $0x1;
	s10 =	sld [smem:$0x3FB0];
	_ =	sdelay $0x3  }
0x34: {  	[smem:$0x3FB0] =	sst s10  }
0x35: {  	s10 =	sld [smem:$0x3FAF];
	_ =	sdelay $0x3  }
0x36: {  	p1 =	seq.s32 s10, $0x1;
	s10 =	sld [smem:$0x3FB0];
	_ =	sdelay $0x3  }
0x37: {  	[smem:$0x3FB0] =	sst s10  }
0x38: {  	s10 =	sld [smem:$0x3FB1]  }
0x39: {  	_ = 	snop;
	(pc) =	sbr.ind lr, $3  }
0x3a: {  	_ = 	snop  }
0x3b: {  	_ = 	snop  }
0x3c: {  	p2 =	seq.s32 s10, $0x1;
	s10 =	sld [smem:$0x3FB0]  }
0x3d: {  	_ =	shalt  }
0x3e: {  	_ =	shalt  }
0x3f: {  	_ =	shalt  }
0x40: {  	_ =	shalt  }
0x41: {  	_ =	shalt  }
0x42: {  	_ =	shalt  }
0x43: {  	_ =	shalt  }
0x44: {  	_ =	shalt  }
0x45: {  	_ =	shalt  }
0x46: {  	_ =	shalt  }
0x47: {  	_ =	shalt  }
0x48: {  	_ =	shalt  }
0x49: {  	_ =	shalt  }
0x4a: {  	_ =	shalt  }
0x4b: {  	_ =	shalt  }
0x4c: {  	_ =	shalt  }
0x4d: {  	_ =	shalt  }
0x4e: {  	_ =	shalt  }
0x4f: {  	_ =	shalt  }
0x50: {  	_ =	shalt  }
0x51: {  	_ =	shalt  }
0x52: {  	_ =	shalt  }
0x53: {  	_ =	shalt  }
0x54: {  	_ =	shalt  }
0x55: {  	_ =	shalt  }
0x56: {  	_ =	shalt  }
0x57: {  	_ =	shalt  }
0x58: {  	_ =	shalt  }
0x59: {  	_ =	shalt  }
0x5a: {  	_ =	shalt  }
0x5b: {  	_ =	shalt  }
0x5c: {  	_ =	shalt  }
0x5d: {  	_ =	shalt  }
0x5e: {  	_ =	shalt  }
0x5f: {  	_ =	shalt  }
0x60: {  	_ =	shalt  }
0x61: {  	_ =	shalt  }
0x62: {  	_ =	shalt  }
0x63: {  	_ =	shalt  }
0x64: {  	_ =	shalt  }
0x65: {  	_ =	shalt  }
0x66: {  	_ =	shalt  }
0x67: {  	_ =	shalt  }
0x68: {  	_ =	shalt  }
0x69: {  	_ =	shalt  }
0x6a: {  	_ =	shalt  }
0x6b: {  	_ =	shalt  }
0x6c: {  	_ =	shalt  }
0x6d: {  	_ =	shalt  }
0x6e: {  	_ =	shalt  }
0x6f: {  	_ =	shalt  }
0x70: {  	_ =	shalt  }
0x71: {  	_ =	shalt  }
0x72: {  	_ =	shalt  }
0x73: {  	_ =	shalt  }
0x74: {  	_ =	shalt  }
0x75: {  	_ =	shalt  }
0x76: {  	_ =	shalt  }
0x77: {  	_ =	shalt  }
0x78: {  	_ =	shalt  }
0x79: {  	_ =	shalt  }
0x7a: {  	_ =	shalt  }
0x7b: {  	_ =	shalt  }
0x7c: {  	_ =	shalt  }
0x7d: {  	_ =	shalt  }
0x7e: {  	_ =	shalt  }
0x7f: {  	_ =	shalt  }
0x80: {  	_ =	shalt  }
0x81: {  	_ =	shalt  }
0x82: {  	_ =	shalt  }
0x83: {  	_ =	shalt  }
0x84: {  	_ =	shalt  }
0x85: {  	_ =	shalt  }
0x86: {  	_ =	shalt  }
0x87: {  	_ =	shalt  }
.Lfunc_end0:
.L_simem_size_0:
called_computation_lowered:
.L_overlay_start_0:
0x88: {  	s0 =	sld [smem:$0x3FD9]  }
0x89: {  	s1 =	sld [smem:$0x3FFE];
	_ =	sdelay $0x3  }
0x8a: {  	s0 =	sadd.s32 s1, s0  }
0x8b: {  	[smem:$0x3FBC] =	sst s0  }
0x8c: {  	_ = 	snop  }
0x8d: {  	s0 =	sld [smem:$0x3FD0];
	_ =	sdelay $0x2  }
0x8e: {  	s2 =	simm.s32 $0xA;
	s3 =	simm.s32 $0x10;
	s13 =	sld [smem:$0x3FC4]  }
0x8f: {  	[smem:s3], [sflag:s2] =	dma.local [hbm:s0], $0x1  }
0x90: {  	_ =	swait.eq [sflag:s2], $0x1  }
0x91: {  	[sflag:s2] =	ssyncset.done $0x0  }
0x92: {  	[sflag:s2] =	ssyncadd.s32 $0xFFFFFFFF  }
0x93: {  	s14 =	sld [smem:$0x10];
	(tm) =	ssettm $0x1  }
0x94: {  	s15 =	sld [smem:$0x3FFB];
	_ =	sdelay $0x3  }
0x95: {  	_ =	strace s15  }
0x96: {  	s2 =	sld [smem:$0x3FFC];
	_ =	sdelay $0x3  }
0x97: {  	_ =	strace s2  }
0x98: {  	s2 =	sld [smem:$0x3FFD];
	_ =	sdelay $0x3  }
0x99: {  	_ =	strace s2  }
0x9a: {  	_ =	strace $0x8FFFFFFF  }
0x9b: {  	s16 =	sld [smem:$0x3FDB];
	_ =	sdelay $0x1  }
0x9c: {  	s17 =	simm.s32 $_scs_section_size  }
0x9d: {  	s4 =	simm.s32 $_size__tile_overlayer_lowered;
	s5 =	simm.s32 $_tile_overlayer_lowered  }
0x9e: {  	s20 =	simm.s32 $0x1BFF;
	s19 =	sshll.u32 s5, $0x1;
	s2 =	sadd.s32 s17, s16  }
0x9f: {  	s6 =	simm.s32 $0x0;
	s18 =	sshll.u32 s4, $0x1;
	s4 =	sadd.s32 s19, s2  }
0xa0: {  	[timem:s6], [sflag:s20] =	dma.local [hbm:s4], s18  }
0xa1: {  	_ =	swait.ge [sflag:s20], s18  }
0xa2: {  	s3 =	ssub.s32 $0x0, s18;
	[sflag:s20] =	ssyncset.done $0x0  }
0xa3: {  	[sflag:s20] =	ssyncadd.s32 s3;
	_ =	sdelay $0x1  }
0xa4: {  	s21 =	simm.s32 $0x1B8B  }
0xa5: {  	_ =	swait.ge [sflag:s21], $0x1  }
0xa6: {  	[sflag:s21] =	ssyncset.done $0x0  }
0xa7: {  	s23 =	simm.s32 $0x1B8E;
	s22 =	sld [smem:$0x3FFE];
	[sflag:s21] =	ssyncadd.s32 $0xFFFFFFFF  }
0xa8: {  	s24 =	simm.s32 $execute0_lowered;
	[smem:$0x3FD2] =	sst s23  }
0xa9: {  	s4 =	sshll.u32 s24, $0x1;
	_ =	strace $0x80000046;
	[dreg:$0x1] =	wrdreg $0xFFFFFFFF  }
0xaa: {  	s25 =	simm.s32 $_size_execute0_lowered;
	s2 =	sadd.s32 s2, s4;
	[dreg:$0x0] =	wrdreg $0x0  }
0xab: {  	s4 =	sshll.u32 s25, $0x1;
	[dreg:$0x2] =	wrdreg s2  }
0xac: {  	[dreg:$0x3] =	wrdreg s4  }
0xad: {  	[dreg:$0x4] =	wrdreg $0xC0  }
0xae: {  	_ =	task [dreg:s6], $0x5FFFF  }
0xaf: {  	[dreg:$0x1] =	wrdreg $0xFFFFFFFF  }
0xb0: {  	[dreg:$0x0] =	wrdreg $0x60  }
0xb1: {  	[dreg:$0x2] =	wrdreg s22  }
0xb2: {  	[dreg:$0x3] =	wrdreg s13  }
0xb3: {  	[dreg:$0x4] =	wrdreg s14  }
0xb4: {  	[dreg:$0x5] =	wrdreg $0x33100  }
0xb5: {  	[dreg:$0x6] =	wrdreg $0x33000  }
0xb6: {  	[dreg:$0x7] =	wrdreg $0x33500  }
0xb7: {  	[dreg:$0x8] =	wrdreg $0x33600  }
0xb8: {  	[dreg:$0x9] =	wrdreg $0x9  }
0xb9: {  	_ =	task.clear_ibuf [dreg:s6], $0xAFFFF;
	_ =	strace $0x90000046  }
0xba: {  	s26 =	simm.s32 $0x9;
	_ =	strace $0x80000048  }
0xbb: {  	_ =	swait.ge [sflag:s26], $0x1  }
0xbc: {  	[sflag:s26] =	ssyncadd.s32 $0xFFFFFFFF  }
0xbd: {  	_ =	strace $0x90000048  }
0xbe: {  	_ =	sfence  }
0xbf: {  	s28 =	sld [smem:$0x0];
	_ =	sdelay $0x1  }
0xc0: {  	s29 =	srdreg.scid  }
0xc1: {  	s30 =	sshll.u32 s29, $0xD;
	s31 =	sshrl.u32 s29, $0x2  }
0xc2: {  	s1 =	sand.u32 $0x1, s29;
	s2 =	sand.u32 $0x4000, s30;
	s0 =	sadd.s32 s31, s28  }
0xc3: {  	s1 =	sor.u32 s2, s1;
	s0 =	sshll.u32 s0, $0x11  }
0xc4: {  	s0 =	sor.u32 s0, s1  }
0xc5: {  	s0 =	sadd.s32 $0x8F2B, s0  }
0xc6: {  	[sflag:s0] =	ssyncadd.remote.s32 $0x1  }
0xc7: {  	_ =	sfence.sel $0xFFFF  }
0xc8: {  	[dreg:$0x0] =	wrdreg $0xFFFFFFFF;
	(pc) =	sbr.abs _section_cstart, $3  }
0xc9: {  	[dreg:$0x1] =	wrdreg $0xFFFFFFFF  }
0xca: {  	_ =	task.clear_ibuf [dreg:s6], $0x2FFFF;
	_ =	strace $0x9FFFFFFF  }
0xcb: {  	(tm) =	ssettm $0x7FFFFFFF  }
tec
execute0_lowered:
.L_overlay_start_1:
0x0: {  	(tag) =	ssettag $0x1  }
0x1: {  	s3 =	rddreg [dreg:$0x0]  }
0x2: {  	s4 =	rddreg [dreg:$0x1]  }
0x3: {  	s1 =	rddreg [dreg:$0x2]  }
0x4: {  	s11 =	rddreg [dreg:$0x3]  }
0x5: {  	s2 =	rddreg [dreg:$0x4]  }
0x6: {  	s7 =	rddreg [dreg:$0x5]  }
0x7: {  	s6 =	rddreg [dreg:$0x6];
	s5 =	stileid.u32  }
0x8: {  	s0 =	rddreg [dreg:$0x7];
	s9 =	simm.s32 $0x0;
	s8 =	sshll.u32 s5, $0x8  }
0x9: {  	[smem:$0x7FF] =	sst s9;
	s10 =	sadd.s32 s8, s3  }
0xa: {  	s28 =	simm.s32 $0x2;
	_ =	strace $0x80000047;
	s10 =	sadd.s32 $0x1E00, s10  }
0xb: {  	[tilespmem:s9], [sflag:$0x2] =	stream.linear.gather [hbm4b:s10+s9], $0x800, $0x38;
	[tilespmem:$0x3370] =	vst v63  }
0xc: {  	_ =	swait.ge [sflag:s28], $0x800  }
0xd: {  	[sflag:s28] =	ssyncset.done $0x0  }
0xe: {  	s29 =	simm.s32 $0x800;
	s4 =	sadd.s32 s4, s8;
	[sflag:s28] =	ssyncadd.s32 $0xFFFFF800  }
0xf: {  	[tilespmem:s29], [sflag:$0x2] =	stream.linear.gather [hbm4b:s4+s9], $0x800, $0x38;
	[tilespmem:$0x3370] =	vst v63  }
0x10: {  	_ =	swait.ge [sflag:s28], $0x800  }
0x11: {  	[sflag:s28] =	ssyncset.done $0x0  }
0x12: {  	s31 =	simm.s32 $0x2E00;
	s30 =	sadd.s32 $0x2E00, s3;
	[sflag:s28] =	ssyncadd.s32 $0xFFFFF800  }
0x13: {  	[tilespmem:s31], [sflag:$0x2] =	stream.linear.gather [hbm4b:s30+s9], $0x80, $0x38;
	[tilespmem:$0x3370] =	vst v63  }
0x14: {  	_ =	swait.ge [sflag:s28], $0x80  }
0x15: {  	v0 =	vlaneseq.u32;
	[sflag:s28] =	ssyncset.done $0x0  }
0x16: {  	v2 =	vor.u32 s9, v0;
	s8 =	simm.s32 $0x3100;
	[sflag:s28] =	ssyncadd.s32 $0xFFFFFF80  }
0x17: {  	v1 =	vimm.s32 $0x0;
	s9 =	simm.s32 $0x2A00;
	[tilespmem:s8+$0x0] =	vst v2  }
0x18: {  	s10 =	simm.s32 $0x10;
	s4 =	sadd.s32 $0x3000, s3;
	s3 =	sadd.s32 $0x3200, s3;
	[tilespmem:s9+$0x0] =	vst v1  }
.LBB2_1:
0x19: {  	p0 =	sne.s32 s10, $0xF0  }
.Ltmp0:
0x1a: {  	_ = 	snop;
	(pc) =	sbr.rel @p0 .LBB2_1-.Ltmp0, $4  }
0x1b: {  	_ = 	snop  }
0x1c: {  	v2 =	vor.u32 s10, v0;
	s8 =	sadd.s32 $0x10, s8  }
0x1d: {  	s10 =	sadd.s32 $0x10, s10;
	s9 =	sadd.s32 $0x10, s9;
	[tilespmem:s8+$0x0] =	vst v2  }
0x1e: {  	[tilespmem:s9+$0x0] =	vst v1  }
0x1f: {  	p0 =	sne.s32 s5, $0x0  }
0x20: {  	s8 =	simm.s32 @!p0 $0x2A00;
	s9 =	simm.s32 @!p0 $0x2  }
0x21: {  	[spmem:s11] =	stream.linear.scatter @!p0 [tilespmem:s8], [sflag:$0x2], $0x100, $0x38;
	[tilespmem:$0x3370] =	vst v63  }
0x22: {  	_ =	swait.ge @!p0 [sflag:s9], $0x100  }
0x23: {  	[sflag:s9] =	ssyncset.done @!p0 $0x0  }
0x24: {  	s14 =	sadd.s32 $0x100, s11;
	[sflag:s9] =	ssyncadd.s32 @!p0 $0xFFFFFF00  }
0x25: {  	[spmem:s14] =	stream.linear.scatter @!p0 [tilespmem:s8], [sflag:$0x2], $0x100, $0x38;
	[tilespmem:$0x3370] =	vst v63  }
0x26: {  	_ =	swait.ge @!p0 [sflag:s9], $0x100  }
0x27: {  	[sflag:s9] =	ssyncset.done @!p0 $0x0  }
0x28: {  	s13 =	sadd.s32 $0x200, s11;
	[sflag:s9] =	ssyncadd.s32 @!p0 $0xFFFFFF00  }
0x29: {  	[spmem:s13] =	stream.linear.scatter @!p0 [tilespmem:s8], [sflag:$0x2], $0x100, $0x38;
	[tilespmem:$0x3370] =	vst v63  }
0x2a: {  	_ =	swait.ge @!p0 [sflag:s9], $0x100  }
0x2b: {  	[sflag:s9] =	ssyncset.done @!p0 $0x0  }
0x2c: {  	s12 =	sadd.s32 $0x300, s11;
	[sflag:s9] =	ssyncadd.s32 @!p0 $0xFFFFFF00  }
0x2d: {  	[spmem:s12] =	stream.linear.scatter @!p0 [tilespmem:s8], [sflag:$0x2], $0x100, $0x38;
	[tilespmem:$0x3370] =	vst v63  }
0x2e: {  	_ =	swait.ge @!p0 [sflag:s9], $0x100  }
0x2f: {  	[sflag:s9] =	ssyncset.done @!p0 $0x0  }
0x30: {  	s16 =	simm.s32 $0x0;
	[sflag:s9] =	ssyncadd.s32 @!p0 $0xFFFFFF00  }
0x31: {  	v6 =	vld [tilespmem:s16+$0x0]  }
0x32: {  	v10 =	vld [tilespmem:s16+$0x20]  }
0x33: {  	v11 =	vld [tilespmem:s16+$0x30]  }
0x34: {  	v8 =	vld [tilespmem:s16+$0x10];
	_ =	sdelay $0x1  }
0x35: {  	v0 =	vmov s5;
	s8 =	sshll.u32 s5, $0xB  }
0x36: {  	v2 =	vimm.f32 $-Inf;
	s15 =	simm.s32 $0x40;
	v1 =	vmov s8;
	v3 =	vshra.s32 v6, $0x1F  }
0x37: {  	v4 =	vmax.f32 v2, v6;
	v2 =	vld [tilespmem:s15+$0x0];
	v7 =	vshra.s32 v10, $0x1F;
	v14 =	vshra.s32 v11, $0x1F  }
0x38: {  	v5 =	vld [tilespmem:s15+$0x10];
	v9 =	vor.u32 $0x80000000, v3;
	v3 =	vshra.s32 v8, $0x1F;
	v4 =	vmax.f32 v4, v8  }
0x39: {  	v13 =	vor.u32 $0x80000000, v7;
	v12 =	vor.u32 $0x80000000, v3;
	v4 =	vmax.f32 v4, v10;
	v3 =	vld [tilespmem:s15+$0x20]  }
0x3a: {  	s31 =	sshll.u32 s5, $0x4;
	s17 =	simm.s32 $0x200;
	v14 =	vor.u32 $0x80000000, v14;
	v6 =	vxor.u32 v6, v9;
	v7 =	vmax.f32 v4, v11;
	v4 =	vld [tilespmem:s15+$0x30]  }
0x3b: {  	s10 =	sadd.s32 s31, s7;
	s5 =	sadd.s32 s31, s2;
	s9 =	sadd.s32 s31, s6;
	v9 =	vxor.u32 v8, v12;
	[tilespmem:s16+$0x1000] =	vst v6;
	v8 =	vxor.u32 v10, v13;
	v6 =	vxor.u32 v11, v14  }
.LBB2_3:
0x3c: {  	s18 =	sshra.s32 s17, $0x2;
	p1 =	sne.s32 s17, $0x1F00;
	s17 =	sadd.s32 $0x100, s17;
	v10 =	vshra.s32 v2, $0x1F;
	v7 =	vmax.f32 v7, v2;
	[tilespmem:s16+$0x1010] =	vst v9;
	v9 =	vmov v2  }
.Ltmp1:
0x3d: {  	v2 =	vld [tilespmem:s18+$0x0];
	v10 =	vor.u32 $0x80000000, v10;
	v11 =	vshra.s32 v5, $0x1F;
	v7 =	vmax.f32 v7, v5;
	[tilespmem:s16+$0x1020] =	vst v8;
	v8 =	vmovc v5;
	(pc) =	sbr.rel @p1 .LBB2_3-.Ltmp1, $4  }
0x3e: {  	v5 =	vld [tilespmem:s18+$0x10];
	v11 =	vor.u32 $0x80000000, v11;
	v12 =	vshra.s32 v3, $0x1F;
	v7 =	vmax.f32 v7, v3;
	[tilespmem:s16+$0x1030] =	vst v6;
	v6 =	vmovc v3;
	s16 =	smov.u32 s15;
	s15 =	smov.u32 s18  }
0x3f: {  	v3 =	vld [tilespmem:s15+$0x20];
	v12 =	vor.u32 $0x80000000, v12;
	v13 =	vshra.s32 v4, $0x1F;
	v7 =	vmax.f32 v7, v4;
	v14 =	vmovc v4  }
0x40: {  	v10 =	vxor.u32 v9, v10;
	v9 =	vxor.u32 v8, v11;
	v4 =	vld [tilespmem:s15+$0x30];
	v11 =	vor.u32 $0x80000000, v13  }
0x41: {  	v8 =	vxor.u32 v6, v12;
	[tilespmem:s16+$0x1000] =	vst v10;
	v6 =	vxor.u32 v14, v11  }
0x42: {  	v10 =	vimm.s32 $0xEFCDAB89;
	v11 =	vimm.s32 $0x67452301  }
0x43: {  	v12 =	vshra.s32 v2, $0x1F;
	v10 =	vunpack.c.l.s4.s8 v10;
	v11 =	vunpack.c.l.s4.s8 v11  }
0x44: {  	v7 =	vmax.f32 v7, v2;
	v12 =	vor.u32 $0x80000000, v12  }
0x45: {  	v13 =	vshra.s32 v5, $0x1F;
	v10 =	vunpack.c.0.s8.s32 v10;
	v11 =	vunpack.c.0.s8.s32 v11  }
0x46: {  	[tilespmem:s16+$0x1010] =	vst v9;
	v7 =	vmax.f32 v7, v5;
	v9 =	vor.u32 $0x80000000, v13;
	v13 =	vshra.s32 v3, $0x1F  }
0x47: {  	[tilespmem:s16+$0x1020] =	vst v8;
	v2 =	vxor.u32 v2, v12;
	v8 =	vor.u32 $0x80000000, v13;
	v10 =	vcombine.low v11, v10  }
0x48: {  	[tilespmem:s16+$0x1030] =	vst v6;
	v13 =	vshra.s32 v4, $0x1F;
	v5 =	vxor.u32 v5, v9;
	v9 =	vimm.s32 $0xDCFE98BA  }
0x49: {  	[tilespmem:s15+$0x1000] =	vst v2;
	v6 =	vor.u32 $0x80000000, v13;
	v2 =	vand.u32 $0xF, v10;
	v10 =	vimm.s32 $0x54761032  }
0x4a: {  	v8 =	vxor.u32 v3, v8;
	[tilespmem:s15+$0x1010] =	vst v5;
	v5 =	vunpack.c.l.s4.s8 v9;
	v9 =	vunpack.c.l.s4.s8 v10  }
0x4b: {  	v3 =	vmax.f32 v7, v3;
	v6 =	vxor.u32 v4, v6;
	[tilespmem:s15+$0x1020] =	vst v8  }
0x4c: {  	v3 =	vmax.f32 v3, v4;
	[tilespmem:s15+$0x1030] =	vst v6;
	v4 =	vunpack.c.0.s8.s32 v5;
	v5 =	vunpack.c.0.s8.s32 v9  }
0x4d: {  	s28 =	simm.s32 $0x3200;
	[tilespmem:$0x3200] =	vst v3  }
0x4e: {  	v2 =	vld.idx.msk [tilespmem:v2+s28+$0x0], $0xffff;
	v4 =	vcombine.low v5, v4;
	_ =	sdelay $0x1  }
0x4f: {  	v6 =	vimm.s32 $0x32107654;
	v5 =	vimm.s32 $0xBA98FEDC;
	v4 =	vand.u32 $0xF, v4  }
0x50: {  	v6 =	vunpack.c.l.s4.s8 v6;
	v5 =	vunpack.c.l.s4.s8 v5;
	_ =	sdelay $0x1  }
0x51: {  	v2 =	vmax.f32 v3, v2;
	v3 =	vunpack.c.0.s8.s32 v5;
	v5 =	vunpack.c.0.s8.s32 v6  }
0x52: {  	[tilespmem:$0x3200] =	vst v2  }
0x53: {  	v4 =	vld.idx.msk [tilespmem:v4+s28+$0x0], $0xffff;
	v3 =	vcombine.low v5, v3;
	_ =	sdelay $0x1  }
0x54: {  	v5 =	vimm.s32 $0xFEDCBA98;
	v3 =	vand.u32 $0xF, v3  }
0x55: {  	v6 =	vimm.s32 $0x76543210;
	v5 =	vunpack.c.l.s4.s8 v5  }
0x56: {  	v6 =	vunpack.c.l.s4.s8 v6  }
0x57: {  	v2 =	vmax.f32 v2, v4;
	v4 =	vunpack.c.0.s8.s32 v5  }
0x58: {  	v5 =	vunpack.c.0.s8.s32 v6;
	[tilespmem:$0x3200] =	vst v2  }
0x59: {  	v3 =	vld.idx.msk [tilespmem:v3+s28+$0x0], $0xffff;
	v4 =	vand.u32 $0xF, v4  }
0x5a: {  	v4 =	vcombine.low v4, v5;
	_ =	sdelay $0x3  }
0x5b: {  	v2 =	vmax.f32 v2, v3  }
0x5c: {  	[tilespmem:$0x3200] =	vst v2  }
0x5d: {  	v3 =	vld.idx.msk [tilespmem:v4+s28+$0x0], $0xffff;
	_ =	sdelay $0x4  }
0x5e: {  	v2 =	vmax.f32 v2, v3  }
0x5f: {  	s29 =	simm.s32 $0x2E80;
	s30 =	simm.s32 $0x2;
	[tilespmem:$0x2E80] =	vst v2  }
0x60: {  	[spmem:s5] =	stream.linear.scatter [tilespmem:s29], [sflag:$0x2], $0x10, $0x38;
	[tilespmem:$0x3370] =	vst v63  }
0x61: {  	_ =	swait.ge [sflag:s30], $0x10  }
0x62: {  	[sflag:s30] =	ssyncset.done $0x0  }
0x63: {  	[sflag:s30] =	ssyncadd.s32 $0xFFFFFFF0  }
0x64: {  	s31 =	simm.s32 $0x2900;
	[bflag:$0x0] =	sbarrier.arrive $0xFFFF  }
0x65: {  	[tilespmem:s31], [sflag:$0x2] =	stream.linear.gather [spmem:s2], $0x100, $0x38;
	[tilespmem:$0x3370] =	vst v63  }
0x66: {  	_ =	swait.ge [sflag:s30], $0x100  }
0x67: {  	[sflag:s30] =	ssyncset.done $0x0  }
0x68: {  	[sflag:s30] =	ssyncadd.s32 $0xFFFFFF00  }
0x69: {  	v13 =	vld [tilespmem:$0x2900]  }
0x6a: {  	v16 =	vld [tilespmem:$0x2910]  }
0x6b: {  	v17 =	vld [tilespmem:$0x2920]  }
0x6c: {  	v14 =	vld [tilespmem:$0x2930]  }
0x6d: {  	v15 =	vld [tilespmem:$0x2940]  }
0x6e: {  	v8 =	vld [tilespmem:$0x2950]  }
0x6f: {  	v9 =	vld [tilespmem:$0x2960]  }
0x70: {  	v10 =	vld [tilespmem:$0x2970]  }
0x71: {  	v11 =	vld [tilespmem:$0x2980]  }
0x72: {  	v12 =	vld [tilespmem:$0x2990]  }
0x73: {  	v4 =	vld [tilespmem:$0x29A0]  }
0x74: {  	v5 =	vld [tilespmem:$0x29B0]  }
0x75: {  	v6 =	vld [tilespmem:$0x29C0]  }
0x76: {  	v7 =	vld [tilespmem:$0x29D0]  }
0x77: {  	v2 =	vld [tilespmem:$0x29E0]  }
0x78: {  	v18 =	vimm.s32 $0x0;
	s16 =	simm.s32 $0x0;
	s17 =	simm.s32 $0x200;
	s15 =	simm.s32 $0x0;
	v3 =	vld [tilespmem:$0x29F0]  }
.LBB2_5:
0x79: {  	p1 =	sne.s32 s17, $0x3E00;
	[tilespmem:s16+$0x1870] =	vst v18  }
0x7a: {  	[tilespmem:s16+$0x1800] =	vst v18  }
0x7b: {  	[tilespmem:s16+$0x1810] =	vst v18  }
.Ltmp2:
0x7c: {  	[tilespmem:s16+$0x1820] =	vst v18;
	(pc) =	sbr.rel @p1 .LBB2_5-.Ltmp2, $4  }
0x7d: {  	[tilespmem:s16+$0x1830] =	vst v18  }
0x7e: {  	[tilespmem:s16+$0x1840] =	vst v18  }
0x7f: {  	[tilespmem:s16+$0x1850] =	vst v18  }
0x80: {  	[tilespmem:s16+$0x1860] =	vst v18;
	s16 =	sshra.s32 s17, $0x2;
	s17 =	sadd.s32 $0x200, s17  }
0x81: {  	[tilespmem:s16+$0x1870] =	vst v18  }
0x82: {  	[tilespmem:s16+$0x1800] =	vst v18  }
0x83: {  	[tilespmem:s16+$0x1810] =	vst v18  }
0x84: {  	[tilespmem:s16+$0x1820] =	vst v18  }
0x85: {  	[tilespmem:s16+$0x1830] =	vst v18  }
0x86: {  	[tilespmem:s16+$0x1840] =	vst v18  }
0x87: {  	[tilespmem:s16+$0x1850] =	vst v18;
	v19 =	vlaneseq.u32  }
0x88: {  	[tilespmem:s16+$0x1860] =	vst v18;
	s16 =	simm.s32 $0x1800;
	v18 =	vmul.u32 $0x100, v19;
	v19 =	vimm.s32 $0x1  }
.LBB2_7:
0x89: {  	s17 =	sshra.s32 s15, $0x2  }
0x8a: {  	v20 =	vld [tilespmem:s17+$0x1000];
	_ =	sdelay $0x4  }
0x8b: {  	v20 =	vshrl.u32 v20, $0x18  }
0x8c: {  	v21 =	vand.u32 $0x80, v20  }
0x8d: {  	v20 =	vand.u32 $0x7F, v20;
	v21 =	vor.u32 v18, v21  }
0x8e: {  	v20 =	vor.u32 v20, v21;
	_ =	sdelay $0x4  }
0x8f: {  	[tilespmem:v20+s16+$0x0] =	vst.idx.add.s32.msk $0xffff, v19  }
0x90: {  	v20 =	vld [tilespmem:s17+$0x1010];
	_ =	sdelay $0x4  }
0x91: {  	v20 =	vshrl.u32 v20, $0x18  }
0x92: {  	v61 =	vand.u32 $0x80, v20  }
0x93: {  	v20 =	vand.u32 $0x7F, v20;
	v21 =	vor.u32 v18, v61  }
0x94: {  	v20 =	vor.u32 v20, v21;
	_ =	sdelay $0x4  }
0x95: {  	[tilespmem:v20+s16+$0x0] =	vst.idx.add.s32.msk $0xffff, v19  }
0x96: {  	v20 =	vld [tilespmem:s17+$0x1020];
	_ =	sdelay $0x4  }
0x97: {  	v20 =	vshrl.u32 v20, $0x18  }
0x98: {  	v62 =	vand.u32 $0x80, v20  }
0x99: {  	v20 =	vand.u32 $0x7F, v20;
	v21 =	vor.u32 v18, v62  }
0x9a: {  	v20 =	vor.u32 v20, v21;
	_ =	sdelay $0x4  }
0x9b: {  	[tilespmem:v20+s16+$0x0] =	vst.idx.add.s32.msk $0xffff, v19  }
0x9c: {  	v20 =	vld [tilespmem:s17+$0x1030];
	_ =	sdelay $0x4  }
0x9d: {  	v20 =	vshrl.u32 v20, $0x18  }
0x9e: {  	v63 =	vand.u32 $0x80, v20  }
0x9f: {  	v20 =	vand.u32 $0x7F, v20;
	v21 =	vor.u32 v18, v63  }
0xa0: {  	p1 =	sne.s32 s15, $0x1F00;
	v20 =	vor.u32 v20, v21  }
.Ltmp3:
0xa1: {  	_ = 	snop;
	(pc) =	sbr.rel @p1 .LBB2_7-.Ltmp3, $2  }
0xa2: {  	_ =	sdelay $0x2  }
0xa3: {  	s15 =	sadd.s32 $0x100, s15;
	[tilespmem:v20+s16+$0x0] =	vst.idx.add.s32.msk $0xffff, v19  }
0xa4: {  	s15 =	simm.s32 $0x0  }
0xa5: {  	v19 =	vld [tilespmem:s16+$0x0];
	s15 =	sand.u32 $0xF0, s15  }
0xa6: {  	v18 =	vld [tilespmem:s15+$0x1900]  }
0xa7: {  	v20 =	vld [tilespmem:s15+$0x1A00]  }
0xa8: {  	v21 =	vld [tilespmem:s15+$0x1B00]  }
0xa9: {  	v22 =	vld [tilespmem:s15+$0x1C00]  }
0xaa: {  	v23 =	vld [tilespmem:s15+$0x1D00]  }
0xab: {  	v18 =	vadd.s32 v19, v18;
	v19 =	vld [tilespmem:s15+$0x1E00]  }
0xac: {  	v18 =	vadd.s32 v20, v18;
	v20 =	vld [tilespmem:s15+$0x1F00]  }
0xad: {  	v58 =	vld [tilespmem:s15+$0x2000];
	v18 =	vadd.s32 v21, v18  }
0xae: {  	v59 =	vld [tilespmem:s15+$0x2100];
	v18 =	vadd.s32 v22, v18  }
0xaf: {  	v60 =	vld [tilespmem:s15+$0x2200];
	v18 =	vadd.s32 v23, v18  }
0xb0: {  	v18 =	vadd.s32 v19, v18;
	v19 =	vld [tilespmem:s15+$0x2300]  }
0xb1: {  	v18 =	vadd.s32 v20, v18;
	v20 =	vld [tilespmem:s15+$0x2400]  }
0xb2: {  	v61 =	vld [tilespmem:s15+$0x2500];
	v18 =	vadd.s32 v58, v18  }
0xb3: {  	v62 =	vld [tilespmem:s15+$0x2600];
	v18 =	vadd.s32 v59, v18  }
0xb4: {  	v63 =	vld [tilespmem:s15+$0x2700];
	v18 =	vadd.s32 v60, v18  }
0xb5: {  	v18 =	vadd.s32 v19, v18  }
0xb6: {  	v18 =	vadd.s32 v20, v18  }
0xb7: {  	v18 =	vadd.s32 v61, v18  }
0xb8: {  	v18 =	vadd.s32 v62, v18  }
0xb9: {  	s31 =	simm.s32 $0x10;
	s15 =	simm.s32 $0x2800;
	v18 =	vadd.s32 v63, v18  }
0xba: {  	s16 =	sand.u32 $0xF0, s31;
	[tilespmem:s15+$0x0] =	vst v18  }
0xbb: {  	s18 =	simm.s32 $0x20;
	s17 =	simm.s32 $0x1810;
	v18 =	vld [tilespmem:s16+$0x1900]  }
.LBB2_9:
0xbc: {  	p1 =	sne.s32 s18, $0xF0;
	v19 =	vld [tilespmem:s17+$0x0]  }
0xbd: {  	v20 =	vld [tilespmem:s16+$0x1A00]  }
0xbe: {  	v21 =	vld [tilespmem:s16+$0x1B00]  }
0xbf: {  	v22 =	vld [tilespmem:s16+$0x1C00]  }
0xc0: {  	v23 =	vld [tilespmem:s16+$0x1D00]  }
0xc1: {  	v18 =	vadd.s32 v19, v18;
	v19 =	vld [tilespmem:s16+$0x1E00]  }
0xc2: {  	v18 =	vadd.s32 v20, v18;
	v20 =	vld [tilespmem:s16+$0x1F00]  }
0xc3: {  	v18 =	vadd.s32 v21, v18;
	v21 =	vld [tilespmem:s16+$0x2000]  }
0xc4: {  	v18 =	vadd.s32 v22, v18;
	v22 =	vld [tilespmem:s16+$0x2100]  }
0xc5: {  	v18 =	vadd.s32 v23, v18;
	v23 =	vld [tilespmem:s16+$0x2200]  }
0xc6: {  	v18 =	vadd.s32 v19, v18;
	v19 =	vld [tilespmem:s16+$0x2300]  }
0xc7: {  	v18 =	vadd.s32 v20, v18;
	v20 =	vld [tilespmem:s16+$0x2400]  }
0xc8: {  	v18 =	vadd.s32 v21, v18;
	v21 =	vld [tilespmem:s16+$0x2500]  }
0xc9: {  	v18 =	vadd.s32 v22, v18;
	v22 =	vld [tilespmem:s16+$0x2600]  }
0xca: {  	v18 =	vadd.s32 v23, v18;
	v23 =	vld [tilespmem:s16+$0x2700]  }
0xcb: {  	v18 =	vadd.s32 v19, v18  }
0xcc: {  	v18 =	vadd.s32 v20, v18  }
.Ltmp4:
0xcd: {  	v18 =	vadd.s32 v21, v18;
	(pc) =	sbr.rel @p1 .LBB2_9-.Ltmp4, $4  }
0xce: {  	v18 =	vadd.s32 v22, v18  }
0xcf: {  	s15 =	sadd.s32 $0x10, s15;
	v18 =	vadd.s32 v23, v18  }
0xd0: {  	s16 =	sand.u32 $0xF0, s18;
	[tilespmem:s15+$0x0] =	vst v18  }
0xd1: {  	s17 =	sadd.s32 $0x10, s17;
	s18 =	sadd.s32 $0x10, s18;
	v18 =	vld [tilespmem:s16+$0x1900]  }
0xd2: {  	v19 =	vld [tilespmem:s17+$0x0]  }
0xd3: {  	v20 =	vld [tilespmem:s16+$0x1A00]  }
0xd4: {  	v21 =	vld [tilespmem:s16+$0x1B00]  }
0xd5: {  	v22 =	vld [tilespmem:s16+$0x1C00]  }
0xd6: {  	v23 =	vld [tilespmem:s16+$0x1D00]  }
0xd7: {  	v18 =	vadd.s32 v19, v18;
	v19 =	vld [tilespmem:s16+$0x1E00]  }
0xd8: {  	v18 =	vadd.s32 v20, v18;
	v20 =	vld [tilespmem:s16+$0x1F00]  }
0xd9: {  	v58 =	vld [tilespmem:s16+$0x2000];
	v18 =	vadd.s32 v21, v18  }
0xda: {  	v59 =	vld [tilespmem:s16+$0x2100];
	v18 =	vadd.s32 v22, v18  }
0xdb: {  	v60 =	vld [tilespmem:s16+$0x2200];
	v18 =	vadd.s32 v23, v18  }
0xdc: {  	v18 =	vadd.s32 v19, v18;
	v19 =	vld [tilespmem:s16+$0x2300]  }
0xdd: {  	v18 =	vadd.s32 v20, v18;
	v20 =	vld [tilespmem:s16+$0x2400]  }
0xde: {  	v61 =	vld [tilespmem:s16+$0x2500];
	v18 =	vadd.s32 v58, v18  }
0xdf: {  	v62 =	vld [tilespmem:s16+$0x2600];
	v18 =	vadd.s32 v59, v18  }
0xe0: {  	v63 =	vld [tilespmem:s16+$0x2700];
	v18 =	vadd.s32 v60, v18  }
0xe1: {  	v18 =	vadd.s32 v19, v18  }
0xe2: {  	v18 =	vadd.s32 v20, v18  }
0xe3: {  	v18 =	vadd.s32 v61, v18  }
0xe4: {  	v18 =	vadd.s32 v62, v18  }
0xe5: {  	s15 =	sadd.s32 $0x10, s15;
	s31 =	simm.s32 $0x0;
	v19 =	vadd.s32 v63, v18;
	v18 =	vlaneseq.u32  }
0xe6: {  	[tilespmem:s15+$0x0] =	vst v19;
	s15 =	simm.s32 $0x3100;
	v19 =	vor.u32 s31, v18  }
0xe7: {  	s16 =	simm.s32 $0x10;
	[tilespmem:s15+$0x0] =	vst v19  }
.LBB2_11:
0xe8: {  	p1 =	sne.s32 s16, $0xF0  }
.Ltmp5:
0xe9: {  	_ = 	snop;
	(pc) =	sbr.rel @p1 .LBB2_11-.Ltmp5, $3  }
0xea: {  	_ =	sdelay $0x1  }
0xeb: {  	v19 =	vor.u32 s16, v18;
	s16 =	sadd.s32 $0x10, s16;
	s15 =	sadd.s32 $0x10, s15  }
0xec: {  	[tilespmem:s15+$0x0] =	vst v19  }
0xed: {  	s16 =	simm.s32 $0x100  }
0xee: {  	s17 =	simm.s32 $0x3100;
	s15 =	simm.s32 $0x2800;
	s30 =	simm.s32 $0x2  }
0xef: {  	[spmem:s11] =	stream.indirect.scatter.add.s32 [tilespmem:s15], [sflag:$0x2], $0x1, s17, s16, $0xb8;
	[tilespmem:$0x3370] =	vst v63  }
0xf0: {  	v18 =	vlaneseq.u32;
	_ =	swait.ge [sflag:s30], $0x100  }
0xf1: {  	v18 =	vmul.u32 $0x10, v18;
	[sflag:s30] =	ssyncset.done $0x0  }
0xf2: {  	s31 =	simm.s32 $0x0;
	[sflag:s30] =	ssyncadd.s32 $0xFFFFFF00  }
0xf3: {  	v20 =	vor.u32 s31, v18;
	[bflag:$0x0] =	sbarrier.arrive $0xFFFF  }
0xf4: {  	[tilespmem:s15], [sflag:$0x2] =	stream.linear.gather [spmem:s11], $0x100, $0x38;
	[tilespmem:$0x3370] =	vst v63  }
0xf5: {  	_ =	swait.ge [sflag:s30], $0x100  }
0xf6: {  	[sflag:s30] =	ssyncset.done $0x0  }
0xf7: {  	[sflag:s30] =	ssyncadd.s32 $0xFFFFFF00  }
0xf8: {  	v19 =	vimm.s32 $0x0;
	s16 =	simm.s32 $0x1;
	v20 =	vld.idx.msk [tilespmem:v20+s15+$0x0], $0xffff  }
.LBB2_13:
0xf9: {  	v21 =	vor.u32 s16, v18;
	p1 =	sne.s32 s16, $0xF;
	s16 =	sadd.s32 $0x1, s16  }
.Ltmp6:
0xfa: {  	(pc) =	sbr.rel @p1 .LBB2_13-.Ltmp6, $2  }
0xfb: {  	_ =	sdelay $0x2  }
0xfc: {  	v19 =	vadd.s32 v19, v20;
	v20 =	vld.idx.msk [tilespmem:v21+s15+$0x0], $0xffff  }
0xfd: {  	_ = 	snop  }
0xfe: {  	v18 =	vlaneseq.u32  }
0xff: {  	v21 =	vmul.u32 $0xFFFFFFFF, v18;
	_ =	sdelay $0x1  }
0x100: {  	v22 =	vadd.s32 $0xF, v21;
	v19 =	vadd.s32 v19, v20  }
0x101: {  	v19 =	vperm.xlane v19, v22;
	_ =	sdelay $0x1  }
0x102: {  	(xrf0) =	vadd.scan.msk.s32 $0xffff, v19;
	_ =	sdelay $0x5  }
0x103: {  	v19, _, _ =	vpop (xrf0)  }
0x104: {  	v19 =	vperm.xlane v19, v22;
	_ =	sdelay $0x1  }
0x105: {  	v20 =	vimm.s32 $0x0;
	vm0 =	vgt.s32 v19, $0xFF  }
0x106: {  	v21 =	vsel vm0, $0x1, v20  }
0x107: {  	v21 =	vperm.xlane v21, v22;
	_ =	sdelay $0x1  }
0x108: {  	vm11 =	vgt.s32 v21, $0x0  }
0x109: {  	v23 =	vmctz.xlane vm11;
	_ =	sdelay $0x1  }
0x10a: {  	v24 =	vsub.s32 $0xF, v23  }
0x10b: {  	v21 =	vshll.u32 v24, $0x4  }
0x10c: {  	v18 =	vor.u32 v18, v21;
	_ =	sdelay $0x3  }
0x10d: {  	s15 =	simm.s32 $0x2800;
	[tilespmem:$0x3280] =	vst v19  }
0x10e: {  	v19 =	vld.idx.msk [tilespmem:v18+s15+$0x0], $0xffff;
	_ =	sdelay $0x2  }
0x10f: {  	v18 =	vsub.s32 $0x10, v23  }
0x110: {  	vm12 =	vlt.s32 v18, $0xF  }
0x111: {  	v18 =	vnsel vm12, $0xF, v18;
	v23 =	vperm.xlane v19, v22;
	_ =	sdelay $0x1  }
0x112: {  	(xrf0) =	vadd.scan.msk.s32 $0xffff, v23;
	_ =	sdelay $0x1  }
0x113: {  	s31 =	simm.s32 $0x3280  }
0x114: {  	v18 =	vld.idx.msk [tilespmem:v18+s31+$0x0], $0xffff;
	_ =	sdelay $0x2  }
0x115: {  	v23, _, _ =	vpop (xrf0)  }
0x116: {  	vm13 =	vgt.s32 v24, $0xE;
	v23 =	vperm.xlane v23, v22  }
0x117: {  	v18 =	vsel vm13, $0x0, v18  }
0x118: {  	v18 =	vadd.s32 v18, v23  }
0x119: {  	vm14 =	vgt.s32 v18, $0xFF  }
0x11a: {  	v23 =	vsel vm14, $0x1, v20  }
0x11b: {  	v22 =	vperm.xlane v23, v22;
	_ =	sdelay $0x1  }
0x11c: {  	vm15 =	vgt.s32 v22, $0x0  }
0x11d: {  	v22 =	vmctz.xlane vm15;
	_ =	sdelay $0x1  }
0x11e: {  	v22 =	vsub.s32 $0xF, v22;
	_ =	sdelay $0x3  }
0x11f: {  	[tilespmem:$0x3280] =	vst v18  }
0x120: {  	v18 =	vld.idx.msk [tilespmem:v22+s31+$0x0], $0xffff;
	[tilespmem:$0x3280] =	vst v19  }
0x121: {  	s16 =	simm.s32 $0x0;
	s15 =	simm.s32 $0x200;
	v19 =	vld.idx.msk [tilespmem:v22+s31+$0x0], $0xffff  }
.LBB2_15:
0x122: {  	p1 =	sne.s32 s15, $0x3E00;
	[tilespmem:s16+$0x1870] =	vst v20  }
0x123: {  	[tilespmem:s16+$0x1800] =	vst v20  }
0x124: {  	[tilespmem:s16+$0x1810] =	vst v20  }
.Ltmp7:
0x125: {  	[tilespmem:s16+$0x1820] =	vst v20;
	(pc) =	sbr.rel @p1 .LBB2_15-.Ltmp7, $4  }
0x126: {  	[tilespmem:s16+$0x1830] =	vst v20  }
0x127: {  	[tilespmem:s16+$0x1840] =	vst v20  }
0x128: {  	[tilespmem:s16+$0x1850] =	vst v20  }
0x129: {  	[tilespmem:s16+$0x1860] =	vst v20;
	s16 =	sshra.s32 s15, $0x2;
	s15 =	sadd.s32 $0x200, s15  }
0x12a: {  	v21 =	vadd.s32 v21, v22  }
0x12b: {  	(v2sf) =	vpush v21, $0x0;
	_ =	sdelay $0x9  }
0x12c: {  	[tilespmem:s16+$0x1870] =	vst v20  }
0x12d: {  	[tilespmem:s16+$0x1800] =	vst v20  }
0x12e: {  	[tilespmem:s16+$0x1810] =	vst v20  }
0x12f: {  	[tilespmem:s16+$0x1820] =	vst v20  }
0x130: {  	[tilespmem:s16+$0x1830] =	vst v20  }
0x131: {  	[tilespmem:s16+$0x1840] =	vst v20;
	s15 =	spop (v2sf)  }
0x132: {  	[tilespmem:s16+$0x1850] =	vst v20;
	v21 =	vlaneseq.u32;
	s15 =	sshll.u32 s15, $0x18  }
0x133: {  	[tilespmem:s16+$0x1860] =	vst v20;
	s16 =	simm.s32 $0x0;
	v22 =	vimm.s32 $0x1;
	s17 =	simm.s32 $0x0;
	s18 =	simm.s32 $0x1800;
	v21 =	vmul.u32 $0x100, v21;
	v20 =	vmov s15  }
.LBB2_17:
0x134: {  	s19 =	sshra.s32 s17, $0x2  }
0x135: {  	v23 =	vld [tilespmem:s19+$0x1000];
	_ =	sdelay $0x4  }
0x136: {  	v24 =	vand.u32 $0xFF000000, v23;
	v23 =	vshrl.u32 v23, $0x10  }
0x137: {  	vm0 =	veq.s32 v24, v20;
	v23 =	vand.u32 $0xFF, v23  }
0x138: {  	v23 =	vor.u32 v21, v23;
	_ =	sdelay $0x4  }
0x139: {  	[tilespmem:v23+s18+$0x0] =	vst.idx.add.s32.msk vm0, v22  }
0x13a: {  	v23 =	vld [tilespmem:s19+$0x1010];
	_ =	sdelay $0x4  }
0x13b: {  	v61 =	vand.u32 $0xFF000000, v23;
	v23 =	vshrl.u32 v23, $0x10  }
0x13c: {  	vm13 =	veq.s32 v61, v20;
	v23 =	vand.u32 $0xFF, v23  }
0x13d: {  	v23 =	vor.u32 v21, v23;
	_ =	sdelay $0x4  }
0x13e: {  	[tilespmem:v23+s18+$0x0] =	vst.idx.add.s32.msk vm13, v22  }
0x13f: {  	v23 =	vld [tilespmem:s19+$0x1020];
	_ =	sdelay $0x4  }
0x140: {  	v62 =	vand.u32 $0xFF000000, v23;
	v23 =	vshrl.u32 v23, $0x10  }
0x141: {  	vm14 =	veq.s32 v62, v20;
	v23 =	vand.u32 $0xFF, v23  }
0x142: {  	v23 =	vor.u32 v21, v23;
	_ =	sdelay $0x4  }
0x143: {  	[tilespmem:v23+s18+$0x0] =	vst.idx.add.s32.msk vm14, v22  }
0x144: {  	v23 =	vld [tilespmem:s19+$0x1030];
	_ =	sdelay $0x4  }
0x145: {  	v63 =	vand.u32 $0xFF000000, v23;
	v23 =	vshrl.u32 v23, $0x10  }
0x146: {  	vm15 =	veq.s32 v63, v20;
	v23 =	vand.u32 $0xFF, v23  }
0x147: {  	p1 =	sne.s32 s17, $0x1F00;
	v23 =	vor.u32 v21, v23  }
.Ltmp8:
0x148: {  	_ = 	snop;
	(pc) =	sbr.rel @p1 .LBB2_17-.Ltmp8, $2  }
0x149: {  	_ =	sdelay $0x2  }
0x14a: {  	s17 =	sadd.s32 $0x100, s17;
	[tilespmem:v23+s18+$0x0] =	vst.idx.add.s32.msk vm15, v22  }
0x14b: {  	s16 =	sand.u32 $0xF0, s16;
	v21 =	vld [tilespmem:s18+$0x0]  }
0x14c: {  	v20 =	vld [tilespmem:s16+$0x1900]  }
0x14d: {  	v22 =	vld [tilespmem:s16+$0x1A00]  }
0x14e: {  	v23 =	vld [tilespmem:s16+$0x1B00]  }
0x14f: {  	v24 =	vld [tilespmem:s16+$0x1C00]  }
0x150: {  	v25 =	vld [tilespmem:s16+$0x1D00]  }
0x151: {  	v20 =	vadd.s32 v21, v20;
	v21 =	vld [tilespmem:s16+$0x1E00]  }
0x152: {  	v20 =	vadd.s32 v22, v20;
	v22 =	vld [tilespmem:s16+$0x1F00]  }
0x153: {  	v20 =	vadd.s32 v23, v20;
	v23 =	vld [tilespmem:s16+$0x2000]  }
0x154: {  	v60 =	vld [tilespmem:s16+$0x2100];
	v20 =	vadd.s32 v24, v20  }
0x155: {  	v61 =	vld [tilespmem:s16+$0x2200];
	v20 =	vadd.s32 v25, v20  }
0x156: {  	v20 =	vadd.s32 v21, v20;
	v21 =	vld [tilespmem:s16+$0x2300]  }
0x157: {  	v20 =	vadd.s32 v22, v20;
	v22 =	vld [tilespmem:s16+$0x2400]  }
0x158: {  	v20 =	vadd.s32 v23, v20;
	v23 =	vld [tilespmem:s16+$0x2500]  }
0x159: {  	v62 =	vld [tilespmem:s16+$0x2600];
	v20 =	vadd.s32 v60, v20  }
0x15a: {  	v63 =	vld [tilespmem:s16+$0x2700];
	v20 =	vadd.s32 v61, v20  }
0x15b: {  	v20 =	vadd.s32 v21, v20  }
0x15c: {  	v20 =	vadd.s32 v22, v20  }
0x15d: {  	v20 =	vadd.s32 v23, v20  }
0x15e: {  	v20 =	vadd.s32 v62, v20  }
0x15f: {  	s17 =	simm.s32 $0x10;
	s16 =	simm.s32 $0x2800;
	v20 =	vadd.s32 v63, v20  }
0x160: {  	s17 =	sand.u32 $0xF0, s17;
	[tilespmem:s16+$0x0] =	vst v20  }
0x161: {  	s19 =	simm.s32 $0x20;
	s18 =	simm.s32 $0x1810;
	v20 =	vld [tilespmem:s17+$0x1900]  }
.LBB2_19:
0x162: {  	p1 =	sne.s32 s19, $0xF0;
	v21 =	vld [tilespmem:s18+$0x0]  }
0x163: {  	v22 =	vld [tilespmem:s17+$0x1A00]  }
0x164: {  	v23 =	vld [tilespmem:s17+$0x1B00]  }
0x165: {  	v24 =	vld [tilespmem:s17+$0x1C00]  }
0x166: {  	v25 =	vld [tilespmem:s17+$0x1D00]  }
0x167: {  	v20 =	vadd.s32 v21, v20;
	v21 =	vld [tilespmem:s17+$0x1E00]  }
0x168: {  	v20 =	vadd.s32 v22, v20;
	v22 =	vld [tilespmem:s17+$0x1F00]  }
0x169: {  	v20 =	vadd.s32 v23, v20;
	v23 =	vld [tilespmem:s17+$0x2000]  }
0x16a: {  	v20 =	vadd.s32 v24, v20;
	v24 =	vld [tilespmem:s17+$0x2100]  }
0x16b: {  	v20 =	vadd.s32 v25, v20;
	v25 =	vld [tilespmem:s17+$0x2200]  }
0x16c: {  	v20 =	vadd.s32 v21, v20;
	v21 =	vld [tilespmem:s17+$0x2300]  }
0x16d: {  	v20 =	vadd.s32 v22, v20;
	v22 =	vld [tilespmem:s17+$0x2400]  }
0x16e: {  	v20 =	vadd.s32 v23, v20;
	v23 =	vld [tilespmem:s17+$0x2500]  }
0x16f: {  	v20 =	vadd.s32 v24, v20;
	v24 =	vld [tilespmem:s17+$0x2600]  }
0x170: {  	v20 =	vadd.s32 v25, v20;
	v25 =	vld [tilespmem:s17+$0x2700]  }
0x171: {  	v20 =	vadd.s32 v21, v20  }
0x172: {  	v20 =	vadd.s32 v22, v20  }
.Ltmp9:
0x173: {  	v20 =	vadd.s32 v23, v20;
	(pc) =	sbr.rel @p1 .LBB2_19-.Ltmp9, $4  }
0x174: {  	v20 =	vadd.s32 v24, v20  }
0x175: {  	s16 =	sadd.s32 $0x10, s16;
	v20 =	vadd.s32 v25, v20  }
0x176: {  	s17 =	sand.u32 $0xF0, s19;
	[tilespmem:s16+$0x0] =	vst v20  }
0x177: {  	s18 =	sadd.s32 $0x10, s18;
	s19 =	sadd.s32 $0x10, s19;
	v20 =	vld [tilespmem:s17+$0x1900]  }
0x178: {  	v21 =	vld [tilespmem:s18+$0x0]  }
0x179: {  	v22 =	vld [tilespmem:s17+$0x1A00]  }
0x17a: {  	v23 =	vld [tilespmem:s17+$0x1B00]  }
0x17b: {  	v24 =	vld [tilespmem:s17+$0x1C00]  }
0x17c: {  	v25 =	vld [tilespmem:s17+$0x1D00]  }
0x17d: {  	v20 =	vadd.s32 v21, v20;
	v21 =	vld [tilespmem:s17+$0x1E00]  }
0x17e: {  	v20 =	vadd.s32 v22, v20;
	v22 =	vld [tilespmem:s17+$0x1F00]  }
0x17f: {  	v20 =	vadd.s32 v23, v20;
	v23 =	vld [tilespmem:s17+$0x2000]  }
0x180: {  	v60 =	vld [tilespmem:s17+$0x2100];
	v20 =	vadd.s32 v24, v20  }
0x181: {  	v61 =	vld [tilespmem:s17+$0x2200];
	v20 =	vadd.s32 v25, v20  }
0x182: {  	v20 =	vadd.s32 v21, v20;
	v21 =	vld [tilespmem:s17+$0x2300]  }
0x183: {  	v20 =	vadd.s32 v22, v20;
	v22 =	vld [tilespmem:s17+$0x2400]  }
0x184: {  	v20 =	vadd.s32 v23, v20;
	v23 =	vld [tilespmem:s17+$0x2500]  }
0x185: {  	v62 =	vld [tilespmem:s17+$0x2600];
	v20 =	vadd.s32 v60, v20  }
0x186: {  	v63 =	vld [tilespmem:s17+$0x2700];
	v20 =	vadd.s32 v61, v20  }
0x187: {  	v20 =	vadd.s32 v21, v20  }
0x188: {  	v20 =	vadd.s32 v22, v20  }
0x189: {  	v20 =	vadd.s32 v23, v20  }
0x18a: {  	v20 =	vadd.s32 v62, v20  }
0x18b: {  	s16 =	sadd.s32 $0x10, s16;
	s31 =	simm.s32 $0x100;
	v21 =	vadd.s32 v63, v20;
	v20 =	vlaneseq.u32  }
0x18c: {  	[tilespmem:s16+$0x0] =	vst v21;
	s16 =	simm.s32 $0x3100;
	v21 =	vor.u32 s31, v20  }
0x18d: {  	s17 =	simm.s32 $0x110;
	[tilespmem:s16+$0x0] =	vst v21  }
.LBB2_21:
0x18e: {  	p1 =	sne.s32 s17, $0x1F0  }
.Ltmp10:
0x18f: {  	_ = 	snop;
	(pc) =	sbr.rel @p1 .LBB2_21-.Ltmp10, $3  }
0x190: {  	_ =	sdelay $0x1  }
0x191: {  	v21 =	vor.u32 s17, v20;
	s17 =	sadd.s32 $0x10, s17;
	s16 =	sadd.s32 $0x10, s16  }
0x192: {  	[tilespmem:s16+$0x0] =	vst v21  }
0x193: {  	s17 =	simm.s32 $0x100  }
0x194: {  	s18 =	simm.s32 $0x3100;
	s16 =	simm.s32 $0x2800;
	s30 =	simm.s32 $0x2  }
0x195: {  	[spmem:s11] =	stream.indirect.scatter.add.s32 [tilespmem:s16], [sflag:$0x2], $0x1, s18, s17, $0xb8;
	[tilespmem:$0x3370] =	vst v63  }
0x196: {  	v20 =	vlaneseq.u32;
	_ =	swait.ge [sflag:s30], $0x100  }
0x197: {  	v20 =	vmul.u32 $0x10, v20;
	[sflag:s30] =	ssyncset.done $0x0  }
0x198: {  	s31 =	simm.s32 $0x0;
	[sflag:s30] =	ssyncadd.s32 $0xFFFFFF00  }
0x199: {  	v22 =	vor.u32 s31, v20;
	[bflag:$0x0] =	sbarrier.arrive $0xFFFF  }
0x19a: {  	[tilespmem:s16], [sflag:$0x2] =	stream.linear.gather [spmem:s14], $0x100, $0x38;
	[tilespmem:$0x3370] =	vst v63  }
0x19b: {  	_ =	swait.ge [sflag:s30], $0x100  }
0x19c: {  	[sflag:s30] =	ssyncset.done $0x0  }
0x19d: {  	[sflag:s30] =	ssyncadd.s32 $0xFFFFFF00  }
0x19e: {  	v21 =	vimm.s32 $0x0;
	s14 =	simm.s32 $0x1;
	v22 =	vld.idx.msk [tilespmem:v22+s16+$0x0], $0xffff  }
.LBB2_23:
0x19f: {  	v23 =	vor.u32 s14, v20;
	p1 =	sne.s32 s14, $0xF;
	s14 =	sadd.s32 $0x1, s14  }
.Ltmp11:
0x1a0: {  	(pc) =	sbr.rel @p1 .LBB2_23-.Ltmp11, $2  }
0x1a1: {  	_ =	sdelay $0x2  }
0x1a2: {  	v21 =	vadd.s32 v21, v22;
	v22 =	vld.idx.msk [tilespmem:v23+s16+$0x0], $0xffff  }
0x1a3: {  	(v2sf) =	vpush v18, $0x0  }
0x1a4: {  	(v2sf) =	vpush v19, $0x0;
	_ =	sdelay $0x2  }
0x1a5: {  	v18 =	vlaneseq.u32  }
0x1a6: {  	v19 =	vmul.u32 $0xFFFFFFFF, v18;
	_ =	sdelay $0x1  }
0x1a7: {  	v19 =	vadd.s32 $0xF, v19;
	v20 =	vadd.s32 v21, v22  }
0x1a8: {  	v20 =	vperm.xlane v20, v19;
	_ =	sdelay $0x1  }
0x1a9: {  	(xrf0) =	vadd.scan.msk.s32 $0xffff, v20;
	_ =	sdelay $0x4  }
0x1aa: {  	s14 =	spop (v2sf)  }
0x1ab: {  	v20, _, _ =	vpop (xrf0);
	s16 =	spop (v2sf)  }
0x1ac: {  	v22 =	vperm.xlane v20, v19;
	s14 =	ssub.s32 s16, s14  }
0x1ad: {  	s14 =	sadd.s32 $0x100, s14  }
0x1ae: {  	v20 =	vimm.s32 $0x0;
	vm0 =	vge.s32 v22, s14  }
0x1af: {  	v21 =	vsel vm0, $0x1, v20  }
0x1b0: {  	v21 =	vperm.xlane v21, v19;
	_ =	sdelay $0x1  }
0x1b1: {  	vm11 =	vgt.s32 v21, $0x0  }
0x1b2: {  	v23 =	vmctz.xlane vm11;
	_ =	sdelay $0x1  }
0x1b3: {  	v24 =	vsub.s32 $0xF, v23  }
0x1b4: {  	v21 =	vshll.u32 v24, $0x4  }
0x1b5: {  	v18 =	vor.u32 v18, v21;
	_ =	sdelay $0x3  }
0x1b6: {  	s30 =	simm.s32 $0x2800;
	[tilespmem:$0x3280] =	vst v22  }
0x1b7: {  	v25 =	vld.idx.msk [tilespmem:v18+s30+$0x0], $0xffff;
	_ =	sdelay $0x2  }
0x1b8: {  	v18 =	vsub.s32 $0x10, v23  }
0x1b9: {  	vm12 =	vlt.s32 v18, $0xF  }
0x1ba: {  	v18 =	vnsel vm12, $0xF, v18;
	v22 =	vperm.xlane v25, v19;
	_ =	sdelay $0x1  }
0x1bb: {  	(xrf0) =	vadd.scan.msk.s32 $0xffff, v22;
	_ =	sdelay $0x1  }
0x1bc: {  	s31 =	simm.s32 $0x3280  }
0x1bd: {  	v18 =	vld.idx.msk [tilespmem:v18+s31+$0x0], $0xffff;
	_ =	sdelay $0x2  }
0x1be: {  	v22, _, _ =	vpop (xrf0)  }
0x1bf: {  	vm13 =	vgt.s32 v24, $0xE;
	v22 =	vperm.xlane v22, v19  }
0x1c0: {  	v18 =	vsel vm13, $0x0, v18  }
0x1c1: {  	v18 =	vadd.s32 v18, v22  }
0x1c2: {  	vm14 =	vge.s32 v18, s14  }
0x1c3: {  	v22 =	vsel vm14, $0x1, v20  }
0x1c4: {  	v19 =	vperm.xlane v22, v19;
	_ =	sdelay $0x1  }
0x1c5: {  	vm15 =	vgt.s32 v19, $0x0  }
0x1c6: {  	v19 =	vmctz.xlane vm15;
	_ =	sdelay $0x1  }
0x1c7: {  	v22 =	vsub.s32 $0xF, v19;
	_ =	sdelay $0x3  }
0x1c8: {  	[tilespmem:$0x3280] =	vst v18  }
0x1c9: {  	v18 =	vld.idx.msk [tilespmem:v22+s31+$0x0], $0xffff;
	[tilespmem:$0x3280] =	vst v25  }
0x1ca: {  	s17 =	simm.s32 $0x200;
	s16 =	simm.s32 $0x0;
	v19 =	vld.idx.msk [tilespmem:v22+s31+$0x0], $0xffff  }
.LBB2_25:
0x1cb: {  	p1 =	sne.s32 s17, $0x3E00;
	[tilespmem:s16+$0x1870] =	vst v20  }
0x1cc: {  	[tilespmem:s16+$0x1800] =	vst v20  }
0x1cd: {  	[tilespmem:s16+$0x1810] =	vst v20  }
.Ltmp12:
0x1ce: {  	[tilespmem:s16+$0x1820] =	vst v20;
	(pc) =	sbr.rel @p1 .LBB2_25-.Ltmp12, $4  }
0x1cf: {  	[tilespmem:s16+$0x1830] =	vst v20  }
0x1d0: {  	[tilespmem:s16+$0x1840] =	vst v20  }
0x1d1: {  	[tilespmem:s16+$0x1850] =	vst v20  }
0x1d2: {  	[tilespmem:s16+$0x1860] =	vst v20;
	s16 =	sshra.s32 s17, $0x2;
	s17 =	sadd.s32 $0x200, s17  }
0x1d3: {  	v21 =	vadd.s32 v21, v22  }
0x1d4: {  	(v2sf) =	vpush v21, $0x0;
	_ =	sdelay $0xa  }
0x1d5: {  	[tilespmem:s16+$0x1870] =	vst v20  }
0x1d6: {  	[tilespmem:s16+$0x1800] =	vst v20  }
0x1d7: {  	[tilespmem:s16+$0x1810] =	vst v20  }
0x1d8: {  	[tilespmem:s16+$0x1820] =	vst v20  }
0x1d9: {  	[tilespmem:s16+$0x1830] =	vst v20;
	s17 =	spop (v2sf)  }
0x1da: {  	[tilespmem:s16+$0x1840] =	vst v20;
	s17 =	sshll.u32 s17, $0x10  }
0x1db: {  	[tilespmem:s16+$0x1850] =	vst v20;
	v21 =	vlaneseq.u32;
	s15 =	sor.u32 s15, s17  }
0x1dc: {  	[tilespmem:s16+$0x1860] =	vst v20;
	s16 =	simm.s32 $0x0;
	v22 =	vimm.s32 $0x1;
	s18 =	simm.s32 $0x1800;
	v21 =	vmul.u32 $0x100, v21;
	s17 =	simm.s32 $0x0;
	v20 =	vmov s15  }
.LBB2_27:
0x1dd: {  	s19 =	sshra.s32 s17, $0x2  }
0x1de: {  	v23 =	vld [tilespmem:s19+$0x1000];
	_ =	sdelay $0x4  }
0x1df: {  	v24 =	vand.u32 $0xFFFF0000, v23;
	v23 =	vshrl.u32 v23, $0x8  }
0x1e0: {  	vm0 =	veq.s32 v24, v20;
	v23 =	vand.u32 $0xFF, v23  }
0x1e1: {  	v23 =	vor.u32 v21, v23;
	_ =	sdelay $0x4  }
0x1e2: {  	[tilespmem:v23+s18+$0x0] =	vst.idx.add.s32.msk vm0, v22  }
0x1e3: {  	v23 =	vld [tilespmem:s19+$0x1010];
	_ =	sdelay $0x4  }
0x1e4: {  	v61 =	vand.u32 $0xFFFF0000, v23;
	v23 =	vshrl.u32 v23, $0x8  }
0x1e5: {  	vm13 =	veq.s32 v61, v20;
	v23 =	vand.u32 $0xFF, v23  }
0x1e6: {  	v23 =	vor.u32 v21, v23;
	_ =	sdelay $0x4  }
0x1e7: {  	[tilespmem:v23+s18+$0x0] =	vst.idx.add.s32.msk vm13, v22  }
0x1e8: {  	v23 =	vld [tilespmem:s19+$0x1020];
	_ =	sdelay $0x4  }
0x1e9: {  	v62 =	vand.u32 $0xFFFF0000, v23;
	v23 =	vshrl.u32 v23, $0x8  }
0x1ea: {  	vm14 =	veq.s32 v62, v20;
	v23 =	vand.u32 $0xFF, v23  }
0x1eb: {  	v23 =	vor.u32 v21, v23;
	_ =	sdelay $0x4  }
0x1ec: {  	[tilespmem:v23+s18+$0x0] =	vst.idx.add.s32.msk vm14, v22  }
0x1ed: {  	v23 =	vld [tilespmem:s19+$0x1030];
	_ =	sdelay $0x4  }
0x1ee: {  	v63 =	vand.u32 $0xFFFF0000, v23;
	v23 =	vshrl.u32 v23, $0x8  }
0x1ef: {  	vm15 =	veq.s32 v63, v20;
	v23 =	vand.u32 $0xFF, v23  }
0x1f0: {  	p1 =	sne.s32 s17, $0x1F00;
	v23 =	vor.u32 v21, v23  }
.Ltmp13:
0x1f1: {  	_ = 	snop;
	(pc) =	sbr.rel @p1 .LBB2_27-.Ltmp13, $2  }
0x1f2: {  	_ =	sdelay $0x2  }
0x1f3: {  	s17 =	sadd.s32 $0x100, s17;
	[tilespmem:v23+s18+$0x0] =	vst.idx.add.s32.msk vm15, v22  }
0x1f4: {  	s16 =	sand.u32 $0xF0, s16;
	v21 =	vld [tilespmem:s18+$0x0]  }
0x1f5: {  	v20 =	vld [tilespmem:s16+$0x1900]  }
0x1f6: {  	v22 =	vld [tilespmem:s16+$0x1A00]  }
0x1f7: {  	v23 =	vld [tilespmem:s16+$0x1B00]  }
0x1f8: {  	v24 =	vld [tilespmem:s16+$0x1C00]  }
0x1f9: {  	v25 =	vld [tilespmem:s16+$0x1D00]  }
0x1fa: {  	v20 =	vadd.s32 v21, v20;
	v21 =	vld [tilespmem:s16+$0x1E00]  }
0x1fb: {  	v20 =	vadd.s32 v22, v20;
	v22 =	vld [tilespmem:s16+$0x1F00]  }
0x1fc: {  	v20 =	vadd.s32 v23, v20;
	v23 =	vld [tilespmem:s16+$0x2000]  }
0x1fd: {  	v60 =	vld [tilespmem:s16+$0x2100];
	v20 =	vadd.s32 v24, v20  }
0x1fe: {  	v61 =	vld [tilespmem:s16+$0x2200];
	v20 =	vadd.s32 v25, v20  }
0x1ff: {  	v20 =	vadd.s32 v21, v20;
	v21 =	vld [tilespmem:s16+$0x2300]  }
0x200: {  	v20 =	vadd.s32 v22, v20;
	v22 =	vld [tilespmem:s16+$0x2400]  }
0x201: {  	v20 =	vadd.s32 v23, v20;
	v23 =	vld [tilespmem:s16+$0x2500]  }
0x202: {  	v62 =	vld [tilespmem:s16+$0x2600];
	v20 =	vadd.s32 v60, v20  }
0x203: {  	v63 =	vld [tilespmem:s16+$0x2700];
	v20 =	vadd.s32 v61, v20  }
0x204: {  	v20 =	vadd.s32 v21, v20  }
0x205: {  	v20 =	vadd.s32 v22, v20  }
0x206: {  	v20 =	vadd.s32 v23, v20  }
0x207: {  	v20 =	vadd.s32 v62, v20  }
0x208: {  	s17 =	simm.s32 $0x10;
	s16 =	simm.s32 $0x2800;
	v20 =	vadd.s32 v63, v20  }
0x209: {  	s17 =	sand.u32 $0xF0, s17;
	[tilespmem:s16+$0x0] =	vst v20  }
0x20a: {  	s19 =	simm.s32 $0x20;
	s18 =	simm.s32 $0x1810;
	v20 =	vld [tilespmem:s17+$0x1900]  }
.LBB2_29:
0x20b: {  	p1 =	sne.s32 s19, $0xF0;
	v21 =	vld [tilespmem:s18+$0x0]  }
0x20c: {  	v22 =	vld [tilespmem:s17+$0x1A00]  }
0x20d: {  	v23 =	vld [tilespmem:s17+$0x1B00]  }
0x20e: {  	v24 =	vld [tilespmem:s17+$0x1C00]  }
0x20f: {  	v25 =	vld [tilespmem:s17+$0x1D00]  }
0x210: {  	v20 =	vadd.s32 v21, v20;
	v21 =	vld [tilespmem:s17+$0x1E00]  }
0x211: {  	v20 =	vadd.s32 v22, v20;
	v22 =	vld [tilespmem:s17+$0x1F00]  }
0x212: {  	v20 =	vadd.s32 v23, v20;
	v23 =	vld [tilespmem:s17+$0x2000]  }
0x213: {  	v20 =	vadd.s32 v24, v20;
	v24 =	vld [tilespmem:s17+$0x2100]  }
0x214: {  	v20 =	vadd.s32 v25, v20;
	v25 =	vld [tilespmem:s17+$0x2200]  }
0x215: {  	v20 =	vadd.s32 v21, v20;
	v21 =	vld [tilespmem:s17+$0x2300]  }
0x216: {  	v20 =	vadd.s32 v22, v20;
	v22 =	vld [tilespmem:s17+$0x2400]  }
0x217: {  	v20 =	vadd.s32 v23, v20;
	v23 =	vld [tilespmem:s17+$0x2500]  }
0x218: {  	v20 =	vadd.s32 v24, v20;
	v24 =	vld [tilespmem:s17+$0x2600]  }
0x219: {  	v20 =	vadd.s32 v25, v20;
	v25 =	vld [tilespmem:s17+$0x2700]  }
0x21a: {  	v20 =	vadd.s32 v21, v20  }
0x21b: {  	v20 =	vadd.s32 v22, v20  }
.Ltmp14:
0x21c: {  	v20 =	vadd.s32 v23, v20;
	(pc) =	sbr.rel @p1 .LBB2_29-.Ltmp14, $4  }
0x21d: {  	v20 =	vadd.s32 v24, v20  }
0x21e: {  	s16 =	sadd.s32 $0x10, s16;
	v20 =	vadd.s32 v25, v20  }
0x21f: {  	s17 =	sand.u32 $0xF0, s19;
	[tilespmem:s16+$0x0] =	vst v20  }
0x220: {  	s18 =	sadd.s32 $0x10, s18;
	s19 =	sadd.s32 $0x10, s19;
	v20 =	vld [tilespmem:s17+$0x1900]  }
0x221: {  	v21 =	vld [tilespmem:s18+$0x0]  }
0x222: {  	v22 =	vld [tilespmem:s17+$0x1A00]  }
0x223: {  	v23 =	vld [tilespmem:s17+$0x1B00]  }
0x224: {  	v24 =	vld [tilespmem:s17+$0x1C00]  }
0x225: {  	v25 =	vld [tilespmem:s17+$0x1D00]  }
0x226: {  	v20 =	vadd.s32 v21, v20;
	v21 =	vld [tilespmem:s17+$0x1E00]  }
0x227: {  	v20 =	vadd.s32 v22, v20;
	v22 =	vld [tilespmem:s17+$0x1F00]  }
0x228: {  	v20 =	vadd.s32 v23, v20;
	v23 =	vld [tilespmem:s17+$0x2000]  }
0x229: {  	v60 =	vld [tilespmem:s17+$0x2100];
	v20 =	vadd.s32 v24, v20  }
0x22a: {  	v61 =	vld [tilespmem:s17+$0x2200];
	v20 =	vadd.s32 v25, v20  }
0x22b: {  	v20 =	vadd.s32 v21, v20;
	v21 =	vld [tilespmem:s17+$0x2300]  }
0x22c: {  	v20 =	vadd.s32 v22, v20;
	v22 =	vld [tilespmem:s17+$0x2400]  }
0x22d: {  	v20 =	vadd.s32 v23, v20;
	v23 =	vld [tilespmem:s17+$0x2500]  }
0x22e: {  	v62 =	vld [tilespmem:s17+$0x2600];
	v20 =	vadd.s32 v60, v20  }
0x22f: {  	v63 =	vld [tilespmem:s17+$0x2700];
	v20 =	vadd.s32 v61, v20  }
0x230: {  	v20 =	vadd.s32 v21, v20  }
0x231: {  	v20 =	vadd.s32 v22, v20  }
0x232: {  	v20 =	vadd.s32 v23, v20  }
0x233: {  	v20 =	vadd.s32 v62, v20  }
0x234: {  	s16 =	sadd.s32 $0x10, s16;
	s31 =	simm.s32 $0x200;
	v21 =	vadd.s32 v63, v20;
	v20 =	vlaneseq.u32  }
0x235: {  	[tilespmem:s16+$0x0] =	vst v21;
	s16 =	simm.s32 $0x3100;
	v21 =	vor.u32 s31, v20  }
0x236: {  	s17 =	simm.s32 $0x210;
	[tilespmem:s16+$0x0] =	vst v21  }
.LBB2_31:
0x237: {  	p1 =	sne.s32 s17, $0x2F0  }
.Ltmp15:
0x238: {  	_ = 	snop;
	(pc) =	sbr.rel @p1 .LBB2_31-.Ltmp15, $3  }
0x239: {  	_ =	sdelay $0x1  }
0x23a: {  	v21 =	vor.u32 s17, v20;
	s17 =	sadd.s32 $0x10, s17;
	s16 =	sadd.s32 $0x10, s16  }
0x23b: {  	[tilespmem:s16+$0x0] =	vst v21  }
0x23c: {  	s17 =	simm.s32 $0x100  }
0x23d: {  	s18 =	simm.s32 $0x3100;
	s16 =	simm.s32 $0x2800;
	s30 =	simm.s32 $0x2  }
0x23e: {  	[spmem:s11] =	stream.indirect.scatter.add.s32 [tilespmem:s16], [sflag:$0x2], $0x1, s18, s17, $0xb8;
	[tilespmem:$0x3370] =	vst v63  }
0x23f: {  	v20 =	vlaneseq.u32;
	_ =	swait.ge [sflag:s30], $0x100  }
0x240: {  	v20 =	vmul.u32 $0x10, v20;
	[sflag:s30] =	ssyncset.done $0x0  }
0x241: {  	s31 =	simm.s32 $0x0;
	[sflag:s30] =	ssyncadd.s32 $0xFFFFFF00  }
0x242: {  	v22 =	vor.u32 s31, v20;
	[bflag:$0x0] =	sbarrier.arrive $0xFFFF  }
0x243: {  	[tilespmem:s16], [sflag:$0x2] =	stream.linear.gather [spmem:s13], $0x100, $0x38;
	[tilespmem:$0x3370] =	vst v63  }
0x244: {  	_ =	swait.ge [sflag:s30], $0x100  }
0x245: {  	[sflag:s30] =	ssyncset.done $0x0  }
0x246: {  	[sflag:s30] =	ssyncadd.s32 $0xFFFFFF00  }
0x247: {  	v21 =	vimm.s32 $0x0;
	s13 =	simm.s32 $0x1;
	v22 =	vld.idx.msk [tilespmem:v22+s16+$0x0], $0xffff  }
.LBB2_33:
0x248: {  	v23 =	vor.u32 s13, v20;
	p1 =	sne.s32 s13, $0xF;
	s13 =	sadd.s32 $0x1, s13  }
.Ltmp16:
0x249: {  	(pc) =	sbr.rel @p1 .LBB2_33-.Ltmp16, $2  }
0x24a: {  	_ =	sdelay $0x2  }
0x24b: {  	v21 =	vadd.s32 v21, v22;
	v22 =	vld.idx.msk [tilespmem:v23+s16+$0x0], $0xffff  }
0x24c: {  	(v2sf) =	vpush v18, $0x0  }
0x24d: {  	(v2sf) =	vpush v19, $0x0;
	_ =	sdelay $0x2  }
0x24e: {  	v18 =	vlaneseq.u32  }
0x24f: {  	v19 =	vmul.u32 $0xFFFFFFFF, v18;
	_ =	sdelay $0x1  }
0x250: {  	v19 =	vadd.s32 $0xF, v19;
	v20 =	vadd.s32 v21, v22  }
0x251: {  	v20 =	vperm.xlane v20, v19;
	_ =	sdelay $0x1  }
0x252: {  	(xrf0) =	vadd.scan.msk.s32 $0xffff, v20;
	_ =	sdelay $0x4  }
0x253: {  	s13 =	spop (v2sf)  }
0x254: {  	v20, _, _ =	vpop (xrf0);
	s16 =	spop (v2sf)  }
0x255: {  	v22 =	vperm.xlane v20, v19;
	s13 =	ssub.s32 s16, s13  }
0x256: {  	s13 =	sadd.s32 s14, s13  }
0x257: {  	v20 =	vimm.s32 $0x0;
	vm0 =	vge.s32 v22, s13  }
0x258: {  	v21 =	vsel vm0, $0x1, v20  }
0x259: {  	v21 =	vperm.xlane v21, v19;
	_ =	sdelay $0x1  }
0x25a: {  	vm11 =	vgt.s32 v21, $0x0  }
0x25b: {  	v23 =	vmctz.xlane vm11;
	_ =	sdelay $0x1  }
0x25c: {  	v24 =	vsub.s32 $0xF, v23  }
0x25d: {  	v21 =	vshll.u32 v24, $0x4  }
0x25e: {  	v18 =	vor.u32 v18, v21;
	_ =	sdelay $0x3  }
0x25f: {  	s30 =	simm.s32 $0x2800;
	[tilespmem:$0x3280] =	vst v22  }
0x260: {  	v25 =	vld.idx.msk [tilespmem:v18+s30+$0x0], $0xffff;
	_ =	sdelay $0x2  }
0x261: {  	v18 =	vsub.s32 $0x10, v23  }
0x262: {  	vm12 =	vlt.s32 v18, $0xF  }
0x263: {  	v18 =	vnsel vm12, $0xF, v18;
	v22 =	vperm.xlane v25, v19;
	_ =	sdelay $0x1  }
0x264: {  	(xrf0) =	vadd.scan.msk.s32 $0xffff, v22;
	_ =	sdelay $0x1  }
0x265: {  	s31 =	simm.s32 $0x3280  }
0x266: {  	v18 =	vld.idx.msk [tilespmem:v18+s31+$0x0], $0xffff;
	_ =	sdelay $0x2  }
0x267: {  	v22, _, _ =	vpop (xrf0)  }
0x268: {  	vm13 =	vgt.s32 v24, $0xE;
	v22 =	vperm.xlane v22, v19  }
0x269: {  	v18 =	vsel vm13, $0x0, v18  }
0x26a: {  	v18 =	vadd.s32 v18, v22  }
0x26b: {  	vm14 =	vge.s32 v18, s13  }
0x26c: {  	v22 =	vsel vm14, $0x1, v20  }
0x26d: {  	v19 =	vperm.xlane v22, v19;
	_ =	sdelay $0x1  }
0x26e: {  	vm15 =	vgt.s32 v19, $0x0  }
0x26f: {  	v19 =	vmctz.xlane vm15;
	_ =	sdelay $0x1  }
0x270: {  	v22 =	vsub.s32 $0xF, v19;
	_ =	sdelay $0x3  }
0x271: {  	[tilespmem:$0x3280] =	vst v18  }
0x272: {  	v18 =	vld.idx.msk [tilespmem:v22+s31+$0x0], $0xffff;
	[tilespmem:$0x3280] =	vst v25  }
0x273: {  	s16 =	simm.s32 $0x0;
	s14 =	simm.s32 $0x200;
	v19 =	vld.idx.msk [tilespmem:v22+s31+$0x0], $0xffff  }
.LBB2_35:
0x274: {  	p1 =	sne.s32 s14, $0x3E00;
	[tilespmem:s16+$0x1870] =	vst v20  }
0x275: {  	[tilespmem:s16+$0x1800] =	vst v20  }
0x276: {  	[tilespmem:s16+$0x1810] =	vst v20  }
.Ltmp17:
0x277: {  	[tilespmem:s16+$0x1820] =	vst v20;
	(pc) =	sbr.rel @p1 .LBB2_35-.Ltmp17, $4  }
0x278: {  	[tilespmem:s16+$0x1830] =	vst v20  }
0x279: {  	[tilespmem:s16+$0x1840] =	vst v20  }
0x27a: {  	[tilespmem:s16+$0x1850] =	vst v20  }
0x27b: {  	[tilespmem:s16+$0x1860] =	vst v20;
	s16 =	sshra.s32 s14, $0x2;
	s14 =	sadd.s32 $0x200, s14  }
0x27c: {  	v21 =	vadd.s32 v21, v22  }
0x27d: {  	(v2sf) =	vpush v21, $0x0;
	_ =	sdelay $0xa  }
0x27e: {  	[tilespmem:s16+$0x1870] =	vst v20  }
0x27f: {  	[tilespmem:s16+$0x1800] =	vst v20  }
0x280: {  	[tilespmem:s16+$0x1810] =	vst v20  }
0x281: {  	[tilespmem:s16+$0x1820] =	vst v20  }
0x282: {  	[tilespmem:s16+$0x1830] =	vst v20;
	s14 =	spop (v2sf)  }
0x283: {  	[tilespmem:s16+$0x1840] =	vst v20;
	s14 =	sshll.u32 s14, $0x8  }
0x284: {  	[tilespmem:s16+$0x1850] =	vst v20;
	v21 =	vlaneseq.u32;
	s14 =	sor.u32 s15, s14  }
0x285: {  	[tilespmem:s16+$0x1860] =	vst v20;
	v22 =	vimm.s32 $0x1;
	s16 =	simm.s32 $0x0;
	s17 =	simm.s32 $0x1800;
	v21 =	vmul.u32 $0x100, v21;
	s15 =	simm.s32 $0x0;
	v20 =	vmov s14  }
.LBB2_37:
0x286: {  	s18 =	sshra.s32 s16, $0x2  }
0x287: {  	v23 =	vld [tilespmem:s18+$0x1000];
	_ =	sdelay $0x4  }
0x288: {  	v24 =	vand.u32 $0xFFFFFF00, v23  }
0x289: {  	v23 =	vand.u32 $0xFF, v23;
	vm0 =	veq.s32 v24, v20  }
0x28a: {  	v23 =	vor.u32 v21, v23;
	_ =	sdelay $0x4  }
0x28b: {  	[tilespmem:v23+s17+$0x0] =	vst.idx.add.s32.msk vm0, v22  }
0x28c: {  	v23 =	vld [tilespmem:s18+$0x1010];
	_ =	sdelay $0x4  }
0x28d: {  	v61 =	vand.u32 $0xFFFFFF00, v23  }
0x28e: {  	v23 =	vand.u32 $0xFF, v23;
	vm13 =	veq.s32 v61, v20  }
0x28f: {  	v23 =	vor.u32 v21, v23;
	_ =	sdelay $0x4  }
0x290: {  	[tilespmem:v23+s17+$0x0] =	vst.idx.add.s32.msk vm13, v22  }
0x291: {  	v23 =	vld [tilespmem:s18+$0x1020];
	_ =	sdelay $0x4  }
0x292: {  	v62 =	vand.u32 $0xFFFFFF00, v23  }
0x293: {  	v23 =	vand.u32 $0xFF, v23;
	vm14 =	veq.s32 v62, v20  }
0x294: {  	v23 =	vor.u32 v21, v23;
	_ =	sdelay $0x4  }
0x295: {  	[tilespmem:v23+s17+$0x0] =	vst.idx.add.s32.msk vm14, v22  }
0x296: {  	v23 =	vld [tilespmem:s18+$0x1030];
	_ =	sdelay $0x4  }
0x297: {  	v63 =	vand.u32 $0xFFFFFF00, v23  }
0x298: {  	v23 =	vand.u32 $0xFF, v23;
	vm15 =	veq.s32 v63, v20  }
0x299: {  	p1 =	sne.s32 s16, $0x1F00;
	v23 =	vor.u32 v21, v23  }
.Ltmp18:
0x29a: {  	_ = 	snop;
	(pc) =	sbr.rel @p1 .LBB2_37-.Ltmp18, $2  }
0x29b: {  	_ =	sdelay $0x2  }
0x29c: {  	s16 =	sadd.s32 $0x100, s16;
	[tilespmem:v23+s17+$0x0] =	vst.idx.add.s32.msk vm15, v22  }
0x29d: {  	s15 =	sand.u32 $0xF0, s15;
	v21 =	vld [tilespmem:s17+$0x0]  }
0x29e: {  	v20 =	vld [tilespmem:s15+$0x1900]  }
0x29f: {  	v22 =	vld [tilespmem:s15+$0x1A00]  }
0x2a0: {  	v23 =	vld [tilespmem:s15+$0x1B00]  }
0x2a1: {  	v24 =	vld [tilespmem:s15+$0x1C00]  }
0x2a2: {  	v25 =	vld [tilespmem:s15+$0x1D00]  }
0x2a3: {  	v20 =	vadd.s32 v21, v20;
	v21 =	vld [tilespmem:s15+$0x1E00]  }
0x2a4: {  	v20 =	vadd.s32 v22, v20;
	v22 =	vld [tilespmem:s15+$0x1F00]  }
0x2a5: {  	v20 =	vadd.s32 v23, v20;
	v23 =	vld [tilespmem:s15+$0x2000]  }
0x2a6: {  	v60 =	vld [tilespmem:s15+$0x2100];
	v20 =	vadd.s32 v24, v20  }
0x2a7: {  	v61 =	vld [tilespmem:s15+$0x2200];
	v20 =	vadd.s32 v25, v20  }
0x2a8: {  	v20 =	vadd.s32 v21, v20;
	v21 =	vld [tilespmem:s15+$0x2300]  }
0x2a9: {  	v20 =	vadd.s32 v22, v20;
	v22 =	vld [tilespmem:s15+$0x2400]  }
0x2aa: {  	v20 =	vadd.s32 v23, v20;
	v23 =	vld [tilespmem:s15+$0x2500]  }
0x2ab: {  	v62 =	vld [tilespmem:s15+$0x2600];
	v20 =	vadd.s32 v60, v20  }
0x2ac: {  	v63 =	vld [tilespmem:s15+$0x2700];
	v20 =	vadd.s32 v61, v20  }
0x2ad: {  	v20 =	vadd.s32 v21, v20  }
0x2ae: {  	v20 =	vadd.s32 v22, v20  }
0x2af: {  	v20 =	vadd.s32 v23, v20  }
0x2b0: {  	v20 =	vadd.s32 v62, v20  }
0x2b1: {  	s16 =	simm.s32 $0x10;
	s15 =	simm.s32 $0x2800;
	v20 =	vadd.s32 v63, v20  }
0x2b2: {  	s16 =	sand.u32 $0xF0, s16;
	[tilespmem:s15+$0x0] =	vst v20  }
0x2b3: {  	s18 =	simm.s32 $0x20;
	s17 =	simm.s32 $0x1810;
	v20 =	vld [tilespmem:s16+$0x1900]  }
.LBB2_39:
0x2b4: {  	p1 =	sne.s32 s18, $0xF0;
	v21 =	vld [tilespmem:s17+$0x0]  }
0x2b5: {  	v22 =	vld [tilespmem:s16+$0x1A00]  }
0x2b6: {  	v23 =	vld [tilespmem:s16+$0x1B00]  }
0x2b7: {  	v24 =	vld [tilespmem:s16+$0x1C00]  }
0x2b8: {  	v25 =	vld [tilespmem:s16+$0x1D00]  }
0x2b9: {  	v20 =	vadd.s32 v21, v20;
	v21 =	vld [tilespmem:s16+$0x1E00]  }
0x2ba: {  	v20 =	vadd.s32 v22, v20;
	v22 =	vld [tilespmem:s16+$0x1F00]  }
0x2bb: {  	v20 =	vadd.s32 v23, v20;
	v23 =	vld [tilespmem:s16+$0x2000]  }
0x2bc: {  	v20 =	vadd.s32 v24, v20;
	v24 =	vld [tilespmem:s16+$0x2100]  }
0x2bd: {  	v20 =	vadd.s32 v25, v20;
	v25 =	vld [tilespmem:s16+$0x2200]  }
0x2be: {  	v20 =	vadd.s32 v21, v20;
	v21 =	vld [tilespmem:s16+$0x2300]  }
0x2bf: {  	v20 =	vadd.s32 v22, v20;
	v22 =	vld [tilespmem:s16+$0x2400]  }
0x2c0: {  	v20 =	vadd.s32 v23, v20;
	v23 =	vld [tilespmem:s16+$0x2500]  }
0x2c1: {  	v20 =	vadd.s32 v24, v20;
	v24 =	vld [tilespmem:s16+$0x2600]  }
0x2c2: {  	v20 =	vadd.s32 v25, v20;
	v25 =	vld [tilespmem:s16+$0x2700]  }
0x2c3: {  	v20 =	vadd.s32 v21, v20  }
0x2c4: {  	v20 =	vadd.s32 v22, v20  }
.Ltmp19:
0x2c5: {  	v20 =	vadd.s32 v23, v20;
	(pc) =	sbr.rel @p1 .LBB2_39-.Ltmp19, $4  }
0x2c6: {  	v20 =	vadd.s32 v24, v20  }
0x2c7: {  	s15 =	sadd.s32 $0x10, s15;
	v20 =	vadd.s32 v25, v20  }
0x2c8: {  	s16 =	sand.u32 $0xF0, s18;
	[tilespmem:s15+$0x0] =	vst v20  }
0x2c9: {  	s17 =	sadd.s32 $0x10, s17;
	s18 =	sadd.s32 $0x10, s18;
	v20 =	vld [tilespmem:s16+$0x1900]  }
0x2ca: {  	v21 =	vld [tilespmem:s17+$0x0]  }
0x2cb: {  	v22 =	vld [tilespmem:s16+$0x1A00]  }
0x2cc: {  	v23 =	vld [tilespmem:s16+$0x1B00]  }
0x2cd: {  	v24 =	vld [tilespmem:s16+$0x1C00]  }
0x2ce: {  	v25 =	vld [tilespmem:s16+$0x1D00]  }
0x2cf: {  	v20 =	vadd.s32 v21, v20;
	v21 =	vld [tilespmem:s16+$0x1E00]  }
0x2d0: {  	v20 =	vadd.s32 v22, v20;
	v22 =	vld [tilespmem:s16+$0x1F00]  }
0x2d1: {  	v20 =	vadd.s32 v23, v20;
	v23 =	vld [tilespmem:s16+$0x2000]  }
0x2d2: {  	v60 =	vld [tilespmem:s16+$0x2100];
	v20 =	vadd.s32 v24, v20  }
0x2d3: {  	v61 =	vld [tilespmem:s16+$0x2200];
	v20 =	vadd.s32 v25, v20  }
0x2d4: {  	v20 =	vadd.s32 v21, v20;
	v21 =	vld [tilespmem:s16+$0x2300]  }
0x2d5: {  	v20 =	vadd.s32 v22, v20;
	v22 =	vld [tilespmem:s16+$0x2400]  }
0x2d6: {  	v20 =	vadd.s32 v23, v20;
	v23 =	vld [tilespmem:s16+$0x2500]  }
0x2d7: {  	v62 =	vld [tilespmem:s16+$0x2600];
	v20 =	vadd.s32 v60, v20  }
0x2d8: {  	v63 =	vld [tilespmem:s16+$0x2700];
	v20 =	vadd.s32 v61, v20  }
0x2d9: {  	v20 =	vadd.s32 v21, v20  }
0x2da: {  	v20 =	vadd.s32 v22, v20  }
0x2db: {  	v20 =	vadd.s32 v23, v20  }
0x2dc: {  	v20 =	vadd.s32 v62, v20  }
0x2dd: {  	s15 =	sadd.s32 $0x10, s15;
	s31 =	simm.s32 $0x300;
	v21 =	vadd.s32 v63, v20;
	v20 =	vlaneseq.u32  }
0x2de: {  	[tilespmem:s15+$0x0] =	vst v21;
	s15 =	simm.s32 $0x3100;
	v21 =	vor.u32 s31, v20  }
0x2df: {  	s16 =	simm.s32 $0x310;
	[tilespmem:s15+$0x0] =	vst v21  }
.LBB2_41:
0x2e0: {  	p1 =	sne.s32 s16, $0x3F0  }
.Ltmp20:
0x2e1: {  	_ = 	snop;
	(pc) =	sbr.rel @p1 .LBB2_41-.Ltmp20, $3  }
0x2e2: {  	_ =	sdelay $0x1  }
0x2e3: {  	v21 =	vor.u32 s16, v20;
	s16 =	sadd.s32 $0x10, s16;
	s15 =	sadd.s32 $0x10, s15  }
0x2e4: {  	[tilespmem:s15+$0x0] =	vst v21  }
0x2e5: {  	s16 =	simm.s32 $0x100  }
0x2e6: {  	s17 =	simm.s32 $0x3100;
	s15 =	simm.s32 $0x2800;
	s30 =	simm.s32 $0x2  }
0x2e7: {  	[spmem:s11] =	stream.indirect.scatter.add.s32 [tilespmem:s15], [sflag:$0x2], $0x1, s17, s16, $0xb8;
	[tilespmem:$0x3370] =	vst v63  }
0x2e8: {  	v20 =	vlaneseq.u32;
	_ =	swait.ge [sflag:s30], $0x100  }
0x2e9: {  	v20 =	vmul.u32 $0x10, v20;
	[sflag:s30] =	ssyncset.done $0x0  }
0x2ea: {  	s31 =	simm.s32 $0x0;
	[sflag:s30] =	ssyncadd.s32 $0xFFFFFF00  }
0x2eb: {  	v22 =	vor.u32 s31, v20;
	[bflag:$0x0] =	sbarrier.arrive $0xFFFF  }
0x2ec: {  	[tilespmem:s15], [sflag:$0x2] =	stream.linear.gather [spmem:s12], $0x100, $0x38;
	[tilespmem:$0x3370] =	vst v63  }
0x2ed: {  	_ =	swait.ge [sflag:s30], $0x100  }
0x2ee: {  	[sflag:s30] =	ssyncset.done $0x0  }
0x2ef: {  	[sflag:s30] =	ssyncadd.s32 $0xFFFFFF00  }
0x2f0: {  	v21 =	vimm.s32 $0x0;
	s11 =	simm.s32 $0x1;
	v22 =	vld.idx.msk [tilespmem:v22+s15+$0x0], $0xffff  }
.LBB2_43:
0x2f1: {  	v23 =	vor.u32 s11, v20;
	p1 =	sne.s32 s11, $0xF;
	s11 =	sadd.s32 $0x1, s11  }
.Ltmp21:
0x2f2: {  	(pc) =	sbr.rel @p1 .LBB2_43-.Ltmp21, $2  }
0x2f3: {  	_ =	sdelay $0x2  }
0x2f4: {  	v21 =	vadd.s32 v21, v22;
	v22 =	vld.idx.msk [tilespmem:v23+s15+$0x0], $0xffff  }
0x2f5: {  	(v2sf) =	vpush v18, $0x0  }
0x2f6: {  	(v2sf) =	vpush v19, $0x0;
	_ =	sdelay $0x1  }
0x2f7: {  	v18 =	vlaneseq.u32  }
0x2f8: {  	v19 =	vmul.u32 $0xFFFFFFFF, v18;
	_ =	sdelay $0x1  }
0x2f9: {  	v20 =	vadd.s32 v21, v22;
	v21 =	vadd.s32 $0xF, v19  }
0x2fa: {  	v19 =	vperm.xlane v20, v21;
	_ =	sdelay $0x1  }
0x2fb: {  	(xrf0) =	vadd.scan.msk.s32 $0xffff, v19;
	_ =	sdelay $0x5  }
0x2fc: {  	v19, _, _ =	vpop (xrf0);
	s11 =	spop (v2sf)  }
0x2fd: {  	v20 =	vperm.xlane v19, v21;
	s12 =	spop (v2sf);
	s11 =	ssub.s32 s13, s11  }
0x2fe: {  	s11 =	sadd.s32 s12, s11  }
0x2ff: {  	v19 =	vimm.s32 $0x0;
	vm0 =	vge.s32 v20, s11  }
0x300: {  	v22 =	vsel vm0, $0x1, v19  }
0x301: {  	v22 =	vperm.xlane v22, v21;
	_ =	sdelay $0x1  }
0x302: {  	vm0 =	vgt.s32 v22, $0x0  }
0x303: {  	v22 =	vmctz.xlane vm0;
	_ =	sdelay $0x1  }
0x304: {  	v23 =	vsub.s32 $0xF, v22  }
0x305: {  	v24 =	vshll.u32 v23, $0x4  }
0x306: {  	v25 =	vor.u32 v18, v24;
	_ =	sdelay $0x3  }
0x307: {  	s28 =	simm.s32 $0x2800;
	[tilespmem:$0x3280] =	vst v20  }
0x308: {  	v20 =	vld.idx.msk [tilespmem:v25+s28+$0x0], $0xffff;
	_ =	sdelay $0x2  }
0x309: {  	v22 =	vsub.s32 $0x10, v22  }
0x30a: {  	vm0 =	vlt.s32 v22, $0xF  }
0x30b: {  	v22 =	vnsel vm0, $0xF, v22;
	v25 =	vperm.xlane v20, v21;
	_ =	sdelay $0x1  }
0x30c: {  	(xrf0) =	vadd.scan.msk.s32 $0xffff, v25;
	_ =	sdelay $0x1  }
0x30d: {  	s29 =	simm.s32 $0x3280  }
0x30e: {  	v22 =	vld.idx.msk [tilespmem:v22+s29+$0x0], $0xffff;
	_ =	sdelay $0x2  }
0x30f: {  	v25, _, _ =	vpop (xrf0)  }
0x310: {  	vm0 =	vgt.s32 v23, $0xE;
	v23 =	vperm.xlane v25, v21  }
0x311: {  	v22 =	vsel vm0, $0x0, v22  }
0x312: {  	v22 =	vadd.s32 v22, v23  }
0x313: {  	vm0 =	vge.s32 v22, s11  }
0x314: {  	v22 =	vsel vm0, $0x1, v19  }
0x315: {  	v21 =	vperm.xlane v22, v21;
	_ =	sdelay $0x1  }
0x316: {  	vm0 =	vgt.s32 v21, $0x0  }
0x317: {  	v21 =	vmctz.xlane vm0;
	_ =	sdelay $0x1  }
0x318: {  	v21 =	vsub.s32 v24, v21  }
0x319: {  	(v2sf) =	vpush v21, $0x0;
	_ =	sdelay $0xc  }
0x31a: {  	s30 =	simm.s32 $0x0;
	[tilespmem:$0x3280] =	vst v20  }
0x31b: {  	v22 =	vld [tilespmem:s30+$0x1000]  }
0x31c: {  	s31 =	spop (v2sf)  }
0x31d: {  	s11 =	sadd.s32 $0xF, s31  }
0x31e: {  	s11 =	sor.u32 s14, s11  }
0x31f: {  	v20 =	vmov s11  }
0x320: {  	vm1 =	veq.s32 v22, v20  }
0x321: {  	s11 =	sxor.u32 $0x80000000, s11;
	v23 =	vsel vm1, $0x1, v19  }
0x322: {  	v21 =	vmov s11;
	v22 =	vxor.u32 $0x80000000, v22;
	(xrf0) =	vadd.scan.msk.s32 $0xffff, v23;
	v23 =	vmpcnt.ones.xlane vm1  }
0x323: {  	vm0 =	vgt.s32 v22, v21  }
0x324: {  	v22 =	vsel vm0, $0x1, v19;
	v61 =	vmpcnt.ones.xlane vm0;
	(v2sf) =	vpush v23, $0x0  }
0x325: {  	(xrf0) =	vadd.scan.msk.s32 $0xffff, v22  }
0x326: {  	(v2sf) =	vpush v61, $0x0;
	_ =	sdelay $0x1  }
0x327: {  	s11 =	simm.s32 $0x0;
	v22 =	vsel vm1, $0xFFFFFFFF, v19  }
0x328: {  	v22 =	vadd.s32 s11, v22;
	v60, _, _ =	vpop (xrf0)  }
0x329: {  	v62 =	vsel vm0, $0xFFFFFFFF, v19;
	v22 =	vadd.s32 v60, v22  }
0x32a: {  	v23 =	vadd.s32 s11, v62;
	v63, _, _ =	vpop (xrf0);
	vm2 =	vlt.s32 v22, $0x100  }
0x32b: {  	v23 =	vadd.s32 v63, v23;
	vm1 =	vmand vm1, vm2;
	_ =	sdelay $0x1  }
0x32c: {  	s15 =	simm.s32 $0x40;
	s16 =	simm.s32 $0x80  }
0x32d: {  	s13 =	simm.s32 $0x2C00;
	s12 =	simm.s32 $0x0;
	s14 =	simm.s32 $0x2B00  }
.LBB2_45:
0x32e: {  	p1 =	sne.s32 s16, $0x1FC0;
	v24 =	vor.u32 s8, v18  }
0x32f: {  	[tilespmem:v23+s14+$0x0] =	vst.idx.msk vm0, v24  }
0x330: {  	s17 =	sshra.s32 s15, $0x2;
	s15 =	smov.u32 s16;
	[tilespmem:v22+s13+$0x0] =	vst.idx.msk vm1, v24  }
0x331: {  	v22 =	vld [tilespmem:s17+$0x1000];
	s17 =	spop (v2sf)  }
0x332: {  	s11 =	sadd.s32 s11, s17  }
0x333: {  	s17 =	spop (v2sf)  }
0x334: {  	s12 =	sadd.s32 s12, s17;
	_ =	sdelay $0x1  }
0x335: {  	vm1 =	veq.s32 v22, v20  }
0x336: {  	v22 =	vxor.u32 $0x80000000, v22;
	v23 =	vsel vm1, $0x1, v19;
	v24 =	vmpcnt.ones.xlane vm1  }
0x337: {  	vm0 =	vgt.s32 v22, v21;
	(xrf0) =	vadd.scan.msk.s32 $0xffff, v23  }
0x338: {  	v22 =	vsel vm0, $0x1, v19;
	v23 =	vmpcnt.ones.xlane vm0;
	(v2sf) =	vpush v24, $0x0  }
0x339: {  	(xrf0) =	vadd.scan.msk.s32 $0xffff, v22  }
0x33a: {  	(v2sf) =	vpush v23, $0x0;
	_ =	sdelay $0x1  }
0x33b: {  	v22 =	vsel vm1, $0xFFFFFFFF, v19  }
0x33c: {  	v22 =	vadd.s32 s11, v22;
	v23, _, _ =	vpop (xrf0)  }
0x33d: {  	v25 =	vsel vm0, $0xFFFFFFFF, v19;
	v22 =	vadd.s32 v23, v22  }
.Ltmp22:
0x33e: {  	v23 =	vadd.s32 s12, v25;
	vm2 =	vlt.s32 v22, $0x100;
	v24, _, _ =	vpop (xrf0);
	(pc) =	sbr.rel @p1 .LBB2_45-.Ltmp22, $2  }
0x33f: {  	v23 =	vadd.s32 v24, v23;
	vm1 =	vmand vm1, vm2;
	_ =	sdelay $0x2  }
0x340: {  	s16 =	sadd.s32 $0x40, s16;
	s8 =	sadd.s32 $0x10, s8  }
0x341: {  	_ =	sdelay $0x3  }
0x342: {  	v24 =	vor.u32 s8, v18  }
0x343: {  	[tilespmem:v23+s14+$0x0] =	vst.idx.msk vm0, v24  }
0x344: {  	s15 =	sshra.s32 s15, $0x2;
	[tilespmem:v22+s13+$0x0] =	vst.idx.msk vm1, v24  }
0x345: {  	v22 =	vld [tilespmem:s15+$0x1000];
	_ =	sdelay $0x4  }
0x346: {  	vm0 =	veq.s32 v22, v20;
	v20 =	vxor.u32 $0x80000000, v22  }
0x347: {  	v22 =	vmpcnt.ones.xlane vm0;
	vm1 =	vgt.s32 v20, v21  }
0x348: {  	v20 =	vmpcnt.ones.xlane vm1  }
0x349: {  	(v2sf) =	vpush v22, $0x0  }
0x34a: {  	(v2sf) =	vpush v20, $0x0  }
0x34b: {  	v20 =	vsel vm0, $0x1, v19  }
0x34c: {  	(xrf0) =	vadd.scan.msk.s32 $0xffff, v20  }
0x34d: {  	v20 =	vsel vm1, $0x1, v19  }
0x34e: {  	(xrf0) =	vadd.scan.msk.s32 $0xffff, v20;
	_ =	sdelay $0x1  }
0x34f: {  	s25 =	spop (v2sf)  }
0x350: {  	s15 =	sadd.s32 s11, s25;
	v20 =	vsel vm0, $0xFFFFFFFF, v19  }
0x351: {  	s26 =	spop (v2sf);
	v20 =	vadd.s32 s15, v20;
	v21, _, _ =	vpop (xrf0)  }
0x352: {  	s11 =	sadd.s32 s12, s26;
	v19 =	vsel vm1, $0xFFFFFFFF, v19;
	v20 =	vadd.s32 v21, v20  }
0x353: {  	v19 =	vadd.s32 s11, v19;
	v21, _, _ =	vpop (xrf0);
	vm2 =	vlt.s32 v20, $0x100  }
0x354: {  	v19 =	vadd.s32 v21, v19;
	vm0 =	vmand vm0, vm2;
	_ =	sdelay $0x2  }
0x355: {  	s28 =	sadd.s32 $0x10, s8;
	s16 =	spop (v2sf)  }
0x356: {  	v18 =	vor.u32 s28, v18;
	s12 =	spop (v2sf)  }
0x357: {  	[tilespmem:v19+s14+$0x0] =	vst.idx.msk vm1, v18;
	s8 =	sadd.s32 s11, s12  }
0x358: {  	[tilespmem:v20+s13+$0x0] =	vst.idx.msk vm0, v18;
	v18 =	vmov s8  }
0x359: {  	s29 =	simm.s32 $0x2F00;
	s30 =	simm.s32 $0x2;
	[tilespmem:$0x2F00] =	vst v18  }
0x35a: {  	[spmem:s10] =	stream.linear.scatter [tilespmem:s29], [sflag:$0x2], $0x10, $0x38;
	[tilespmem:$0x3370] =	vst v63  }
0x35b: {  	_ =	swait.ge [sflag:s30], $0x10  }
0x35c: {  	s10 =	sadd.s32 s15, s16;
	[sflag:s30] =	ssyncset.done $0x0  }
0x35d: {  	v18 =	vmov s10;
	[sflag:s30] =	ssyncadd.s32 $0xFFFFFFF0  }
0x35e: {  	[tilespmem:$0x2F00] =	vst v18  }
0x35f: {  	[spmem:s9] =	stream.linear.scatter [tilespmem:s29], [sflag:$0x2], $0x10, $0x38;
	[tilespmem:$0x3370] =	vst v63  }
0x360: {  	_ =	swait.ge [sflag:s30], $0x10  }
0x361: {  	[sflag:s30] =	ssyncset.done $0x0  }
0x362: {  	[sflag:s30] =	ssyncadd.s32 $0xFFFFFFF0  }
0x363: {  	s9 =	simm.s32 $0x2A00;
	[bflag:$0x0] =	sbarrier.arrive $0xFFFF  }
0x364: {  	[tilespmem:s9], [sflag:$0x2] =	stream.linear.gather [spmem:s7], $0x100, $0x38;
	[tilespmem:$0x3370] =	vst v63  }
0x365: {  	_ =	swait.ge [sflag:s30], $0x100  }
0x366: {  	[sflag:s30] =	ssyncset.done $0x0  }
0x367: {  	[sflag:s30] =	ssyncadd.s32 $0xFFFFFF00  }
0x368: {  	v19 =	vld [tilespmem:s9+$0x0]  }
0x369: {  	s31 =	simm.s32 $0x0  }
0x36a: {  	v21 =	vmov s31;
	v20 =	vlaneseq.u32  }
0x36b: {  	vm0 =	veq.s32 v21, v20;
	v18 =	vimm.s32 $0x0;
	s7 =	simm.s32 $0x1  }
.LBB2_47:
0x36c: {  	p1 =	sne.s32 s7, $0xF  }
0x36d: {  	v18 =	vsel vm0, v19, v18;
	s9 =	sadd.s32 $0x10, s9;
	s13 =	smov.u32 s7;
	s7 =	sadd.s32 $0x1, s7  }
.Ltmp23:
0x36e: {  	v19 =	vld [tilespmem:s9+$0x0];
	(pc) =	sbr.rel @p1 .LBB2_47-.Ltmp23, $3  }
0x36f: {  	_ =	sdelay $0x1  }
0x370: {  	v21 =	vmov s13  }
0x371: {  	vm0 =	veq.s32 v21, v20  }
0x372: {  	s7 =	simm.s32 $0x2A00;
	s31 =	simm.s32 $0x2  }
0x373: {  	[tilespmem:s7], [sflag:$0x2] =	stream.linear.gather [spmem:s6], $0x100, $0x38;
	[tilespmem:$0x3370] =	vst v63  }
0x374: {  	_ =	swait.ge [sflag:s31], $0x100  }
0x375: {  	[sflag:s31] =	ssyncset.done $0x0  }
0x376: {  	[sflag:s31] =	ssyncadd.s32 $0xFFFFFF00  }
0x377: {  	v20 =	vld [tilespmem:s7+$0x0]  }
0x378: {  	s9 =	simm.s32 $0x0  }
0x379: {  	v21 =	vlaneseq.u32;
	v22 =	vmov s9  }
0x37a: {  	v18 =	vsel vm0, v19, v18;
	v19 =	vimm.s32 $0x0;
	s6 =	simm.s32 $0x1;
	vm0 =	veq.s32 v22, v21  }
.LBB2_49:
0x37b: {  	p1 =	sne.s32 s6, $0xF  }
0x37c: {  	v19 =	vsel vm0, v20, v19;
	s7 =	sadd.s32 $0x10, s7;
	s9 =	smov.u32 s6;
	s6 =	sadd.s32 $0x1, s6  }
.Ltmp24:
0x37d: {  	v20 =	vld [tilespmem:s7+$0x0];
	(pc) =	sbr.rel @p1 .LBB2_49-.Ltmp24, $3  }
0x37e: {  	_ =	sdelay $0x1  }
0x37f: {  	v22 =	vmov s9  }
0x380: {  	vm0 =	veq.s32 v22, v21  }
0x381: {  	v21 =	vimm.s32 $0xEFCDAB89;
	v22 =	vimm.s32 $0x67452301  }
0x382: {  	v21 =	vunpack.c.l.s4.s8 v21;
	v22 =	vunpack.c.l.s4.s8 v22;
	_ =	sdelay $0x1  }
0x383: {  	v21 =	vunpack.c.0.s8.s32 v21;
	v22 =	vunpack.c.0.s8.s32 v22;
	_ =	sdelay $0x1  }
0x384: {  	v21 =	vcombine.low v22, v21;
	_ =	sdelay $0x1  }
0x385: {  	v23 =	vimm.s32 $0x54761032;
	v22 =	vimm.s32 $0xDCFE98BA;
	v21 =	vand.u32 $0xF, v21  }
0x386: {  	v23 =	vunpack.c.l.s4.s8 v23;
	v22 =	vunpack.c.l.s4.s8 v22;
	_ =	sdelay $0x1  }
0x387: {  	v23 =	vunpack.c.0.s8.s32 v23;
	v22 =	vunpack.c.0.s8.s32 v22  }
0x388: {  	[tilespmem:$0x3280] =	vst v18;
	s6 =	simm.s32 $0x3280  }
0x389: {  	v22 =	vcombine.low v23, v22;
	v24 =	vld.idx.msk [tilespmem:v21+s6+$0x0], $0xffff;
	_ =	sdelay $0x1  }
0x38a: {  	v25 =	vimm.s32 $0x32107654;
	v23 =	vimm.s32 $0xBA98FEDC;
	v22 =	vand.u32 $0xF, v22  }
0x38b: {  	v25 =	vunpack.c.l.s4.s8 v25;
	v23 =	vunpack.c.l.s4.s8 v23;
	_ =	sdelay $0x1  }
0x38c: {  	v25 =	vunpack.c.0.s8.s32 v25;
	v23 =	vunpack.c.0.s8.s32 v23;
	v24 =	vadd.s32 v18, v24  }
0x38d: {  	[tilespmem:$0x3280] =	vst v24  }
0x38e: {  	v23 =	vcombine.low v25, v23;
	v26 =	vld.idx.msk [tilespmem:v22+s6+$0x0], $0xffff;
	_ =	sdelay $0x1  }
0x38f: {  	v25 =	vimm.s32 $0xFEDCBA98;
	v23 =	vand.u32 $0xF, v23  }
0x390: {  	v27 =	vimm.s32 $0x76543210;
	v25 =	vunpack.c.l.s4.s8 v25  }
0x391: {  	v27 =	vunpack.c.l.s4.s8 v27  }
0x392: {  	v25 =	vunpack.c.0.s8.s32 v25;
	v24 =	vadd.s32 v24, v26  }
0x393: {  	v26 =	vunpack.c.0.s8.s32 v27;
	[tilespmem:$0x3280] =	vst v24  }
0x394: {  	v25 =	vand.u32 $0xF, v25;
	v27 =	vld.idx.msk [tilespmem:v23+s6+$0x0], $0xffff  }
0x395: {  	v25 =	vcombine.low v25, v26;
	_ =	sdelay $0x2  }
0x396: {  	v26 =	vlaneseq.u32  }
0x397: {  	v20 =	vsel vm0, v20, v19;
	vm0 =	vgt.u32 v0, v26;
	v24 =	vadd.s32 v24, v27  }
0x398: {  	v26 =	vnsel vm0, $0x0, v20;
	[tilespmem:$0x3280] =	vst v24  }
0x399: {  	v19 =	vld.idx.msk [tilespmem:v25+s6+$0x0], $0xffff;
	[tilespmem:$0x3280] =	vst v26  }
0x39a: {  	v21 =	vld.idx.msk [tilespmem:v21+s6+$0x0], $0xffff;
	_ =	sdelay $0x4  }
0x39b: {  	v21 =	vadd.s32 v26, v21  }
0x39c: {  	[tilespmem:$0x3280] =	vst v21  }
0x39d: {  	v22 =	vld.idx.msk [tilespmem:v22+s6+$0x0], $0xffff;
	_ =	sdelay $0x4  }
0x39e: {  	v21 =	vadd.s32 v21, v22  }
0x39f: {  	[tilespmem:$0x3280] =	vst v21  }
0x3a0: {  	v22 =	vld.idx.msk [tilespmem:v23+s6+$0x0], $0xffff;
	_ =	sdelay $0x4  }
0x3a1: {  	v21 =	vadd.s32 v21, v22  }
0x3a2: {  	[tilespmem:$0x3280] =	vst v21  }
0x3a3: {  	v22 =	vld.idx.msk [tilespmem:v25+s6+$0x0], $0xffff;
	_ =	sdelay $0x3  }
0x3a4: {  	v19 =	vadd.s32 v24, v19  }
0x3a5: {  	(v2sf) =	vpush v19, $0x0;
	v19 =	vadd.s32 v21, v22  }
0x3a6: {  	(v2sf) =	vpush v19, $0x0;
	_ =	sdelay $0xd  }
0x3a7: {  	s30 =	spop (v2sf)  }
0x3a8: {  	s7 =	ssub.s32 $0x100, s30;
	s31 =	spop (v2sf)  }
0x3a9: {  	s6 =	ssub.s32 s7, s31  }
0x3aa: {  	p1 =	sgt.s32 s6, $0x0  }
0x3ab: {  	s6 =	simm.s32 @!p1 $0x0  }
0x3ac: {  	p1 =	slt.s32 s10, s6  }
0x3ad: {  	s6 =	smov.u32 @p1 s10  }
0x3ae: {  	p3 =	sle.s32 s6, $0x0  }
0x3af: {  	s9 =	sadd.s32 s11, s12;
	s11 =	simm.s32 $0x0;
	v21 =	vlaneseq.u32 @!p3  }
0x3b0: {  	v19 =	vmov s6;
	v22 =	vor.u32 @!p3 s11, v21  }
0x3b1: {  	s10 =	simm.s32 $0x2C00;
	s12 =	sadd.s32 @!p3 $0x0, s9;
	vm0 =	vlt.s32 @!p3 v22, v19  }
0x3b2: {  	v21 =	vadd.s32 @!p3 s12, v21;
	v22 =	vld @!p3 [tilespmem:s10+$0x0];
	_ =	sdelay $0x1  }
0x3b3: {  	p1 =	sle.s32 s6, $0x10  }
0x3b4: {  	s13 =	simm.s32 $0x10;
	p2 =	por p3, p3;
	v23 =	vlaneseq.u32 @!p1;
	s12 =	sadd.s32 @!p1 $0x10, s9  }
0x3b5: {  	s11 =	simm.s32 $0x20;
	v24 =	vor.u32 @!p1 s13, v23;
	v23 =	vadd.s32 @!p1 s12, v23;
	s12 =	simm.s32 @!p2 $0x2B00  }
.LBB2_51:
0x3b6: {  	[tilespmem:v21+s12+$0x0] =	vst.idx.msk @!p2 vm0, v22;
	s12 =	smov.u32 s11;
	s11 =	sadd.s32 $0x10, s11  }
0x3b7: {  	vm0 =	vlt.s32 @!p1 v24, v19;
	s10 =	sadd.s32 $0x10, s10;
	v21 =	vmov v23;
	p3 =	sne.s32 s11, $0x100  }
.Ltmp25:
0x3b8: {  	p2 =	por p1, p1;
	v22 =	vld @!p1 [tilespmem:s10+$0x0];
	(pc) =	sbr.rel @p3 .LBB2_51-.Ltmp25, $4  }
0x3b9: {  	_ = 	snop  }
0x3ba: {  	p1 =	sge.s32 s12, s6  }
0x3bb: {  	v23 =	vlaneseq.u32 @!p1;
	s13 =	sadd.s32 @!p1 s12, s9  }
0x3bc: {  	v24 =	vor.u32 @!p1 s12, v23;
	v23 =	vadd.s32 @!p1 s13, v23;
	s12 =	simm.s32 @!p2 $0x2B00  }
0x3bd: {  	_ =	sdelay $0x4  }
0x3be: {  	vm1 =	vlt.s32 @!p1 v24, v19;
	[tilespmem:v21+s12+$0x0] =	vst.idx.msk @!p2 vm0, v22;
	s9 =	sadd.s32 $0x10, s10  }
0x3bf: {  	v19 =	vld @!p1 [tilespmem:s9+$0x0];
	_ =	sdelay $0x2  }
0x3c0: {  	p1 =	por p1, p1  }
0x3c1: {  	s9 =	simm.s32 @!p1 $0x2B00  }
0x3c2: {  	s31 =	simm.s32 $0x2B00;
	[tilespmem:v23+s9+$0x0] =	vst.idx.msk @!p1 vm1, v19  }
0x3c3: {  	v23 =	vld [tilespmem:s31+$0x0];
	_ =	sdelay $0x3  }
0x3c4: {  	s6 =	sadd.s32 s8, s6;
	s8 =	simm.s32 $0x0;
	v21 =	vlaneseq.u32  }
0x3c5: {  	v22 =	vor.u32 s8, v21;
	v19 =	vmov s6;
	v61 =	vsub.s32 v23, v1  }
0x3c6: {  	vm15 =	vlt.s32 v22, v19;
	v62 =	vand.u32 $0x7F, v23;
	v22 =	vand.u32 $0xFFFFFF80, v61  }
0x3c7: {  	v24 =	vor.u32 v62, v22;
	_ =	sdelay $0x3  }
0x3c8: {  	s9 =	simm.s32 $0x800;
	v22 =	vld [tilespmem:$0x2E00]  }
0x3c9: {  	v25 =	vld.idx.msk [tilespmem:v24+s9+$0x0], vm15;
	_ =	sdelay $0x4  }
0x3ca: {  	v25 =	vsub.f32 v22, v25;
	_ =	sdelay $0x1  }
0x3cb: {  	v25 =	vmul.f32 $-1.000000080e-07, v25  }
0x3cc: {  	v13 =	vmax.f32 v13, v16  }
0x3cd: {  	v13 =	vmax.f32 v13, v17;
	v16 =	vmul.f32 $1.442695020e+00, v25  }
0x3ce: {  	v13 =	vmax.f32 v13, v14  }
0x3cf: {  	v13 =	vmax.f32 v13, v15;
	(erf) = vpow2.f32 v16  }
0x3d0: {  	v8 =	vmax.f32 v13, v8  }
0x3d1: {  	v8 =	vmax.f32 v8, v9  }
0x3d2: {  	v8 =	vmax.f32 v8, v10  }
0x3d3: {  	v8 =	vmax.f32 v8, v11  }
0x3d4: {  	v8 =	vmax.f32 v8, v12;
	v63 =	vld.idx.msk [tilespmem:v24+s8+$0x0], vm15  }
0x3d5: {  	v4 =	vmax.f32 v8, v4  }
0x3d6: {  	v4 =	vmax.f32 v4, v5  }
0x3d7: {  	v4 =	vmax.f32 v4, v6  }
0x3d8: {  	v4 =	vmax.f32 v4, v7;
	v5 =	vpop (erf)  }
0x3d9: {  	v2 =	vmax.f32 v4, v2;
	v4 =	vmul.f32 v5, v63  }
0x3da: {  	v3 =	vmax.f32 v2, v3  }
0x3db: {  	v2 =	vsub.f32 v4, v3;
	_ =	sdelay $0x1  }
0x3dc: {  	v2 =	vmul.f32 $1.442695020e+00, v2;
	_ =	sdelay $0x1  }
0x3dd: {  	(erf) = vpow2.f32 v2;
	_ =	sdelay $0x8  }
0x3de: {  	v2 =	vpop (erf)  }
0x3df: {  	s11 =	simm.s32 $0x2D00;
	v2 =	vnsel vm15, $0x0, v2  }
0x3e0: {  	v4 =	vsel vm15, v23, v1;
	[tilespmem:s11+$0x0] =	vst v2  }
0x3e1: {  	s10 =	simm.s32 $0x2B10;
	[tilespmem:s31+$0x0] =	vst v4  }
0x3e2: {  	v5 =	vimm.f32 $0.0e+00;
	v4 =	vld [tilespmem:s10+$0x0]  }
0x3e3: {  	s12 =	simm.s32 $0x10;
	s13 =	simm.s32 $0x20;
	v2 =	vadd.f32 v2, v5  }
.LBB2_53:
0x3e4: {  	p1 =	sne.s32 s13, $0xF0;
	_ =	sdelay $0x2  }
0x3e5: {  	v5 =	vor.u32 s12, v21;
	s12 =	smov.u32 s13;
	v6 =	vsub.s32 v4, v1  }
0x3e6: {  	vm0 =	vlt.s32 v5, v19;
	v5 =	vand.u32 $0xFFFFFF80, v6;
	v6 =	vand.u32 $0x7F, v4  }
0x3e7: {  	v5 =	vor.u32 v6, v5;
	_ =	sdelay $0x4  }
0x3e8: {  	v6 =	vld.idx.msk [tilespmem:v5+s9+$0x0], vm0;
	_ =	sdelay $0x5  }
0x3e9: {  	v6 =	vsub.f32 v22, v6;
	_ =	sdelay $0x1  }
0x3ea: {  	v6 =	vmul.f32 $-1.000000080e-07, v6;
	_ =	sdelay $0x1  }
0x3eb: {  	v6 =	vmul.f32 $1.442695020e+00, v6;
	_ =	sdelay $0x1  }
0x3ec: {  	(erf) = vpow2.f32 v6;
	_ =	sdelay $0x3  }
0x3ed: {  	v5 =	vld.idx.msk [tilespmem:v5+s8+$0x0], vm0;
	_ =	sdelay $0x4  }
0x3ee: {  	v6 =	vpop (erf)  }
0x3ef: {  	v5 =	vmul.f32 v6, v5;
	_ =	sdelay $0x1  }
0x3f0: {  	v5 =	vsub.f32 v5, v3;
	_ =	sdelay $0x1  }
0x3f1: {  	v5 =	vmul.f32 $1.442695020e+00, v5;
	_ =	sdelay $0x1  }
0x3f2: {  	(erf) = vpow2.f32 v5;
	_ =	sdelay $0x8  }
0x3f3: {  	v5 =	vpop (erf)  }
.Ltmp26:
0x3f4: {  	s11 =	sadd.s32 $0x10, s11;
	v5 =	vnsel vm0, $0x0, v5;
	(pc) =	sbr.rel @p1 .LBB2_53-.Ltmp26, $4  }
0x3f5: {  	v4 =	vsel vm0, v4, v1;
	[tilespmem:s11+$0x0] =	vst v5;
	v2 =	vadd.f32 v5, v2  }
0x3f6: {  	[tilespmem:s10+$0x0] =	vst v4;
	s10 =	sadd.s32 $0x10, s10  }
0x3f7: {  	v4 =	vld [tilespmem:s10+$0x0]  }
0x3f8: {  	s13 =	sadd.s32 $0x10, s13  }
0x3f9: {  	_ =	sdelay $0x2  }
0x3fa: {  	v5 =	vor.u32 s12, v21;
	v6 =	vsub.s32 v4, v1  }
0x3fb: {  	vm0 =	vlt.s32 v5, v19;
	v58 =	vand.u32 $0x7F, v4;
	v5 =	vand.u32 $0xFFFFFF80, v6  }
0x3fc: {  	v5 =	vor.u32 v58, v5;
	_ =	sdelay $0x4  }
0x3fd: {  	v6 =	vld.idx.msk [tilespmem:v5+s9+$0x0], vm0;
	_ =	sdelay $0x4  }
0x3fe: {  	v6 =	vsub.f32 v22, v6;
	_ =	sdelay $0x1  }
0x3ff: {  	v6 =	vmul.f32 $-1.000000080e-07, v6;
	_ =	sdelay $0x1  }
0x400: {  	v6 =	vmul.f32 $1.442695020e+00, v6;
	_ =	sdelay $0x1  }
0x401: {  	(erf) = vpow2.f32 v6;
	_ =	sdelay $0x4  }
0x402: {  	v5 =	vld.idx.msk [tilespmem:v5+s8+$0x0], vm0;
	_ =	sdelay $0x3  }
0x403: {  	v6 =	vpop (erf)  }
0x404: {  	v5 =	vmul.f32 v6, v5;
	_ =	sdelay $0x1  }
0x405: {  	v3 =	vsub.f32 v5, v3;
	_ =	sdelay $0x1  }
0x406: {  	v3 =	vmul.f32 $1.442695020e+00, v3;
	_ =	sdelay $0x1  }
0x407: {  	(erf) = vpow2.f32 v3;
	_ =	sdelay $0x1  }
0x408: {  	v5 =	vimm.s32 $0x67452301;
	v3 =	vimm.s32 $0xEFCDAB89  }
0x409: {  	v5 =	vunpack.c.l.s4.s8 v5;
	v3 =	vunpack.c.l.s4.s8 v3;
	_ =	sdelay $0x1  }
0x40a: {  	v5 =	vunpack.c.0.s8.s32 v5;
	v3 =	vunpack.c.0.s8.s32 v3;
	_ =	sdelay $0x1  }
0x40b: {  	v3 =	vcombine.low v5, v3;
	_ =	sdelay $0x1  }
0x40c: {  	v59 =	vimm.s32 $0x54761032;
	v3 =	vand.u32 $0xF, v3;
	v5 =	vpop (erf)  }
0x40d: {  	s29 =	sadd.s32 $0x10, s11;
	v1 =	vsel vm0, v4, v1;
	v4 =	vimm.s32 $0xDCFE98BA;
	v5 =	vnsel vm0, $0x0, v5  }
0x40e: {  	v4 =	vunpack.c.l.s4.s8 v4;
	[tilespmem:s29+$0x0] =	vst v5;
	v2 =	vadd.f32 v5, v2;
	v5 =	vunpack.c.l.s4.s8 v59  }
0x40f: {  	[tilespmem:s10+$0x0] =	vst v1  }
0x410: {  	s30 =	simm.s32 $0x3200;
	v1 =	vunpack.c.0.s8.s32 v4;
	[tilespmem:$0x3200] =	vst v2;
	v4 =	vunpack.c.0.s8.s32 v5  }
0x411: {  	v5 =	vld.idx.msk [tilespmem:v3+s30+$0x0], $0xffff  }
0x412: {  	v1 =	vcombine.low v4, v1;
	_ =	sdelay $0x1  }
0x413: {  	v4 =	vand.u32 $0xF, v1  }
0x414: {  	v60 =	vimm.s32 $0x32107654;
	v1 =	vimm.s32 $0xBA98FEDC  }
0x415: {  	v1 =	vunpack.c.l.s4.s8 v1;
	v2 =	vadd.f32 v5, v2;
	v5 =	vunpack.c.l.s4.s8 v60;
	_ =	sdelay $0x1  }
0x416: {  	v1 =	vunpack.c.0.s8.s32 v1;
	[tilespmem:$0x3200] =	vst v2;
	v5 =	vunpack.c.0.s8.s32 v5  }
0x417: {  	v61 =	vld.idx.msk [tilespmem:v4+s30+$0x0], $0xffff  }
0x418: {  	(xrf0) =	vadd.scan.msk.s32 $0xffff, v20;
	v1 =	vcombine.low v5, v1;
	_ =	sdelay $0x1  }
0x419: {  	v5 =	vand.u32 $0xF, v1;
	v1 =	vimm.s32 $0xFEDCBA98  }
0x41a: {  	v62 =	vimm.s32 $0x76543210;
	v1 =	vunpack.c.l.s4.s8 v1  }
0x41b: {  	v6 =	vunpack.c.l.s4.s8 v62;
	v2 =	vadd.f32 v61, v2  }
0x41c: {  	v1 =	vunpack.c.0.s8.s32 v1  }
0x41d: {  	v8, _, _ =	vpop (xrf0);
	v6 =	vunpack.c.0.s8.s32 v6;
	[tilespmem:$0x3200] =	vst v2  }
0x41e: {  	v8 =	vsub.s32 v20, v8;
	v7 =	vld.idx.msk [tilespmem:v5+s30+$0x0], $0xffff;
	v1 =	vand.u32 $0xF, v1  }
0x41f: {  	v6 =	vcombine.low v1, v6;
	v1 =	vadd.s32 s7, v8  }
0x420: {  	vm0 =	vgt.s32 v1, $0x0  }
0x421: {  	v8 =	vnsel vm0, $0x0, v1  }
0x422: {  	vm0 =	vlt.s32 v20, v8  }
0x423: {  	v1 =	vadd.f32 v7, v2;
	v2 =	vlaneseq.u32;
	v63 =	vsel vm0, v20, v8  }
0x424: {  	vm0 =	vgt.u32 v0, v2;
	v2 =	vadd.s32 v18, v63  }
0x425: {  	[tilespmem:$0x3200] =	vst v1;
	v2 =	vnsel vm0, $0x0, v2  }
0x426: {  	s31 =	simm.s32 $0x3280;
	v0 =	vld.idx.msk [tilespmem:v6+s30+$0x0], $0xffff;
	[tilespmem:$0x3280] =	vst v2  }
0x427: {  	v3 =	vld.idx.msk [tilespmem:v3+s31+$0x0], $0xffff;
	_ =	sdelay $0x4  }
0x428: {  	v2 =	vadd.s32 v2, v3  }
0x429: {  	[tilespmem:$0x3280] =	vst v2  }
0x42a: {  	v3 =	vld.idx.msk [tilespmem:v4+s31+$0x0], $0xffff;
	_ =	sdelay $0x4  }
0x42b: {  	v2 =	vadd.s32 v2, v3  }
0x42c: {  	[tilespmem:$0x3280] =	vst v2  }
0x42d: {  	v3 =	vld.idx.msk [tilespmem:v5+s31+$0x0], $0xffff;
	_ =	sdelay $0x4  }
0x42e: {  	v2 =	vadd.s32 v2, v3  }
0x42f: {  	[tilespmem:$0x3280] =	vst v2  }
0x430: {  	v3 =	vld.idx.msk [tilespmem:v6+s31+$0x0], $0xffff;
	_ =	sdelay $0x4  }
0x431: {  	v2 =	vadd.s32 v2, v3  }
0x432: {  	(v2sf) =	vpush v2, $0x0;
	_ =	sdelay $0xd  }
0x433: {  	p1 =	sle.s32 s6, $0x0  }
0x434: {  	s8 =	simm.s32 $0x0;
	v2 =	vlaneseq.u32 @!p1;
	s7 =	spop (v2sf)  }
0x435: {  	v3 =	vor.u32 @!p1 s8, v2;
	s8 =	sadd.s32 @!p1 $0x0, s7  }
0x436: {  	v4 =	vor.u32 @!p1 $0x100, v2;
	vm0 =	vlt.s32 @!p1 v3, v19;
	v2 =	vadd.s32 @!p1 s8, v2  }
0x437: {  	v2 =	vsel @!p1 vm0, v2, v4;
	p1 =	por p1, p1  }
0x438: {  	s8 =	simm.s32 $0x2B00;
	[tilespmem:$0x2F80] =	vst @!p1 v2  }
0x439: {  	v2 =	vld @!p1 [tilespmem:s8+$0x0];
	_ =	sdelay $0x4  }
0x43a: {  	s9 =	simm.s32 $0x2D00;
	[tilespmem:$0x3000] =	vst @!p1 v2  }
0x43b: {  	v2 =	vld @!p1 [tilespmem:s9+$0x0];
	_ =	sdelay $0x3  }
0x43c: {  	s11 =	simm.s32 @!p1 $0x1  }
0x43d: {  	s10 =	simm.s32 @!p1 $0x2F80;
	s12 =	simm.s32 @!p1 $0x3000;
	s9 =	simm.s32 @!p1 $0x10;
	[tilespmem:$0x3080] =	vst @!p1 v2  }
0x43e: {  	[hbm4b:s4+s9] =	stream.indirect.scatter @!p1 [tilespmem:s12], [sflag:$0x1], $0x1, s10, s9, $0xb8;
	[tilespmem:$0x3370] =	vst v63  }
0x43f: {  	_ =	swait.ge @!p1 [sflag:s11], $0x10  }
0x440: {  	p3 =	sle.s32 s6, $0x10;
	[sflag:s11] =	ssyncset.done @!p1 $0x0  }
0x441: {  	s13 =	simm.s32 @!p1 $0x3080;
	s12 =	simm.s32 $0x10;
	[sflag:s11] =	ssyncadd.s32 @!p1 $0xFFFFFFF0  }
0x442: {  	v3 =	vlaneseq.u32 @!p3;
	[hbm4b:s3+s9] =	stream.indirect.scatter @!p1 [tilespmem:s13], [sflag:$0x1], $0x1, s10, s9, $0xb8;
	[tilespmem:$0x3370] =	vst v63  }
0x443: {  	v4 =	vor.u32 @!p3 s12, v3;
	s9 =	sadd.s32 @!p3 $0x10, s7;
	_ =	swait.ge @!p1 [sflag:s11], $0x10  }
0x444: {  	v2 =	vor.u32 @!p3 $0x100, v3;
	vm0 =	vlt.s32 @!p3 v4, v19;
	s10 =	simm.s32 $0x20;
	v3 =	vadd.s32 @!p3 s9, v3;
	s9 =	simm.s32 $0x2D10;
	[sflag:s11] =	ssyncset.done @!p1 $0x0  }
.LBB2_55:
0x445: {  	[sflag:s11] =	ssyncadd.s32 @!p1 $0xFFFFFFF0;
	s8 =	sadd.s32 $0x10, s8  }
0x446: {  	v2 =	vsel @!p3 vm0, v3, v2;
	s12 =	smov.u32 s10;
	s10 =	sadd.s32 $0x10, s10;
	p1 =	por p3, p3  }
0x447: {  	p2 =	sne.s32 s10, $0x100;
	[tilespmem:$0x2F80] =	vst @!p1 v2  }
0x448: {  	v2 =	vld @!p1 [tilespmem:s8+$0x0];
	_ =	sdelay $0x4  }
0x449: {  	[tilespmem:$0x3000] =	vst @!p1 v2  }
0x44a: {  	v2 =	vld @!p1 [tilespmem:s9+$0x0];
	_ =	sdelay $0x3  }
0x44b: {  	s11 =	simm.s32 @!p1 $0x1  }
0x44c: {  	s13 =	simm.s32 @!p1 $0x10;
	s14 =	simm.s32 @!p1 $0x2F80;
	s15 =	simm.s32 @!p1 $0x3000;
	[tilespmem:$0x3080] =	vst @!p1 v2  }
0x44d: {  	[hbm4b:s4+s13] =	stream.indirect.scatter @!p1 [tilespmem:s15], [sflag:$0x1], $0x1, s14, s13, $0xb8;
	[tilespmem:$0x3370] =	vst v63  }
0x44e: {  	_ =	swait.ge @!p1 [sflag:s11], $0x10  }
.Ltmp27:
0x44f: {  	[sflag:s11] =	ssyncset.done @!p1 $0x0;
	(pc) =	sbr.rel @p2 .LBB2_55-.Ltmp27, $4  }
0x450: {  	p3 =	sge.s32 s12, s6;
	s15 =	simm.s32 @!p1 $0x3080;
	[sflag:s11] =	ssyncadd.s32 @!p1 $0xFFFFFFF0  }
0x451: {  	v3 =	vlaneseq.u32 @!p3;
	[hbm4b:s3+s13] =	stream.indirect.scatter @!p1 [tilespmem:s15], [sflag:$0x1], $0x1, s14, s13, $0xb8;
	[tilespmem:$0x3370] =	vst v63  }
0x452: {  	v4 =	vor.u32 @!p3 s12, v3;
	s12 =	sadd.s32 @!p3 s12, s7;
	v2 =	vor.u32 @!p3 $0x100, v3;
	_ =	swait.ge @!p1 [sflag:s11], $0x10  }
0x453: {  	vm0 =	vlt.s32 @!p3 v4, v19;
	s9 =	sadd.s32 $0x10, s9;
	v3 =	vadd.s32 @!p3 s12, v3;
	[sflag:s11] =	ssyncset.done @!p1 $0x0  }
0x454: {  	v2 =	vsel @!p3 vm0, v3, v2;
	[sflag:s11] =	ssyncadd.s32 @!p1 $0xFFFFFFF0;
	p1 =	por p3, p3  }
0x455: {  	s6 =	sadd.s32 $0x10, s8;
	[tilespmem:$0x2F80] =	vst @!p1 v2  }
0x456: {  	v2 =	vld @!p1 [tilespmem:s6+$0x0];
	_ =	sdelay $0x4  }
0x457: {  	[tilespmem:$0x3000] =	vst @!p1 v2  }
0x458: {  	v2 =	vld @!p1 [tilespmem:s9+$0x0];
	_ =	sdelay $0x3  }
0x459: {  	s7 =	simm.s32 @!p1 $0x10  }
0x45a: {  	s8 =	simm.s32 @!p1 $0x2F80;
	s6 =	simm.s32 @!p1 $0x1;
	s9 =	simm.s32 @!p1 $0x3000;
	[tilespmem:$0x3080] =	vst @!p1 v2  }
0x45b: {  	[hbm4b:s4+s7] =	stream.indirect.scatter @!p1 [tilespmem:s9], [sflag:$0x1], $0x1, s8, s7, $0xb8;
	[tilespmem:$0x3370] =	vst v63  }
0x45c: {  	_ =	swait.ge @!p1 [sflag:s6], $0x10  }
0x45d: {  	[sflag:s6] =	ssyncset.done @!p1 $0x0  }
0x45e: {  	s4 =	simm.s32 @!p1 $0x3080;
	[sflag:s6] =	ssyncadd.s32 @!p1 $0xFFFFFFF0  }
0x45f: {  	[hbm4b:s3+s7] =	stream.indirect.scatter @!p1 [tilespmem:s4], [sflag:$0x1], $0x1, s8, s7, $0xb8;
	[tilespmem:$0x3370] =	vst v63  }
0x460: {  	_ =	swait.ge @!p1 [sflag:s6], $0x10  }
0x461: {  	v0 =	vadd.f32 v0, v1;
	[sflag:s6] =	ssyncset.done @!p1 $0x0  }
0x462: {  	[sflag:s6] =	ssyncadd.s32 @!p1 $0xFFFFFFF0  }
0x463: {  	s30 =	simm.s32 $0x2E80;
	s31 =	simm.s32 $0x2;
	[tilespmem:$0x2E80] =	vst v0  }
0x464: {  	[spmem:s5] =	stream.linear.scatter [tilespmem:s30], [sflag:$0x2], $0x10, $0x38;
	[tilespmem:$0x3370] =	vst v63  }
0x465: {  	_ =	swait.ge [sflag:s31], $0x10  }
0x466: {  	[sflag:s31] =	ssyncset.done $0x0  }
0x467: {  	[sflag:s31] =	ssyncadd.s32 $0xFFFFFFF0  }
0x468: {  	[bflag:$0x0] =	sbarrier.arrive $0xFFFF  }
0x469: {  	_ =	sfence.sel @p0 $0x180000  }
0x46a: {  	[bflag:$0x0] =	sbarrier.arrive @p0 $0xFFFF  }
0x46b: {  	_ =	strace @p0 $0x90000047  }
0x46c: {  	s3 =	simm.s32 @!p0 $0x2900;
	[bflag:$0x2] =	sbarrier.arrive @p0 $0xFFFF  }
0x46d: {  	[tilespmem:s3], [sflag:$0x2] =	stream.linear.gather @!p0 [spmem:s2], $0x100, $0x38;
	[tilespmem:$0x3370] =	vst v63  }
0x46e: {  	s2 =	simm.s32 @!p0 $0x2  }
0x46f: {  	_ =	swait.ge @!p0 [sflag:s2], $0x100  }
0x470: {  	[sflag:s2] =	ssyncset.done @!p0 $0x0  }
0x471: {  	[sflag:s2] =	ssyncadd.s32 @!p0 $0xFFFFFF00  }
0x472: {  	v0 =	vld @!p0 [tilespmem:$0x2900];
	_ =	sdelay $0x1  }
0x473: {  	v1 =	vld @!p0 [tilespmem:$0x2910];
	_ =	sdelay $0x1  }
0x474: {  	v2 =	vld @!p0 [tilespmem:$0x2920]  }
0x475: {  	v0 =	vadd.f32 @!p0 $0.0e+00, v0  }
0x476: {  	v3 =	vld @!p0 [tilespmem:$0x2930]  }
0x477: {  	v0 =	vadd.f32 @!p0 v1, v0  }
0x478: {  	v1 =	vld @!p0 [tilespmem:$0x2940]  }
0x479: {  	v0 =	vadd.f32 @!p0 v2, v0  }
0x47a: {  	v2 =	vld @!p0 [tilespmem:$0x2950]  }
0x47b: {  	v0 =	vadd.f32 @!p0 v3, v0  }
0x47c: {  	v3 =	vld @!p0 [tilespmem:$0x2960]  }
0x47d: {  	v0 =	vadd.f32 @!p0 v1, v0  }
0x47e: {  	v1 =	vld @!p0 [tilespmem:$0x2970]  }
0x47f: {  	v0 =	vadd.f32 @!p0 v2, v0  }
0x480: {  	v2 =	vld @!p0 [tilespmem:$0x2980]  }
0x481: {  	v0 =	vadd.f32 @!p0 v3, v0  }
0x482: {  	v3 =	vld @!p0 [tilespmem:$0x2990]  }
0x483: {  	v0 =	vadd.f32 @!p0 v1, v0  }
0x484: {  	v1 =	vld @!p0 [tilespmem:$0x29A0]  }
0x485: {  	v0 =	vadd.f32 @!p0 v2, v0  }
0x486: {  	v2 =	vld @!p0 [tilespmem:$0x29B0]  }
0x487: {  	v0 =	vadd.f32 @!p0 v3, v0  }
0x488: {  	v3 =	vld @!p0 [tilespmem:$0x29C0]  }
0x489: {  	v0 =	vadd.f32 @!p0 v1, v0  }
0x48a: {  	v1 =	vld @!p0 [tilespmem:$0x29D0]  }
0x48b: {  	v0 =	vadd.f32 @!p0 v2, v0  }
0x48c: {  	v2 =	vld @!p0 [tilespmem:$0x29E0]  }
0x48d: {  	v0 =	vadd.f32 @!p0 v3, v0  }
0x48e: {  	v3 =	vld @!p0 [tilespmem:$0x29F0]  }
0x48f: {  	v0 =	vadd.f32 @!p0 v1, v0;
	_ =	sdelay $0x1  }
0x490: {  	v0 =	vadd.f32 @!p0 v2, v0;
	_ =	sdelay $0x1  }
0x491: {  	v0 =	vadd.f32 @!p0 v3, v0;
	_ =	sdelay $0x1  }
0x492: {  	s4 =	simm.s32 @!p0 $0x2E80;
	s3 =	simm.s32 @!p0 $0x0;
	[tilespmem:$0x2E80] =	vst @!p0 v0  }
0x493: {  	[hbm4b:s1+s3] =	stream.linear.scatter @!p0 [tilespmem:s4], [sflag:$0x2], $0x80, $0x38;
	[tilespmem:$0x3370] =	vst v63  }
0x494: {  	_ =	swait.ge @!p0 [sflag:s2], $0x80  }
0x495: {  	[sflag:s2] =	ssyncset.done @!p0 $0x0  }
0x496: {  	[sflag:s2] =	ssyncadd.s32 @!p0 $0xFFFFFF80  }
0x497: {  	_ =	sfence.sel @!p0 $0x180000  }
0x498: {  	[bflag:$0x0] =	sbarrier.arrive @!p0 $0xFFFF  }
0x499: {  	_ =	strace @!p0 $0x90000047  }
0x49a: {  	s0 =	sadd.s32 @!p0 $0x100000, s0;
	[bflag:$0x2] =	sbarrier.arrive @!p0 $0xFFFF  }
0x49b: {  	[sflag:s0] =	ssyncadd.tile.s32 @!p0 $0x1;
	_ =	shalt  }
.Lfunc_end2:
_tile_overlayer_lowered:
.L_overlay_start_2:
0x49c: {  	(tag) =	ssettag $0x2  }
0x49d: {  	s0 =	rddreg [dreg:$0x0];
	s2 =	stileid.u32  }
0x49e: {  	s1 =	rddreg [dreg:$0x1];
	p0 =	sne.s32 s2, $0x0  }
0x49f: {  	s3 =	rddreg [dreg:$0x2];
	[bflag:$0x3] =	sbarrier.arrive $0xFFFF;
	s2 =	simm.s32 @!p0 $0x1C02  }
0x4a0: {  	[timem:s3], [sflag:s2] =	dma.local @!p0 [hbm:s0], s1  }
0x4a1: {  	s0 =	simm.s32 @!p0 $0x2  }
0x4a2: {  	_ =	swait.ge @!p0 [sflag:s0], s1  }
0x4a3: {  	s1 =	ssub.s32 @!p0 $0x0, s1;
	[sflag:s0] =	ssyncset.done @!p0 $0x0  }
0x4a4: {  	[sflag:s0] =	ssyncadd.s32 @!p0 s1  }
0x4a5: {  	[bflag:$0x3] =	sbarrier.arrive $0xFFFF  }
0x4a6: {  	_ =	shalt  }

</sc_bundles>
